<compile_context>
chip_gen: v7x
topology: tpu7x:2x2x1
jax: 0.10.2.dev20260603
libtpu: 0.0.44.dev20260713+nightly
codegen_flags: <defaults>
</compile_context>

<pallas_src>
import dataclasses
import functools

import jax
import jax.numpy as jnp
from jax import lax
from jax.experimental import pallas as pl
from jax.experimental.pallas import tpu as pltpu
from jax.experimental.pallas import tpu_sc as plsc

NC = 2
NS = 16
NW = NC * NS
LANES = 16
PACK = 4
IDX_CHUNK = 128

WIN = 512
N_CLASSES = 1000000
NWIN = 1024
CA = NWIN * WIN
ROWS_A = CA // PACK
ROWS_WIN = WIN // PACK
MAX_WPT = 2 * (-(-NWIN // (2 * NW)))


def _sc_compiler_params():
    cp = pltpu.CompilerParams(use_tc_tiling_on_sc=True)
    if "needs_layout_passes" in pltpu.CompilerParams.__dataclass_fields__:
        cp = dataclasses.replace(cp, needs_layout_passes=False)
    return cp


def _sc_relayout(centersT, d):
    wide = PACK * d
    mesh = plsc.VectorSubcoreMesh(core_axis_name="c", subcore_axis_name="s")

    @functools.partial(
        pl.kernel,
        mesh=mesh,
        compiler_params=_sc_compiler_params(),
        out_type=jax.ShapeDtypeStruct((ROWS_A, wide), jnp.float32),
        scratch_types=[
            pltpu.VMEM((d, WIN), jnp.float32),
            pltpu.VMEM((d, WIN), jnp.float32),
            pltpu.VMEM((ROWS_WIN, wide), jnp.float32),
            pltpu.VMEM((ROWS_WIN, wide), jnp.float32),
            pltpu.SemaphoreType.DMA,
            pltpu.SemaphoreType.DMA,
            pltpu.SemaphoreType.DMA,
            pltpu.SemaphoreType.DMA,
        ],
    )
    def k(ct_hbm, v_hbm, in0, in1, out0, out1, is0, is1, os0, os1):
        wid = lax.axis_index("s") * NC + lax.axis_index("c")
        inb, outb = (in0, in1), (out0, out1)
        isem, osem = (is0, is1), (os0, os1)

        f_lo = lax.iota(jnp.int32, LANES)
        f_hi = f_lo + LANES
        zero16 = jnp.zeros((LANES,), jnp.int32)

        def start_in(i, b):
            w = wid + NW * i

            @pl.when(w < NWIN)
            def _():
                pltpu.async_copy(
                    ct_hbm.at[:, pl.ds(w * WIN, WIN)], inb[b], isem[b])

        start_in(0, 0)
        start_in(1, 1)

        @pl.loop(0, MAX_WPT // 2)
        def _(p):
            for b in range(2):
                i = p * 2 + b
                w = wid + NW * i

                @pl.when(w < NWIN)
                def _():
                    @pl.when(p >= 1)
                    def _():
                        pltpu.make_async_copy(
                            outb[b], v_hbm.at[pl.ds(w * ROWS_WIN, ROWS_WIN)],
                            osem[b]).wait()
                    pltpu.make_async_copy(
                        ct_hbm.at[:, pl.ds(w * WIN, WIN)], inb[b],
                        isem[b]).wait()

                    @plsc.parallel_loop(0, ROWS_WIN, unroll=8)
                    def _(rr):
                        lbase = rr * PACK
                        for g in range(2 * PACK):
                            li = zero16 + (lbase + g // 2)
                            fi = f_lo if g % 2 == 0 else f_hi
                            outb[b][rr, pl.ds(LANES * g, LANES)] = (
                                plsc.load_gather(inb[b], [fi, li]))

                    pltpu.async_copy(
                        outb[b], v_hbm.at[pl.ds(w * ROWS_WIN, ROWS_WIN)],
                        osem[b])
                    w2 = w + 2 * NW

                    @pl.when(w2 < NWIN)
                    def _():
                        pltpu.async_copy(
                            ct_hbm.at[:, pl.ds(w2 * WIN, WIN)], inb[b],
                            isem[b])

        for b in range(2):
            pltpu.make_async_copy(
                outb[b], v_hbm.at[pl.ds(0, ROWS_WIN)], osem[b]).wait()

    return k(centersT)


def _sc_partials(label, featT, table_a, table_b, b, d):
    b_per_w = b // NW
    n_chunks = b_per_w // IDX_CHUNK
    wide = PACK * d
    mesh = plsc.VectorSubcoreMesh(core_axis_name="c", subcore_axis_name="s")

    @functools.partial(
        pl.kernel,
        mesh=mesh,
        compiler_params=_sc_compiler_params(),
        out_type=jax.ShapeDtypeStruct((NW, LANES), jnp.float32),
        scratch_types=[
            pltpu.VMEM((b_per_w,), jnp.int32),
            pltpu.VMEM((n_chunks, IDX_CHUNK), jnp.int32),
            pltpu.VMEM((n_chunks, IDX_CHUNK), jnp.int32),
            pltpu.VMEM((b_per_w,), jnp.int32),
            pltpu.VMEM((b_per_w, wide), jnp.float32),
            pltpu.VMEM((d, b_per_w), jnp.float32),
            pltpu.VMEM((LANES,), jnp.float32),
            pltpu.SemaphoreType.DMA,
            pltpu.SemaphoreType.DMA,
        ],
    )
    def k(label_hbm, featT_hbm, ta_hbm, tb_hbm, out_hbm,
          lab_v, idxa_v, idxb_v, sel_v, rows_v, featT_v, acc_v, gsem, fsem):
        wid = lax.axis_index("s") * NC + lax.axis_index("c")
        base = wid * b_per_w

        pltpu.sync_copy(label_hbm.at[pl.ds(base, b_per_w)], lab_v)
        fcp = pltpu.async_copy(
            featT_hbm.at[:, pl.ds(base, b_per_w)], featT_v, fsem)

        neg1 = jnp.full((LANES,), -1, jnp.int32)
        for kk in range(b_per_w // LANES):
            lv = lab_v[pl.ds(kk * LANES, LANES)]
            row = lax.shift_right_logical(lv, 2)
            in_a = row < ROWS_A
            sel = lax.shift_left(jnp.bitwise_and(lv, 3), 5)
            j = kk // (IDX_CHUNK // LANES)
            sl = pl.ds((kk % (IDX_CHUNK // LANES)) * LANES, LANES)
            idxa_v[j, sl] = jnp.where(in_a, row, neg1)
            idxb_v[j, sl] = jnp.where(in_a, neg1, row - ROWS_A)
            sel_v[pl.ds(kk * LANES, LANES)] = sel

        copies = []
        for j in range(n_chunks):
            copies.append(pltpu.async_copy(
                ta_hbm.at[plsc.Indices(idxa_v.at[j], ignored_value=-1)],
                rows_v.at[pl.ds(j * IDX_CHUNK, IDX_CHUNK)],
                gsem))
            copies.append(pltpu.async_copy(
                tb_hbm.at[plsc.Indices(idxb_v.at[j], ignored_value=-1)],
                rows_v.at[pl.ds(j * IDX_CHUNK, IDX_CHUNK)],
                gsem))
        fcp.wait()
        for c in copies:
            c.wait()

        lane_iota = lax.iota(jnp.int32, LANES)

        @plsc.parallel_loop(0, b_per_w // LANES, unroll=2,
                            carry=jnp.zeros((LANES,), jnp.float32))
        def acc_loop(c, acc):
            cbase = c * LANES
            row_idx = lane_iota + cbase
            col0 = sel_v[pl.ds(cbase, LANES)]
            for f in range(d):
                g = plsc.load_gather(rows_v, [row_idx, col0 + f])
                dv = featT_v[f, pl.ds(cbase, LANES)] - g
                acc = acc + dv * dv
            return acc

        acc_v[...] = acc_loop
        pltpu.sync_copy(acc_v, out_hbm.at[wid])

    return k(label, featT, table_a, table_b)


def _tc_reduce(partials, scale):
    def body(x_ref, o_ref):
        o_ref[0, 0] = jnp.sum(x_ref[...]) * scale

    return pl.pallas_call(
        body,
        out_shape=jax.ShapeDtypeStruct((1, 1), jnp.float32),
        out_specs=pl.BlockSpec(memory_space=pltpu.SMEM),
    )(partials)


def kernel(label, feat, centers):
    b, d = feat.shape
    label = label.astype(jnp.int32)
    featT = feat.T
    table_a = _sc_relayout(centers.T, d)
    table_b = centers[CA:].reshape(-1, PACK * d)
    partials = _sc_partials(label, featT, table_a, table_b, b, d)
    out = _tc_reduce(partials, 0.5 / b)
    return out.reshape(())

# --- scband reference (transcript-rebuilt; emitter-appended) ---
"""Pipeline reference for scband-center-loss-48369921687702 (READ-ONLY COPY).

The authoritative reference and input builder live on the scoring server;
editing this copy changes nothing except your own understanding.
"""

import jax, jax.numpy as jnp
import numpy as np

NUM_CLASSES = 1000000
FEAT_DIM = 32
BATCH = 16384


def setup_inputs(seed: int = 0) -> dict:
    key = jax.random.key(seed)
    k1, k2, k3 = jax.random.split(key, 3)
    label = jax.random.randint(k1, (BATCH,), 0, NUM_CLASSES, dtype=jnp.int64 if jax.config.jax_enable_x64 else jnp.int32)
    feat = jax.random.normal(k2, (BATCH, FEAT_DIM), dtype=jnp.float32)
    centers = jax.random.normal(k3, (NUM_CLASSES, FEAT_DIM), dtype=jnp.float32)
    return {"label": label, "feat": feat, "centers": centers}


def reference(label, feat, centers):
    batch_size = feat.shape[0]
    feat = feat.reshape(batch_size, -1)
    # size_average=True -> divide by batch_size
    centers_batch = jnp.take(centers, label, axis=0)
    loss = jnp.sum(jnp.square(feat - centers_batch)) / 2.0 / batch_size
    return loss

if __name__ == "__main__":
    import jax
    _d = setup_inputs()
    print(jax.jit(kernel)(*tuple(_d.values())))

</pallas_src>

<mosaic_0001>
#map = affine_map<(d0, d1) -> (0)>
#map1 = affine_map<(d0, d1) -> (0, 0)>
module attributes {stable_mosaic.version = 14 : i64} {
  func.func @k(%arg0: i32, %arg1: i32, %arg2: memref<16384xi32, #tpu.memory_space<hbm>>, %arg3: memref<32x16384xf32, #tpu.memory_space<hbm>>, %arg4: memref<131072x128xf32, #tpu.memory_space<hbm>>, %arg5: memref<118928x128xf32, #tpu.memory_space<hbm>>, %arg6: memref<32x16xf32, #tpu.memory_space<hbm>>, %arg7: memref<512xi32, #tpu.memory_space<vmem>>, %arg8: memref<4x128xi32, #tpu.memory_space<vmem>>, %arg9: memref<4x128xi32, #tpu.memory_space<vmem>>, %arg10: memref<512xi32, #tpu.memory_space<vmem>>, %arg11: memref<512x128xf32, #tpu.memory_space<vmem>>, %arg12: memref<32x512xf32, #tpu.memory_space<vmem>>, %arg13: memref<16xf32, #tpu.memory_space<vmem>>, %arg14: memref<!tpu.dma_semaphore, #tpu.memory_space<semaphore_mem>>, %arg15: memref<!tpu.dma_semaphore, #tpu.memory_space<semaphore_mem>>) attributes {dimension_semantics = [#tpu.dimension_semantics<core_parallel>, #tpu.dimension_semantics<subcore_parallel>], iteration_bounds = array<i64: 2, 16>, scalar_prefetch = 0 : i64, scratch_operands = 9 : i64, tpu.core_type = #tpu.core_type<sc_vector_subcore>, window_params = [{transform_indices = #map}, {transform_indices = #map1}, {transform_indices = #map1}, {transform_indices = #map1}, {transform_indices = #map1}]} {
    %mul3A = arith.constant 2 : i32
    %mul3A_0 = arith.muli %arg1, %mul3A : i32
    %add3A = arith.addi %mul3A_0, %arg0 : i32
    %mul3A_1 = arith.constant 512 : i32
    %mul3A_2 = arith.muli %add3A, %mul3A_1 : i32
    "tpu.region"() ({
      %run_scoped3A = tpu.sem_alloc : memref<!tpu.dma_semaphore, #tpu.memory_space<semaphore_mem>>
      %dma_start3A_1105 = tpu.memref_slice %arg2[%mul3A_2] : memref<16384xi32, #tpu.memory_space<hbm>> -> memref<512xi32, #tpu.memory_space<hbm>>
      %dma_start3A_1106 = tpu.memref_slice %arg2[%mul3A_2] : memref<16384xi32, #tpu.memory_space<hbm>> -> memref<512xi32, #tpu.memory_space<hbm>>
      tpu.enqueue_dma source(%dma_start3A_1106 : memref<512xi32, #tpu.memory_space<hbm>>) target(%arg7 : memref<512xi32, #tpu.memory_space<vmem>>) target_semaphore(%run_scoped3A : memref<!tpu.dma_semaphore, #tpu.memory_space<semaphore_mem>>)
      %dma_wait3A_1107 = tpu.memref_slice %arg2[%mul3A_2] : memref<16384xi32, #tpu.memory_space<hbm>> -> memref<512xi32, #tpu.memory_space<hbm>>
      %dma_wait3A_1108 = tpu.memref_slice %arg2[%mul3A_2] : memref<16384xi32, #tpu.memory_space<hbm>> -> memref<512xi32, #tpu.memory_space<hbm>>
      tpu.wait_dma2 semaphore(%run_scoped3A : memref<!tpu.dma_semaphore, #tpu.memory_space<semaphore_mem>>) src(%dma_wait3A_1108 : memref<512xi32, #tpu.memory_space<hbm>>) dst(%arg7 : memref<512xi32, #tpu.memory_space<vmem>>)
      tpu.yield
    }) : () -> ()
    %dma_start3A = arith.constant 0 : i32
    %dma_start3A_3 = tpu.memref_slice %arg3[%dma_start3A, %mul3A_2] : memref<32x16384xf32, #tpu.memory_space<hbm>> -> memref<32x512xf32, #tpu.memory_space<hbm>>
    %dma_start3A_4 = arith.constant 0 : i32
    %dma_start3A_5 = tpu.memref_slice %arg3[%dma_start3A_4, %mul3A_2] : memref<32x16384xf32, #tpu.memory_space<hbm>> -> memref<32x512xf32, #tpu.memory_space<hbm>>
    tpu.enqueue_dma source(%dma_start3A_5 : memref<32x512xf32, #tpu.memory_space<hbm>>) target(%arg12 : memref<32x512xf32, #tpu.memory_space<vmem>>) target_semaphore(%arg15 : memref<!tpu.dma_semaphore, #tpu.memory_space<semaphore_mem>>)
    %broadcast_in_dim3A = arith.constant -1 : i32
    %broadcast_in_dim3A_6 = vector.broadcast %broadcast_in_dim3A : i32 to vector<16xi32>
    %get3A = arith.constant 0 : index
    %get3A_7 = tpu.vector_load %arg7[%get3A] {strides = array<i32>} : memref<512xi32, #tpu.memory_space<vmem>>, vector<16xi32>,
    %shift_right_logical3A = arith.constant 2 : i32
    %shift_right_logical3A_8 = vector.broadcast %shift_right_logical3A : i32 to vector<16xi32>
    %shift_right_logical3A_9 = arith.shrui %get3A_7, %shift_right_logical3A_8 : vector<16xi32>
    %lt3A = arith.constant 131072 : i32
    %lt3A_10 = vector.broadcast %lt3A : i32 to vector<16xi32>
    %lt3A_11 = arith.cmpi slt, %shift_right_logical3A_9, %lt3A_10 : vector<16xi32>
    %and3A = arith.constant 3 : i32
    %and3A_12 = vector.broadcast %and3A : i32 to vector<16xi32>
    %and3A_13 = arith.andi %get3A_7, %and3A_12 : vector<16xi32>
    %shift_left3A = arith.constant 5 : i32
    %shift_left3A_14 = vector.broadcast %shift_left3A : i32 to vector<16xi32>
    %shift_left3A_15 = arith.shli %and3A_13, %shift_left3A_14 : vector<16xi32>
    %select_n3A = arith.select %lt3A_11, %shift_right_logical3A_9, %broadcast_in_dim3A_6 : vector<16xi1>, vector<16xi32>
    %swap3A = arith.constant 0 : i32
    %swap3A_16 = arith.index_cast %swap3A : i32 to index
    %swap3A_17 = arith.constant 0 : index
    %swap3A_18 = tpu.vector_load %arg8[%swap3A_16, %swap3A_17] {strides = array<i32>} : memref<4x128xi32, #tpu.memory_space<vmem>>, vector<16xi32>,
    tpu.vector_store %arg8[%swap3A_16, %swap3A_17], %select_n3A {strides = array<i32>} : memref<4x128xi32, #tpu.memory_space<vmem>>, vector<16xi32>,
    %sub3A = arith.constant 131072 : i32
    %sub3A_19 = vector.broadcast %sub3A : i32 to vector<16xi32>
    %sub3A_20 = arith.subi %shift_right_logical3A_9, %sub3A_19 : vector<16xi32>
    %select_n3A_21 = arith.select %lt3A_11, %broadcast_in_dim3A_6, %sub3A_20 : vector<16xi1>, vector<16xi32>
    %swap3A_22 = arith.constant 0 : i32
    %swap3A_23 = arith.index_cast %swap3A_22 : i32 to index
    %swap3A_24 = arith.constant 0 : index
    %swap3A_25 = tpu.vector_load %arg9[%swap3A_23, %swap3A_24] {strides = array<i32>} : memref<4x128xi32, #tpu.memory_space<vmem>>, vector<16xi32>,
    tpu.vector_store %arg9[%swap3A_23, %swap3A_24], %select_n3A_21 {strides = array<i32>} : memref<4x128xi32, #tpu.memory_space<vmem>>, vector<16xi32>,
    %swap3A_26 = arith.constant 0 : index
    %swap3A_27 = tpu.vector_load %arg10[%swap3A_26] {strides = array<i32>} : memref<512xi32, #tpu.memory_space<vmem>>, vector<16xi32>,
    tpu.vector_store %arg10[%swap3A_26], %shift_left3A_15 {strides = array<i32>} : memref<512xi32, #tpu.memory_space<vmem>>, vector<16xi32>,
    %get3A_28 = arith.constant 16 : index
    %get3A_29 = tpu.vector_load %arg7[%get3A_28] {strides = array<i32>} : memref<512xi32, #tpu.memory_space<vmem>>, vector<16xi32>,
    %shift_right_logical3A_30 = arith.constant 2 : i32
    %shift_right_logical3A_31 = vector.broadcast %shift_right_logical3A_30 : i32 to vector<16xi32>
    %shift_right_logical3A_32 = arith.shrui %get3A_29, %shift_right_logical3A_31 : vector<16xi32>
    %lt3A_33 = arith.constant 131072 : i32
    %lt3A_34 = vector.broadcast %lt3A_33 : i32 to vector<16xi32>
    %lt3A_35 = arith.cmpi slt, %shift_right_logical3A_32, %lt3A_34 : vector<16xi32>
    %and3A_36 = arith.constant 3 : i32
    %and3A_37 = vector.broadcast %and3A_36 : i32 to vector<16xi32>
    %and3A_38 = arith.andi %get3A_29, %and3A_37 : vector<16xi32>
    %shift_left3A_39 = arith.constant 5 : i32
    %shift_left3A_40 = vector.broadcast %shift_left3A_39 : i32 to vector<16xi32>
    %shift_left3A_41 = arith.shli %and3A_38, %shift_left3A_40 : vector<16xi32>
    %select_n3A_42 = arith.select %lt3A_35, %shift_right_logical3A_32, %broadcast_in_dim3A_6 : vector<16xi1>, vector<16xi32>
    %swap3A_43 = arith.constant 0 : i32
    %swap3A_44 = arith.index_cast %swap3A_43 : i32 to index
    %swap3A_45 = arith.constant 16 : index
    %swap3A_46 = tpu.vector_load %arg8[%swap3A_44, %swap3A_45] {strides = array<i32>} : memref<4x128xi32, #tpu.memory_space<vmem>>, vector<16xi32>,
    tpu.vector_store %arg8[%swap3A_44, %swap3A_45], %select_n3A_42 {strides = array<i32>} : memref<4x128xi32, #tpu.memory_space<vmem>>, vector<16xi32>,
    %sub3A_47 = arith.constant 131072 : i32
    %sub3A_48 = vector.broadcast %sub3A_47 : i32 to vector<16xi32>
    %sub3A_49 = arith.subi %shift_right_logical3A_32, %sub3A_48 : vector<16xi32>
    %select_n3A_50 = arith.select %lt3A_35, %broadcast_in_dim3A_6, %sub3A_49 : vector<16xi1>, vector<16xi32>
    %swap3A_51 = arith.constant 0 : i32
    %swap3A_52 = arith.index_cast %swap3A_51 : i32 to index
    %swap3A_53 = arith.constant 16 : index
    %swap3A_54 = tpu.vector_load %arg9[%swap3A_52, %swap3A_53] {strides = array<i32>} : memref<4x128xi32, #tpu.memory_space<vmem>>, vector<16xi32>,
    tpu.vector_store %arg9[%swap3A_52, %swap3A_53], %select_n3A_50 {strides = array<i32>} : memref<4x128xi32, #tpu.memory_space<vmem>>, vector<16xi32>,
    %swap3A_55 = arith.constant 16 : index
    %swap3A_56 = tpu.vector_load %arg10[%swap3A_55] {strides = array<i32>} : memref<512xi32, #tpu.memory_space<vmem>>, vector<16xi32>,
    tpu.vector_store %arg10[%swap3A_55], %shift_left3A_41 {strides = array<i32>} : memref<512xi32, #tpu.memory_space<vmem>>, vector<16xi32>,
    %get3A_57 = arith.constant 32 : index
    %get3A_58 = tpu.vector_load %arg7[%get3A_57] {strides = array<i32>} : memref<512xi32, #tpu.memory_space<vmem>>, vector<16xi32>,
    %shift_right_logical3A_59 = arith.constant 2 : i32
    %shift_right_logical3A_60 = vector.broadcast %shift_right_logical3A_59 : i32 to vector<16xi32>
    %shift_right_logical3A_61 = arith.shrui %get3A_58, %shift_right_logical3A_60 : vector<16xi32>
    %lt3A_62 = arith.constant 131072 : i32
    %lt3A_63 = vector.broadcast %lt3A_62 : i32 to vector<16xi32>
    %lt3A_64 = arith.cmpi slt, %shift_right_logical3A_61, %lt3A_63 : vector<16xi32>
    %and3A_65 = arith.constant 3 : i32
    %and3A_66 = vector.broadcast %and3A_65 : i32 to vector<16xi32>
    %and3A_67 = arith.andi %get3A_58, %and3A_66 : vector<16xi32>
    %shift_left3A_68 = arith.constant 5 : i32
    %shift_left3A_69 = vector.broadcast %shift_left3A_68 : i32 to vector<16xi32>
    %shift_left3A_70 = arith.shli %and3A_67, %shift_left3A_69 : vector<16xi32>
    %select_n3A_71 = arith.select %lt3A_64, %shift_right_logical3A_61, %broadcast_in_dim3A_6 : vector<16xi1>, vector<16xi32>
    %swap3A_72 = arith.constant 0 : i32
    %swap3A_73 = arith.index_cast %swap3A_72 : i32 to index
    %swap3A_74 = arith.constant 32 : index
    %swap3A_75 = tpu.vector_load %arg8[%swap3A_73, %swap3A_74] {strides = array<i32>} : memref<4x128xi32, #tpu.memory_space<vmem>>, vector<16xi32>,
    tpu.vector_store %arg8[%swap3A_73, %swap3A_74], %select_n3A_71 {strides = array<i32>} : memref<4x128xi32, #tpu.memory_space<vmem>>, vector<16xi32>,
    %sub3A_76 = arith.constant 131072 : i32
    %sub3A_77 = vector.broadcast %sub3A_76 : i32 to vector<16xi32>
    %sub3A_78 = arith.subi %shift_right_logical3A_61, %sub3A_77 : vector<16xi32>
    %select_n3A_79 = arith.select %lt3A_64, %broadcast_in_dim3A_6, %sub3A_78 : vector<16xi1>, vector<16xi32>
    %swap3A_80 = arith.constant 0 : i32
    %swap3A_81 = arith.index_cast %swap3A_80 : i32 to index
    %swap3A_82 = arith.constant 32 : index
    %swap3A_83 = tpu.vector_load %arg9[%swap3A_81, %swap3A_82] {strides = array<i32>} : memref<4x128xi32, #tpu.memory_space<vmem>>, vector<16xi32>,
    tpu.vector_store %arg9[%swap3A_81, %swap3A_82], %select_n3A_79 {strides = array<i32>} : memref<4x128xi32, #tpu.memory_space<vmem>>, vector<16xi32>,
    %swap3A_84 = arith.constant 32 : index
    %swap3A_85 = tpu.vector_load %arg10[%swap3A_84] {strides = array<i32>} : memref<512xi32, #tpu.memory_space<vmem>>, vector<16xi32>,
    tpu.vector_store %arg10[%swap3A_84], %shift_left3A_70 {strides = array<i32>} : memref<512xi32, #tpu.memory_space<vmem>>, vector<16xi32>,
    %get3A_86 = arith.constant 48 : index
    %get3A_87 = tpu.vector_load %arg7[%get3A_86] {strides = array<i32>} : memref<512xi32, #tpu.memory_space<vmem>>, vector<16xi32>,
    %shift_right_logical3A_88 = arith.constant 2 : i32
    %shift_right_logical3A_89 = vector.broadcast %shift_right_logical3A_88 : i32 to vector<16xi32>
    %shift_right_logical3A_90 = arith.shrui %get3A_87, %shift_right_logical3A_89 : vector<16xi32>
    %lt3A_91 = arith.constant 131072 : i32
    %lt3A_92 = vector.broadcast %lt3A_91 : i32 to vector<16xi32>
    %lt3A_93 = arith.cmpi slt, %shift_right_logical3A_90, %lt3A_92 : vector<16xi32>
    %and3A_94 = arith.constant 3 : i32
    %and3A_95 = vector.broadcast %and3A_94 : i32 to vector<16xi32>
    %and3A_96 = arith.andi %get3A_87, %and3A_95 : vector<16xi32>
    %shift_left3A_97 = arith.constant 5 : i32
    %shift_left3A_98 = vector.broadcast %shift_left3A_97 : i32 to vector<16xi32>
    %shift_left3A_99 = arith.shli %and3A_96, %shift_left3A_98 : vector<16xi32>
    %select_n3A_100 = arith.select %lt3A_93, %shift_right_logical3A_90, %broadcast_in_dim3A_6 : vector<16xi1>, vector<16xi32>
    %swap3A_101 = arith.constant 0 : i32
    %swap3A_102 = arith.index_cast %swap3A_101 : i32 to index
    %swap3A_103 = arith.constant 48 : index
    %swap3A_104 = tpu.vector_load %arg8[%swap3A_102, %swap3A_103] {strides = array<i32>} : memref<4x128xi32, #tpu.memory_space<vmem>>, vector<16xi32>,
    tpu.vector_store %arg8[%swap3A_102, %swap3A_103], %select_n3A_100 {strides = array<i32>} : memref<4x128xi32, #tpu.memory_space<vmem>>, vector<16xi32>,
    %sub3A_105 = arith.constant 131072 : i32
    %sub3A_106 = vector.broadcast %sub3A_105 : i32 to vector<16xi32>
    %sub3A_107 = arith.subi %shift_right_logical3A_90, %sub3A_106 : vector<16xi32>
    %select_n3A_108 = arith.select %lt3A_93, %broadcast_in_dim3A_6, %sub3A_107 : vector<16xi1>, vector<16xi32>
    %swap3A_109 = arith.constant 0 : i32
    %swap3A_110 = arith.index_cast %swap3A_109 : i32 to index
    %swap3A_111 = arith.constant 48 : index
    %swap3A_112 = tpu.vector_load %arg9[%swap3A_110, %swap3A_111] {strides = array<i32>} : memref<4x128xi32, #tpu.memory_space<vmem>>, vector<16xi32>,
    tpu.vector_store %arg9[%swap3A_110, %swap3A_111], %select_n3A_108 {strides = array<i32>} : memref<4x128xi32, #tpu.memory_space<vmem>>, vector<16xi32>,
    %swap3A_113 = arith.constant 48 : index
    %swap3A_114 = tpu.vector_load %arg10[%swap3A_113] {strides = array<i32>} : memref<512xi32, #tpu.memory_space<vmem>>, vector<16xi32>,
    tpu.vector_store %arg10[%swap3A_113], %shift_left3A_99 {strides = array<i32>} : memref<512xi32, #tpu.memory_space<vmem>>, vector<16xi32>,
    %get3A_115 = arith.constant 64 : index
    %get3A_116 = tpu.vector_load %arg7[%get3A_115] {strides = array<i32>} : memref<512xi32, #tpu.memory_space<vmem>>, vector<16xi32>,
    %shift_right_logical3A_117 = arith.constant 2 : i32
    %shift_right_logical3A_118 = vector.broadcast %shift_right_logical3A_117 : i32 to vector<16xi32>
    %shift_right_logical3A_119 = arith.shrui %get3A_116, %shift_right_logical3A_118 : vector<16xi32>
    %lt3A_120 = arith.constant 131072 : i32
    %lt3A_121 = vector.broadcast %lt3A_120 : i32 to vector<16xi32>
    %lt3A_122 = arith.cmpi slt, %shift_right_logical3A_119, %lt3A_121 : vector<16xi32>
    %and3A_123 = arith.constant 3 : i32
    %and3A_124 = vector.broadcast %and3A_123 : i32 to vector<16xi32>
    %and3A_125 = arith.andi %get3A_116, %and3A_124 : vector<16xi32>
    %shift_left3A_126 = arith.constant 5 : i32
    %shift_left3A_127 = vector.broadcast %shift_left3A_126 : i32 to vector<16xi32>
    %shift_left3A_128 = arith.shli %and3A_125, %shift_left3A_127 : vector<16xi32>
    %select_n3A_129 = arith.select %lt3A_122, %shift_right_logical3A_119, %broadcast_in_dim3A_6 : vector<16xi1>, vector<16xi32>
    %swap3A_130 = arith.constant 0 : i32
    %swap3A_131 = arith.index_cast %swap3A_130 : i32 to index
    %swap3A_132 = arith.constant 64 : index
    %swap3A_133 = tpu.vector_load %arg8[%swap3A_131, %swap3A_132] {strides = array<i32>} : memref<4x128xi32, #tpu.memory_space<vmem>>, vector<16xi32>,
    tpu.vector_store %arg8[%swap3A_131, %swap3A_132], %select_n3A_129 {strides = array<i32>} : memref<4x128xi32, #tpu.memory_space<vmem>>, vector<16xi32>,
    %sub3A_134 = arith.constant 131072 : i32
    %sub3A_135 = vector.broadcast %sub3A_134 : i32 to vector<16xi32>
    %sub3A_136 = arith.subi %shift_right_logical3A_119, %sub3A_135 : vector<16xi32>
    %select_n3A_137 = arith.select %lt3A_122, %broadcast_in_dim3A_6, %sub3A_136 : vector<16xi1>, vector<16xi32>
    %swap3A_138 = arith.constant 0 : i32
    %swap3A_139 = arith.index_cast %swap3A_138 : i32 to index
    %swap3A_140 = arith.constant 64 : index
    %swap3A_141 = tpu.vector_load %arg9[%swap3A_139, %swap3A_140] {strides = array<i32>} : memref<4x128xi32, #tpu.memory_space<vmem>>, vector<16xi32>,
    tpu.vector_store %arg9[%swap3A_139, %swap3A_140], %select_n3A_137 {strides = array<i32>} : memref<4x128xi32, #tpu.memory_space<vmem>>, vector<16xi32>,
    %swap3A_142 = arith.constant 64 : index
    %swap3A_143 = tpu.vector_load %arg10[%swap3A_142] {strides = array<i32>} : memref<512xi32, #tpu.memory_space<vmem>>, vector<16xi32>,
    tpu.vector_store %arg10[%swap3A_142], %shift_left3A_128 {strides = array<i32>} : memref<512xi32, #tpu.memory_space<vmem>>, vector<16xi32>,
    %get3A_144 = arith.constant 80 : index
    %get3A_145 = tpu.vector_load %arg7[%get3A_144] {strides = array<i32>} : memref<512xi32, #tpu.memory_space<vmem>>, vector<16xi32>,
    %shift_right_logical3A_146 = arith.constant 2 : i32
    %shift_right_logical3A_147 = vector.broadcast %shift_right_logical3A_146 : i32 to vector<16xi32>
    %shift_right_logical3A_148 = arith.shrui %get3A_145, %shift_right_logical3A_147 : vector<16xi32>
    %lt3A_149 = arith.constant 131072 : i32
    %lt3A_150 = vector.broadcast %lt3A_149 : i32 to vector<16xi32>
    %lt3A_151 = arith.cmpi slt, %shift_right_logical3A_148, %lt3A_150 : vector<16xi32>
    %and3A_152 = arith.constant 3 : i32
    %and3A_153 = vector.broadcast %and3A_152 : i32 to vector<16xi32>
    %and3A_154 = arith.andi %get3A_145, %and3A_153 : vector<16xi32>
    %shift_left3A_155 = arith.constant 5 : i32
    %shift_left3A_156 = vector.broadcast %shift_left3A_155 : i32 to vector<16xi32>
    %shift_left3A_157 = arith.shli %and3A_154, %shift_left3A_156 : vector<16xi32>
    %select_n3A_158 = arith.select %lt3A_151, %shift_right_logical3A_148, %broadcast_in_dim3A_6 : vector<16xi1>, vector<16xi32>
    %swap3A_159 = arith.constant 0 : i32
    %swap3A_160 = arith.index_cast %swap3A_159 : i32 to index
    %swap3A_161 = arith.constant 80 : index
    %swap3A_162 = tpu.vector_load %arg8[%swap3A_160, %swap3A_161] {strides = array<i32>} : memref<4x128xi32, #tpu.memory_space<vmem>>, vector<16xi32>,
    tpu.vector_store %arg8[%swap3A_160, %swap3A_161], %select_n3A_158 {strides = array<i32>} : memref<4x128xi32, #tpu.memory_space<vmem>>, vector<16xi32>,
    %sub3A_163 = arith.constant 131072 : i32
    %sub3A_164 = vector.broadcast %sub3A_163 : i32 to vector<16xi32>
    %sub3A_165 = arith.subi %shift_right_logical3A_148, %sub3A_164 : vector<16xi32>
    %select_n3A_166 = arith.select %lt3A_151, %broadcast_in_dim3A_6, %sub3A_165 : vector<16xi1>, vector<16xi32>
    %swap3A_167 = arith.constant 0 : i32
    %swap3A_168 = arith.index_cast %swap3A_167 : i32 to index
    %swap3A_169 = arith.constant 80 : index
    %swap3A_170 = tpu.vector_load %arg9[%swap3A_168, %swap3A_169] {strides = array<i32>} : memref<4x128xi32, #tpu.memory_space<vmem>>, vector<16xi32>,
    tpu.vector_store %arg9[%swap3A_168, %swap3A_169], %select_n3A_166 {strides = array<i32>} : memref<4x128xi32, #tpu.memory_space<vmem>>, vector<16xi32>,
    %swap3A_171 = arith.constant 80 : index
    %swap3A_172 = tpu.vector_load %arg10[%swap3A_171] {strides = array<i32>} : memref<512xi32, #tpu.memory_space<vmem>>, vector<16xi32>,
    tpu.vector_store %arg10[%swap3A_171], %shift_left3A_157 {strides = array<i32>} : memref<512xi32, #tpu.memory_space<vmem>>, vector<16xi32>,
    %get3A_173 = arith.constant 96 : index
    %get3A_174 = tpu.vector_load %arg7[%get3A_173] {strides = array<i32>} : memref<512xi32, #tpu.memory_space<vmem>>, vector<16xi32>,
    %shift_right_logical3A_175 = arith.constant 2 : i32
    %shift_right_logical3A_176 = vector.broadcast %shift_right_logical3A_175 : i32 to vector<16xi32>
    %shift_right_logical3A_177 = arith.shrui %get3A_174, %shift_right_logical3A_176 : vector<16xi32>
    %lt3A_178 = arith.constant 131072 : i32
    %lt3A_179 = vector.broadcast %lt3A_178 : i32 to vector<16xi32>
    %lt3A_180 = arith.cmpi slt, %shift_right_logical3A_177, %lt3A_179 : vector<16xi32>
    %and3A_181 = arith.constant 3 : i32
    %and3A_182 = vector.broadcast %and3A_181 : i32 to vector<16xi32>
    %and3A_183 = arith.andi %get3A_174, %and3A_182 : vector<16xi32>
    %shift_left3A_184 = arith.constant 5 : i32
    %shift_left3A_185 = vector.broadcast %shift_left3A_184 : i32 to vector<16xi32>
    %shift_left3A_186 = arith.shli %and3A_183, %shift_left3A_185 : vector<16xi32>
    %select_n3A_187 = arith.select %lt3A_180, %shift_right_logical3A_177, %broadcast_in_dim3A_6 : vector<16xi1>, vector<16xi32>
    %swap3A_188 = arith.constant 0 : i32
    %swap3A_189 = arith.index_cast %swap3A_188 : i32 to index
    %swap3A_190 = arith.constant 96 : index
    %swap3A_191 = tpu.vector_load %arg8[%swap3A_189, %swap3A_190] {strides = array<i32>} : memref<4x128xi32, #tpu.memory_space<vmem>>, vector<16xi32>,
    tpu.vector_store %arg8[%swap3A_189, %swap3A_190], %select_n3A_187 {strides = array<i32>} : memref<4x128xi32, #tpu.memory_space<vmem>>, vector<16xi32>,
    %sub3A_192 = arith.constant 131072 : i32
    %sub3A_193 = vector.broadcast %sub3A_192 : i32 to vector<16xi32>
    %sub3A_194 = arith.subi %shift_right_logical3A_177, %sub3A_193 : vector<16xi32>
    %select_n3A_195 = arith.select %lt3A_180, %broadcast_in_dim3A_6, %sub3A_194 : vector<16xi1>, vector<16xi32>
    %swap3A_196 = arith.constant 0 : i32
    %swap3A_197 = arith.index_cast %swap3A_196 : i32 to index
    %swap3A_198 = arith.constant 96 : index
    %swap3A_199 = tpu.vector_load %arg9[%swap3A_197, %swap3A_198] {strides = array<i32>} : memref<4x128xi32, #tpu.memory_space<vmem>>, vector<16xi32>,
    tpu.vector_store %arg9[%swap3A_197, %swap3A_198], %select_n3A_195 {strides = array<i32>} : memref<4x128xi32, #tpu.memory_space<vmem>>, vector<16xi32>,
    %swap3A_200 = arith.constant 96 : index
    %swap3A_201 = tpu.vector_load %arg10[%swap3A_200] {strides = array<i32>} : memref<512xi32, #tpu.memory_space<vmem>>, vector<16xi32>,
    tpu.vector_store %arg10[%swap3A_200], %shift_left3A_186 {strides = array<i32>} : memref<512xi32, #tpu.memory_space<vmem>>, vector<16xi32>,
    %get3A_202 = arith.constant 112 : index
    %get3A_203 = tpu.vector_load %arg7[%get3A_202] {strides = array<i32>} : memref<512xi32, #tpu.memory_space<vmem>>, vector<16xi32>,
    %shift_right_logical3A_204 = arith.constant 2 : i32
    %shift_right_logical3A_205 = vector.broadcast %shift_right_logical3A_204 : i32 to vector<16xi32>
    %shift_right_logical3A_206 = arith.shrui %get3A_203, %shift_right_logical3A_205 : vector<16xi32>
    %lt3A_207 = arith.constant 131072 : i32
    %lt3A_208 = vector.broadcast %lt3A_207 : i32 to vector<16xi32>
    %lt3A_209 = arith.cmpi slt, %shift_right_logical3A_206, %lt3A_208 : vector<16xi32>
    %and3A_210 = arith.constant 3 : i32
    %and3A_211 = vector.broadcast %and3A_210 : i32 to vector<16xi32>
    %and3A_212 = arith.andi %get3A_203, %and3A_211 : vector<16xi32>
    %shift_left3A_213 = arith.constant 5 : i32
    %shift_left3A_214 = vector.broadcast %shift_left3A_213 : i32 to vector<16xi32>
    %shift_left3A_215 = arith.shli %and3A_212, %shift_left3A_214 : vector<16xi32>
    %select_n3A_216 = arith.select %lt3A_209, %shift_right_logical3A_206, %broadcast_in_dim3A_6 : vector<16xi1>, vector<16xi32>
    %swap3A_217 = arith.constant 0 : i32
    %swap3A_218 = arith.index_cast %swap3A_217 : i32 to index
    %swap3A_219 = arith.constant 112 : index
    %swap3A_220 = tpu.vector_load %arg8[%swap3A_218, %swap3A_219] {strides = array<i32>} : memref<4x128xi32, #tpu.memory_space<vmem>>, vector<16xi32>,
    tpu.vector_store %arg8[%swap3A_218, %swap3A_219], %select_n3A_216 {strides = array<i32>} : memref<4x128xi32, #tpu.memory_space<vmem>>, vector<16xi32>,
    %sub3A_221 = arith.constant 131072 : i32
    %sub3A_222 = vector.broadcast %sub3A_221 : i32 to vector<16xi32>
    %sub3A_223 = arith.subi %shift_right_logical3A_206, %sub3A_222 : vector<16xi32>
    %select_n3A_224 = arith.select %lt3A_209, %broadcast_in_dim3A_6, %sub3A_223 : vector<16xi1>, vector<16xi32>
    %swap3A_225 = arith.constant 0 : i32
    %swap3A_226 = arith.index_cast %swap3A_225 : i32 to index
    %swap3A_227 = arith.constant 112 : index
    %swap3A_228 = tpu.vector_load %arg9[%swap3A_226, %swap3A_227] {strides = array<i32>} : memref<4x128xi32, #tpu.memory_space<vmem>>, vector<16xi32>,
    tpu.vector_store %arg9[%swap3A_226, %swap3A_227], %select_n3A_224 {strides = array<i32>} : memref<4x128xi32, #tpu.memory_space<vmem>>, vector<16xi32>,
    %swap3A_229 = arith.constant 112 : index
    %swap3A_230 = tpu.vector_load %arg10[%swap3A_229] {strides = array<i32>} : memref<512xi32, #tpu.memory_space<vmem>>, vector<16xi32>,
    tpu.vector_store %arg10[%swap3A_229], %shift_left3A_215 {strides = array<i32>} : memref<512xi32, #tpu.memory_space<vmem>>, vector<16xi32>,
    %get3A_231 = arith.constant 128 : index
    %get3A_232 = tpu.vector_load %arg7[%get3A_231] {strides = array<i32>} : memref<512xi32, #tpu.memory_space<vmem>>, vector<16xi32>,
    %shift_right_logical3A_233 = arith.constant 2 : i32
    %shift_right_logical3A_234 = vector.broadcast %shift_right_logical3A_233 : i32 to vector<16xi32>
    %shift_right_logical3A_235 = arith.shrui %get3A_232, %shift_right_logical3A_234 : vector<16xi32>
    %lt3A_236 = arith.constant 131072 : i32
    %lt3A_237 = vector.broadcast %lt3A_236 : i32 to vector<16xi32>
    %lt3A_238 = arith.cmpi slt, %shift_right_logical3A_235, %lt3A_237 : vector<16xi32>
    %and3A_239 = arith.constant 3 : i32
    %and3A_240 = vector.broadcast %and3A_239 : i32 to vector<16xi32>
    %and3A_241 = arith.andi %get3A_232, %and3A_240 : vector<16xi32>
    %shift_left3A_242 = arith.constant 5 : i32
    %shift_left3A_243 = vector.broadcast %shift_left3A_242 : i32 to vector<16xi32>
    %shift_left3A_244 = arith.shli %and3A_241, %shift_left3A_243 : vector<16xi32>
    %select_n3A_245 = arith.select %lt3A_238, %shift_right_logical3A_235, %broadcast_in_dim3A_6 : vector<16xi1>, vector<16xi32>
    %swap3A_246 = arith.constant 1 : i32
    %swap3A_247 = arith.index_cast %swap3A_246 : i32 to index
    %swap3A_248 = arith.constant 0 : index
    %swap3A_249 = tpu.vector_load %arg8[%swap3A_247, %swap3A_248] {strides = array<i32>} : memref<4x128xi32, #tpu.memory_space<vmem>>, vector<16xi32>,
    tpu.vector_store %arg8[%swap3A_247, %swap3A_248], %select_n3A_245 {strides = array<i32>} : memref<4x128xi32, #tpu.memory_space<vmem>>, vector<16xi32>,
    %sub3A_250 = arith.constant 131072 : i32
    %sub3A_251 = vector.broadcast %sub3A_250 : i32 to vector<16xi32>
    %sub3A_252 = arith.subi %shift_right_logical3A_235, %sub3A_251 : vector<16xi32>
    %select_n3A_253 = arith.select %lt3A_238, %broadcast_in_dim3A_6, %sub3A_252 : vector<16xi1>, vector<16xi32>
    %swap3A_254 = arith.constant 1 : i32
    %swap3A_255 = arith.index_cast %swap3A_254 : i32 to index
    %swap3A_256 = arith.constant 0 : index
    %swap3A_257 = tpu.vector_load %arg9[%swap3A_255, %swap3A_256] {strides = array<i32>} : memref<4x128xi32, #tpu.memory_space<vmem>>, vector<16xi32>,
    tpu.vector_store %arg9[%swap3A_255, %swap3A_256], %select_n3A_253 {strides = array<i32>} : memref<4x128xi32, #tpu.memory_space<vmem>>, vector<16xi32>,
    %swap3A_258 = arith.constant 128 : index
    %swap3A_259 = tpu.vector_load %arg10[%swap3A_258] {strides = array<i32>} : memref<512xi32, #tpu.memory_space<vmem>>, vector<16xi32>,
    tpu.vector_store %arg10[%swap3A_258], %shift_left3A_244 {strides = array<i32>} : memref<512xi32, #tpu.memory_space<vmem>>, vector<16xi32>,
    %get3A_260 = arith.constant 144 : index
    %get3A_261 = tpu.vector_load %arg7[%get3A_260] {strides = array<i32>} : memref<512xi32, #tpu.memory_space<vmem>>, vector<16xi32>,
    %shift_right_logical3A_262 = arith.constant 2 : i32
    %shift_right_logical3A_263 = vector.broadcast %shift_right_logical3A_262 : i32 to vector<16xi32>
    %shift_right_logical3A_264 = arith.shrui %get3A_261, %shift_right_logical3A_263 : vector<16xi32>
    %lt3A_265 = arith.constant 131072 : i32
    %lt3A_266 = vector.broadcast %lt3A_265 : i32 to vector<16xi32>
    %lt3A_267 = arith.cmpi slt, %shift_right_logical3A_264, %lt3A_266 : vector<16xi32>
    %and3A_268 = arith.constant 3 : i32
    %and3A_269 = vector.broadcast %and3A_268 : i32 to vector<16xi32>
    %and3A_270 = arith.andi %get3A_261, %and3A_269 : vector<16xi32>
    %shift_left3A_271 = arith.constant 5 : i32
    %shift_left3A_272 = vector.broadcast %shift_left3A_271 : i32 to vector<16xi32>
    %shift_left3A_273 = arith.shli %and3A_270, %shift_left3A_272 : vector<16xi32>
    %select_n3A_274 = arith.select %lt3A_267, %shift_right_logical3A_264, %broadcast_in_dim3A_6 : vector<16xi1>, vector<16xi32>
    %swap3A_275 = arith.constant 1 : i32
    %swap3A_276 = arith.index_cast %swap3A_275 : i32 to index
    %swap3A_277 = arith.constant 16 : index
    %swap3A_278 = tpu.vector_load %arg8[%swap3A_276, %swap3A_277] {strides = array<i32>} : memref<4x128xi32, #tpu.memory_space<vmem>>, vector<16xi32>,
    tpu.vector_store %arg8[%swap3A_276, %swap3A_277], %select_n3A_274 {strides = array<i32>} : memref<4x128xi32, #tpu.memory_space<vmem>>, vector<16xi32>,
    %sub3A_279 = arith.constant 131072 : i32
    %sub3A_280 = vector.broadcast %sub3A_279 : i32 to vector<16xi32>
    %sub3A_281 = arith.subi %shift_right_logical3A_264, %sub3A_280 : vector<16xi32>
    %select_n3A_282 = arith.select %lt3A_267, %broadcast_in_dim3A_6, %sub3A_281 : vector<16xi1>, vector<16xi32>
    %swap3A_283 = arith.constant 1 : i32
    %swap3A_284 = arith.index_cast %swap3A_283 : i32 to index
    %swap3A_285 = arith.constant 16 : index
    %swap3A_286 = tpu.vector_load %arg9[%swap3A_284, %swap3A_285] {strides = array<i32>} : memref<4x128xi32, #tpu.memory_space<vmem>>, vector<16xi32>,
    tpu.vector_store %arg9[%swap3A_284, %swap3A_285], %select_n3A_282 {strides = array<i32>} : memref<4x128xi32, #tpu.memory_space<vmem>>, vector<16xi32>,
    %swap3A_287 = arith.constant 144 : index
    %swap3A_288 = tpu.vector_load %arg10[%swap3A_287] {strides = array<i32>} : memref<512xi32, #tpu.memory_space<vmem>>, vector<16xi32>,
    tpu.vector_store %arg10[%swap3A_287], %shift_left3A_273 {strides = array<i32>} : memref<512xi32, #tpu.memory_space<vmem>>, vector<16xi32>,
    %get3A_289 = arith.constant 160 : index
    %get3A_290 = tpu.vector_load %arg7[%get3A_289] {strides = array<i32>} : memref<512xi32, #tpu.memory_space<vmem>>, vector<16xi32>,
    %shift_right_logical3A_291 = arith.constant 2 : i32
    %shift_right_logical3A_292 = vector.broadcast %shift_right_logical3A_291 : i32 to vector<16xi32>
    %shift_right_logical3A_293 = arith.shrui %get3A_290, %shift_right_logical3A_292 : vector<16xi32>
    %lt3A_294 = arith.constant 131072 : i32
    %lt3A_295 = vector.broadcast %lt3A_294 : i32 to vector<16xi32>
    %lt3A_296 = arith.cmpi slt, %shift_right_logical3A_293, %lt3A_295 : vector<16xi32>
    %and3A_297 = arith.constant 3 : i32
    %and3A_298 = vector.broadcast %and3A_297 : i32 to vector<16xi32>
    %and3A_299 = arith.andi %get3A_290, %and3A_298 : vector<16xi32>
    %shift_left3A_300 = arith.constant 5 : i32
    %shift_left3A_301 = vector.broadcast %shift_left3A_300 : i32 to vector<16xi32>
    %shift_left3A_302 = arith.shli %and3A_299, %shift_left3A_301 : vector<16xi32>
    %select_n3A_303 = arith.select %lt3A_296, %shift_right_logical3A_293, %broadcast_in_dim3A_6 : vector<16xi1>, vector<16xi32>
    %swap3A_304 = arith.constant 1 : i32
    %swap3A_305 = arith.index_cast %swap3A_304 : i32 to index
    %swap3A_306 = arith.constant 32 : index
    %swap3A_307 = tpu.vector_load %arg8[%swap3A_305, %swap3A_306] {strides = array<i32>} : memref<4x128xi32, #tpu.memory_space<vmem>>, vector<16xi32>,
    tpu.vector_store %arg8[%swap3A_305, %swap3A_306], %select_n3A_303 {strides = array<i32>} : memref<4x128xi32, #tpu.memory_space<vmem>>, vector<16xi32>,
    %sub3A_308 = arith.constant 131072 : i32
    %sub3A_309 = vector.broadcast %sub3A_308 : i32 to vector<16xi32>
    %sub3A_310 = arith.subi %shift_right_logical3A_293, %sub3A_309 : vector<16xi32>
    %select_n3A_311 = arith.select %lt3A_296, %broadcast_in_dim3A_6, %sub3A_310 : vector<16xi1>, vector<16xi32>
    %swap3A_312 = arith.constant 1 : i32
    %swap3A_313 = arith.index_cast %swap3A_312 : i32 to index
    %swap3A_314 = arith.constant 32 : index
    %swap3A_315 = tpu.vector_load %arg9[%swap3A_313, %swap3A_314] {strides = array<i32>} : memref<4x128xi32, #tpu.memory_space<vmem>>, vector<16xi32>,
    tpu.vector_store %arg9[%swap3A_313, %swap3A_314], %select_n3A_311 {strides = array<i32>} : memref<4x128xi32, #tpu.memory_space<vmem>>, vector<16xi32>,
    %swap3A_316 = arith.constant 160 : index
    %swap3A_317 = tpu.vector_load %arg10[%swap3A_316] {strides = array<i32>} : memref<512xi32, #tpu.memory_space<vmem>>, vector<16xi32>,
    tpu.vector_store %arg10[%swap3A_316], %shift_left3A_302 {strides = array<i32>} : memref<512xi32, #tpu.memory_space<vmem>>, vector<16xi32>,
    %get3A_318 = arith.constant 176 : index
    %get3A_319 = tpu.vector_load %arg7[%get3A_318] {strides = array<i32>} : memref<512xi32, #tpu.memory_space<vmem>>, vector<16xi32>,
    %shift_right_logical3A_320 = arith.constant 2 : i32
    %shift_right_logical3A_321 = vector.broadcast %shift_right_logical3A_320 : i32 to vector<16xi32>
    %shift_right_logical3A_322 = arith.shrui %get3A_319, %shift_right_logical3A_321 : vector<16xi32>
    %lt3A_323 = arith.constant 131072 : i32
    %lt3A_324 = vector.broadcast %lt3A_323 : i32 to vector<16xi32>
    %lt3A_325 = arith.cmpi slt, %shift_right_logical3A_322, %lt3A_324 : vector<16xi32>
    %and3A_326 = arith.constant 3 : i32
    %and3A_327 = vector.broadcast %and3A_326 : i32 to vector<16xi32>
    %and3A_328 = arith.andi %get3A_319, %and3A_327 : vector<16xi32>
    %shift_left3A_329 = arith.constant 5 : i32
    %shift_left3A_330 = vector.broadcast %shift_left3A_329 : i32 to vector<16xi32>
    %shift_left3A_331 = arith.shli %and3A_328, %shift_left3A_330 : vector<16xi32>
    %select_n3A_332 = arith.select %lt3A_325, %shift_right_logical3A_322, %broadcast_in_dim3A_6 : vector<16xi1>, vector<16xi32>
    %swap3A_333 = arith.constant 1 : i32
    %swap3A_334 = arith.index_cast %swap3A_333 : i32 to index
    %swap3A_335 = arith.constant 48 : index
    %swap3A_336 = tpu.vector_load %arg8[%swap3A_334, %swap3A_335] {strides = array<i32>} : memref<4x128xi32, #tpu.memory_space<vmem>>, vector<16xi32>,
    tpu.vector_store %arg8[%swap3A_334, %swap3A_335], %select_n3A_332 {strides = array<i32>} : memref<4x128xi32, #tpu.memory_space<vmem>>, vector<16xi32>,
    %sub3A_337 = arith.constant 131072 : i32
    %sub3A_338 = vector.broadcast %sub3A_337 : i32 to vector<16xi32>
    %sub3A_339 = arith.subi %shift_right_logical3A_322, %sub3A_338 : vector<16xi32>
    %select_n3A_340 = arith.select %lt3A_325, %broadcast_in_dim3A_6, %sub3A_339 : vector<16xi1>, vector<16xi32>
    %swap3A_341 = arith.constant 1 : i32
    %swap3A_342 = arith.index_cast %swap3A_341 : i32 to index
    %swap3A_343 = arith.constant 48 : index
    %swap3A_344 = tpu.vector_load %arg9[%swap3A_342, %swap3A_343] {strides = array<i32>} : memref<4x128xi32, #tpu.memory_space<vmem>>, vector<16xi32>,
    tpu.vector_store %arg9[%swap3A_342, %swap3A_343], %select_n3A_340 {strides = array<i32>} : memref<4x128xi32, #tpu.memory_space<vmem>>, vector<16xi32>,
    %swap3A_345 = arith.constant 176 : index
    %swap3A_346 = tpu.vector_load %arg10[%swap3A_345] {strides = array<i32>} : memref<512xi32, #tpu.memory_space<vmem>>, vector<16xi32>,
    tpu.vector_store %arg10[%swap3A_345], %shift_left3A_331 {strides = array<i32>} : memref<512xi32, #tpu.memory_space<vmem>>, vector<16xi32>,
    %get3A_347 = arith.constant 192 : index
    %get3A_348 = tpu.vector_load %arg7[%get3A_347] {strides = array<i32>} : memref<512xi32, #tpu.memory_space<vmem>>, vector<16xi32>,
    %shift_right_logical3A_349 = arith.constant 2 : i32
    %shift_right_logical3A_350 = vector.broadcast %shift_right_logical3A_349 : i32 to vector<16xi32>
    %shift_right_logical3A_351 = arith.shrui %get3A_348, %shift_right_logical3A_350 : vector<16xi32>
    %lt3A_352 = arith.constant 131072 : i32
    %lt3A_353 = vector.broadcast %lt3A_352 : i32 to vector<16xi32>
    %lt3A_354 = arith.cmpi slt, %shift_right_logical3A_351, %lt3A_353 : vector<16xi32>
    %and3A_355 = arith.constant 3 : i32
    %and3A_356 = vector.broadcast %and3A_355 : i32 to vector<16xi32>
    %and3A_357 = arith.andi %get3A_348, %and3A_356 : vector<16xi32>
    %shift_left3A_358 = arith.constant 5 : i32
    %shift_left3A_359 = vector.broadcast %shift_left3A_358 : i32 to vector<16xi32>
    %shift_left3A_360 = arith.shli %and3A_357, %shift_left3A_359 : vector<16xi32>
    %select_n3A_361 = arith.select %lt3A_354, %shift_right_logical3A_351, %broadcast_in_dim3A_6 : vector<16xi1>, vector<16xi32>
    %swap3A_362 = arith.constant 1 : i32
    %swap3A_363 = arith.index_cast %swap3A_362 : i32 to index
    %swap3A_364 = arith.constant 64 : index
    %swap3A_365 = tpu.vector_load %arg8[%swap3A_363, %swap3A_364] {strides = array<i32>} : memref<4x128xi32, #tpu.memory_space<vmem>>, vector<16xi32>,
    tpu.vector_store %arg8[%swap3A_363, %swap3A_364], %select_n3A_361 {strides = array<i32>} : memref<4x128xi32, #tpu.memory_space<vmem>>, vector<16xi32>,
    %sub3A_366 = arith.constant 131072 : i32
    %sub3A_367 = vector.broadcast %sub3A_366 : i32 to vector<16xi32>
    %sub3A_368 = arith.subi %shift_right_logical3A_351, %sub3A_367 : vector<16xi32>
    %select_n3A_369 = arith.select %lt3A_354, %broadcast_in_dim3A_6, %sub3A_368 : vector<16xi1>, vector<16xi32>
    %swap3A_370 = arith.constant 1 : i32
    %swap3A_371 = arith.index_cast %swap3A_370 : i32 to index
    %swap3A_372 = arith.constant 64 : index
    %swap3A_373 = tpu.vector_load %arg9[%swap3A_371, %swap3A_372] {strides = array<i32>} : memref<4x128xi32, #tpu.memory_space<vmem>>, vector<16xi32>,
    tpu.vector_store %arg9[%swap3A_371, %swap3A_372], %select_n3A_369 {strides = array<i32>} : memref<4x128xi32, #tpu.memory_space<vmem>>, vector<16xi32>,
    %swap3A_374 = arith.constant 192 : index
    %swap3A_375 = tpu.vector_load %arg10[%swap3A_374] {strides = array<i32>} : memref<512xi32, #tpu.memory_space<vmem>>, vector<16xi32>,
    tpu.vector_store %arg10[%swap3A_374], %shift_left3A_360 {strides = array<i32>} : memref<512xi32, #tpu.memory_space<vmem>>, vector<16xi32>,
    %get3A_376 = arith.constant 208 : index
    %get3A_377 = tpu.vector_load %arg7[%get3A_376] {strides = array<i32>} : memref<512xi32, #tpu.memory_space<vmem>>, vector<16xi32>,
    %shift_right_logical3A_378 = arith.constant 2 : i32
    %shift_right_logical3A_379 = vector.broadcast %shift_right_logical3A_378 : i32 to vector<16xi32>
    %shift_right_logical3A_380 = arith.shrui %get3A_377, %shift_right_logical3A_379 : vector<16xi32>
    %lt3A_381 = arith.constant 131072 : i32
    %lt3A_382 = vector.broadcast %lt3A_381 : i32 to vector<16xi32>
    %lt3A_383 = arith.cmpi slt, %shift_right_logical3A_380, %lt3A_382 : vector<16xi32>
    %and3A_384 = arith.constant 3 : i32
    %and3A_385 = vector.broadcast %and3A_384 : i32 to vector<16xi32>
    %and3A_386 = arith.andi %get3A_377, %and3A_385 : vector<16xi32>
    %shift_left3A_387 = arith.constant 5 : i32
    %shift_left3A_388 = vector.broadcast %shift_left3A_387 : i32 to vector<16xi32>
    %shift_left3A_389 = arith.shli %and3A_386, %shift_left3A_388 : vector<16xi32>
    %select_n3A_390 = arith.select %lt3A_383, %shift_right_logical3A_380, %broadcast_in_dim3A_6 : vector<16xi1>, vector<16xi32>
    %swap3A_391 = arith.constant 1 : i32
    %swap3A_392 = arith.index_cast %swap3A_391 : i32 to index
    %swap3A_393 = arith.constant 80 : index
    %swap3A_394 = tpu.vector_load %arg8[%swap3A_392, %swap3A_393] {strides = array<i32>} : memref<4x128xi32, #tpu.memory_space<vmem>>, vector<16xi32>,
    tpu.vector_store %arg8[%swap3A_392, %swap3A_393], %select_n3A_390 {strides = array<i32>} : memref<4x128xi32, #tpu.memory_space<vmem>>, vector<16xi32>,
    %sub3A_395 = arith.constant 131072 : i32
    %sub3A_396 = vector.broadcast %sub3A_395 : i32 to vector<16xi32>
    %sub3A_397 = arith.subi %shift_right_logical3A_380, %sub3A_396 : vector<16xi32>
    %select_n3A_398 = arith.select %lt3A_383, %broadcast_in_dim3A_6, %sub3A_397 : vector<16xi1>, vector<16xi32>
    %swap3A_399 = arith.constant 1 : i32
    %swap3A_400 = arith.index_cast %swap3A_399 : i32 to index
    %swap3A_401 = arith.constant 80 : index
    %swap3A_402 = tpu.vector_load %arg9[%swap3A_400, %swap3A_401] {strides = array<i32>} : memref<4x128xi32, #tpu.memory_space<vmem>>, vector<16xi32>,
    tpu.vector_store %arg9[%swap3A_400, %swap3A_401], %select_n3A_398 {strides = array<i32>} : memref<4x128xi32, #tpu.memory_space<vmem>>, vector<16xi32>,
    %swap3A_403 = arith.constant 208 : index
    %swap3A_404 = tpu.vector_load %arg10[%swap3A_403] {strides = array<i32>} : memref<512xi32, #tpu.memory_space<vmem>>, vector<16xi32>,
    tpu.vector_store %arg10[%swap3A_403], %shift_left3A_389 {strides = array<i32>} : memref<512xi32, #tpu.memory_space<vmem>>, vector<16xi32>,
    %get3A_405 = arith.constant 224 : index
    %get3A_406 = tpu.vector_load %arg7[%get3A_405] {strides = array<i32>} : memref<512xi32, #tpu.memory_space<vmem>>, vector<16xi32>,
    %shift_right_logical3A_407 = arith.constant 2 : i32
    %shift_right_logical3A_408 = vector.broadcast %shift_right_logical3A_407 : i32 to vector<16xi32>
    %shift_right_logical3A_409 = arith.shrui %get3A_406, %shift_right_logical3A_408 : vector<16xi32>
    %lt3A_410 = arith.constant 131072 : i32
    %lt3A_411 = vector.broadcast %lt3A_410 : i32 to vector<16xi32>
    %lt3A_412 = arith.cmpi slt, %shift_right_logical3A_409, %lt3A_411 : vector<16xi32>
    %and3A_413 = arith.constant 3 : i32
    %and3A_414 = vector.broadcast %and3A_413 : i32 to vector<16xi32>
    %and3A_415 = arith.andi %get3A_406, %and3A_414 : vector<16xi32>
    %shift_left3A_416 = arith.constant 5 : i32
    %shift_left3A_417 = vector.broadcast %shift_left3A_416 : i32 to vector<16xi32>
    %shift_left3A_418 = arith.shli %and3A_415, %shift_left3A_417 : vector<16xi32>
    %select_n3A_419 = arith.select %lt3A_412, %shift_right_logical3A_409, %broadcast_in_dim3A_6 : vector<16xi1>, vector<16xi32>
    %swap3A_420 = arith.constant 1 : i32
    %swap3A_421 = arith.index_cast %swap3A_420 : i32 to index
    %swap3A_422 = arith.constant 96 : index
    %swap3A_423 = tpu.vector_load %arg8[%swap3A_421, %swap3A_422] {strides = array<i32>} : memref<4x128xi32, #tpu.memory_space<vmem>>, vector<16xi32>,
    tpu.vector_store %arg8[%swap3A_421, %swap3A_422], %select_n3A_419 {strides = array<i32>} : memref<4x128xi32, #tpu.memory_space<vmem>>, vector<16xi32>,
    %sub3A_424 = arith.constant 131072 : i32
    %sub3A_425 = vector.broadcast %sub3A_424 : i32 to vector<16xi32>
    %sub3A_426 = arith.subi %shift_right_logical3A_409, %sub3A_425 : vector<16xi32>
    %select_n3A_427 = arith.select %lt3A_412, %broadcast_in_dim3A_6, %sub3A_426 : vector<16xi1>, vector<16xi32>
    %swap3A_428 = arith.constant 1 : i32
    %swap3A_429 = arith.index_cast %swap3A_428 : i32 to index
    %swap3A_430 = arith.constant 96 : index
    %swap3A_431 = tpu.vector_load %arg9[%swap3A_429, %swap3A_430] {strides = array<i32>} : memref<4x128xi32, #tpu.memory_space<vmem>>, vector<16xi32>,
    tpu.vector_store %arg9[%swap3A_429, %swap3A_430], %select_n3A_427 {strides = array<i32>} : memref<4x128xi32, #tpu.memory_space<vmem>>, vector<16xi32>,
    %swap3A_432 = arith.constant 224 : index
    %swap3A_433 = tpu.vector_load %arg10[%swap3A_432] {strides = array<i32>} : memref<512xi32, #tpu.memory_space<vmem>>, vector<16xi32>,
    tpu.vector_store %arg10[%swap3A_432], %shift_left3A_418 {strides = array<i32>} : memref<512xi32, #tpu.memory_space<vmem>>, vector<16xi32>,
    %get3A_434 = arith.constant 240 : index
    %get3A_435 = tpu.vector_load %arg7[%get3A_434] {strides = array<i32>} : memref<512xi32, #tpu.memory_space<vmem>>, vector<16xi32>,
    %shift_right_logical3A_436 = arith.constant 2 : i32
    %shift_right_logical3A_437 = vector.broadcast %shift_right_logical3A_436 : i32 to vector<16xi32>
    %shift_right_logical3A_438 = arith.shrui %get3A_435, %shift_right_logical3A_437 : vector<16xi32>
    %lt3A_439 = arith.constant 131072 : i32
    %lt3A_440 = vector.broadcast %lt3A_439 : i32 to vector<16xi32>
    %lt3A_441 = arith.cmpi slt, %shift_right_logical3A_438, %lt3A_440 : vector<16xi32>
    %and3A_442 = arith.constant 3 : i32
    %and3A_443 = vector.broadcast %and3A_442 : i32 to vector<16xi32>
    %and3A_444 = arith.andi %get3A_435, %and3A_443 : vector<16xi32>
    %shift_left3A_445 = arith.constant 5 : i32
    %shift_left3A_446 = vector.broadcast %shift_left3A_445 : i32 to vector<16xi32>
    %shift_left3A_447 = arith.shli %and3A_444, %shift_left3A_446 : vector<16xi32>
    %select_n3A_448 = arith.select %lt3A_441, %shift_right_logical3A_438, %broadcast_in_dim3A_6 : vector<16xi1>, vector<16xi32>
    %swap3A_449 = arith.constant 1 : i32
    %swap3A_450 = arith.index_cast %swap3A_449 : i32 to index
    %swap3A_451 = arith.constant 112 : index
    %swap3A_452 = tpu.vector_load %arg8[%swap3A_450, %swap3A_451] {strides = array<i32>} : memref<4x128xi32, #tpu.memory_space<vmem>>, vector<16xi32>,
    tpu.vector_store %arg8[%swap3A_450, %swap3A_451], %select_n3A_448 {strides = array<i32>} : memref<4x128xi32, #tpu.memory_space<vmem>>, vector<16xi32>,
    %sub3A_453 = arith.constant 131072 : i32
    %sub3A_454 = vector.broadcast %sub3A_453 : i32 to vector<16xi32>
    %sub3A_455 = arith.subi %shift_right_logical3A_438, %sub3A_454 : vector<16xi32>
    %select_n3A_456 = arith.select %lt3A_441, %broadcast_in_dim3A_6, %sub3A_455 : vector<16xi1>, vector<16xi32>
    %swap3A_457 = arith.constant 1 : i32
    %swap3A_458 = arith.index_cast %swap3A_457 : i32 to index
    %swap3A_459 = arith.constant 112 : index
    %swap3A_460 = tpu.vector_load %arg9[%swap3A_458, %swap3A_459] {strides = array<i32>} : memref<4x128xi32, #tpu.memory_space<vmem>>, vector<16xi32>,
    tpu.vector_store %arg9[%swap3A_458, %swap3A_459], %select_n3A_456 {strides = array<i32>} : memref<4x128xi32, #tpu.memory_space<vmem>>, vector<16xi32>,
    %swap3A_461 = arith.constant 240 : index
    %swap3A_462 = tpu.vector_load %arg10[%swap3A_461] {strides = array<i32>} : memref<512xi32, #tpu.memory_space<vmem>>, vector<16xi32>,
    tpu.vector_store %arg10[%swap3A_461], %shift_left3A_447 {strides = array<i32>} : memref<512xi32, #tpu.memory_space<vmem>>, vector<16xi32>,
    %get3A_463 = arith.constant 256 : index
    %get3A_464 = tpu.vector_load %arg7[%get3A_463] {strides = array<i32>} : memref<512xi32, #tpu.memory_space<vmem>>, vector<16xi32>,
    %shift_right_logical3A_465 = arith.constant 2 : i32
    %shift_right_logical3A_466 = vector.broadcast %shift_right_logical3A_465 : i32 to vector<16xi32>
    %shift_right_logical3A_467 = arith.shrui %get3A_464, %shift_right_logical3A_466 : vector<16xi32>
    %lt3A_468 = arith.constant 131072 : i32
    %lt3A_469 = vector.broadcast %lt3A_468 : i32 to vector<16xi32>
    %lt3A_470 = arith.cmpi slt, %shift_right_logical3A_467, %lt3A_469 : vector<16xi32>
    %and3A_471 = arith.constant 3 : i32
    %and3A_472 = vector.broadcast %and3A_471 : i32 to vector<16xi32>
    %and3A_473 = arith.andi %get3A_464, %and3A_472 : vector<16xi32>
    %shift_left3A_474 = arith.constant 5 : i32
    %shift_left3A_475 = vector.broadcast %shift_left3A_474 : i32 to vector<16xi32>
    %shift_left3A_476 = arith.shli %and3A_473, %shift_left3A_475 : vector<16xi32>
    %select_n3A_477 = arith.select %lt3A_470, %shift_right_logical3A_467, %broadcast_in_dim3A_6 : vector<16xi1>, vector<16xi32>
    %swap3A_478 = arith.constant 2 : i32
    %swap3A_479 = arith.index_cast %swap3A_478 : i32 to index
    %swap3A_480 = arith.constant 0 : index
    %swap3A_481 = tpu.vector_load %arg8[%swap3A_479, %swap3A_480] {strides = array<i32>} : memref<4x128xi32, #tpu.memory_space<vmem>>, vector<16xi32>,
    tpu.vector_store %arg8[%swap3A_479, %swap3A_480], %select_n3A_477 {strides = array<i32>} : memref<4x128xi32, #tpu.memory_space<vmem>>, vector<16xi32>,
    %sub3A_482 = arith.constant 131072 : i32
    %sub3A_483 = vector.broadcast %sub3A_482 : i32 to vector<16xi32>
    %sub3A_484 = arith.subi %shift_right_logical3A_467, %sub3A_483 : vector<16xi32>
    %select_n3A_485 = arith.select %lt3A_470, %broadcast_in_dim3A_6, %sub3A_484 : vector<16xi1>, vector<16xi32>
    %swap3A_486 = arith.constant 2 : i32
    %swap3A_487 = arith.index_cast %swap3A_486 : i32 to index
    %swap3A_488 = arith.constant 0 : index
    %swap3A_489 = tpu.vector_load %arg9[%swap3A_487, %swap3A_488] {strides = array<i32>} : memref<4x128xi32, #tpu.memory_space<vmem>>, vector<16xi32>,
    tpu.vector_store %arg9[%swap3A_487, %swap3A_488], %select_n3A_485 {strides = array<i32>} : memref<4x128xi32, #tpu.memory_space<vmem>>, vector<16xi32>,
    %swap3A_490 = arith.constant 256 : index
    %swap3A_491 = tpu.vector_load %arg10[%swap3A_490] {strides = array<i32>} : memref<512xi32, #tpu.memory_space<vmem>>, vector<16xi32>,
    tpu.vector_store %arg10[%swap3A_490], %shift_left3A_476 {strides = array<i32>} : memref<512xi32, #tpu.memory_space<vmem>>, vector<16xi32>,
    %get3A_492 = arith.constant 272 : index
    %get3A_493 = tpu.vector_load %arg7[%get3A_492] {strides = array<i32>} : memref<512xi32, #tpu.memory_space<vmem>>, vector<16xi32>,
    %shift_right_logical3A_494 = arith.constant 2 : i32
    %shift_right_logical3A_495 = vector.broadcast %shift_right_logical3A_494 : i32 to vector<16xi32>
    %shift_right_logical3A_496 = arith.shrui %get3A_493, %shift_right_logical3A_495 : vector<16xi32>
    %lt3A_497 = arith.constant 131072 : i32
    %lt3A_498 = vector.broadcast %lt3A_497 : i32 to vector<16xi32>
    %lt3A_499 = arith.cmpi slt, %shift_right_logical3A_496, %lt3A_498 : vector<16xi32>
    %and3A_500 = arith.constant 3 : i32
    %and3A_501 = vector.broadcast %and3A_500 : i32 to vector<16xi32>
    %and3A_502 = arith.andi %get3A_493, %and3A_501 : vector<16xi32>
    %shift_left3A_503 = arith.constant 5 : i32
    %shift_left3A_504 = vector.broadcast %shift_left3A_503 : i32 to vector<16xi32>
    %shift_left3A_505 = arith.shli %and3A_502, %shift_left3A_504 : vector<16xi32>
    %select_n3A_506 = arith.select %lt3A_499, %shift_right_logical3A_496, %broadcast_in_dim3A_6 : vector<16xi1>, vector<16xi32>
    %swap3A_507 = arith.constant 2 : i32
    %swap3A_508 = arith.index_cast %swap3A_507 : i32 to index
    %swap3A_509 = arith.constant 16 : index
    %swap3A_510 = tpu.vector_load %arg8[%swap3A_508, %swap3A_509] {strides = array<i32>} : memref<4x128xi32, #tpu.memory_space<vmem>>, vector<16xi32>,
    tpu.vector_store %arg8[%swap3A_508, %swap3A_509], %select_n3A_506 {strides = array<i32>} : memref<4x128xi32, #tpu.memory_space<vmem>>, vector<16xi32>,
    %sub3A_511 = arith.constant 131072 : i32
    %sub3A_512 = vector.broadcast %sub3A_511 : i32 to vector<16xi32>
    %sub3A_513 = arith.subi %shift_right_logical3A_496, %sub3A_512 : vector<16xi32>
    %select_n3A_514 = arith.select %lt3A_499, %broadcast_in_dim3A_6, %sub3A_513 : vector<16xi1>, vector<16xi32>
    %swap3A_515 = arith.constant 2 : i32
    %swap3A_516 = arith.index_cast %swap3A_515 : i32 to index
    %swap3A_517 = arith.constant 16 : index
    %swap3A_518 = tpu.vector_load %arg9[%swap3A_516, %swap3A_517] {strides = array<i32>} : memref<4x128xi32, #tpu.memory_space<vmem>>, vector<16xi32>,
    tpu.vector_store %arg9[%swap3A_516, %swap3A_517], %select_n3A_514 {strides = array<i32>} : memref<4x128xi32, #tpu.memory_space<vmem>>, vector<16xi32>,
    %swap3A_519 = arith.constant 272 : index
    %swap3A_520 = tpu.vector_load %arg10[%swap3A_519] {strides = array<i32>} : memref<512xi32, #tpu.memory_space<vmem>>, vector<16xi32>,
    tpu.vector_store %arg10[%swap3A_519], %shift_left3A_505 {strides = array<i32>} : memref<512xi32, #tpu.memory_space<vmem>>, vector<16xi32>,
    %get3A_521 = arith.constant 288 : index
    %get3A_522 = tpu.vector_load %arg7[%get3A_521] {strides = array<i32>} : memref<512xi32, #tpu.memory_space<vmem>>, vector<16xi32>,
    %shift_right_logical3A_523 = arith.constant 2 : i32
    %shift_right_logical3A_524 = vector.broadcast %shift_right_logical3A_523 : i32 to vector<16xi32>
    %shift_right_logical3A_525 = arith.shrui %get3A_522, %shift_right_logical3A_524 : vector<16xi32>
    %lt3A_526 = arith.constant 131072 : i32
    %lt3A_527 = vector.broadcast %lt3A_526 : i32 to vector<16xi32>
    %lt3A_528 = arith.cmpi slt, %shift_right_logical3A_525, %lt3A_527 : vector<16xi32>
    %and3A_529 = arith.constant 3 : i32
    %and3A_530 = vector.broadcast %and3A_529 : i32 to vector<16xi32>
    %and3A_531 = arith.andi %get3A_522, %and3A_530 : vector<16xi32>
    %shift_left3A_532 = arith.constant 5 : i32
    %shift_left3A_533 = vector.broadcast %shift_left3A_532 : i32 to vector<16xi32>
    %shift_left3A_534 = arith.shli %and3A_531, %shift_left3A_533 : vector<16xi32>
    %select_n3A_535 = arith.select %lt3A_528, %shift_right_logical3A_525, %broadcast_in_dim3A_6 : vector<16xi1>, vector<16xi32>
    %swap3A_536 = arith.constant 2 : i32
    %swap3A_537 = arith.index_cast %swap3A_536 : i32 to index
    %swap3A_538 = arith.constant 32 : index
    %swap3A_539 = tpu.vector_load %arg8[%swap3A_537, %swap3A_538] {strides = array<i32>} : memref<4x128xi32, #tpu.memory_space<vmem>>, vector<16xi32>,
    tpu.vector_store %arg8[%swap3A_537, %swap3A_538], %select_n3A_535 {strides = array<i32>} : memref<4x128xi32, #tpu.memory_space<vmem>>, vector<16xi32>,
    %sub3A_540 = arith.constant 131072 : i32
    %sub3A_541 = vector.broadcast %sub3A_540 : i32 to vector<16xi32>
    %sub3A_542 = arith.subi %shift_right_logical3A_525, %sub3A_541 : vector<16xi32>
    %select_n3A_543 = arith.select %lt3A_528, %broadcast_in_dim3A_6, %sub3A_542 : vector<16xi1>, vector<16xi32>
    %swap3A_544 = arith.constant 2 : i32
    %swap3A_545 = arith.index_cast %swap3A_544 : i32 to index
    %swap3A_546 = arith.constant 32 : index
    %swap3A_547 = tpu.vector_load %arg9[%swap3A_545, %swap3A_546] {strides = array<i32>} : memref<4x128xi32, #tpu.memory_space<vmem>>, vector<16xi32>,
    tpu.vector_store %arg9[%swap3A_545, %swap3A_546], %select_n3A_543 {strides = array<i32>} : memref<4x128xi32, #tpu.memory_space<vmem>>, vector<16xi32>,
    %swap3A_548 = arith.constant 288 : index
    %swap3A_549 = tpu.vector_load %arg10[%swap3A_548] {strides = array<i32>} : memref<512xi32, #tpu.memory_space<vmem>>, vector<16xi32>,
    tpu.vector_store %arg10[%swap3A_548], %shift_left3A_534 {strides = array<i32>} : memref<512xi32, #tpu.memory_space<vmem>>, vector<16xi32>,
    %get3A_550 = arith.constant 304 : index
    %get3A_551 = tpu.vector_load %arg7[%get3A_550] {strides = array<i32>} : memref<512xi32, #tpu.memory_space<vmem>>, vector<16xi32>,
    %shift_right_logical3A_552 = arith.constant 2 : i32
    %shift_right_logical3A_553 = vector.broadcast %shift_right_logical3A_552 : i32 to vector<16xi32>
    %shift_right_logical3A_554 = arith.shrui %get3A_551, %shift_right_logical3A_553 : vector<16xi32>
    %lt3A_555 = arith.constant 131072 : i32
    %lt3A_556 = vector.broadcast %lt3A_555 : i32 to vector<16xi32>
    %lt3A_557 = arith.cmpi slt, %shift_right_logical3A_554, %lt3A_556 : vector<16xi32>
    %and3A_558 = arith.constant 3 : i32
    %and3A_559 = vector.broadcast %and3A_558 : i32 to vector<16xi32>
    %and3A_560 = arith.andi %get3A_551, %and3A_559 : vector<16xi32>
    %shift_left3A_561 = arith.constant 5 : i32
    %shift_left3A_562 = vector.broadcast %shift_left3A_561 : i32 to vector<16xi32>
    %shift_left3A_563 = arith.shli %and3A_560, %shift_left3A_562 : vector<16xi32>
    %select_n3A_564 = arith.select %lt3A_557, %shift_right_logical3A_554, %broadcast_in_dim3A_6 : vector<16xi1>, vector<16xi32>
    %swap3A_565 = arith.constant 2 : i32
    %swap3A_566 = arith.index_cast %swap3A_565 : i32 to index
    %swap3A_567 = arith.constant 48 : index
    %swap3A_568 = tpu.vector_load %arg8[%swap3A_566, %swap3A_567] {strides = array<i32>} : memref<4x128xi32, #tpu.memory_space<vmem>>, vector<16xi32>,
    tpu.vector_store %arg8[%swap3A_566, %swap3A_567], %select_n3A_564 {strides = array<i32>} : memref<4x128xi32, #tpu.memory_space<vmem>>, vector<16xi32>,
    %sub3A_569 = arith.constant 131072 : i32
    %sub3A_570 = vector.broadcast %sub3A_569 : i32 to vector<16xi32>
    %sub3A_571 = arith.subi %shift_right_logical3A_554, %sub3A_570 : vector<16xi32>
    %select_n3A_572 = arith.select %lt3A_557, %broadcast_in_dim3A_6, %sub3A_571 : vector<16xi1>, vector<16xi32>
    %swap3A_573 = arith.constant 2 : i32
    %swap3A_574 = arith.index_cast %swap3A_573 : i32 to index
    %swap3A_575 = arith.constant 48 : index
    %swap3A_576 = tpu.vector_load %arg9[%swap3A_574, %swap3A_575] {strides = array<i32>} : memref<4x128xi32, #tpu.memory_space<vmem>>, vector<16xi32>,
    tpu.vector_store %arg9[%swap3A_574, %swap3A_575], %select_n3A_572 {strides = array<i32>} : memref<4x128xi32, #tpu.memory_space<vmem>>, vector<16xi32>,
    %swap3A_577 = arith.constant 304 : index
    %swap3A_578 = tpu.vector_load %arg10[%swap3A_577] {strides = array<i32>} : memref<512xi32, #tpu.memory_space<vmem>>, vector<16xi32>,
    tpu.vector_store %arg10[%swap3A_577], %shift_left3A_563 {strides = array<i32>} : memref<512xi32, #tpu.memory_space<vmem>>, vector<16xi32>,
    %get3A_579 = arith.constant 320 : index
    %get3A_580 = tpu.vector_load %arg7[%get3A_579] {strides = array<i32>} : memref<512xi32, #tpu.memory_space<vmem>>, vector<16xi32>,
    %shift_right_logical3A_581 = arith.constant 2 : i32
    %shift_right_logical3A_582 = vector.broadcast %shift_right_logical3A_581 : i32 to vector<16xi32>
    %shift_right_logical3A_583 = arith.shrui %get3A_580, %shift_right_logical3A_582 : vector<16xi32>
    %lt3A_584 = arith.constant 131072 : i32
    %lt3A_585 = vector.broadcast %lt3A_584 : i32 to vector<16xi32>
    %lt3A_586 = arith.cmpi slt, %shift_right_logical3A_583, %lt3A_585 : vector<16xi32>
    %and3A_587 = arith.constant 3 : i32
    %and3A_588 = vector.broadcast %and3A_587 : i32 to vector<16xi32>
    %and3A_589 = arith.andi %get3A_580, %and3A_588 : vector<16xi32>
    %shift_left3A_590 = arith.constant 5 : i32
    %shift_left3A_591 = vector.broadcast %shift_left3A_590 : i32 to vector<16xi32>
    %shift_left3A_592 = arith.shli %and3A_589, %shift_left3A_591 : vector<16xi32>
    %select_n3A_593 = arith.select %lt3A_586, %shift_right_logical3A_583, %broadcast_in_dim3A_6 : vector<16xi1>, vector<16xi32>
    %swap3A_594 = arith.constant 2 : i32
    %swap3A_595 = arith.index_cast %swap3A_594 : i32 to index
    %swap3A_596 = arith.constant 64 : index
    %swap3A_597 = tpu.vector_load %arg8[%swap3A_595, %swap3A_596] {strides = array<i32>} : memref<4x128xi32, #tpu.memory_space<vmem>>, vector<16xi32>,
    tpu.vector_store %arg8[%swap3A_595, %swap3A_596], %select_n3A_593 {strides = array<i32>} : memref<4x128xi32, #tpu.memory_space<vmem>>, vector<16xi32>,
    %sub3A_598 = arith.constant 131072 : i32
    %sub3A_599 = vector.broadcast %sub3A_598 : i32 to vector<16xi32>
    %sub3A_600 = arith.subi %shift_right_logical3A_583, %sub3A_599 : vector<16xi32>
    %select_n3A_601 = arith.select %lt3A_586, %broadcast_in_dim3A_6, %sub3A_600 : vector<16xi1>, vector<16xi32>
    %swap3A_602 = arith.constant 2 : i32
    %swap3A_603 = arith.index_cast %swap3A_602 : i32 to index
    %swap3A_604 = arith.constant 64 : index
    %swap3A_605 = tpu.vector_load %arg9[%swap3A_603, %swap3A_604] {strides = array<i32>} : memref<4x128xi32, #tpu.memory_space<vmem>>, vector<16xi32>,
    tpu.vector_store %arg9[%swap3A_603, %swap3A_604], %select_n3A_601 {strides = array<i32>} : memref<4x128xi32, #tpu.memory_space<vmem>>, vector<16xi32>,
    %swap3A_606 = arith.constant 320 : index
    %swap3A_607 = tpu.vector_load %arg10[%swap3A_606] {strides = array<i32>} : memref<512xi32, #tpu.memory_space<vmem>>, vector<16xi32>,
    tpu.vector_store %arg10[%swap3A_606], %shift_left3A_592 {strides = array<i32>} : memref<512xi32, #tpu.memory_space<vmem>>, vector<16xi32>,
    %get3A_608 = arith.constant 336 : index
    %get3A_609 = tpu.vector_load %arg7[%get3A_608] {strides = array<i32>} : memref<512xi32, #tpu.memory_space<vmem>>, vector<16xi32>,
    %shift_right_logical3A_610 = arith.constant 2 : i32
    %shift_right_logical3A_611 = vector.broadcast %shift_right_logical3A_610 : i32 to vector<16xi32>
    %shift_right_logical3A_612 = arith.shrui %get3A_609, %shift_right_logical3A_611 : vector<16xi32>
    %lt3A_613 = arith.constant 131072 : i32
    %lt3A_614 = vector.broadcast %lt3A_613 : i32 to vector<16xi32>
    %lt3A_615 = arith.cmpi slt, %shift_right_logical3A_612, %lt3A_614 : vector<16xi32>
    %and3A_616 = arith.constant 3 : i32
    %and3A_617 = vector.broadcast %and3A_616 : i32 to vector<16xi32>
    %and3A_618 = arith.andi %get3A_609, %and3A_617 : vector<16xi32>
    %shift_left3A_619 = arith.constant 5 : i32
    %shift_left3A_620 = vector.broadcast %shift_left3A_619 : i32 to vector<16xi32>
    %shift_left3A_621 = arith.shli %and3A_618, %shift_left3A_620 : vector<16xi32>
    %select_n3A_622 = arith.select %lt3A_615, %shift_right_logical3A_612, %broadcast_in_dim3A_6 : vector<16xi1>, vector<16xi32>
    %swap3A_623 = arith.constant 2 : i32
    %swap3A_624 = arith.index_cast %swap3A_623 : i32 to index
    %swap3A_625 = arith.constant 80 : index
    %swap3A_626 = tpu.vector_load %arg8[%swap3A_624, %swap3A_625] {strides = array<i32>} : memref<4x128xi32, #tpu.memory_space<vmem>>, vector<16xi32>,
    tpu.vector_store %arg8[%swap3A_624, %swap3A_625], %select_n3A_622 {strides = array<i32>} : memref<4x128xi32, #tpu.memory_space<vmem>>, vector<16xi32>,
    %sub3A_627 = arith.constant 131072 : i32
    %sub3A_628 = vector.broadcast %sub3A_627 : i32 to vector<16xi32>
    %sub3A_629 = arith.subi %shift_right_logical3A_612, %sub3A_628 : vector<16xi32>
    %select_n3A_630 = arith.select %lt3A_615, %broadcast_in_dim3A_6, %sub3A_629 : vector<16xi1>, vector<16xi32>
    %swap3A_631 = arith.constant 2 : i32
    %swap3A_632 = arith.index_cast %swap3A_631 : i32 to index
    %swap3A_633 = arith.constant 80 : index
    %swap3A_634 = tpu.vector_load %arg9[%swap3A_632, %swap3A_633] {strides = array<i32>} : memref<4x128xi32, #tpu.memory_space<vmem>>, vector<16xi32>,
    tpu.vector_store %arg9[%swap3A_632, %swap3A_633], %select_n3A_630 {strides = array<i32>} : memref<4x128xi32, #tpu.memory_space<vmem>>, vector<16xi32>,
    %swap3A_635 = arith.constant 336 : index
    %swap3A_636 = tpu.vector_load %arg10[%swap3A_635] {strides = array<i32>} : memref<512xi32, #tpu.memory_space<vmem>>, vector<16xi32>,
    tpu.vector_store %arg10[%swap3A_635], %shift_left3A_621 {strides = array<i32>} : memref<512xi32, #tpu.memory_space<vmem>>, vector<16xi32>,
    %get3A_637 = arith.constant 352 : index
    %get3A_638 = tpu.vector_load %arg7[%get3A_637] {strides = array<i32>} : memref<512xi32, #tpu.memory_space<vmem>>, vector<16xi32>,
    %shift_right_logical3A_639 = arith.constant 2 : i32
    %shift_right_logical3A_640 = vector.broadcast %shift_right_logical3A_639 : i32 to vector<16xi32>
    %shift_right_logical3A_641 = arith.shrui %get3A_638, %shift_right_logical3A_640 : vector<16xi32>
    %lt3A_642 = arith.constant 131072 : i32
    %lt3A_643 = vector.broadcast %lt3A_642 : i32 to vector<16xi32>
    %lt3A_644 = arith.cmpi slt, %shift_right_logical3A_641, %lt3A_643 : vector<16xi32>
    %and3A_645 = arith.constant 3 : i32
    %and3A_646 = vector.broadcast %and3A_645 : i32 to vector<16xi32>
    %and3A_647 = arith.andi %get3A_638, %and3A_646 : vector<16xi32>
    %shift_left3A_648 = arith.constant 5 : i32
    %shift_left3A_649 = vector.broadcast %shift_left3A_648 : i32 to vector<16xi32>
    %shift_left3A_650 = arith.shli %and3A_647, %shift_left3A_649 : vector<16xi32>
    %select_n3A_651 = arith.select %lt3A_644, %shift_right_logical3A_641, %broadcast_in_dim3A_6 : vector<16xi1>, vector<16xi32>
    %swap3A_652 = arith.constant 2 : i32
    %swap3A_653 = arith.index_cast %swap3A_652 : i32 to index
    %swap3A_654 = arith.constant 96 : index
    %swap3A_655 = tpu.vector_load %arg8[%swap3A_653, %swap3A_654] {strides = array<i32>} : memref<4x128xi32, #tpu.memory_space<vmem>>, vector<16xi32>,
    tpu.vector_store %arg8[%swap3A_653, %swap3A_654], %select_n3A_651 {strides = array<i32>} : memref<4x128xi32, #tpu.memory_space<vmem>>, vector<16xi32>,
    %sub3A_656 = arith.constant 131072 : i32
    %sub3A_657 = vector.broadcast %sub3A_656 : i32 to vector<16xi32>
    %sub3A_658 = arith.subi %shift_right_logical3A_641, %sub3A_657 : vector<16xi32>
    %select_n3A_659 = arith.select %lt3A_644, %broadcast_in_dim3A_6, %sub3A_658 : vector<16xi1>, vector<16xi32>
    %swap3A_660 = arith.constant 2 : i32
    %swap3A_661 = arith.index_cast %swap3A_660 : i32 to index
    %swap3A_662 = arith.constant 96 : index
    %swap3A_663 = tpu.vector_load %arg9[%swap3A_661, %swap3A_662] {strides = array<i32>} : memref<4x128xi32, #tpu.memory_space<vmem>>, vector<16xi32>,
    tpu.vector_store %arg9[%swap3A_661, %swap3A_662], %select_n3A_659 {strides = array<i32>} : memref<4x128xi32, #tpu.memory_space<vmem>>, vector<16xi32>,
    %swap3A_664 = arith.constant 352 : index
    %swap3A_665 = tpu.vector_load %arg10[%swap3A_664] {strides = array<i32>} : memref<512xi32, #tpu.memory_space<vmem>>, vector<16xi32>,
    tpu.vector_store %arg10[%swap3A_664], %shift_left3A_650 {strides = array<i32>} : memref<512xi32, #tpu.memory_space<vmem>>, vector<16xi32>,
    %get3A_666 = arith.constant 368 : index
    %get3A_667 = tpu.vector_load %arg7[%get3A_666] {strides = array<i32>} : memref<512xi32, #tpu.memory_space<vmem>>, vector<16xi32>,
    %shift_right_logical3A_668 = arith.constant 2 : i32
    %shift_right_logical3A_669 = vector.broadcast %shift_right_logical3A_668 : i32 to vector<16xi32>
    %shift_right_logical3A_670 = arith.shrui %get3A_667, %shift_right_logical3A_669 : vector<16xi32>
    %lt3A_671 = arith.constant 131072 : i32
    %lt3A_672 = vector.broadcast %lt3A_671 : i32 to vector<16xi32>
    %lt3A_673 = arith.cmpi slt, %shift_right_logical3A_670, %lt3A_672 : vector<16xi32>
    %and3A_674 = arith.constant 3 : i32
    %and3A_675 = vector.broadcast %and3A_674 : i32 to vector<16xi32>
    %and3A_676 = arith.andi %get3A_667, %and3A_675 : vector<16xi32>
    %shift_left3A_677 = arith.constant 5 : i32
    %shift_left3A_678 = vector.broadcast %shift_left3A_677 : i32 to vector<16xi32>
    %shift_left3A_679 = arith.shli %and3A_676, %shift_left3A_678 : vector<16xi32>
    %select_n3A_680 = arith.select %lt3A_673, %shift_right_logical3A_670, %broadcast_in_dim3A_6 : vector<16xi1>, vector<16xi32>
    %swap3A_681 = arith.constant 2 : i32
    %swap3A_682 = arith.index_cast %swap3A_681 : i32 to index
    %swap3A_683 = arith.constant 112 : index
    %swap3A_684 = tpu.vector_load %arg8[%swap3A_682, %swap3A_683] {strides = array<i32>} : memref<4x128xi32, #tpu.memory_space<vmem>>, vector<16xi32>,
    tpu.vector_store %arg8[%swap3A_682, %swap3A_683], %select_n3A_680 {strides = array<i32>} : memref<4x128xi32, #tpu.memory_space<vmem>>, vector<16xi32>,
    %sub3A_685 = arith.constant 131072 : i32
    %sub3A_686 = vector.broadcast %sub3A_685 : i32 to vector<16xi32>
    %sub3A_687 = arith.subi %shift_right_logical3A_670, %sub3A_686 : vector<16xi32>
    %select_n3A_688 = arith.select %lt3A_673, %broadcast_in_dim3A_6, %sub3A_687 : vector<16xi1>, vector<16xi32>
    %swap3A_689 = arith.constant 2 : i32
    %swap3A_690 = arith.index_cast %swap3A_689 : i32 to index
    %swap3A_691 = arith.constant 112 : index
    %swap3A_692 = tpu.vector_load %arg9[%swap3A_690, %swap3A_691] {strides = array<i32>} : memref<4x128xi32, #tpu.memory_space<vmem>>, vector<16xi32>,
    tpu.vector_store %arg9[%swap3A_690, %swap3A_691], %select_n3A_688 {strides = array<i32>} : memref<4x128xi32, #tpu.memory_space<vmem>>, vector<16xi32>,
    %swap3A_693 = arith.constant 368 : index
    %swap3A_694 = tpu.vector_load %arg10[%swap3A_693] {strides = array<i32>} : memref<512xi32, #tpu.memory_space<vmem>>, vector<16xi32>,
    tpu.vector_store %arg10[%swap3A_693], %shift_left3A_679 {strides = array<i32>} : memref<512xi32, #tpu.memory_space<vmem>>, vector<16xi32>,
    %get3A_695 = arith.constant 384 : index
    %get3A_696 = tpu.vector_load %arg7[%get3A_695] {strides = array<i32>} : memref<512xi32, #tpu.memory_space<vmem>>, vector<16xi32>,
    %shift_right_logical3A_697 = arith.constant 2 : i32
    %shift_right_logical3A_698 = vector.broadcast %shift_right_logical3A_697 : i32 to vector<16xi32>
    %shift_right_logical3A_699 = arith.shrui %get3A_696, %shift_right_logical3A_698 : vector<16xi32>
    %lt3A_700 = arith.constant 131072 : i32
    %lt3A_701 = vector.broadcast %lt3A_700 : i32 to vector<16xi32>
    %lt3A_702 = arith.cmpi slt, %shift_right_logical3A_699, %lt3A_701 : vector<16xi32>
    %and3A_703 = arith.constant 3 : i32
    %and3A_704 = vector.broadcast %and3A_703 : i32 to vector<16xi32>
    %and3A_705 = arith.andi %get3A_696, %and3A_704 : vector<16xi32>
    %shift_left3A_706 = arith.constant 5 : i32
    %shift_left3A_707 = vector.broadcast %shift_left3A_706 : i32 to vector<16xi32>
    %shift_left3A_708 = arith.shli %and3A_705, %shift_left3A_707 : vector<16xi32>
    %select_n3A_709 = arith.select %lt3A_702, %shift_right_logical3A_699, %broadcast_in_dim3A_6 : vector<16xi1>, vector<16xi32>
    %swap3A_710 = arith.constant 3 : i32
    %swap3A_711 = arith.index_cast %swap3A_710 : i32 to index
    %swap3A_712 = arith.constant 0 : index
    %swap3A_713 = tpu.vector_load %arg8[%swap3A_711, %swap3A_712] {strides = array<i32>} : memref<4x128xi32, #tpu.memory_space<vmem>>, vector<16xi32>,
    tpu.vector_store %arg8[%swap3A_711, %swap3A_712], %select_n3A_709 {strides = array<i32>} : memref<4x128xi32, #tpu.memory_space<vmem>>, vector<16xi32>,
    %sub3A_714 = arith.constant 131072 : i32
    %sub3A_715 = vector.broadcast %sub3A_714 : i32 to vector<16xi32>
    %sub3A_716 = arith.subi %shift_right_logical3A_699, %sub3A_715 : vector<16xi32>
    %select_n3A_717 = arith.select %lt3A_702, %broadcast_in_dim3A_6, %sub3A_716 : vector<16xi1>, vector<16xi32>
    %swap3A_718 = arith.constant 3 : i32
    %swap3A_719 = arith.index_cast %swap3A_718 : i32 to index
    %swap3A_720 = arith.constant 0 : index
    %swap3A_721 = tpu.vector_load %arg9[%swap3A_719, %swap3A_720] {strides = array<i32>} : memref<4x128xi32, #tpu.memory_space<vmem>>, vector<16xi32>,
    tpu.vector_store %arg9[%swap3A_719, %swap3A_720], %select_n3A_717 {strides = array<i32>} : memref<4x128xi32, #tpu.memory_space<vmem>>, vector<16xi32>,
    %swap3A_722 = arith.constant 384 : index
    %swap3A_723 = tpu.vector_load %arg10[%swap3A_722] {strides = array<i32>} : memref<512xi32, #tpu.memory_space<vmem>>, vector<16xi32>,
    tpu.vector_store %arg10[%swap3A_722], %shift_left3A_708 {strides = array<i32>} : memref<512xi32, #tpu.memory_space<vmem>>, vector<16xi32>,
    %get3A_724 = arith.constant 400 : index
    %get3A_725 = tpu.vector_load %arg7[%get3A_724] {strides = array<i32>} : memref<512xi32, #tpu.memory_space<vmem>>, vector<16xi32>,
    %shift_right_logical3A_726 = arith.constant 2 : i32
    %shift_right_logical3A_727 = vector.broadcast %shift_right_logical3A_726 : i32 to vector<16xi32>
    %shift_right_logical3A_728 = arith.shrui %get3A_725, %shift_right_logical3A_727 : vector<16xi32>
    %lt3A_729 = arith.constant 131072 : i32
    %lt3A_730 = vector.broadcast %lt3A_729 : i32 to vector<16xi32>
    %lt3A_731 = arith.cmpi slt, %shift_right_logical3A_728, %lt3A_730 : vector<16xi32>
    %and3A_732 = arith.constant 3 : i32
    %and3A_733 = vector.broadcast %and3A_732 : i32 to vector<16xi32>
    %and3A_734 = arith.andi %get3A_725, %and3A_733 : vector<16xi32>
    %shift_left3A_735 = arith.constant 5 : i32
    %shift_left3A_736 = vector.broadcast %shift_left3A_735 : i32 to vector<16xi32>
    %shift_left3A_737 = arith.shli %and3A_734, %shift_left3A_736 : vector<16xi32>
    %select_n3A_738 = arith.select %lt3A_731, %shift_right_logical3A_728, %broadcast_in_dim3A_6 : vector<16xi1>, vector<16xi32>
    %swap3A_739 = arith.constant 3 : i32
    %swap3A_740 = arith.index_cast %swap3A_739 : i32 to index
    %swap3A_741 = arith.constant 16 : index
    %swap3A_742 = tpu.vector_load %arg8[%swap3A_740, %swap3A_741] {strides = array<i32>} : memref<4x128xi32, #tpu.memory_space<vmem>>, vector<16xi32>,
    tpu.vector_store %arg8[%swap3A_740, %swap3A_741], %select_n3A_738 {strides = array<i32>} : memref<4x128xi32, #tpu.memory_space<vmem>>, vector<16xi32>,
    %sub3A_743 = arith.constant 131072 : i32
    %sub3A_744 = vector.broadcast %sub3A_743 : i32 to vector<16xi32>
    %sub3A_745 = arith.subi %shift_right_logical3A_728, %sub3A_744 : vector<16xi32>
    %select_n3A_746 = arith.select %lt3A_731, %broadcast_in_dim3A_6, %sub3A_745 : vector<16xi1>, vector<16xi32>
    %swap3A_747 = arith.constant 3 : i32
    %swap3A_748 = arith.index_cast %swap3A_747 : i32 to index
    %swap3A_749 = arith.constant 16 : index
    %swap3A_750 = tpu.vector_load %arg9[%swap3A_748, %swap3A_749] {strides = array<i32>} : memref<4x128xi32, #tpu.memory_space<vmem>>, vector<16xi32>,
    tpu.vector_store %arg9[%swap3A_748, %swap3A_749], %select_n3A_746 {strides = array<i32>} : memref<4x128xi32, #tpu.memory_space<vmem>>, vector<16xi32>,
    %swap3A_751 = arith.constant 400 : index
    %swap3A_752 = tpu.vector_load %arg10[%swap3A_751] {strides = array<i32>} : memref<512xi32, #tpu.memory_space<vmem>>, vector<16xi32>,
    tpu.vector_store %arg10[%swap3A_751], %shift_left3A_737 {strides = array<i32>} : memref<512xi32, #tpu.memory_space<vmem>>, vector<16xi32>,
    %get3A_753 = arith.constant 416 : index
    %get3A_754 = tpu.vector_load %arg7[%get3A_753] {strides = array<i32>} : memref<512xi32, #tpu.memory_space<vmem>>, vector<16xi32>,
    %shift_right_logical3A_755 = arith.constant 2 : i32
    %shift_right_logical3A_756 = vector.broadcast %shift_right_logical3A_755 : i32 to vector<16xi32>
    %shift_right_logical3A_757 = arith.shrui %get3A_754, %shift_right_logical3A_756 : vector<16xi32>
    %lt3A_758 = arith.constant 131072 : i32
    %lt3A_759 = vector.broadcast %lt3A_758 : i32 to vector<16xi32>
    %lt3A_760 = arith.cmpi slt, %shift_right_logical3A_757, %lt3A_759 : vector<16xi32>
    %and3A_761 = arith.constant 3 : i32
    %and3A_762 = vector.broadcast %and3A_761 : i32 to vector<16xi32>
    %and3A_763 = arith.andi %get3A_754, %and3A_762 : vector<16xi32>
    %shift_left3A_764 = arith.constant 5 : i32
    %shift_left3A_765 = vector.broadcast %shift_left3A_764 : i32 to vector<16xi32>
    %shift_left3A_766 = arith.shli %and3A_763, %shift_left3A_765 : vector<16xi32>
    %select_n3A_767 = arith.select %lt3A_760, %shift_right_logical3A_757, %broadcast_in_dim3A_6 : vector<16xi1>, vector<16xi32>
    %swap3A_768 = arith.constant 3 : i32
    %swap3A_769 = arith.index_cast %swap3A_768 : i32 to index
    %swap3A_770 = arith.constant 32 : index
    %swap3A_771 = tpu.vector_load %arg8[%swap3A_769, %swap3A_770] {strides = array<i32>} : memref<4x128xi32, #tpu.memory_space<vmem>>, vector<16xi32>,
    tpu.vector_store %arg8[%swap3A_769, %swap3A_770], %select_n3A_767 {strides = array<i32>} : memref<4x128xi32, #tpu.memory_space<vmem>>, vector<16xi32>,
    %sub3A_772 = arith.constant 131072 : i32
    %sub3A_773 = vector.broadcast %sub3A_772 : i32 to vector<16xi32>
    %sub3A_774 = arith.subi %shift_right_logical3A_757, %sub3A_773 : vector<16xi32>
    %select_n3A_775 = arith.select %lt3A_760, %broadcast_in_dim3A_6, %sub3A_774 : vector<16xi1>, vector<16xi32>
    %swap3A_776 = arith.constant 3 : i32
    %swap3A_777 = arith.index_cast %swap3A_776 : i32 to index
    %swap3A_778 = arith.constant 32 : index
    %swap3A_779 = tpu.vector_load %arg9[%swap3A_777, %swap3A_778] {strides = array<i32>} : memref<4x128xi32, #tpu.memory_space<vmem>>, vector<16xi32>,
    tpu.vector_store %arg9[%swap3A_777, %swap3A_778], %select_n3A_775 {strides = array<i32>} : memref<4x128xi32, #tpu.memory_space<vmem>>, vector<16xi32>,
    %swap3A_780 = arith.constant 416 : index
    %swap3A_781 = tpu.vector_load %arg10[%swap3A_780] {strides = array<i32>} : memref<512xi32, #tpu.memory_space<vmem>>, vector<16xi32>,
    tpu.vector_store %arg10[%swap3A_780], %shift_left3A_766 {strides = array<i32>} : memref<512xi32, #tpu.memory_space<vmem>>, vector<16xi32>,
    %get3A_782 = arith.constant 432 : index
    %get3A_783 = tpu.vector_load %arg7[%get3A_782] {strides = array<i32>} : memref<512xi32, #tpu.memory_space<vmem>>, vector<16xi32>,
    %shift_right_logical3A_784 = arith.constant 2 : i32
    %shift_right_logical3A_785 = vector.broadcast %shift_right_logical3A_784 : i32 to vector<16xi32>
    %shift_right_logical3A_786 = arith.shrui %get3A_783, %shift_right_logical3A_785 : vector<16xi32>
    %lt3A_787 = arith.constant 131072 : i32
    %lt3A_788 = vector.broadcast %lt3A_787 : i32 to vector<16xi32>
    %lt3A_789 = arith.cmpi slt, %shift_right_logical3A_786, %lt3A_788 : vector<16xi32>
    %and3A_790 = arith.constant 3 : i32
    %and3A_791 = vector.broadcast %and3A_790 : i32 to vector<16xi32>
    %and3A_792 = arith.andi %get3A_783, %and3A_791 : vector<16xi32>
    %shift_left3A_793 = arith.constant 5 : i32
    %shift_left3A_794 = vector.broadcast %shift_left3A_793 : i32 to vector<16xi32>
    %shift_left3A_795 = arith.shli %and3A_792, %shift_left3A_794 : vector<16xi32>
    %select_n3A_796 = arith.select %lt3A_789, %shift_right_logical3A_786, %broadcast_in_dim3A_6 : vector<16xi1>, vector<16xi32>
    %swap3A_797 = arith.constant 3 : i32
    %swap3A_798 = arith.index_cast %swap3A_797 : i32 to index
    %swap3A_799 = arith.constant 48 : index
    %swap3A_800 = tpu.vector_load %arg8[%swap3A_798, %swap3A_799] {strides = array<i32>} : memref<4x128xi32, #tpu.memory_space<vmem>>, vector<16xi32>,
    tpu.vector_store %arg8[%swap3A_798, %swap3A_799], %select_n3A_796 {strides = array<i32>} : memref<4x128xi32, #tpu.memory_space<vmem>>, vector<16xi32>,
    %sub3A_801 = arith.constant 131072 : i32
    %sub3A_802 = vector.broadcast %sub3A_801 : i32 to vector<16xi32>
    %sub3A_803 = arith.subi %shift_right_logical3A_786, %sub3A_802 : vector<16xi32>
    %select_n3A_804 = arith.select %lt3A_789, %broadcast_in_dim3A_6, %sub3A_803 : vector<16xi1>, vector<16xi32>
    %swap3A_805 = arith.constant 3 : i32
    %swap3A_806 = arith.index_cast %swap3A_805 : i32 to index
    %swap3A_807 = arith.constant 48 : index
    %swap3A_808 = tpu.vector_load %arg9[%swap3A_806, %swap3A_807] {strides = array<i32>} : memref<4x128xi32, #tpu.memory_space<vmem>>, vector<16xi32>,
    tpu.vector_store %arg9[%swap3A_806, %swap3A_807], %select_n3A_804 {strides = array<i32>} : memref<4x128xi32, #tpu.memory_space<vmem>>, vector<16xi32>,
    %swap3A_809 = arith.constant 432 : index
    %swap3A_810 = tpu.vector_load %arg10[%swap3A_809] {strides = array<i32>} : memref<512xi32, #tpu.memory_space<vmem>>, vector<16xi32>,
    tpu.vector_store %arg10[%swap3A_809], %shift_left3A_795 {strides = array<i32>} : memref<512xi32, #tpu.memory_space<vmem>>, vector<16xi32>,
    %get3A_811 = arith.constant 448 : index
    %get3A_812 = tpu.vector_load %arg7[%get3A_811] {strides = array<i32>} : memref<512xi32, #tpu.memory_space<vmem>>, vector<16xi32>,
    %shift_right_logical3A_813 = arith.constant 2 : i32
    %shift_right_logical3A_814 = vector.broadcast %shift_right_logical3A_813 : i32 to vector<16xi32>
    %shift_right_logical3A_815 = arith.shrui %get3A_812, %shift_right_logical3A_814 : vector<16xi32>
    %lt3A_816 = arith.constant 131072 : i32
    %lt3A_817 = vector.broadcast %lt3A_816 : i32 to vector<16xi32>
    %lt3A_818 = arith.cmpi slt, %shift_right_logical3A_815, %lt3A_817 : vector<16xi32>
    %and3A_819 = arith.constant 3 : i32
    %and3A_820 = vector.broadcast %and3A_819 : i32 to vector<16xi32>
    %and3A_821 = arith.andi %get3A_812, %and3A_820 : vector<16xi32>
    %shift_left3A_822 = arith.constant 5 : i32
    %shift_left3A_823 = vector.broadcast %shift_left3A_822 : i32 to vector<16xi32>
    %shift_left3A_824 = arith.shli %and3A_821, %shift_left3A_823 : vector<16xi32>
    %select_n3A_825 = arith.select %lt3A_818, %shift_right_logical3A_815, %broadcast_in_dim3A_6 : vector<16xi1>, vector<16xi32>
    %swap3A_826 = arith.constant 3 : i32
    %swap3A_827 = arith.index_cast %swap3A_826 : i32 to index
    %swap3A_828 = arith.constant 64 : index
    %swap3A_829 = tpu.vector_load %arg8[%swap3A_827, %swap3A_828] {strides = array<i32>} : memref<4x128xi32, #tpu.memory_space<vmem>>, vector<16xi32>,
    tpu.vector_store %arg8[%swap3A_827, %swap3A_828], %select_n3A_825 {strides = array<i32>} : memref<4x128xi32, #tpu.memory_space<vmem>>, vector<16xi32>,
    %sub3A_830 = arith.constant 131072 : i32
    %sub3A_831 = vector.broadcast %sub3A_830 : i32 to vector<16xi32>
    %sub3A_832 = arith.subi %shift_right_logical3A_815, %sub3A_831 : vector<16xi32>
    %select_n3A_833 = arith.select %lt3A_818, %broadcast_in_dim3A_6, %sub3A_832 : vector<16xi1>, vector<16xi32>
    %swap3A_834 = arith.constant 3 : i32
    %swap3A_835 = arith.index_cast %swap3A_834 : i32 to index
    %swap3A_836 = arith.constant 64 : index
    %swap3A_837 = tpu.vector_load %arg9[%swap3A_835, %swap3A_836] {strides = array<i32>} : memref<4x128xi32, #tpu.memory_space<vmem>>, vector<16xi32>,
    tpu.vector_store %arg9[%swap3A_835, %swap3A_836], %select_n3A_833 {strides = array<i32>} : memref<4x128xi32, #tpu.memory_space<vmem>>, vector<16xi32>,
    %swap3A_838 = arith.constant 448 : index
    %swap3A_839 = tpu.vector_load %arg10[%swap3A_838] {strides = array<i32>} : memref<512xi32, #tpu.memory_space<vmem>>, vector<16xi32>,
    tpu.vector_store %arg10[%swap3A_838], %shift_left3A_824 {strides = array<i32>} : memref<512xi32, #tpu.memory_space<vmem>>, vector<16xi32>,
    %get3A_840 = arith.constant 464 : index
    %get3A_841 = tpu.vector_load %arg7[%get3A_840] {strides = array<i32>} : memref<512xi32, #tpu.memory_space<vmem>>, vector<16xi32>,
    %shift_right_logical3A_842 = arith.constant 2 : i32
    %shift_right_logical3A_843 = vector.broadcast %shift_right_logical3A_842 : i32 to vector<16xi32>
    %shift_right_logical3A_844 = arith.shrui %get3A_841, %shift_right_logical3A_843 : vector<16xi32>
    %lt3A_845 = arith.constant 131072 : i32
    %lt3A_846 = vector.broadcast %lt3A_845 : i32 to vector<16xi32>
    %lt3A_847 = arith.cmpi slt, %shift_right_logical3A_844, %lt3A_846 : vector<16xi32>
    %and3A_848 = arith.constant 3 : i32
    %and3A_849 = vector.broadcast %and3A_848 : i32 to vector<16xi32>
    %and3A_850 = arith.andi %get3A_841, %and3A_849 : vector<16xi32>
    %shift_left3A_851 = arith.constant 5 : i32
    %shift_left3A_852 = vector.broadcast %shift_left3A_851 : i32 to vector<16xi32>
    %shift_left3A_853 = arith.shli %and3A_850, %shift_left3A_852 : vector<16xi32>
    %select_n3A_854 = arith.select %lt3A_847, %shift_right_logical3A_844, %broadcast_in_dim3A_6 : vector<16xi1>, vector<16xi32>
    %swap3A_855 = arith.constant 3 : i32
    %swap3A_856 = arith.index_cast %swap3A_855 : i32 to index
    %swap3A_857 = arith.constant 80 : index
    %swap3A_858 = tpu.vector_load %arg8[%swap3A_856, %swap3A_857] {strides = array<i32>} : memref<4x128xi32, #tpu.memory_space<vmem>>, vector<16xi32>,
    tpu.vector_store %arg8[%swap3A_856, %swap3A_857], %select_n3A_854 {strides = array<i32>} : memref<4x128xi32, #tpu.memory_space<vmem>>, vector<16xi32>,
    %sub3A_859 = arith.constant 131072 : i32
    %sub3A_860 = vector.broadcast %sub3A_859 : i32 to vector<16xi32>
    %sub3A_861 = arith.subi %shift_right_logical3A_844, %sub3A_860 : vector<16xi32>
    %select_n3A_862 = arith.select %lt3A_847, %broadcast_in_dim3A_6, %sub3A_861 : vector<16xi1>, vector<16xi32>
    %swap3A_863 = arith.constant 3 : i32
    %swap3A_864 = arith.index_cast %swap3A_863 : i32 to index
    %swap3A_865 = arith.constant 80 : index
    %swap3A_866 = tpu.vector_load %arg9[%swap3A_864, %swap3A_865] {strides = array<i32>} : memref<4x128xi32, #tpu.memory_space<vmem>>, vector<16xi32>,
    tpu.vector_store %arg9[%swap3A_864, %swap3A_865], %select_n3A_862 {strides = array<i32>} : memref<4x128xi32, #tpu.memory_space<vmem>>, vector<16xi32>,
    %swap3A_867 = arith.constant 464 : index
    %swap3A_868 = tpu.vector_load %arg10[%swap3A_867] {strides = array<i32>} : memref<512xi32, #tpu.memory_space<vmem>>, vector<16xi32>,
    tpu.vector_store %arg10[%swap3A_867], %shift_left3A_853 {strides = array<i32>} : memref<512xi32, #tpu.memory_space<vmem>>, vector<16xi32>,
    %get3A_869 = arith.constant 480 : index
    %get3A_870 = tpu.vector_load %arg7[%get3A_869] {strides = array<i32>} : memref<512xi32, #tpu.memory_space<vmem>>, vector<16xi32>,
    %shift_right_logical3A_871 = arith.constant 2 : i32
    %shift_right_logical3A_872 = vector.broadcast %shift_right_logical3A_871 : i32 to vector<16xi32>
    %shift_right_logical3A_873 = arith.shrui %get3A_870, %shift_right_logical3A_872 : vector<16xi32>
    %lt3A_874 = arith.constant 131072 : i32
    %lt3A_875 = vector.broadcast %lt3A_874 : i32 to vector<16xi32>
    %lt3A_876 = arith.cmpi slt, %shift_right_logical3A_873, %lt3A_875 : vector<16xi32>
    %and3A_877 = arith.constant 3 : i32
    %and3A_878 = vector.broadcast %and3A_877 : i32 to vector<16xi32>
    %and3A_879 = arith.andi %get3A_870, %and3A_878 : vector<16xi32>
    %shift_left3A_880 = arith.constant 5 : i32
    %shift_left3A_881 = vector.broadcast %shift_left3A_880 : i32 to vector<16xi32>
    %shift_left3A_882 = arith.shli %and3A_879, %shift_left3A_881 : vector<16xi32>
    %select_n3A_883 = arith.select %lt3A_876, %shift_right_logical3A_873, %broadcast_in_dim3A_6 : vector<16xi1>, vector<16xi32>
    %swap3A_884 = arith.constant 3 : i32
    %swap3A_885 = arith.index_cast %swap3A_884 : i32 to index
    %swap3A_886 = arith.constant 96 : index
    %swap3A_887 = tpu.vector_load %arg8[%swap3A_885, %swap3A_886] {strides = array<i32>} : memref<4x128xi32, #tpu.memory_space<vmem>>, vector<16xi32>,
    tpu.vector_store %arg8[%swap3A_885, %swap3A_886], %select_n3A_883 {strides = array<i32>} : memref<4x128xi32, #tpu.memory_space<vmem>>, vector<16xi32>,
    %sub3A_888 = arith.constant 131072 : i32
    %sub3A_889 = vector.broadcast %sub3A_888 : i32 to vector<16xi32>
    %sub3A_890 = arith.subi %shift_right_logical3A_873, %sub3A_889 : vector<16xi32>
    %select_n3A_891 = arith.select %lt3A_876, %broadcast_in_dim3A_6, %sub3A_890 : vector<16xi1>, vector<16xi32>
    %swap3A_892 = arith.constant 3 : i32
    %swap3A_893 = arith.index_cast %swap3A_892 : i32 to index
    %swap3A_894 = arith.constant 96 : index
    %swap3A_895 = tpu.vector_load %arg9[%swap3A_893, %swap3A_894] {strides = array<i32>} : memref<4x128xi32, #tpu.memory_space<vmem>>, vector<16xi32>,
    tpu.vector_store %arg9[%swap3A_893, %swap3A_894], %select_n3A_891 {strides = array<i32>} : memref<4x128xi32, #tpu.memory_space<vmem>>, vector<16xi32>,
    %swap3A_896 = arith.constant 480 : index
    %swap3A_897 = tpu.vector_load %arg10[%swap3A_896] {strides = array<i32>} : memref<512xi32, #tpu.memory_space<vmem>>, vector<16xi32>,
    tpu.vector_store %arg10[%swap3A_896], %shift_left3A_882 {strides = array<i32>} : memref<512xi32, #tpu.memory_space<vmem>>, vector<16xi32>,
    %get3A_898 = arith.constant 496 : index
    %get3A_899 = tpu.vector_load %arg7[%get3A_898] {strides = array<i32>} : memref<512xi32, #tpu.memory_space<vmem>>, vector<16xi32>,
    %shift_right_logical3A_900 = arith.constant 2 : i32
    %shift_right_logical3A_901 = vector.broadcast %shift_right_logical3A_900 : i32 to vector<16xi32>
    %shift_right_logical3A_902 = arith.shrui %get3A_899, %shift_right_logical3A_901 : vector<16xi32>
    %lt3A_903 = arith.constant 131072 : i32
    %lt3A_904 = vector.broadcast %lt3A_903 : i32 to vector<16xi32>
    %lt3A_905 = arith.cmpi slt, %shift_right_logical3A_902, %lt3A_904 : vector<16xi32>
    %and3A_906 = arith.constant 3 : i32
    %and3A_907 = vector.broadcast %and3A_906 : i32 to vector<16xi32>
    %and3A_908 = arith.andi %get3A_899, %and3A_907 : vector<16xi32>
    %shift_left3A_909 = arith.constant 5 : i32
    %shift_left3A_910 = vector.broadcast %shift_left3A_909 : i32 to vector<16xi32>
    %shift_left3A_911 = arith.shli %and3A_908, %shift_left3A_910 : vector<16xi32>
    %select_n3A_912 = arith.select %lt3A_905, %shift_right_logical3A_902, %broadcast_in_dim3A_6 : vector<16xi1>, vector<16xi32>
    %swap3A_913 = arith.constant 3 : i32
    %swap3A_914 = arith.index_cast %swap3A_913 : i32 to index
    %swap3A_915 = arith.constant 112 : index
    %swap3A_916 = tpu.vector_load %arg8[%swap3A_914, %swap3A_915] {strides = array<i32>} : memref<4x128xi32, #tpu.memory_space<vmem>>, vector<16xi32>,
    tpu.vector_store %arg8[%swap3A_914, %swap3A_915], %select_n3A_912 {strides = array<i32>} : memref<4x128xi32, #tpu.memory_space<vmem>>, vector<16xi32>,
    %sub3A_917 = arith.constant 131072 : i32
    %sub3A_918 = vector.broadcast %sub3A_917 : i32 to vector<16xi32>
    %sub3A_919 = arith.subi %shift_right_logical3A_902, %sub3A_918 : vector<16xi32>
    %select_n3A_920 = arith.select %lt3A_905, %broadcast_in_dim3A_6, %sub3A_919 : vector<16xi1>, vector<16xi32>
    %swap3A_921 = arith.constant 3 : i32
    %swap3A_922 = arith.index_cast %swap3A_921 : i32 to index
    %swap3A_923 = arith.constant 112 : index
    %swap3A_924 = tpu.vector_load %arg9[%swap3A_922, %swap3A_923] {strides = array<i32>} : memref<4x128xi32, #tpu.memory_space<vmem>>, vector<16xi32>,
    tpu.vector_store %arg9[%swap3A_922, %swap3A_923], %select_n3A_920 {strides = array<i32>} : memref<4x128xi32, #tpu.memory_space<vmem>>, vector<16xi32>,
    %swap3A_925 = arith.constant 496 : index
    %swap3A_926 = tpu.vector_load %arg10[%swap3A_925] {strides = array<i32>} : memref<512xi32, #tpu.memory_space<vmem>>, vector<16xi32>,
    tpu.vector_store %arg10[%swap3A_925], %shift_left3A_911 {strides = array<i32>} : memref<512xi32, #tpu.memory_space<vmem>>, vector<16xi32>,
    %dma_start3A_927 = arith.constant 0 : i32
    %dma_start3A_928 = arith.constant 0 : i32
    %dma_start3A_929 = arith.constant 0 : i32
    %dma_start3A_930 = tpu.memref_slice %arg11[%dma_start3A_928, %dma_start3A_929] : memref<512x128xf32, #tpu.memory_space<vmem>> -> memref<128x128xf32, #tpu.memory_space<vmem>>
    %dma_start3A_931 = arith.constant 0 : i32
    %dma_start3A_932 = tpu.memref_slice %arg8[%dma_start3A_927, %dma_start3A_931] : memref<4x128xi32, #tpu.memory_space<vmem>> -> memref<1x128xi32, #tpu.memory_space<vmem>>
    %dma_start3A_933 = tpu.memref_squeeze %dma_start3A_932 : memref<1x128xi32, #tpu.memory_space<vmem>> -> memref<128xi32, #tpu.memory_space<vmem>>
    %dma_start3A_934 = arith.constant 0 : i32
    %dma_start3A_935 = arith.constant 0 : i32
    %dma_start3A_936 = tpu.memref_slice %arg4[%dma_start3A_934, %dma_start3A_935] : memref<131072x128xf32, #tpu.memory_space<hbm>> -> memref<131072x128xf32, #tpu.memory_space<hbm>>
    %dma_start3A_937 = arith.constant -1 : i32
    tpu.enqueue_indirect_dma source(%dma_start3A_936 : memref<131072x128xf32, #tpu.memory_space<hbm>>) target(%dma_start3A_930 : memref<128x128xf32, #tpu.memory_space<vmem>>) offsets(%dma_start3A_933 : memref<128xi32, #tpu.memory_space<vmem>>) offset_filter(%dma_start3A_937) semaphore(%arg14 : memref<!tpu.dma_semaphore, #tpu.memory_space<semaphore_mem>>)
    %dma_start3A_938 = arith.constant 0 : i32
    %dma_start3A_939 = arith.constant 0 : i32
    %dma_start3A_940 = arith.constant 0 : i32
    %dma_start3A_941 = tpu.memref_slice %arg11[%dma_start3A_939, %dma_start3A_940] : memref<512x128xf32, #tpu.memory_space<vmem>> -> memref<128x128xf32, #tpu.memory_space<vmem>>
    %dma_start3A_942 = arith.constant 0 : i32
    %dma_start3A_943 = tpu.memref_slice %arg9[%dma_start3A_938, %dma_start3A_942] : memref<4x128xi32, #tpu.memory_space<vmem>> -> memref<1x128xi32, #tpu.memory_space<vmem>>
    %dma_start3A_944 = tpu.memref_squeeze %dma_start3A_943 : memref<1x128xi32, #tpu.memory_space<vmem>> -> memref<128xi32, #tpu.memory_space<vmem>>
    %dma_start3A_945 = arith.constant 0 : i32
    %dma_start3A_946 = arith.constant 0 : i32
    %dma_start3A_947 = tpu.memref_slice %arg5[%dma_start3A_945, %dma_start3A_946] : memref<118928x128xf32, #tpu.memory_space<hbm>> -> memref<118928x128xf32, #tpu.memory_space<hbm>>
    %dma_start3A_948 = arith.constant -1 : i32
    tpu.enqueue_indirect_dma source(%dma_start3A_947 : memref<118928x128xf32, #tpu.memory_space<hbm>>) target(%dma_start3A_941 : memref<128x128xf32, #tpu.memory_space<vmem>>) offsets(%dma_start3A_944 : memref<128xi32, #tpu.memory_space<vmem>>) offset_filter(%dma_start3A_948) semaphore(%arg14 : memref<!tpu.dma_semaphore, #tpu.memory_space<semaphore_mem>>)
    %dma_start3A_949 = arith.constant 1 : i32
    %dma_start3A_950 = arith.constant 128 : i32
    %dma_start3A_951 = arith.constant 0 : i32
    %dma_start3A_952 = tpu.memref_slice %arg11[%dma_start3A_950, %dma_start3A_951] : memref<512x128xf32, #tpu.memory_space<vmem>> -> memref<128x128xf32, #tpu.memory_space<vmem>>
    %dma_start3A_953 = arith.constant 0 : i32
    %dma_start3A_954 = tpu.memref_slice %arg8[%dma_start3A_949, %dma_start3A_953] : memref<4x128xi32, #tpu.memory_space<vmem>> -> memref<1x128xi32, #tpu.memory_space<vmem>>
    %dma_start3A_955 = tpu.memref_squeeze %dma_start3A_954 : memref<1x128xi32, #tpu.memory_space<vmem>> -> memref<128xi32, #tpu.memory_space<vmem>>
    %dma_start3A_956 = arith.constant 0 : i32
    %dma_start3A_957 = arith.constant 0 : i32
    %dma_start3A_958 = tpu.memref_slice %arg4[%dma_start3A_956, %dma_start3A_957] : memref<131072x128xf32, #tpu.memory_space<hbm>> -> memref<131072x128xf32, #tpu.memory_space<hbm>>
    %dma_start3A_959 = arith.constant -1 : i32
    tpu.enqueue_indirect_dma source(%dma_start3A_958 : memref<131072x128xf32, #tpu.memory_space<hbm>>) target(%dma_start3A_952 : memref<128x128xf32, #tpu.memory_space<vmem>>) offsets(%dma_start3A_955 : memref<128xi32, #tpu.memory_space<vmem>>) offset_filter(%dma_start3A_959) semaphore(%arg14 : memref<!tpu.dma_semaphore, #tpu.memory_space<semaphore_mem>>)
    %dma_start3A_960 = arith.constant 1 : i32
    %dma_start3A_961 = arith.constant 128 : i32
    %dma_start3A_962 = arith.constant 0 : i32
    %dma_start3A_963 = tpu.memref_slice %arg11[%dma_start3A_961, %dma_start3A_962] : memref<512x128xf32, #tpu.memory_space<vmem>> -> memref<128x128xf32, #tpu.memory_space<vmem>>
    %dma_start3A_964 = arith.constant 0 : i32
    %dma_start3A_965 = tpu.memref_slice %arg9[%dma_start3A_960, %dma_start3A_964] : memref<4x128xi32, #tpu.memory_space<vmem>> -> memref<1x128xi32, #tpu.memory_space<vmem>>
    %dma_start3A_966 = tpu.memref_squeeze %dma_start3A_965 : memref<1x128xi32, #tpu.memory_space<vmem>> -> memref<128xi32, #tpu.memory_space<vmem>>
    %dma_start3A_967 = arith.constant 0 : i32
    %dma_start3A_968 = arith.constant 0 : i32
    %dma_start3A_969 = tpu.memref_slice %arg5[%dma_start3A_967, %dma_start3A_968] : memref<118928x128xf32, #tpu.memory_space<hbm>> -> memref<118928x128xf32, #tpu.memory_space<hbm>>
    %dma_start3A_970 = arith.constant -1 : i32
    tpu.enqueue_indirect_dma source(%dma_start3A_969 : memref<118928x128xf32, #tpu.memory_space<hbm>>) target(%dma_start3A_963 : memref<128x128xf32, #tpu.memory_space<vmem>>) offsets(%dma_start3A_966 : memref<128xi32, #tpu.memory_space<vmem>>) offset_filter(%dma_start3A_970) semaphore(%arg14 : memref<!tpu.dma_semaphore, #tpu.memory_space<semaphore_mem>>)
    %dma_start3A_971 = arith.constant 2 : i32
    %dma_start3A_972 = arith.constant 256 : i32
    %dma_start3A_973 = arith.constant 0 : i32
    %dma_start3A_974 = tpu.memref_slice %arg11[%dma_start3A_972, %dma_start3A_973] : memref<512x128xf32, #tpu.memory_space<vmem>> -> memref<128x128xf32, #tpu.memory_space<vmem>>
    %dma_start3A_975 = arith.constant 0 : i32
    %dma_start3A_976 = tpu.memref_slice %arg8[%dma_start3A_971, %dma_start3A_975] : memref<4x128xi32, #tpu.memory_space<vmem>> -> memref<1x128xi32, #tpu.memory_space<vmem>>
    %dma_start3A_977 = tpu.memref_squeeze %dma_start3A_976 : memref<1x128xi32, #tpu.memory_space<vmem>> -> memref<128xi32, #tpu.memory_space<vmem>>
    %dma_start3A_978 = arith.constant 0 : i32
    %dma_start3A_979 = arith.constant 0 : i32
    %dma_start3A_980 = tpu.memref_slice %arg4[%dma_start3A_978, %dma_start3A_979] : memref<131072x128xf32, #tpu.memory_space<hbm>> -> memref<131072x128xf32, #tpu.memory_space<hbm>>
    %dma_start3A_981 = arith.constant -1 : i32
    tpu.enqueue_indirect_dma source(%dma_start3A_980 : memref<131072x128xf32, #tpu.memory_space<hbm>>) target(%dma_start3A_974 : memref<128x128xf32, #tpu.memory_space<vmem>>) offsets(%dma_start3A_977 : memref<128xi32, #tpu.memory_space<vmem>>) offset_filter(%dma_start3A_981) semaphore(%arg14 : memref<!tpu.dma_semaphore, #tpu.memory_space<semaphore_mem>>)
    %dma_start3A_982 = arith.constant 2 : i32
    %dma_start3A_983 = arith.constant 256 : i32
    %dma_start3A_984 = arith.constant 0 : i32
    %dma_start3A_985 = tpu.memref_slice %arg11[%dma_start3A_983, %dma_start3A_984] : memref<512x128xf32, #tpu.memory_space<vmem>> -> memref<128x128xf32, #tpu.memory_space<vmem>>
    %dma_start3A_986 = arith.constant 0 : i32
    %dma_start3A_987 = tpu.memref_slice %arg9[%dma_start3A_982, %dma_start3A_986] : memref<4x128xi32, #tpu.memory_space<vmem>> -> memref<1x128xi32, #tpu.memory_space<vmem>>
    %dma_start3A_988 = tpu.memref_squeeze %dma_start3A_987 : memref<1x128xi32, #tpu.memory_space<vmem>> -> memref<128xi32, #tpu.memory_space<vmem>>
    %dma_start3A_989 = arith.constant 0 : i32
    %dma_start3A_990 = arith.constant 0 : i32
    %dma_start3A_991 = tpu.memref_slice %arg5[%dma_start3A_989, %dma_start3A_990] : memref<118928x128xf32, #tpu.memory_space<hbm>> -> memref<118928x128xf32, #tpu.memory_space<hbm>>
    %dma_start3A_992 = arith.constant -1 : i32
    tpu.enqueue_indirect_dma source(%dma_start3A_991 : memref<118928x128xf32, #tpu.memory_space<hbm>>) target(%dma_start3A_985 : memref<128x128xf32, #tpu.memory_space<vmem>>) offsets(%dma_start3A_988 : memref<128xi32, #tpu.memory_space<vmem>>) offset_filter(%dma_start3A_992) semaphore(%arg14 : memref<!tpu.dma_semaphore, #tpu.memory_space<semaphore_mem>>)
    %dma_start3A_993 = arith.constant 3 : i32
    %dma_start3A_994 = arith.constant 384 : i32
    %dma_start3A_995 = arith.constant 0 : i32
    %dma_start3A_996 = tpu.memref_slice %arg11[%dma_start3A_994, %dma_start3A_995] : memref<512x128xf32, #tpu.memory_space<vmem>> -> memref<128x128xf32, #tpu.memory_space<vmem>>
    %dma_start3A_997 = arith.constant 0 : i32
    %dma_start3A_998 = tpu.memref_slice %arg8[%dma_start3A_993, %dma_start3A_997] : memref<4x128xi32, #tpu.memory_space<vmem>> -> memref<1x128xi32, #tpu.memory_space<vmem>>
    %dma_start3A_999 = tpu.memref_squeeze %dma_start3A_998 : memref<1x128xi32, #tpu.memory_space<vmem>> -> memref<128xi32, #tpu.memory_space<vmem>>
    %dma_start3A_1000 = arith.constant 0 : i32
    %dma_start3A_1001 = arith.constant 0 : i32
    %dma_start3A_1002 = tpu.memref_slice %arg4[%dma_start3A_1000, %dma_start3A_1001] : memref<131072x128xf32, #tpu.memory_space<hbm>> -> memref<131072x128xf32, #tpu.memory_space<hbm>>
    %dma_start3A_1003 = arith.constant -1 : i32
    tpu.enqueue_indirect_dma source(%dma_start3A_1002 : memref<131072x128xf32, #tpu.memory_space<hbm>>) target(%dma_start3A_996 : memref<128x128xf32, #tpu.memory_space<vmem>>) offsets(%dma_start3A_999 : memref<128xi32, #tpu.memory_space<vmem>>) offset_filter(%dma_start3A_1003) semaphore(%arg14 : memref<!tpu.dma_semaphore, #tpu.memory_space<semaphore_mem>>)
    %dma_start3A_1004 = arith.constant 3 : i32
    %dma_start3A_1005 = arith.constant 384 : i32
    %dma_start3A_1006 = arith.constant 0 : i32
    %dma_start3A_1007 = tpu.memref_slice %arg11[%dma_start3A_1005, %dma_start3A_1006] : memref<512x128xf32, #tpu.memory_space<vmem>> -> memref<128x128xf32, #tpu.memory_space<vmem>>
    %dma_start3A_1008 = arith.constant 0 : i32
    %dma_start3A_1009 = tpu.memref_slice %arg9[%dma_start3A_1004, %dma_start3A_1008] : memref<4x128xi32, #tpu.memory_space<vmem>> -> memref<1x128xi32, #tpu.memory_space<vmem>>
    %dma_start3A_1010 = tpu.memref_squeeze %dma_start3A_1009 : memref<1x128xi32, #tpu.memory_space<vmem>> -> memref<128xi32, #tpu.memory_space<vmem>>
    %dma_start3A_1011 = arith.constant 0 : i32
    %dma_start3A_1012 = arith.constant 0 : i32
    %dma_start3A_1013 = tpu.memref_slice %arg5[%dma_start3A_1011, %dma_start3A_1012] : memref<118928x128xf32, #tpu.memory_space<hbm>> -> memref<118928x128xf32, #tpu.memory_space<hbm>>
    %dma_start3A_1014 = arith.constant -1 : i32
    tpu.enqueue_indirect_dma source(%dma_start3A_1013 : memref<118928x128xf32, #tpu.memory_space<hbm>>) target(%dma_start3A_1007 : memref<128x128xf32, #tpu.memory_space<vmem>>) offsets(%dma_start3A_1010 : memref<128xi32, #tpu.memory_space<vmem>>) offset_filter(%dma_start3A_1014) semaphore(%arg14 : memref<!tpu.dma_semaphore, #tpu.memory_space<semaphore_mem>>)
    %dma_wait3A = arith.constant 0 : i32
    %dma_wait3A_1015 = tpu.memref_slice %arg3[%dma_wait3A, %mul3A_2] : memref<32x16384xf32, #tpu.memory_space<hbm>> -> memref<32x512xf32, #tpu.memory_space<hbm>>
    %dma_wait3A_1016 = arith.constant 0 : i32
    %dma_wait3A_1017 = tpu.memref_slice %arg3[%dma_wait3A_1016, %mul3A_2] : memref<32x16384xf32, #tpu.memory_space<hbm>> -> memref<32x512xf32, #tpu.memory_space<hbm>>
    tpu.wait_dma2 semaphore(%arg15 : memref<!tpu.dma_semaphore, #tpu.memory_space<semaphore_mem>>) src(%dma_wait3A_1017 : memref<32x512xf32, #tpu.memory_space<hbm>>) dst(%arg12 : memref<32x512xf32, #tpu.memory_space<vmem>>)
    %dma_wait3A_1018 = arith.constant 0 : i32
    %dma_wait3A_1019 = arith.constant 0 : i32
    %dma_wait3A_1020 = arith.constant 0 : i32
    %dma_wait3A_1021 = tpu.memref_slice %arg11[%dma_wait3A_1019, %dma_wait3A_1020] : memref<512x128xf32, #tpu.memory_space<vmem>> -> memref<128x128xf32, #tpu.memory_space<vmem>>
    %dma_wait3A_1022 = arith.constant 0 : i32
    %dma_wait3A_1023 = tpu.memref_slice %arg8[%dma_wait3A_1018, %dma_wait3A_1022] : memref<4x128xi32, #tpu.memory_space<vmem>> -> memref<1x128xi32, #tpu.memory_space<vmem>>
    %dma_wait3A_1024 = tpu.memref_squeeze %dma_wait3A_1023 : memref<1x128xi32, #tpu.memory_space<vmem>> -> memref<128xi32, #tpu.memory_space<vmem>>
    %dma_wait3A_1025 = arith.constant 0 : i32
    %dma_wait3A_1026 = arith.constant 0 : i32
    %dma_wait3A_1027 = tpu.memref_slice %arg4[%dma_wait3A_1025, %dma_wait3A_1026] : memref<131072x128xf32, #tpu.memory_space<hbm>> -> memref<131072x128xf32, #tpu.memory_space<hbm>>
    tpu.wait_indirect_dma semaphore(%arg14 : memref<!tpu.dma_semaphore, #tpu.memory_space<semaphore_mem>>) src(%dma_wait3A_1027 : memref<131072x128xf32, #tpu.memory_space<hbm>>) dst(%dma_wait3A_1021 : memref<128x128xf32, #tpu.memory_space<vmem>>)
    %dma_wait3A_1028 = arith.constant 0 : i32
    %dma_wait3A_1029 = arith.constant 0 : i32
    %dma_wait3A_1030 = arith.constant 0 : i32
    %dma_wait3A_1031 = tpu.memref_slice %arg11[%dma_wait3A_1029, %dma_wait3A_1030] : memref<512x128xf32, #tpu.memory_space<vmem>> -> memref<128x128xf32, #tpu.memory_space<vmem>>
    %dma_wait3A_1032 = arith.constant 0 : i32
    %dma_wait3A_1033 = tpu.memref_slice %arg9[%dma_wait3A_1028, %dma_wait3A_1032] : memref<4x128xi32, #tpu.memory_space<vmem>> -> memref<1x128xi32, #tpu.memory_space<vmem>>
    %dma_wait3A_1034 = tpu.memref_squeeze %dma_wait3A_1033 : memref<1x128xi32, #tpu.memory_space<vmem>> -> memref<128xi32, #tpu.memory_space<vmem>>
    %dma_wait3A_1035 = arith.constant 0 : i32
    %dma_wait3A_1036 = arith.constant 0 : i32
    %dma_wait3A_1037 = tpu.memref_slice %arg5[%dma_wait3A_1035, %dma_wait3A_1036] : memref<118928x128xf32, #tpu.memory_space<hbm>> -> memref<118928x128xf32, #tpu.memory_space<hbm>>
    tpu.wait_indirect_dma semaphore(%arg14 : memref<!tpu.dma_semaphore, #tpu.memory_space<semaphore_mem>>) src(%dma_wait3A_1037 : memref<118928x128xf32, #tpu.memory_space<hbm>>) dst(%dma_wait3A_1031 : memref<128x128xf32, #tpu.memory_space<vmem>>)
    %dma_wait3A_1038 = arith.constant 1 : i32
    %dma_wait3A_1039 = arith.constant 128 : i32
    %dma_wait3A_1040 = arith.constant 0 : i32
    %dma_wait3A_1041 = tpu.memref_slice %arg11[%dma_wait3A_1039, %dma_wait3A_1040] : memref<512x128xf32, #tpu.memory_space<vmem>> -> memref<128x128xf32, #tpu.memory_space<vmem>>
    %dma_wait3A_1042 = arith.constant 0 : i32
    %dma_wait3A_1043 = tpu.memref_slice %arg8[%dma_wait3A_1038, %dma_wait3A_1042] : memref<4x128xi32, #tpu.memory_space<vmem>> -> memref<1x128xi32, #tpu.memory_space<vmem>>
    %dma_wait3A_1044 = tpu.memref_squeeze %dma_wait3A_1043 : memref<1x128xi32, #tpu.memory_space<vmem>> -> memref<128xi32, #tpu.memory_space<vmem>>
    %dma_wait3A_1045 = arith.constant 0 : i32
    %dma_wait3A_1046 = arith.constant 0 : i32
    %dma_wait3A_1047 = tpu.memref_slice %arg4[%dma_wait3A_1045, %dma_wait3A_1046] : memref<131072x128xf32, #tpu.memory_space<hbm>> -> memref<131072x128xf32, #tpu.memory_space<hbm>>
    tpu.wait_indirect_dma semaphore(%arg14 : memref<!tpu.dma_semaphore, #tpu.memory_space<semaphore_mem>>) src(%dma_wait3A_1047 : memref<131072x128xf32, #tpu.memory_space<hbm>>) dst(%dma_wait3A_1041 : memref<128x128xf32, #tpu.memory_space<vmem>>)
    %dma_wait3A_1048 = arith.constant 1 : i32
    %dma_wait3A_1049 = arith.constant 128 : i32
    %dma_wait3A_1050 = arith.constant 0 : i32
    %dma_wait3A_1051 = tpu.memref_slice %arg11[%dma_wait3A_1049, %dma_wait3A_1050] : memref<512x128xf32, #tpu.memory_space<vmem>> -> memref<128x128xf32, #tpu.memory_space<vmem>>
    %dma_wait3A_1052 = arith.constant 0 : i32
    %dma_wait3A_1053 = tpu.memref_slice %arg9[%dma_wait3A_1048, %dma_wait3A_1052] : memref<4x128xi32, #tpu.memory_space<vmem>> -> memref<1x128xi32, #tpu.memory_space<vmem>>
    %dma_wait3A_1054 = tpu.memref_squeeze %dma_wait3A_1053 : memref<1x128xi32, #tpu.memory_space<vmem>> -> memref<128xi32, #tpu.memory_space<vmem>>
    %dma_wait3A_1055 = arith.constant 0 : i32
    %dma_wait3A_1056 = arith.constant 0 : i32
    %dma_wait3A_1057 = tpu.memref_slice %arg5[%dma_wait3A_1055, %dma_wait3A_1056] : memref<118928x128xf32, #tpu.memory_space<hbm>> -> memref<118928x128xf32, #tpu.memory_space<hbm>>
    tpu.wait_indirect_dma semaphore(%arg14 : memref<!tpu.dma_semaphore, #tpu.memory_space<semaphore_mem>>) src(%dma_wait3A_1057 : memref<118928x128xf32, #tpu.memory_space<hbm>>) dst(%dma_wait3A_1051 : memref<128x128xf32, #tpu.memory_space<vmem>>)
    %dma_wait3A_1058 = arith.constant 2 : i32
    %dma_wait3A_1059 = arith.constant 256 : i32
    %dma_wait3A_1060 = arith.constant 0 : i32
    %dma_wait3A_1061 = tpu.memref_slice %arg11[%dma_wait3A_1059, %dma_wait3A_1060] : memref<512x128xf32, #tpu.memory_space<vmem>> -> memref<128x128xf32, #tpu.memory_space<vmem>>
    %dma_wait3A_1062 = arith.constant 0 : i32
    %dma_wait3A_1063 = tpu.memref_slice %arg8[%dma_wait3A_1058, %dma_wait3A_1062] : memref<4x128xi32, #tpu.memory_space<vmem>> -> memref<1x128xi32, #tpu.memory_space<vmem>>
    %dma_wait3A_1064 = tpu.memref_squeeze %dma_wait3A_1063 : memref<1x128xi32, #tpu.memory_space<vmem>> -> memref<128xi32, #tpu.memory_space<vmem>>
    %dma_wait3A_1065 = arith.constant 0 : i32
    %dma_wait3A_1066 = arith.constant 0 : i32
    %dma_wait3A_1067 = tpu.memref_slice %arg4[%dma_wait3A_1065, %dma_wait3A_1066] : memref<131072x128xf32, #tpu.memory_space<hbm>> -> memref<131072x128xf32, #tpu.memory_space<hbm>>
    tpu.wait_indirect_dma semaphore(%arg14 : memref<!tpu.dma_semaphore, #tpu.memory_space<semaphore_mem>>) src(%dma_wait3A_1067 : memref<131072x128xf32, #tpu.memory_space<hbm>>) dst(%dma_wait3A_1061 : memref<128x128xf32, #tpu.memory_space<vmem>>)
    %dma_wait3A_1068 = arith.constant 2 : i32
    %dma_wait3A_1069 = arith.constant 256 : i32
    %dma_wait3A_1070 = arith.constant 0 : i32
    %dma_wait3A_1071 = tpu.memref_slice %arg11[%dma_wait3A_1069, %dma_wait3A_1070] : memref<512x128xf32, #tpu.memory_space<vmem>> -> memref<128x128xf32, #tpu.memory_space<vmem>>
    %dma_wait3A_1072 = arith.constant 0 : i32
    %dma_wait3A_1073 = tpu.memref_slice %arg9[%dma_wait3A_1068, %dma_wait3A_1072] : memref<4x128xi32, #tpu.memory_space<vmem>> -> memref<1x128xi32, #tpu.memory_space<vmem>>
    %dma_wait3A_1074 = tpu.memref_squeeze %dma_wait3A_1073 : memref<1x128xi32, #tpu.memory_space<vmem>> -> memref<128xi32, #tpu.memory_space<vmem>>
    %dma_wait3A_1075 = arith.constant 0 : i32
    %dma_wait3A_1076 = arith.constant 0 : i32
    %dma_wait3A_1077 = tpu.memref_slice %arg5[%dma_wait3A_1075, %dma_wait3A_1076] : memref<118928x128xf32, #tpu.memory_space<hbm>> -> memref<118928x128xf32, #tpu.memory_space<hbm>>
    tpu.wait_indirect_dma semaphore(%arg14 : memref<!tpu.dma_semaphore, #tpu.memory_space<semaphore_mem>>) src(%dma_wait3A_1077 : memref<118928x128xf32, #tpu.memory_space<hbm>>) dst(%dma_wait3A_1071 : memref<128x128xf32, #tpu.memory_space<vmem>>)
    %dma_wait3A_1078 = arith.constant 3 : i32
    %dma_wait3A_1079 = arith.constant 384 : i32
    %dma_wait3A_1080 = arith.constant 0 : i32
    %dma_wait3A_1081 = tpu.memref_slice %arg11[%dma_wait3A_1079, %dma_wait3A_1080] : memref<512x128xf32, #tpu.memory_space<vmem>> -> memref<128x128xf32, #tpu.memory_space<vmem>>
    %dma_wait3A_1082 = arith.constant 0 : i32
    %dma_wait3A_1083 = tpu.memref_slice %arg8[%dma_wait3A_1078, %dma_wait3A_1082] : memref<4x128xi32, #tpu.memory_space<vmem>> -> memref<1x128xi32, #tpu.memory_space<vmem>>
    %dma_wait3A_1084 = tpu.memref_squeeze %dma_wait3A_1083 : memref<1x128xi32, #tpu.memory_space<vmem>> -> memref<128xi32, #tpu.memory_space<vmem>>
    %dma_wait3A_1085 = arith.constant 0 : i32
    %dma_wait3A_1086 = arith.constant 0 : i32
    %dma_wait3A_1087 = tpu.memref_slice %arg4[%dma_wait3A_1085, %dma_wait3A_1086] : memref<131072x128xf32, #tpu.memory_space<hbm>> -> memref<131072x128xf32, #tpu.memory_space<hbm>>
    tpu.wait_indirect_dma semaphore(%arg14 : memref<!tpu.dma_semaphore, #tpu.memory_space<semaphore_mem>>) src(%dma_wait3A_1087 : memref<131072x128xf32, #tpu.memory_space<hbm>>) dst(%dma_wait3A_1081 : memref<128x128xf32, #tpu.memory_space<vmem>>)
    %dma_wait3A_1088 = arith.constant 3 : i32
    %dma_wait3A_1089 = arith.constant 384 : i32
    %dma_wait3A_1090 = arith.constant 0 : i32
    %dma_wait3A_1091 = tpu.memref_slice %arg11[%dma_wait3A_1089, %dma_wait3A_1090] : memref<512x128xf32, #tpu.memory_space<vmem>> -> memref<128x128xf32, #tpu.memory_space<vmem>>
    %dma_wait3A_1092 = arith.constant 0 : i32
    %dma_wait3A_1093 = tpu.memref_slice %arg9[%dma_wait3A_1088, %dma_wait3A_1092] : memref<4x128xi32, #tpu.memory_space<vmem>> -> memref<1x128xi32, #tpu.memory_space<vmem>>
    %dma_wait3A_1094 = tpu.memref_squeeze %dma_wait3A_1093 : memref<1x128xi32, #tpu.memory_space<vmem>> -> memref<128xi32, #tpu.memory_space<vmem>>
    %dma_wait3A_1095 = arith.constant 0 : i32
    %dma_wait3A_1096 = arith.constant 0 : i32
    %dma_wait3A_1097 = tpu.memref_slice %arg5[%dma_wait3A_1095, %dma_wait3A_1096] : memref<118928x128xf32, #tpu.memory_space<hbm>> -> memref<118928x128xf32, #tpu.memory_space<hbm>>
    tpu.wait_indirect_dma semaphore(%arg14 : memref<!tpu.dma_semaphore, #tpu.memory_space<semaphore_mem>>) src(%dma_wait3A_1097 : memref<118928x128xf32, #tpu.memory_space<hbm>>) dst(%dma_wait3A_1091 : memref<128x128xf32, #tpu.memory_space<vmem>>)
    %iota3A = tpu.iota {dimensions = array<i32: 0>} : vector<16xi32>
    %broadcast_in_dim3A_1098 = arith.constant 0.000000e+00 : f32
    %broadcast_in_dim3A_1099 = vector.broadcast %broadcast_in_dim3A_1098 : f32 to vector<16xf32>
    %parallel_loop3A = arith.constant 0 : i32
    %parallel_loop3A_1100 = arith.constant 32 : i32
    %parallel_loop3A_1101 = arith.constant 1 : i32
    %parallel_loop3A_1102 = scf.for %parallel_loop3A_1105 = %parallel_loop3A to %parallel_loop3A_1100 step %parallel_loop3A_1101 iter_args(%parallel_loop3A_1106 = %broadcast_in_dim3A_1099) -> (vector<16xf32>)  : i32 {
      %parallel_loop3A_1107 = arith.constant 16 : i32
      %parallel_loop3A_1108 = arith.muli %parallel_loop3A_1105, %parallel_loop3A_1107 : i32
      %parallel_loop3A_1109 = vector.broadcast %parallel_loop3A_1108 : i32 to vector<16xi32>
      %parallel_loop3A_1110 = arith.addi %iota3A, %parallel_loop3A_1109 : vector<16xi32>
      %parallel_loop3A_1111 = arith.index_cast %parallel_loop3A_1108 : i32 to index
      %parallel_loop3A_1112 = tpu.vector_load %arg10[%parallel_loop3A_1111] {strides = array<i32>} : memref<512xi32, #tpu.memory_space<vmem>>, vector<16xi32>,
      %parallel_loop3A_1113 = arith.constant 0 : i32
      %parallel_loop3A_1114 = vector.broadcast %parallel_loop3A_1113 : i32 to vector<16xi32>
      %parallel_loop3A_1115 = arith.addi %parallel_loop3A_1112, %parallel_loop3A_1114 : vector<16xi32>
      %parallel_loop3A_1116 = tpu.vector_load_idx %arg11[%parallel_loop3A_1110, %parallel_loop3A_1115] : memref<512x128xf32, #tpu.memory_space<vmem>>[vector<16xi32>, vector<16xi32>], vector<16xf32>,
      %parallel_loop3A_1117 = arith.constant 0 : i32
      %parallel_loop3A_1118 = arith.index_cast %parallel_loop3A_1117 : i32 to index
      %parallel_loop3A_1119 = arith.index_cast %parallel_loop3A_1108 : i32 to index
      %parallel_loop3A_1120 = tpu.vector_load %arg12[%parallel_loop3A_1118, %parallel_loop3A_1119] {strides = array<i32>} : memref<32x512xf32, #tpu.memory_space<vmem>>, vector<16xf32>,
      %parallel_loop3A_1121 = arith.subf %parallel_loop3A_1120, %parallel_loop3A_1116 : vector<16xf32>
      %parallel_loop3A_1122 = arith.mulf %parallel_loop3A_1121, %parallel_loop3A_1121 : vector<16xf32>
      %parallel_loop3A_1123 = arith.addf %parallel_loop3A_1106, %parallel_loop3A_1122 : vector<16xf32>
      %parallel_loop3A_1124 = arith.constant 1 : i32
      %parallel_loop3A_1125 = vector.broadcast %parallel_loop3A_1124 : i32 to vector<16xi32>
      %parallel_loop3A_1126 = arith.addi %parallel_loop3A_1112, %parallel_loop3A_1125 : vector<16xi32>
      %parallel_loop3A_1127 = tpu.vector_load_idx %arg11[%parallel_loop3A_1110, %parallel_loop3A_1126] : memref<512x128xf32, #tpu.memory_space<vmem>>[vector<16xi32>, vector<16xi32>], vector<16xf32>,
      %parallel_loop3A_1128 = arith.constant 1 : i32
      %parallel_loop3A_1129 = arith.index_cast %parallel_loop3A_1128 : i32 to index
      %parallel_loop3A_1130 = arith.index_cast %parallel_loop3A_1108 : i32 to index
      %parallel_loop3A_1131 = tpu.vector_load %arg12[%parallel_loop3A_1129, %parallel_loop3A_1130] {strides = array<i32>} : memref<32x512xf32, #tpu.memory_space<vmem>>, vector<16xf32>,
      %parallel_loop3A_1132 = arith.subf %parallel_loop3A_1131, %parallel_loop3A_1127 : vector<16xf32>
      %parallel_loop3A_1133 = arith.mulf %parallel_loop3A_1132, %parallel_loop3A_1132 : vector<16xf32>
      %parallel_loop3A_1134 = arith.addf %parallel_loop3A_1123, %parallel_loop3A_1133 : vector<16xf32>
      %parallel_loop3A_1135 = arith.constant 2 : i32
      %parallel_loop3A_1136 = vector.broadcast %parallel_loop3A_1135 : i32 to vector<16xi32>
      %parallel_loop3A_1137 = arith.addi %parallel_loop3A_1112, %parallel_loop3A_1136 : vector<16xi32>
      %parallel_loop3A_1138 = tpu.vector_load_idx %arg11[%parallel_loop3A_1110, %parallel_loop3A_1137] : memref<512x128xf32, #tpu.memory_space<vmem>>[vector<16xi32>, vector<16xi32>], vector<16xf32>,
      %parallel_loop3A_1139 = arith.constant 2 : i32
      %parallel_loop3A_1140 = arith.index_cast %parallel_loop3A_1139 : i32 to index
      %parallel_loop3A_1141 = arith.index_cast %parallel_loop3A_1108 : i32 to index
      %parallel_loop3A_1142 = tpu.vector_load %arg12[%parallel_loop3A_1140, %parallel_loop3A_1141] {strides = array<i32>} : memref<32x512xf32, #tpu.memory_space<vmem>>, vector<16xf32>,
      %parallel_loop3A_1143 = arith.subf %parallel_loop3A_1142, %parallel_loop3A_1138 : vector<16xf32>
      %parallel_loop3A_1144 = arith.mulf %parallel_loop3A_1143, %parallel_loop3A_1143 : vector<16xf32>
      %parallel_loop3A_1145 = arith.addf %parallel_loop3A_1134, %parallel_loop3A_1144 : vector<16xf32>
      %parallel_loop3A_1146 = arith.constant 3 : i32
      %parallel_loop3A_1147 = vector.broadcast %parallel_loop3A_1146 : i32 to vector<16xi32>
      %parallel_loop3A_1148 = arith.addi %parallel_loop3A_1112, %parallel_loop3A_1147 : vector<16xi32>
      %parallel_loop3A_1149 = tpu.vector_load_idx %arg11[%parallel_loop3A_1110, %parallel_loop3A_1148] : memref<512x128xf32, #tpu.memory_space<vmem>>[vector<16xi32>, vector<16xi32>], vector<16xf32>,
      %parallel_loop3A_1150 = arith.constant 3 : i32
      %parallel_loop3A_1151 = arith.index_cast %parallel_loop3A_1150 : i32 to index
      %parallel_loop3A_1152 = arith.index_cast %parallel_loop3A_1108 : i32 to index
      %parallel_loop3A_1153 = tpu.vector_load %arg12[%parallel_loop3A_1151, %parallel_loop3A_1152] {strides = array<i32>} : memref<32x512xf32, #tpu.memory_space<vmem>>, vector<16xf32>,
      %parallel_loop3A_1154 = arith.subf %parallel_loop3A_1153, %parallel_loop3A_1149 : vector<16xf32>
      %parallel_loop3A_1155 = arith.mulf %parallel_loop3A_1154, %parallel_loop3A_1154 : vector<16xf32>
      %parallel_loop3A_1156 = arith.addf %parallel_loop3A_1145, %parallel_loop3A_1155 : vector<16xf32>
      %parallel_loop3A_1157 = arith.constant 4 : i32
      %parallel_loop3A_1158 = vector.broadcast %parallel_loop3A_1157 : i32 to vector<16xi32>
      %parallel_loop3A_1159 = arith.addi %parallel_loop3A_1112, %parallel_loop3A_1158 : vector<16xi32>
      %parallel_loop3A_1160 = tpu.vector_load_idx %arg11[%parallel_loop3A_1110, %parallel_loop3A_1159] : memref<512x128xf32, #tpu.memory_space<vmem>>[vector<16xi32>, vector<16xi32>], vector<16xf32>,
      %parallel_loop3A_1161 = arith.constant 4 : i32
      %parallel_loop3A_1162 = arith.index_cast %parallel_loop3A_1161 : i32 to index
      %parallel_loop3A_1163 = arith.index_cast %parallel_loop3A_1108 : i32 to index
      %parallel_loop3A_1164 = tpu.vector_load %arg12[%parallel_loop3A_1162, %parallel_loop3A_1163] {strides = array<i32>} : memref<32x512xf32, #tpu.memory_space<vmem>>, vector<16xf32>,
      %parallel_loop3A_1165 = arith.subf %parallel_loop3A_1164, %parallel_loop3A_1160 : vector<16xf32>
      %parallel_loop3A_1166 = arith.mulf %parallel_loop3A_1165, %parallel_loop3A_1165 : vector<16xf32>
      %parallel_loop3A_1167 = arith.addf %parallel_loop3A_1156, %parallel_loop3A_1166 : vector<16xf32>
      %parallel_loop3A_1168 = arith.constant 5 : i32
      %parallel_loop3A_1169 = vector.broadcast %parallel_loop3A_1168 : i32 to vector<16xi32>
      %parallel_loop3A_1170 = arith.addi %parallel_loop3A_1112, %parallel_loop3A_1169 : vector<16xi32>
      %parallel_loop3A_1171 = tpu.vector_load_idx %arg11[%parallel_loop3A_1110, %parallel_loop3A_1170] : memref<512x128xf32, #tpu.memory_space<vmem>>[vector<16xi32>, vector<16xi32>], vector<16xf32>,
      %parallel_loop3A_1172 = arith.constant 5 : i32
      %parallel_loop3A_1173 = arith.index_cast %parallel_loop3A_1172 : i32 to index
      %parallel_loop3A_1174 = arith.index_cast %parallel_loop3A_1108 : i32 to index
      %parallel_loop3A_1175 = tpu.vector_load %arg12[%parallel_loop3A_1173, %parallel_loop3A_1174] {strides = array<i32>} : memref<32x512xf32, #tpu.memory_space<vmem>>, vector<16xf32>,
      %parallel_loop3A_1176 = arith.subf %parallel_loop3A_1175, %parallel_loop3A_1171 : vector<16xf32>
      %parallel_loop3A_1177 = arith.mulf %parallel_loop3A_1176, %parallel_loop3A_1176 : vector<16xf32>
      %parallel_loop3A_1178 = arith.addf %parallel_loop3A_1167, %parallel_loop3A_1177 : vector<16xf32>
      %parallel_loop3A_1179 = arith.constant 6 : i32
      %parallel_loop3A_1180 = vector.broadcast %parallel_loop3A_1179 : i32 to vector<16xi32>
      %parallel_loop3A_1181 = arith.addi %parallel_loop3A_1112, %parallel_loop3A_1180 : vector<16xi32>
      %parallel_loop3A_1182 = tpu.vector_load_idx %arg11[%parallel_loop3A_1110, %parallel_loop3A_1181] : memref<512x128xf32, #tpu.memory_space<vmem>>[vector<16xi32>, vector<16xi32>], vector<16xf32>,
      %parallel_loop3A_1183 = arith.constant 6 : i32
      %parallel_loop3A_1184 = arith.index_cast %parallel_loop3A_1183 : i32 to index
      %parallel_loop3A_1185 = arith.index_cast %parallel_loop3A_1108 : i32 to index
      %parallel_loop3A_1186 = tpu.vector_load %arg12[%parallel_loop3A_1184, %parallel_loop3A_1185] {strides = array<i32>} : memref<32x512xf32, #tpu.memory_space<vmem>>, vector<16xf32>,
      %parallel_loop3A_1187 = arith.subf %parallel_loop3A_1186, %parallel_loop3A_1182 : vector<16xf32>
      %parallel_loop3A_1188 = arith.mulf %parallel_loop3A_1187, %parallel_loop3A_1187 : vector<16xf32>
      %parallel_loop3A_1189 = arith.addf %parallel_loop3A_1178, %parallel_loop3A_1188 : vector<16xf32>
      %parallel_loop3A_1190 = arith.constant 7 : i32
      %parallel_loop3A_1191 = vector.broadcast %parallel_loop3A_1190 : i32 to vector<16xi32>
      %parallel_loop3A_1192 = arith.addi %parallel_loop3A_1112, %parallel_loop3A_1191 : vector<16xi32>
      %parallel_loop3A_1193 = tpu.vector_load_idx %arg11[%parallel_loop3A_1110, %parallel_loop3A_1192] : memref<512x128xf32, #tpu.memory_space<vmem>>[vector<16xi32>, vector<16xi32>], vector<16xf32>,
      %parallel_loop3A_1194 = arith.constant 7 : i32
      %parallel_loop3A_1195 = arith.index_cast %parallel_loop3A_1194 : i32 to index
      %parallel_loop3A_1196 = arith.index_cast %parallel_loop3A_1108 : i32 to index
      %parallel_loop3A_1197 = tpu.vector_load %arg12[%parallel_loop3A_1195, %parallel_loop3A_1196] {strides = array<i32>} : memref<32x512xf32, #tpu.memory_space<vmem>>, vector<16xf32>,
      %parallel_loop3A_1198 = arith.subf %parallel_loop3A_1197, %parallel_loop3A_1193 : vector<16xf32>
      %parallel_loop3A_1199 = arith.mulf %parallel_loop3A_1198, %parallel_loop3A_1198 : vector<16xf32>
      %parallel_loop3A_1200 = arith.addf %parallel_loop3A_1189, %parallel_loop3A_1199 : vector<16xf32>
      %parallel_loop3A_1201 = arith.constant 8 : i32
      %parallel_loop3A_1202 = vector.broadcast %parallel_loop3A_1201 : i32 to vector<16xi32>
      %parallel_loop3A_1203 = arith.addi %parallel_loop3A_1112, %parallel_loop3A_1202 : vector<16xi32>
      %parallel_loop3A_1204 = tpu.vector_load_idx %arg11[%parallel_loop3A_1110, %parallel_loop3A_1203] : memref<512x128xf32, #tpu.memory_space<vmem>>[vector<16xi32>, vector<16xi32>], vector<16xf32>,
      %parallel_loop3A_1205 = arith.constant 8 : i32
      %parallel_loop3A_1206 = arith.index_cast %parallel_loop3A_1205 : i32 to index
      %parallel_loop3A_1207 = arith.index_cast %parallel_loop3A_1108 : i32 to index
      %parallel_loop3A_1208 = tpu.vector_load %arg12[%parallel_loop3A_1206, %parallel_loop3A_1207] {strides = array<i32>} : memref<32x512xf32, #tpu.memory_space<vmem>>, vector<16xf32>,
      %parallel_loop3A_1209 = arith.subf %parallel_loop3A_1208, %parallel_loop3A_1204 : vector<16xf32>
      %parallel_loop3A_1210 = arith.mulf %parallel_loop3A_1209, %parallel_loop3A_1209 : vector<16xf32>
      %parallel_loop3A_1211 = arith.addf %parallel_loop3A_1200, %parallel_loop3A_1210 : vector<16xf32>
      %parallel_loop3A_1212 = arith.constant 9 : i32
      %parallel_loop3A_1213 = vector.broadcast %parallel_loop3A_1212 : i32 to vector<16xi32>
      %parallel_loop3A_1214 = arith.addi %parallel_loop3A_1112, %parallel_loop3A_1213 : vector<16xi32>
      %parallel_loop3A_1215 = tpu.vector_load_idx %arg11[%parallel_loop3A_1110, %parallel_loop3A_1214] : memref<512x128xf32, #tpu.memory_space<vmem>>[vector<16xi32>, vector<16xi32>], vector<16xf32>,
      %parallel_loop3A_1216 = arith.constant 9 : i32
      %parallel_loop3A_1217 = arith.index_cast %parallel_loop3A_1216 : i32 to index
      %parallel_loop3A_1218 = arith.index_cast %parallel_loop3A_1108 : i32 to index
      %parallel_loop3A_1219 = tpu.vector_load %arg12[%parallel_loop3A_1217, %parallel_loop3A_1218] {strides = array<i32>} : memref<32x512xf32, #tpu.memory_space<vmem>>, vector<16xf32>,
      %parallel_loop3A_1220 = arith.subf %parallel_loop3A_1219, %parallel_loop3A_1215 : vector<16xf32>
      %parallel_loop3A_1221 = arith.mulf %parallel_loop3A_1220, %parallel_loop3A_1220 : vector<16xf32>
      %parallel_loop3A_1222 = arith.addf %parallel_loop3A_1211, %parallel_loop3A_1221 : vector<16xf32>
      %parallel_loop3A_1223 = arith.constant 10 : i32
      %parallel_loop3A_1224 = vector.broadcast %parallel_loop3A_1223 : i32 to vector<16xi32>
      %parallel_loop3A_1225 = arith.addi %parallel_loop3A_1112, %parallel_loop3A_1224 : vector<16xi32>
      %parallel_loop3A_1226 = tpu.vector_load_idx %arg11[%parallel_loop3A_1110, %parallel_loop3A_1225] : memref<512x128xf32, #tpu.memory_space<vmem>>[vector<16xi32>, vector<16xi32>], vector<16xf32>,
      %parallel_loop3A_1227 = arith.constant 10 : i32
      %parallel_loop3A_1228 = arith.index_cast %parallel_loop3A_1227 : i32 to index
      %parallel_loop3A_1229 = arith.index_cast %parallel_loop3A_1108 : i32 to index
      %parallel_loop3A_1230 = tpu.vector_load %arg12[%parallel_loop3A_1228, %parallel_loop3A_1229] {strides = array<i32>} : memref<32x512xf32, #tpu.memory_space<vmem>>, vector<16xf32>,
      %parallel_loop3A_1231 = arith.subf %parallel_loop3A_1230, %parallel_loop3A_1226 : vector<16xf32>
      %parallel_loop3A_1232 = arith.mulf %parallel_loop3A_1231, %parallel_loop3A_1231 : vector<16xf32>
      %parallel_loop3A_1233 = arith.addf %parallel_loop3A_1222, %parallel_loop3A_1232 : vector<16xf32>
      %parallel_loop3A_1234 = arith.constant 11 : i32
      %parallel_loop3A_1235 = vector.broadcast %parallel_loop3A_1234 : i32 to vector<16xi32>
      %parallel_loop3A_1236 = arith.addi %parallel_loop3A_1112, %parallel_loop3A_1235 : vector<16xi32>
      %parallel_loop3A_1237 = tpu.vector_load_idx %arg11[%parallel_loop3A_1110, %parallel_loop3A_1236] : memref<512x128xf32, #tpu.memory_space<vmem>>[vector<16xi32>, vector<16xi32>], vector<16xf32>,
      %parallel_loop3A_1238 = arith.constant 11 : i32
      %parallel_loop3A_1239 = arith.index_cast %parallel_loop3A_1238 : i32 to index
      %parallel_loop3A_1240 = arith.index_cast %parallel_loop3A_1108 : i32 to index
      %parallel_loop3A_1241 = tpu.vector_load %arg12[%parallel_loop3A_1239, %parallel_loop3A_1240] {strides = array<i32>} : memref<32x512xf32, #tpu.memory_space<vmem>>, vector<16xf32>,
      %parallel_loop3A_1242 = arith.subf %parallel_loop3A_1241, %parallel_loop3A_1237 : vector<16xf32>
      %parallel_loop3A_1243 = arith.mulf %parallel_loop3A_1242, %parallel_loop3A_1242 : vector<16xf32>
      %parallel_loop3A_1244 = arith.addf %parallel_loop3A_1233, %parallel_loop3A_1243 : vector<16xf32>
      %parallel_loop3A_1245 = arith.constant 12 : i32
      %parallel_loop3A_1246 = vector.broadcast %parallel_loop3A_1245 : i32 to vector<16xi32>
      %parallel_loop3A_1247 = arith.addi %parallel_loop3A_1112, %parallel_loop3A_1246 : vector<16xi32>
      %parallel_loop3A_1248 = tpu.vector_load_idx %arg11[%parallel_loop3A_1110, %parallel_loop3A_1247] : memref<512x128xf32, #tpu.memory_space<vmem>>[vector<16xi32>, vector<16xi32>], vector<16xf32>,
      %parallel_loop3A_1249 = arith.constant 12 : i32
      %parallel_loop3A_1250 = arith.index_cast %parallel_loop3A_1249 : i32 to index
      %parallel_loop3A_1251 = arith.index_cast %parallel_loop3A_1108 : i32 to index
      %parallel_loop3A_1252 = tpu.vector_load %arg12[%parallel_loop3A_1250, %parallel_loop3A_1251] {strides = array<i32>} : memref<32x512xf32, #tpu.memory_space<vmem>>, vector<16xf32>,
      %parallel_loop3A_1253 = arith.subf %parallel_loop3A_1252, %parallel_loop3A_1248 : vector<16xf32>
      %parallel_loop3A_1254 = arith.mulf %parallel_loop3A_1253, %parallel_loop3A_1253 : vector<16xf32>
      %parallel_loop3A_1255 = arith.addf %parallel_loop3A_1244, %parallel_loop3A_1254 : vector<16xf32>
      %parallel_loop3A_1256 = arith.constant 13 : i32
      %parallel_loop3A_1257 = vector.broadcast %parallel_loop3A_1256 : i32 to vector<16xi32>
      %parallel_loop3A_1258 = arith.addi %parallel_loop3A_1112, %parallel_loop3A_1257 : vector<16xi32>
      %parallel_loop3A_1259 = tpu.vector_load_idx %arg11[%parallel_loop3A_1110, %parallel_loop3A_1258] : memref<512x128xf32, #tpu.memory_space<vmem>>[vector<16xi32>, vector<16xi32>], vector<16xf32>,
      %parallel_loop3A_1260 = arith.constant 13 : i32
      %parallel_loop3A_1261 = arith.index_cast %parallel_loop3A_1260 : i32 to index
      %parallel_loop3A_1262 = arith.index_cast %parallel_loop3A_1108 : i32 to index
      %parallel_loop3A_1263 = tpu.vector_load %arg12[%parallel_loop3A_1261, %parallel_loop3A_1262] {strides = array<i32>} : memref<32x512xf32, #tpu.memory_space<vmem>>, vector<16xf32>,
      %parallel_loop3A_1264 = arith.subf %parallel_loop3A_1263, %parallel_loop3A_1259 : vector<16xf32>
      %parallel_loop3A_1265 = arith.mulf %parallel_loop3A_1264, %parallel_loop3A_1264 : vector<16xf32>
      %parallel_loop3A_1266 = arith.addf %parallel_loop3A_1255, %parallel_loop3A_1265 : vector<16xf32>
      %parallel_loop3A_1267 = arith.constant 14 : i32
      %parallel_loop3A_1268 = vector.broadcast %parallel_loop3A_1267 : i32 to vector<16xi32>
      %parallel_loop3A_1269 = arith.addi %parallel_loop3A_1112, %parallel_loop3A_1268 : vector<16xi32>
      %parallel_loop3A_1270 = tpu.vector_load_idx %arg11[%parallel_loop3A_1110, %parallel_loop3A_1269] : memref<512x128xf32, #tpu.memory_space<vmem>>[vector<16xi32>, vector<16xi32>], vector<16xf32>,
      %parallel_loop3A_1271 = arith.constant 14 : i32
      %parallel_loop3A_1272 = arith.index_cast %parallel_loop3A_1271 : i32 to index
      %parallel_loop3A_1273 = arith.index_cast %parallel_loop3A_1108 : i32 to index
      %parallel_loop3A_1274 = tpu.vector_load %arg12[%parallel_loop3A_1272, %parallel_loop3A_1273] {strides = array<i32>} : memref<32x512xf32, #tpu.memory_space<vmem>>, vector<16xf32>,
      %parallel_loop3A_1275 = arith.subf %parallel_loop3A_1274, %parallel_loop3A_1270 : vector<16xf32>
      %parallel_loop3A_1276 = arith.mulf %parallel_loop3A_1275, %parallel_loop3A_1275 : vector<16xf32>
      %parallel_loop3A_1277 = arith.addf %parallel_loop3A_1266, %parallel_loop3A_1276 : vector<16xf32>
      %parallel_loop3A_1278 = arith.constant 15 : i32
      %parallel_loop3A_1279 = vector.broadcast %parallel_loop3A_1278 : i32 to vector<16xi32>
      %parallel_loop3A_1280 = arith.addi %parallel_loop3A_1112, %parallel_loop3A_1279 : vector<16xi32>
      %parallel_loop3A_1281 = tpu.vector_load_idx %arg11[%parallel_loop3A_1110, %parallel_loop3A_1280] : memref<512x128xf32, #tpu.memory_space<vmem>>[vector<16xi32>, vector<16xi32>], vector<16xf32>,
      %parallel_loop3A_1282 = arith.constant 15 : i32
      %parallel_loop3A_1283 = arith.index_cast %parallel_loop3A_1282 : i32 to index
      %parallel_loop3A_1284 = arith.index_cast %parallel_loop3A_1108 : i32 to index
      %parallel_loop3A_1285 = tpu.vector_load %arg12[%parallel_loop3A_1283, %parallel_loop3A_1284] {strides = array<i32>} : memref<32x512xf32, #tpu.memory_space<vmem>>, vector<16xf32>,
      %parallel_loop3A_1286 = arith.subf %parallel_loop3A_1285, %parallel_loop3A_1281 : vector<16xf32>
      %parallel_loop3A_1287 = arith.mulf %parallel_loop3A_1286, %parallel_loop3A_1286 : vector<16xf32>
      %parallel_loop3A_1288 = arith.addf %parallel_loop3A_1277, %parallel_loop3A_1287 : vector<16xf32>
      %parallel_loop3A_1289 = arith.constant 16 : i32
      %parallel_loop3A_1290 = vector.broadcast %parallel_loop3A_1289 : i32 to vector<16xi32>
      %parallel_loop3A_1291 = arith.addi %parallel_loop3A_1112, %parallel_loop3A_1290 : vector<16xi32>
      %parallel_loop3A_1292 = tpu.vector_load_idx %arg11[%parallel_loop3A_1110, %parallel_loop3A_1291] : memref<512x128xf32, #tpu.memory_space<vmem>>[vector<16xi32>, vector<16xi32>], vector<16xf32>,
      %parallel_loop3A_1293 = arith.constant 16 : i32
      %parallel_loop3A_1294 = arith.index_cast %parallel_loop3A_1293 : i32 to index
      %parallel_loop3A_1295 = arith.index_cast %parallel_loop3A_1108 : i32 to index
      %parallel_loop3A_1296 = tpu.vector_load %arg12[%parallel_loop3A_1294, %parallel_loop3A_1295] {strides = array<i32>} : memref<32x512xf32, #tpu.memory_space<vmem>>, vector<16xf32>,
      %parallel_loop3A_1297 = arith.subf %parallel_loop3A_1296, %parallel_loop3A_1292 : vector<16xf32>
      %parallel_loop3A_1298 = arith.mulf %parallel_loop3A_1297, %parallel_loop3A_1297 : vector<16xf32>
      %parallel_loop3A_1299 = arith.addf %parallel_loop3A_1288, %parallel_loop3A_1298 : vector<16xf32>
      %parallel_loop3A_1300 = arith.constant 17 : i32
      %parallel_loop3A_1301 = vector.broadcast %parallel_loop3A_1300 : i32 to vector<16xi32>
      %parallel_loop3A_1302 = arith.addi %parallel_loop3A_1112, %parallel_loop3A_1301 : vector<16xi32>
      %parallel_loop3A_1303 = tpu.vector_load_idx %arg11[%parallel_loop3A_1110, %parallel_loop3A_1302] : memref<512x128xf32, #tpu.memory_space<vmem>>[vector<16xi32>, vector<16xi32>], vector<16xf32>,
      %parallel_loop3A_1304 = arith.constant 17 : i32
      %parallel_loop3A_1305 = arith.index_cast %parallel_loop3A_1304 : i32 to index
      %parallel_loop3A_1306 = arith.index_cast %parallel_loop3A_1108 : i32 to index
      %parallel_loop3A_1307 = tpu.vector_load %arg12[%parallel_loop3A_1305, %parallel_loop3A_1306] {strides = array<i32>} : memref<32x512xf32, #tpu.memory_space<vmem>>, vector<16xf32>,
      %parallel_loop3A_1308 = arith.subf %parallel_loop3A_1307, %parallel_loop3A_1303 : vector<16xf32>
      %parallel_loop3A_1309 = arith.mulf %parallel_loop3A_1308, %parallel_loop3A_1308 : vector<16xf32>
      %parallel_loop3A_1310 = arith.addf %parallel_loop3A_1299, %parallel_loop3A_1309 : vector<16xf32>
      %parallel_loop3A_1311 = arith.constant 18 : i32
      %parallel_loop3A_1312 = vector.broadcast %parallel_loop3A_1311 : i32 to vector<16xi32>
      %parallel_loop3A_1313 = arith.addi %parallel_loop3A_1112, %parallel_loop3A_1312 : vector<16xi32>
      %parallel_loop3A_1314 = tpu.vector_load_idx %arg11[%parallel_loop3A_1110, %parallel_loop3A_1313] : memref<512x128xf32, #tpu.memory_space<vmem>>[vector<16xi32>, vector<16xi32>], vector<16xf32>,
      %parallel_loop3A_1315 = arith.constant 18 : i32
      %parallel_loop3A_1316 = arith.index_cast %parallel_loop3A_1315 : i32 to index
      %parallel_loop3A_1317 = arith.index_cast %parallel_loop3A_1108 : i32 to index
      %parallel_loop3A_1318 = tpu.vector_load %arg12[%parallel_loop3A_1316, %parallel_loop3A_1317] {strides = array<i32>} : memref<32x512xf32, #tpu.memory_space<vmem>>, vector<16xf32>,
      %parallel_loop3A_1319 = arith.subf %parallel_loop3A_1318, %parallel_loop3A_1314 : vector<16xf32>
      %parallel_loop3A_1320 = arith.mulf %parallel_loop3A_1319, %parallel_loop3A_1319 : vector<16xf32>
      %parallel_loop3A_1321 = arith.addf %parallel_loop3A_1310, %parallel_loop3A_1320 : vector<16xf32>
      %parallel_loop3A_1322 = arith.constant 19 : i32
      %parallel_loop3A_1323 = vector.broadcast %parallel_loop3A_1322 : i32 to vector<16xi32>
      %parallel_loop3A_1324 = arith.addi %parallel_loop3A_1112, %parallel_loop3A_1323 : vector<16xi32>
      %parallel_loop3A_1325 = tpu.vector_load_idx %arg11[%parallel_loop3A_1110, %parallel_loop3A_1324] : memref<512x128xf32, #tpu.memory_space<vmem>>[vector<16xi32>, vector<16xi32>], vector<16xf32>,
      %parallel_loop3A_1326 = arith.constant 19 : i32
      %parallel_loop3A_1327 = arith.index_cast %parallel_loop3A_1326 : i32 to index
      %parallel_loop3A_1328 = arith.index_cast %parallel_loop3A_1108 : i32 to index
      %parallel_loop3A_1329 = tpu.vector_load %arg12[%parallel_loop3A_1327, %parallel_loop3A_1328] {strides = array<i32>} : memref<32x512xf32, #tpu.memory_space<vmem>>, vector<16xf32>,
      %parallel_loop3A_1330 = arith.subf %parallel_loop3A_1329, %parallel_loop3A_1325 : vector<16xf32>
      %parallel_loop3A_1331 = arith.mulf %parallel_loop3A_1330, %parallel_loop3A_1330 : vector<16xf32>
      %parallel_loop3A_1332 = arith.addf %parallel_loop3A_1321, %parallel_loop3A_1331 : vector<16xf32>
      %parallel_loop3A_1333 = arith.constant 20 : i32
      %parallel_loop3A_1334 = vector.broadcast %parallel_loop3A_1333 : i32 to vector<16xi32>
      %parallel_loop3A_1335 = arith.addi %parallel_loop3A_1112, %parallel_loop3A_1334 : vector<16xi32>
      %parallel_loop3A_1336 = tpu.vector_load_idx %arg11[%parallel_loop3A_1110, %parallel_loop3A_1335] : memref<512x128xf32, #tpu.memory_space<vmem>>[vector<16xi32>, vector<16xi32>], vector<16xf32>,
      %parallel_loop3A_1337 = arith.constant 20 : i32
      %parallel_loop3A_1338 = arith.index_cast %parallel_loop3A_1337 : i32 to index
      %parallel_loop3A_1339 = arith.index_cast %parallel_loop3A_1108 : i32 to index
      %parallel_loop3A_1340 = tpu.vector_load %arg12[%parallel_loop3A_1338, %parallel_loop3A_1339] {strides = array<i32>} : memref<32x512xf32, #tpu.memory_space<vmem>>, vector<16xf32>,
      %parallel_loop3A_1341 = arith.subf %parallel_loop3A_1340, %parallel_loop3A_1336 : vector<16xf32>
      %parallel_loop3A_1342 = arith.mulf %parallel_loop3A_1341, %parallel_loop3A_1341 : vector<16xf32>
      %parallel_loop3A_1343 = arith.addf %parallel_loop3A_1332, %parallel_loop3A_1342 : vector<16xf32>
      %parallel_loop3A_1344 = arith.constant 21 : i32
      %parallel_loop3A_1345 = vector.broadcast %parallel_loop3A_1344 : i32 to vector<16xi32>
      %parallel_loop3A_1346 = arith.addi %parallel_loop3A_1112, %parallel_loop3A_1345 : vector<16xi32>
      %parallel_loop3A_1347 = tpu.vector_load_idx %arg11[%parallel_loop3A_1110, %parallel_loop3A_1346] : memref<512x128xf32, #tpu.memory_space<vmem>>[vector<16xi32>, vector<16xi32>], vector<16xf32>,
      %parallel_loop3A_1348 = arith.constant 21 : i32
      %parallel_loop3A_1349 = arith.index_cast %parallel_loop3A_1348 : i32 to index
      %parallel_loop3A_1350 = arith.index_cast %parallel_loop3A_1108 : i32 to index
      %parallel_loop3A_1351 = tpu.vector_load %arg12[%parallel_loop3A_1349, %parallel_loop3A_1350] {strides = array<i32>} : memref<32x512xf32, #tpu.memory_space<vmem>>, vector<16xf32>,
      %parallel_loop3A_1352 = arith.subf %parallel_loop3A_1351, %parallel_loop3A_1347 : vector<16xf32>
      %parallel_loop3A_1353 = arith.mulf %parallel_loop3A_1352, %parallel_loop3A_1352 : vector<16xf32>
      %parallel_loop3A_1354 = arith.addf %parallel_loop3A_1343, %parallel_loop3A_1353 : vector<16xf32>
      %parallel_loop3A_1355 = arith.constant 22 : i32
      %parallel_loop3A_1356 = vector.broadcast %parallel_loop3A_1355 : i32 to vector<16xi32>
      %parallel_loop3A_1357 = arith.addi %parallel_loop3A_1112, %parallel_loop3A_1356 : vector<16xi32>
      %parallel_loop3A_1358 = tpu.vector_load_idx %arg11[%parallel_loop3A_1110, %parallel_loop3A_1357] : memref<512x128xf32, #tpu.memory_space<vmem>>[vector<16xi32>, vector<16xi32>], vector<16xf32>,
      %parallel_loop3A_1359 = arith.constant 22 : i32
      %parallel_loop3A_1360 = arith.index_cast %parallel_loop3A_1359 : i32 to index
      %parallel_loop3A_1361 = arith.index_cast %parallel_loop3A_1108 : i32 to index
      %parallel_loop3A_1362 = tpu.vector_load %arg12[%parallel_loop3A_1360, %parallel_loop3A_1361] {strides = array<i32>} : memref<32x512xf32, #tpu.memory_space<vmem>>, vector<16xf32>,
      %parallel_loop3A_1363 = arith.subf %parallel_loop3A_1362, %parallel_loop3A_1358 : vector<16xf32>
      %parallel_loop3A_1364 = arith.mulf %parallel_loop3A_1363, %parallel_loop3A_1363 : vector<16xf32>
      %parallel_loop3A_1365 = arith.addf %parallel_loop3A_1354, %parallel_loop3A_1364 : vector<16xf32>
      %parallel_loop3A_1366 = arith.constant 23 : i32
      %parallel_loop3A_1367 = vector.broadcast %parallel_loop3A_1366 : i32 to vector<16xi32>
      %parallel_loop3A_1368 = arith.addi %parallel_loop3A_1112, %parallel_loop3A_1367 : vector<16xi32>
      %parallel_loop3A_1369 = tpu.vector_load_idx %arg11[%parallel_loop3A_1110, %parallel_loop3A_1368] : memref<512x128xf32, #tpu.memory_space<vmem>>[vector<16xi32>, vector<16xi32>], vector<16xf32>,
      %parallel_loop3A_1370 = arith.constant 23 : i32
      %parallel_loop3A_1371 = arith.index_cast %parallel_loop3A_1370 : i32 to index
      %parallel_loop3A_1372 = arith.index_cast %parallel_loop3A_1108 : i32 to index
      %parallel_loop3A_1373 = tpu.vector_load %arg12[%parallel_loop3A_1371, %parallel_loop3A_1372] {strides = array<i32>} : memref<32x512xf32, #tpu.memory_space<vmem>>, vector<16xf32>,
      %parallel_loop3A_1374 = arith.subf %parallel_loop3A_1373, %parallel_loop3A_1369 : vector<16xf32>
      %parallel_loop3A_1375 = arith.mulf %parallel_loop3A_1374, %parallel_loop3A_1374 : vector<16xf32>
      %parallel_loop3A_1376 = arith.addf %parallel_loop3A_1365, %parallel_loop3A_1375 : vector<16xf32>
      %parallel_loop3A_1377 = arith.constant 24 : i32
      %parallel_loop3A_1378 = vector.broadcast %parallel_loop3A_1377 : i32 to vector<16xi32>
      %parallel_loop3A_1379 = arith.addi %parallel_loop3A_1112, %parallel_loop3A_1378 : vector<16xi32>
      %parallel_loop3A_1380 = tpu.vector_load_idx %arg11[%parallel_loop3A_1110, %parallel_loop3A_1379] : memref<512x128xf32, #tpu.memory_space<vmem>>[vector<16xi32>, vector<16xi32>], vector<16xf32>,
      %parallel_loop3A_1381 = arith.constant 24 : i32
      %parallel_loop3A_1382 = arith.index_cast %parallel_loop3A_1381 : i32 to index
      %parallel_loop3A_1383 = arith.index_cast %parallel_loop3A_1108 : i32 to index
      %parallel_loop3A_1384 = tpu.vector_load %arg12[%parallel_loop3A_1382, %parallel_loop3A_1383] {strides = array<i32>} : memref<32x512xf32, #tpu.memory_space<vmem>>, vector<16xf32>,
      %parallel_loop3A_1385 = arith.subf %parallel_loop3A_1384, %parallel_loop3A_1380 : vector<16xf32>
      %parallel_loop3A_1386 = arith.mulf %parallel_loop3A_1385, %parallel_loop3A_1385 : vector<16xf32>
      %parallel_loop3A_1387 = arith.addf %parallel_loop3A_1376, %parallel_loop3A_1386 : vector<16xf32>
      %parallel_loop3A_1388 = arith.constant 25 : i32
      %parallel_loop3A_1389 = vector.broadcast %parallel_loop3A_1388 : i32 to vector<16xi32>
      %parallel_loop3A_1390 = arith.addi %parallel_loop3A_1112, %parallel_loop3A_1389 : vector<16xi32>
      %parallel_loop3A_1391 = tpu.vector_load_idx %arg11[%parallel_loop3A_1110, %parallel_loop3A_1390] : memref<512x128xf32, #tpu.memory_space<vmem>>[vector<16xi32>, vector<16xi32>], vector<16xf32>,
      %parallel_loop3A_1392 = arith.constant 25 : i32
      %parallel_loop3A_1393 = arith.index_cast %parallel_loop3A_1392 : i32 to index
      %parallel_loop3A_1394 = arith.index_cast %parallel_loop3A_1108 : i32 to index
      %parallel_loop3A_1395 = tpu.vector_load %arg12[%parallel_loop3A_1393, %parallel_loop3A_1394] {strides = array<i32>} : memref<32x512xf32, #tpu.memory_space<vmem>>, vector<16xf32>,
      %parallel_loop3A_1396 = arith.subf %parallel_loop3A_1395, %parallel_loop3A_1391 : vector<16xf32>
      %parallel_loop3A_1397 = arith.mulf %parallel_loop3A_1396, %parallel_loop3A_1396 : vector<16xf32>
      %parallel_loop3A_1398 = arith.addf %parallel_loop3A_1387, %parallel_loop3A_1397 : vector<16xf32>
      %parallel_loop3A_1399 = arith.constant 26 : i32
      %parallel_loop3A_1400 = vector.broadcast %parallel_loop3A_1399 : i32 to vector<16xi32>
      %parallel_loop3A_1401 = arith.addi %parallel_loop3A_1112, %parallel_loop3A_1400 : vector<16xi32>
      %parallel_loop3A_1402 = tpu.vector_load_idx %arg11[%parallel_loop3A_1110, %parallel_loop3A_1401] : memref<512x128xf32, #tpu.memory_space<vmem>>[vector<16xi32>, vector<16xi32>], vector<16xf32>,
      %parallel_loop3A_1403 = arith.constant 26 : i32
      %parallel_loop3A_1404 = arith.index_cast %parallel_loop3A_1403 : i32 to index
      %parallel_loop3A_1405 = arith.index_cast %parallel_loop3A_1108 : i32 to index
      %parallel_loop3A_1406 = tpu.vector_load %arg12[%parallel_loop3A_1404, %parallel_loop3A_1405] {strides = array<i32>} : memref<32x512xf32, #tpu.memory_space<vmem>>, vector<16xf32>,
      %parallel_loop3A_1407 = arith.subf %parallel_loop3A_1406, %parallel_loop3A_1402 : vector<16xf32>
      %parallel_loop3A_1408 = arith.mulf %parallel_loop3A_1407, %parallel_loop3A_1407 : vector<16xf32>
      %parallel_loop3A_1409 = arith.addf %parallel_loop3A_1398, %parallel_loop3A_1408 : vector<16xf32>
      %parallel_loop3A_1410 = arith.constant 27 : i32
      %parallel_loop3A_1411 = vector.broadcast %parallel_loop3A_1410 : i32 to vector<16xi32>
      %parallel_loop3A_1412 = arith.addi %parallel_loop3A_1112, %parallel_loop3A_1411 : vector<16xi32>
      %parallel_loop3A_1413 = tpu.vector_load_idx %arg11[%parallel_loop3A_1110, %parallel_loop3A_1412] : memref<512x128xf32, #tpu.memory_space<vmem>>[vector<16xi32>, vector<16xi32>], vector<16xf32>,
      %parallel_loop3A_1414 = arith.constant 27 : i32
      %parallel_loop3A_1415 = arith.index_cast %parallel_loop3A_1414 : i32 to index
      %parallel_loop3A_1416 = arith.index_cast %parallel_loop3A_1108 : i32 to index
      %parallel_loop3A_1417 = tpu.vector_load %arg12[%parallel_loop3A_1415, %parallel_loop3A_1416] {strides = array<i32>} : memref<32x512xf32, #tpu.memory_space<vmem>>, vector<16xf32>,
      %parallel_loop3A_1418 = arith.subf %parallel_loop3A_1417, %parallel_loop3A_1413 : vector<16xf32>
      %parallel_loop3A_1419 = arith.mulf %parallel_loop3A_1418, %parallel_loop3A_1418 : vector<16xf32>
      %parallel_loop3A_1420 = arith.addf %parallel_loop3A_1409, %parallel_loop3A_1419 : vector<16xf32>
      %parallel_loop3A_1421 = arith.constant 28 : i32
      %parallel_loop3A_1422 = vector.broadcast %parallel_loop3A_1421 : i32 to vector<16xi32>
      %parallel_loop3A_1423 = arith.addi %parallel_loop3A_1112, %parallel_loop3A_1422 : vector<16xi32>
      %parallel_loop3A_1424 = tpu.vector_load_idx %arg11[%parallel_loop3A_1110, %parallel_loop3A_1423] : memref<512x128xf32, #tpu.memory_space<vmem>>[vector<16xi32>, vector<16xi32>], vector<16xf32>,
      %parallel_loop3A_1425 = arith.constant 28 : i32
      %parallel_loop3A_1426 = arith.index_cast %parallel_loop3A_1425 : i32 to index
      %parallel_loop3A_1427 = arith.index_cast %parallel_loop3A_1108 : i32 to index
      %parallel_loop3A_1428 = tpu.vector_load %arg12[%parallel_loop3A_1426, %parallel_loop3A_1427] {strides = array<i32>} : memref<32x512xf32, #tpu.memory_space<vmem>>, vector<16xf32>,
      %parallel_loop3A_1429 = arith.subf %parallel_loop3A_1428, %parallel_loop3A_1424 : vector<16xf32>
      %parallel_loop3A_1430 = arith.mulf %parallel_loop3A_1429, %parallel_loop3A_1429 : vector<16xf32>
      %parallel_loop3A_1431 = arith.addf %parallel_loop3A_1420, %parallel_loop3A_1430 : vector<16xf32>
      %parallel_loop3A_1432 = arith.constant 29 : i32
      %parallel_loop3A_1433 = vector.broadcast %parallel_loop3A_1432 : i32 to vector<16xi32>
      %parallel_loop3A_1434 = arith.addi %parallel_loop3A_1112, %parallel_loop3A_1433 : vector<16xi32>
      %parallel_loop3A_1435 = tpu.vector_load_idx %arg11[%parallel_loop3A_1110, %parallel_loop3A_1434] : memref<512x128xf32, #tpu.memory_space<vmem>>[vector<16xi32>, vector<16xi32>], vector<16xf32>,
      %parallel_loop3A_1436 = arith.constant 29 : i32
      %parallel_loop3A_1437 = arith.index_cast %parallel_loop3A_1436 : i32 to index
      %parallel_loop3A_1438 = arith.index_cast %parallel_loop3A_1108 : i32 to index
      %parallel_loop3A_1439 = tpu.vector_load %arg12[%parallel_loop3A_1437, %parallel_loop3A_1438] {strides = array<i32>} : memref<32x512xf32, #tpu.memory_space<vmem>>, vector<16xf32>,
      %parallel_loop3A_1440 = arith.subf %parallel_loop3A_1439, %parallel_loop3A_1435 : vector<16xf32>
      %parallel_loop3A_1441 = arith.mulf %parallel_loop3A_1440, %parallel_loop3A_1440 : vector<16xf32>
      %parallel_loop3A_1442 = arith.addf %parallel_loop3A_1431, %parallel_loop3A_1441 : vector<16xf32>
      %parallel_loop3A_1443 = arith.constant 30 : i32
      %parallel_loop3A_1444 = vector.broadcast %parallel_loop3A_1443 : i32 to vector<16xi32>
      %parallel_loop3A_1445 = arith.addi %parallel_loop3A_1112, %parallel_loop3A_1444 : vector<16xi32>
      %parallel_loop3A_1446 = tpu.vector_load_idx %arg11[%parallel_loop3A_1110, %parallel_loop3A_1445] : memref<512x128xf32, #tpu.memory_space<vmem>>[vector<16xi32>, vector<16xi32>], vector<16xf32>,
      %parallel_loop3A_1447 = arith.constant 30 : i32
      %parallel_loop3A_1448 = arith.index_cast %parallel_loop3A_1447 : i32 to index
      %parallel_loop3A_1449 = arith.index_cast %parallel_loop3A_1108 : i32 to index
      %parallel_loop3A_1450 = tpu.vector_load %arg12[%parallel_loop3A_1448, %parallel_loop3A_1449] {strides = array<i32>} : memref<32x512xf32, #tpu.memory_space<vmem>>, vector<16xf32>,
      %parallel_loop3A_1451 = arith.subf %parallel_loop3A_1450, %parallel_loop3A_1446 : vector<16xf32>
      %parallel_loop3A_1452 = arith.mulf %parallel_loop3A_1451, %parallel_loop3A_1451 : vector<16xf32>
      %parallel_loop3A_1453 = arith.addf %parallel_loop3A_1442, %parallel_loop3A_1452 : vector<16xf32>
      %parallel_loop3A_1454 = arith.constant 31 : i32
      %parallel_loop3A_1455 = vector.broadcast %parallel_loop3A_1454 : i32 to vector<16xi32>
      %parallel_loop3A_1456 = arith.addi %parallel_loop3A_1112, %parallel_loop3A_1455 : vector<16xi32>
      %parallel_loop3A_1457 = tpu.vector_load_idx %arg11[%parallel_loop3A_1110, %parallel_loop3A_1456] : memref<512x128xf32, #tpu.memory_space<vmem>>[vector<16xi32>, vector<16xi32>], vector<16xf32>,
      %parallel_loop3A_1458 = arith.constant 31 : i32
      %parallel_loop3A_1459 = arith.index_cast %parallel_loop3A_1458 : i32 to index
      %parallel_loop3A_1460 = arith.index_cast %parallel_loop3A_1108 : i32 to index
      %parallel_loop3A_1461 = tpu.vector_load %arg12[%parallel_loop3A_1459, %parallel_loop3A_1460] {strides = array<i32>} : memref<32x512xf32, #tpu.memory_space<vmem>>, vector<16xf32>,
      %parallel_loop3A_1462 = arith.subf %parallel_loop3A_1461, %parallel_loop3A_1457 : vector<16xf32>
      %parallel_loop3A_1463 = arith.mulf %parallel_loop3A_1462, %parallel_loop3A_1462 : vector<16xf32>
      %parallel_loop3A_1464 = arith.addf %parallel_loop3A_1453, %parallel_loop3A_1463 : vector<16xf32>
      scf.yield %parallel_loop3A_1464 : vector<16xf32>
    } {sc.loop_unroll_factor = 2 : i64, sc.parallel_access}
    %swap3A_1103 = arith.constant 0 : index
    %swap3A_1104 = tpu.vector_load %arg13[%swap3A_1103] {strides = array<i32>} : memref<16xf32, #tpu.memory_space<vmem>>, vector<16xf32>,
    tpu.vector_store %arg13[%swap3A_1103], %parallel_loop3A_1102 {strides = array<i32>} : memref<16xf32, #tpu.memory_space<vmem>>, vector<16xf32>,
    "tpu.region"() ({
      %run_scoped3A = tpu.sem_alloc : memref<!tpu.dma_semaphore, #tpu.memory_space<semaphore_mem>>
      %dma_start3A_1105 = arith.constant 0 : i32
      %dma_start3A_1106 = tpu.memref_slice %arg6[%add3A, %dma_start3A_1105] : memref<32x16xf32, #tpu.memory_space<hbm>> -> memref<1x16xf32, #tpu.memory_space<hbm>>
      %dma_start3A_1107 = tpu.memref_squeeze %dma_start3A_1106 : memref<1x16xf32, #tpu.memory_space<hbm>> -> memref<16xf32, #tpu.memory_space<hbm>>
      %dma_start3A_1108 = arith.constant 0 : i32
      %dma_start3A_1109 = tpu.memref_slice %arg6[%add3A, %dma_start3A_1108] : memref<32x16xf32, #tpu.memory_space<hbm>> -> memref<1x16xf32, #tpu.memory_space<hbm>>
      %dma_start3A_1110 = tpu.memref_squeeze %dma_start3A_1109 : memref<1x16xf32, #tpu.memory_space<hbm>> -> memref<16xf32, #tpu.memory_space<hbm>>
      tpu.enqueue_dma source(%arg13 : memref<16xf32, #tpu.memory_space<vmem>>) target(%dma_start3A_1110 : memref<16xf32, #tpu.memory_space<hbm>>) target_semaphore(%run_scoped3A : memref<!tpu.dma_semaphore, #tpu.memory_space<semaphore_mem>>)
      %dma_wait3A_1111 = arith.constant 0 : i32
      %dma_wait3A_1112 = tpu.memref_slice %arg6[%add3A, %dma_wait3A_1111] : memref<32x16xf32, #tpu.memory_space<hbm>> -> memref<1x16xf32, #tpu.memory_space<hbm>>
      %dma_wait3A_1113 = tpu.memref_squeeze %dma_wait3A_1112 : memref<1x16xf32, #tpu.memory_space<hbm>> -> memref<16xf32, #tpu.memory_space<hbm>>
      %dma_wait3A_1114 = arith.constant 0 : i32
      %dma_wait3A_1115 = tpu.memref_slice %arg6[%add3A, %dma_wait3A_1114] : memref<32x16xf32, #tpu.memory_space<hbm>> -> memref<1x16xf32, #tpu.memory_space<hbm>>
      %dma_wait3A_1116 = tpu.memref_squeeze %dma_wait3A_1115 : memref<1x16xf32, #tpu.memory_space<hbm>> -> memref<16xf32, #tpu.memory_space<hbm>>
      tpu.wait_dma2 semaphore(%run_scoped3A : memref<!tpu.dma_semaphore, #tpu.memory_space<semaphore_mem>>) src(%arg13 : memref<16xf32, #tpu.memory_space<vmem>>) dst(%dma_wait3A_1116 : memref<16xf32, #tpu.memory_space<hbm>>)
      tpu.yield
    }) : () -> ()
    return
  }
}

#map = affine_map<(d0, d1) -> (0, 0)>
module attributes {stable_mosaic.version = 14 : i64} {
  func.func @k(%arg0: i32, %arg1: i32, %arg2: memref<32x1000000xf32, #tpu.memory_space<hbm>>, %arg3: memref<131072x128xf32, #tpu.memory_space<hbm>>, %arg4: memref<32x512xf32, #tpu.memory_space<vmem>>, %arg5: memref<32x512xf32, #tpu.memory_space<vmem>>, %arg6: memref<128x128xf32, #tpu.memory_space<vmem>>, %arg7: memref<128x128xf32, #tpu.memory_space<vmem>>, %arg8: memref<!tpu.dma_semaphore, #tpu.memory_space<semaphore_mem>>, %arg9: memref<!tpu.dma_semaphore, #tpu.memory_space<semaphore_mem>>, %arg10: memref<!tpu.dma_semaphore, #tpu.memory_space<semaphore_mem>>, %arg11: memref<!tpu.dma_semaphore, #tpu.memory_space<semaphore_mem>>) attributes {dimension_semantics = [#tpu.dimension_semantics<core_parallel>, #tpu.dimension_semantics<subcore_parallel>], iteration_bounds = array<i64: 2, 16>, scalar_prefetch = 0 : i64, scratch_operands = 8 : i64, tpu.core_type = #tpu.core_type<sc_vector_subcore>, window_params = [{transform_indices = #map}, {transform_indices = #map}]} {
    %mul3A = arith.constant 2 : i32
    %mul3A_0 = arith.muli %arg1, %mul3A : i32
    %add3A = arith.addi %mul3A_0, %arg0 : i32
    %iota3A = tpu.iota {dimensions = array<i32: 0>} : vector<16xi32>
    %add3A_1 = arith.constant 16 : i32
    %add3A_2 = vector.broadcast %add3A_1 : i32 to vector<16xi32>
    %add3A_3 = arith.addi %iota3A, %add3A_2 : vector<16xi32>
    %broadcast_in_dim3A = arith.constant 0 : i32
    %broadcast_in_dim3A_4 = vector.broadcast %broadcast_in_dim3A : i32 to vector<16xi32>
    %add3A_5 = arith.constant 0 : i32
    %add3A_6 = arith.addi %add3A, %add3A_5 : i32
    %lt3A = arith.constant 1024 : i32
    %lt3A_7 = arith.cmpi slt, %add3A_6, %lt3A : i32
    %convert_element_type3A = arith.extui %lt3A_7 : i1 to i32
    %cond3A = arith.constant 0 : i32
    %cond3A_8 = arith.cmpi ne, %convert_element_type3A, %cond3A : i32
    scf.if %cond3A_8 {
      %mul3A_31 = arith.constant 512 : i32
      %mul3A_32 = arith.muli %add3A_6, %mul3A_31 : i32
      %dma_start3A = arith.constant 0 : i32
      %dma_start3A_33 = tpu.memref_slice %arg2[%dma_start3A, %mul3A_32] : memref<32x1000000xf32, #tpu.memory_space<hbm>> -> memref<32x512xf32, #tpu.memory_space<hbm>>
      %dma_start3A_34 = arith.constant 0 : i32
      %dma_start3A_35 = tpu.memref_slice %arg2[%dma_start3A_34, %mul3A_32] : memref<32x1000000xf32, #tpu.memory_space<hbm>> -> memref<32x512xf32, #tpu.memory_space<hbm>>
      tpu.enqueue_dma source(%dma_start3A_35 : memref<32x512xf32, #tpu.memory_space<hbm>>) target(%arg4 : memref<32x512xf32, #tpu.memory_space<vmem>>) target_semaphore(%arg8 : memref<!tpu.dma_semaphore, #tpu.memory_space<semaphore_mem>>)
    } else {
    }
    %add3A_9 = arith.constant 32 : i32
    %add3A_10 = arith.addi %add3A, %add3A_9 : i32
    %lt3A_11 = arith.constant 1024 : i32
    %lt3A_12 = arith.cmpi slt, %add3A_10, %lt3A_11 : i32
    %convert_element_type3A_13 = arith.extui %lt3A_12 : i1 to i32
    %cond3A_14 = arith.constant 0 : i32
    %cond3A_15 = arith.cmpi ne, %convert_element_type3A_13, %cond3A_14 : i32
    scf.if %cond3A_15 {
      %mul3A_31 = arith.constant 512 : i32
      %mul3A_32 = arith.muli %add3A_10, %mul3A_31 : i32
      %dma_start3A = arith.constant 0 : i32
      %dma_start3A_33 = tpu.memref_slice %arg2[%dma_start3A, %mul3A_32] : memref<32x1000000xf32, #tpu.memory_space<hbm>> -> memref<32x512xf32, #tpu.memory_space<hbm>>
      %dma_start3A_34 = arith.constant 0 : i32
      %dma_start3A_35 = tpu.memref_slice %arg2[%dma_start3A_34, %mul3A_32] : memref<32x1000000xf32, #tpu.memory_space<hbm>> -> memref<32x512xf32, #tpu.memory_space<hbm>>
      tpu.enqueue_dma source(%dma_start3A_35 : memref<32x512xf32, #tpu.memory_space<hbm>>) target(%arg5 : memref<32x512xf32, #tpu.memory_space<vmem>>) target_semaphore(%arg9 : memref<!tpu.dma_semaphore, #tpu.memory_space<semaphore_mem>>)
    } else {
    }
    %scan3A = arith.constant 0 : i32
    %scan3A_16 = arith.constant 16 : i32
    %scan3A_17 = arith.addi %scan3A, %scan3A_16 : i32
    %scan3A_18 = arith.constant 1 : i32
    scf.for %scan3A_31 = %scan3A to %scan3A_17 step %scan3A_18  : i32 {
      %mul3A_32 = arith.constant 1 : i32
      %mul3A_33 = arith.muli %scan3A_31, %mul3A_32 : i32
      %add3A_34 = arith.constant 0 : i32
      %add3A_35 = arith.addi %add3A_34, %mul3A_33 : i32
      %mul3A_36 = arith.constant 2 : i32
      %mul3A_37 = arith.muli %add3A_35, %mul3A_36 : i32
      %add3A_38 = arith.constant 0 : i32
      %add3A_39 = arith.addi %mul3A_37, %add3A_38 : i32
      %mul3A_40 = arith.constant 32 : i32
      %mul3A_41 = arith.muli %mul3A_40, %add3A_39 : i32
      %add3A_42 = arith.addi %add3A, %mul3A_41 : i32
      %lt3A_43 = arith.constant 1024 : i32
      %lt3A_44 = arith.cmpi slt, %add3A_42, %lt3A_43 : i32
      %convert_element_type3A_45 = arith.extui %lt3A_44 : i1 to i32
      %cond3A_46 = arith.constant 0 : i32
      %cond3A_47 = arith.cmpi ne, %convert_element_type3A_45, %cond3A_46 : i32
      scf.if %cond3A_47 {
        %ge3A = arith.constant 1 : i32
        %ge3A_60 = arith.cmpi sge, %add3A_35, %ge3A : i32
        %convert_element_type3A_61 = arith.extui %ge3A_60 : i1 to i32
        %cond3A_62 = arith.constant 0 : i32
        %cond3A_63 = arith.cmpi ne, %convert_element_type3A_61, %cond3A_62 : i32
        scf.if %cond3A_63 {
          %mul3A_84 = arith.constant 128 : i32
          %mul3A_85 = arith.muli %add3A_42, %mul3A_84 : i32
          %dma_wait3A_86 = arith.constant 0 : i32
          %dma_wait3A_87 = tpu.memref_slice %arg3[%mul3A_85, %dma_wait3A_86] : memref<131072x128xf32, #tpu.memory_space<hbm>> -> memref<128x128xf32, #tpu.memory_space<hbm>>
          %dma_wait3A_88 = arith.constant 0 : i32
          %dma_wait3A_89 = tpu.memref_slice %arg3[%mul3A_85, %dma_wait3A_88] : memref<131072x128xf32, #tpu.memory_space<hbm>> -> memref<128x128xf32, #tpu.memory_space<hbm>>
          tpu.wait_dma2 semaphore(%arg10 : memref<!tpu.dma_semaphore, #tpu.memory_space<semaphore_mem>>) src(%arg6 : memref<128x128xf32, #tpu.memory_space<vmem>>) dst(%dma_wait3A_89 : memref<128x128xf32, #tpu.memory_space<hbm>>)
        } else {
        }
        %mul3A_64 = arith.constant 512 : i32
        %mul3A_65 = arith.muli %add3A_42, %mul3A_64 : i32
        %dma_wait3A_66 = arith.constant 0 : i32
        %dma_wait3A_67 = tpu.memref_slice %arg2[%dma_wait3A_66, %mul3A_65] : memref<32x1000000xf32, #tpu.memory_space<hbm>> -> memref<32x512xf32, #tpu.memory_space<hbm>>
        %dma_wait3A_68 = arith.constant 0 : i32
        %dma_wait3A_69 = tpu.memref_slice %arg2[%dma_wait3A_68, %mul3A_65] : memref<32x1000000xf32, #tpu.memory_space<hbm>> -> memref<32x512xf32, #tpu.memory_space<hbm>>
        tpu.wait_dma2 semaphore(%arg8 : memref<!tpu.dma_semaphore, #tpu.memory_space<semaphore_mem>>) src(%dma_wait3A_69 : memref<32x512xf32, #tpu.memory_space<hbm>>) dst(%arg4 : memref<32x512xf32, #tpu.memory_space<vmem>>)
        %parallel_loop3A = arith.constant 0 : i32
        %parallel_loop3A_70 = arith.constant 128 : i32
        %parallel_loop3A_71 = arith.constant 1 : i32
        scf.for %parallel_loop3A_84 = %parallel_loop3A to %parallel_loop3A_70 step %parallel_loop3A_71  : i32 {
          %parallel_loop3A_85 = arith.constant 4 : i32
          %parallel_loop3A_86 = arith.muli %parallel_loop3A_84, %parallel_loop3A_85 : i32
          %parallel_loop3A_87 = arith.constant 0 : i32
          %parallel_loop3A_88 = arith.addi %parallel_loop3A_86, %parallel_loop3A_87 : i32
          %parallel_loop3A_89 = vector.broadcast %parallel_loop3A_88 : i32 to vector<16xi32>
          %parallel_loop3A_90 = arith.addi %broadcast_in_dim3A_4, %parallel_loop3A_89 : vector<16xi32>
          %parallel_loop3A_91 = tpu.vector_load_idx %arg4[%iota3A, %parallel_loop3A_90] : memref<32x512xf32, #tpu.memory_space<vmem>>[vector<16xi32>, vector<16xi32>], vector<16xf32>,
          %parallel_loop3A_92 = arith.index_cast %parallel_loop3A_84 : i32 to index
          %parallel_loop3A_93 = arith.constant 0 : index
          %parallel_loop3A_94 = tpu.vector_load %arg6[%parallel_loop3A_92, %parallel_loop3A_93] {strides = array<i32>} : memref<128x128xf32, #tpu.memory_space<vmem>>, vector<16xf32>,
          tpu.vector_store %arg6[%parallel_loop3A_92, %parallel_loop3A_93], %parallel_loop3A_91 {strides = array<i32>} : memref<128x128xf32, #tpu.memory_space<vmem>>, vector<16xf32>,
          %parallel_loop3A_95 = arith.constant 0 : i32
          %parallel_loop3A_96 = arith.addi %parallel_loop3A_86, %parallel_loop3A_95 : i32
          %parallel_loop3A_97 = vector.broadcast %parallel_loop3A_96 : i32 to vector<16xi32>
          %parallel_loop3A_98 = arith.addi %broadcast_in_dim3A_4, %parallel_loop3A_97 : vector<16xi32>
          %parallel_loop3A_99 = tpu.vector_load_idx %arg4[%add3A_3, %parallel_loop3A_98] : memref<32x512xf32, #tpu.memory_space<vmem>>[vector<16xi32>, vector<16xi32>], vector<16xf32>,
          %parallel_loop3A_100 = arith.index_cast %parallel_loop3A_84 : i32 to index
          %parallel_loop3A_101 = arith.constant 16 : index
          %parallel_loop3A_102 = tpu.vector_load %arg6[%parallel_loop3A_100, %parallel_loop3A_101] {strides = array<i32>} : memref<128x128xf32, #tpu.memory_space<vmem>>, vector<16xf32>,
          tpu.vector_store %arg6[%parallel_loop3A_100, %parallel_loop3A_101], %parallel_loop3A_99 {strides = array<i32>} : memref<128x128xf32, #tpu.memory_space<vmem>>, vector<16xf32>,
          %parallel_loop3A_103 = arith.constant 1 : i32
          %parallel_loop3A_104 = arith.addi %parallel_loop3A_86, %parallel_loop3A_103 : i32
          %parallel_loop3A_105 = vector.broadcast %parallel_loop3A_104 : i32 to vector<16xi32>
          %parallel_loop3A_106 = arith.addi %broadcast_in_dim3A_4, %parallel_loop3A_105 : vector<16xi32>
          %parallel_loop3A_107 = tpu.vector_load_idx %arg4[%iota3A, %parallel_loop3A_106] : memref<32x512xf32, #tpu.memory_space<vmem>>[vector<16xi32>, vector<16xi32>], vector<16xf32>,
          %parallel_loop3A_108 = arith.index_cast %parallel_loop3A_84 : i32 to index
          %parallel_loop3A_109 = arith.constant 32 : index
          %parallel_loop3A_110 = tpu.vector_load %arg6[%parallel_loop3A_108, %parallel_loop3A_109] {strides = array<i32>} : memref<128x128xf32, #tpu.memory_space<vmem>>, vector<16xf32>,
          tpu.vector_store %arg6[%parallel_loop3A_108, %parallel_loop3A_109], %parallel_loop3A_107 {strides = array<i32>} : memref<128x128xf32, #tpu.memory_space<vmem>>, vector<16xf32>,
          %parallel_loop3A_111 = arith.constant 1 : i32
          %parallel_loop3A_112 = arith.addi %parallel_loop3A_86, %parallel_loop3A_111 : i32
          %parallel_loop3A_113 = vector.broadcast %parallel_loop3A_112 : i32 to vector<16xi32>
          %parallel_loop3A_114 = arith.addi %broadcast_in_dim3A_4, %parallel_loop3A_113 : vector<16xi32>
          %parallel_loop3A_115 = tpu.vector_load_idx %arg4[%add3A_3, %parallel_loop3A_114] : memref<32x512xf32, #tpu.memory_space<vmem>>[vector<16xi32>, vector<16xi32>], vector<16xf32>,
          %parallel_loop3A_116 = arith.index_cast %parallel_loop3A_84 : i32 to index
          %parallel_loop3A_117 = arith.constant 48 : index
          %parallel_loop3A_118 = tpu.vector_load %arg6[%parallel_loop3A_116, %parallel_loop3A_117] {strides = array<i32>} : memref<128x128xf32, #tpu.memory_space<vmem>>, vector<16xf32>,
          tpu.vector_store %arg6[%parallel_loop3A_116, %parallel_loop3A_117], %parallel_loop3A_115 {strides = array<i32>} : memref<128x128xf32, #tpu.memory_space<vmem>>, vector<16xf32>,
          %parallel_loop3A_119 = arith.constant 2 : i32
          %parallel_loop3A_120 = arith.addi %parallel_loop3A_86, %parallel_loop3A_119 : i32
          %parallel_loop3A_121 = vector.broadcast %parallel_loop3A_120 : i32 to vector<16xi32>
          %parallel_loop3A_122 = arith.addi %broadcast_in_dim3A_4, %parallel_loop3A_121 : vector<16xi32>
          %parallel_loop3A_123 = tpu.vector_load_idx %arg4[%iota3A, %parallel_loop3A_122] : memref<32x512xf32, #tpu.memory_space<vmem>>[vector<16xi32>, vector<16xi32>], vector<16xf32>,
          %parallel_loop3A_124 = arith.index_cast %parallel_loop3A_84 : i32 to index
          %parallel_loop3A_125 = arith.constant 64 : index
          %parallel_loop3A_126 = tpu.vector_load %arg6[%parallel_loop3A_124, %parallel_loop3A_125] {strides = array<i32>} : memref<128x128xf32, #tpu.memory_space<vmem>>, vector<16xf32>,
          tpu.vector_store %arg6[%parallel_loop3A_124, %parallel_loop3A_125], %parallel_loop3A_123 {strides = array<i32>} : memref<128x128xf32, #tpu.memory_space<vmem>>, vector<16xf32>,
          %parallel_loop3A_127 = arith.constant 2 : i32
          %parallel_loop3A_128 = arith.addi %parallel_loop3A_86, %parallel_loop3A_127 : i32
          %parallel_loop3A_129 = vector.broadcast %parallel_loop3A_128 : i32 to vector<16xi32>
          %parallel_loop3A_130 = arith.addi %broadcast_in_dim3A_4, %parallel_loop3A_129 : vector<16xi32>
          %parallel_loop3A_131 = tpu.vector_load_idx %arg4[%add3A_3, %parallel_loop3A_130] : memref<32x512xf32, #tpu.memory_space<vmem>>[vector<16xi32>, vector<16xi32>], vector<16xf32>,
          %parallel_loop3A_132 = arith.index_cast %parallel_loop3A_84 : i32 to index
          %parallel_loop3A_133 = arith.constant 80 : index
          %parallel_loop3A_134 = tpu.vector_load %arg6[%parallel_loop3A_132, %parallel_loop3A_133] {strides = array<i32>} : memref<128x128xf32, #tpu.memory_space<vmem>>, vector<16xf32>,
          tpu.vector_store %arg6[%parallel_loop3A_132, %parallel_loop3A_133], %parallel_loop3A_131 {strides = array<i32>} : memref<128x128xf32, #tpu.memory_space<vmem>>, vector<16xf32>,
          %parallel_loop3A_135 = arith.constant 3 : i32
          %parallel_loop3A_136 = arith.addi %parallel_loop3A_86, %parallel_loop3A_135 : i32
          %parallel_loop3A_137 = vector.broadcast %parallel_loop3A_136 : i32 to vector<16xi32>
          %parallel_loop3A_138 = arith.addi %broadcast_in_dim3A_4, %parallel_loop3A_137 : vector<16xi32>
          %parallel_loop3A_139 = tpu.vector_load_idx %arg4[%iota3A, %parallel_loop3A_138] : memref<32x512xf32, #tpu.memory_space<vmem>>[vector<16xi32>, vector<16xi32>], vector<16xf32>,
          %parallel_loop3A_140 = arith.index_cast %parallel_loop3A_84 : i32 to index
          %parallel_loop3A_141 = arith.constant 96 : index
          %parallel_loop3A_142 = tpu.vector_load %arg6[%parallel_loop3A_140, %parallel_loop3A_141] {strides = array<i32>} : memref<128x128xf32, #tpu.memory_space<vmem>>, vector<16xf32>,
          tpu.vector_store %arg6[%parallel_loop3A_140, %parallel_loop3A_141], %parallel_loop3A_139 {strides = array<i32>} : memref<128x128xf32, #tpu.memory_space<vmem>>, vector<16xf32>,
          %parallel_loop3A_143 = arith.constant 3 : i32
          %parallel_loop3A_144 = arith.addi %parallel_loop3A_86, %parallel_loop3A_143 : i32
          %parallel_loop3A_145 = vector.broadcast %parallel_loop3A_144 : i32 to vector<16xi32>
          %parallel_loop3A_146 = arith.addi %broadcast_in_dim3A_4, %parallel_loop3A_145 : vector<16xi32>
          %parallel_loop3A_147 = tpu.vector_load_idx %arg4[%add3A_3, %parallel_loop3A_146] : memref<32x512xf32, #tpu.memory_space<vmem>>[vector<16xi32>, vector<16xi32>], vector<16xf32>,
          %parallel_loop3A_148 = arith.index_cast %parallel_loop3A_84 : i32 to index
          %parallel_loop3A_149 = arith.constant 112 : index
          %parallel_loop3A_150 = tpu.vector_load %arg6[%parallel_loop3A_148, %parallel_loop3A_149] {strides = array<i32>} : memref<128x128xf32, #tpu.memory_space<vmem>>, vector<16xf32>,
          tpu.vector_store %arg6[%parallel_loop3A_148, %parallel_loop3A_149], %parallel_loop3A_147 {strides = array<i32>} : memref<128x128xf32, #tpu.memory_space<vmem>>, vector<16xf32>,
        } {sc.loop_unroll_factor = 8 : i64, sc.parallel_access}
        %mul3A_72 = arith.constant 128 : i32
        %mul3A_73 = arith.muli %add3A_42, %mul3A_72 : i32
        %dma_start3A = arith.constant 0 : i32
        %dma_start3A_74 = tpu.memref_slice %arg3[%mul3A_73, %dma_start3A] : memref<131072x128xf32, #tpu.memory_space<hbm>> -> memref<128x128xf32, #tpu.memory_space<hbm>>
        %dma_start3A_75 = arith.constant 0 : i32
        %dma_start3A_76 = tpu.memref_slice %arg3[%mul3A_73, %dma_start3A_75] : memref<131072x128xf32, #tpu.memory_space<hbm>> -> memref<128x128xf32, #tpu.memory_space<hbm>>
        tpu.enqueue_dma source(%arg6 : memref<128x128xf32, #tpu.memory_space<vmem>>) target(%dma_start3A_76 : memref<128x128xf32, #tpu.memory_space<hbm>>) target_semaphore(%arg10 : memref<!tpu.dma_semaphore, #tpu.memory_space<semaphore_mem>>)
        %add3A_77 = arith.constant 64 : i32
        %add3A_78 = arith.addi %add3A_42, %add3A_77 : i32
        %lt3A_79 = arith.constant 1024 : i32
        %lt3A_80 = arith.cmpi slt, %add3A_78, %lt3A_79 : i32
        %convert_element_type3A_81 = arith.extui %lt3A_80 : i1 to i32
        %cond3A_82 = arith.constant 0 : i32
        %cond3A_83 = arith.cmpi ne, %convert_element_type3A_81, %cond3A_82 : i32
        scf.if %cond3A_83 {
          %mul3A_84 = arith.constant 512 : i32
          %mul3A_85 = arith.muli %add3A_78, %mul3A_84 : i32
          %dma_start3A_86 = arith.constant 0 : i32
          %dma_start3A_87 = tpu.memref_slice %arg2[%dma_start3A_86, %mul3A_85] : memref<32x1000000xf32, #tpu.memory_space<hbm>> -> memref<32x512xf32, #tpu.memory_space<hbm>>
          %dma_start3A_88 = arith.constant 0 : i32
          %dma_start3A_89 = tpu.memref_slice %arg2[%dma_start3A_88, %mul3A_85] : memref<32x1000000xf32, #tpu.memory_space<hbm>> -> memref<32x512xf32, #tpu.memory_space<hbm>>
          tpu.enqueue_dma source(%dma_start3A_89 : memref<32x512xf32, #tpu.memory_space<hbm>>) target(%arg4 : memref<32x512xf32, #tpu.memory_space<vmem>>) target_semaphore(%arg8 : memref<!tpu.dma_semaphore, #tpu.memory_space<semaphore_mem>>)
        } else {
        }
      } else {
      }
      %mul3A_48 = arith.constant 2 : i32
      %mul3A_49 = arith.muli %add3A_35, %mul3A_48 : i32
      %add3A_50 = arith.constant 1 : i32
      %add3A_51 = arith.addi %mul3A_49, %add3A_50 : i32
      %mul3A_52 = arith.constant 32 : i32
      %mul3A_53 = arith.muli %mul3A_52, %add3A_51 : i32
      %add3A_54 = arith.addi %add3A, %mul3A_53 : i32
      %lt3A_55 = arith.constant 1024 : i32
      %lt3A_56 = arith.cmpi slt, %add3A_54, %lt3A_55 : i32
      %convert_element_type3A_57 = arith.extui %lt3A_56 : i1 to i32
      %cond3A_58 = arith.constant 0 : i32
      %cond3A_59 = arith.cmpi ne, %convert_element_type3A_57, %cond3A_58 : i32
      scf.if %cond3A_59 {
        %ge3A = arith.constant 1 : i32
        %ge3A_60 = arith.cmpi sge, %add3A_35, %ge3A : i32
        %convert_element_type3A_61 = arith.extui %ge3A_60 : i1 to i32
        %cond3A_62 = arith.constant 0 : i32
        %cond3A_63 = arith.cmpi ne, %convert_element_type3A_61, %cond3A_62 : i32
        scf.if %cond3A_63 {
          %mul3A_84 = arith.constant 128 : i32
          %mul3A_85 = arith.muli %add3A_54, %mul3A_84 : i32
          %dma_wait3A_86 = arith.constant 0 : i32
          %dma_wait3A_87 = tpu.memref_slice %arg3[%mul3A_85, %dma_wait3A_86] : memref<131072x128xf32, #tpu.memory_space<hbm>> -> memref<128x128xf32, #tpu.memory_space<hbm>>
          %dma_wait3A_88 = arith.constant 0 : i32
          %dma_wait3A_89 = tpu.memref_slice %arg3[%mul3A_85, %dma_wait3A_88] : memref<131072x128xf32, #tpu.memory_space<hbm>> -> memref<128x128xf32, #tpu.memory_space<hbm>>
          tpu.wait_dma2 semaphore(%arg11 : memref<!tpu.dma_semaphore, #tpu.memory_space<semaphore_mem>>) src(%arg7 : memref<128x128xf32, #tpu.memory_space<vmem>>) dst(%dma_wait3A_89 : memref<128x128xf32, #tpu.memory_space<hbm>>)
        } else {
        }
        %mul3A_64 = arith.constant 512 : i32
        %mul3A_65 = arith.muli %add3A_54, %mul3A_64 : i32
        %dma_wait3A_66 = arith.constant 0 : i32
        %dma_wait3A_67 = tpu.memref_slice %arg2[%dma_wait3A_66, %mul3A_65] : memref<32x1000000xf32, #tpu.memory_space<hbm>> -> memref<32x512xf32, #tpu.memory_space<hbm>>
        %dma_wait3A_68 = arith.constant 0 : i32
        %dma_wait3A_69 = tpu.memref_slice %arg2[%dma_wait3A_68, %mul3A_65] : memref<32x1000000xf32, #tpu.memory_space<hbm>> -> memref<32x512xf32, #tpu.memory_space<hbm>>
        tpu.wait_dma2 semaphore(%arg9 : memref<!tpu.dma_semaphore, #tpu.memory_space<semaphore_mem>>) src(%dma_wait3A_69 : memref<32x512xf32, #tpu.memory_space<hbm>>) dst(%arg5 : memref<32x512xf32, #tpu.memory_space<vmem>>)
        %parallel_loop3A = arith.constant 0 : i32
        %parallel_loop3A_70 = arith.constant 128 : i32
        %parallel_loop3A_71 = arith.constant 1 : i32
        scf.for %parallel_loop3A_84 = %parallel_loop3A to %parallel_loop3A_70 step %parallel_loop3A_71  : i32 {
          %parallel_loop3A_85 = arith.constant 4 : i32
          %parallel_loop3A_86 = arith.muli %parallel_loop3A_84, %parallel_loop3A_85 : i32
          %parallel_loop3A_87 = arith.constant 0 : i32
          %parallel_loop3A_88 = arith.addi %parallel_loop3A_86, %parallel_loop3A_87 : i32
          %parallel_loop3A_89 = vector.broadcast %parallel_loop3A_88 : i32 to vector<16xi32>
          %parallel_loop3A_90 = arith.addi %broadcast_in_dim3A_4, %parallel_loop3A_89 : vector<16xi32>
          %parallel_loop3A_91 = tpu.vector_load_idx %arg5[%iota3A, %parallel_loop3A_90] : memref<32x512xf32, #tpu.memory_space<vmem>>[vector<16xi32>, vector<16xi32>], vector<16xf32>,
          %parallel_loop3A_92 = arith.index_cast %parallel_loop3A_84 : i32 to index
          %parallel_loop3A_93 = arith.constant 0 : index
          %parallel_loop3A_94 = tpu.vector_load %arg7[%parallel_loop3A_92, %parallel_loop3A_93] {strides = array<i32>} : memref<128x128xf32, #tpu.memory_space<vmem>>, vector<16xf32>,
          tpu.vector_store %arg7[%parallel_loop3A_92, %parallel_loop3A_93], %parallel_loop3A_91 {strides = array<i32>} : memref<128x128xf32, #tpu.memory_space<vmem>>, vector<16xf32>,
          %parallel_loop3A_95 = arith.constant 0 : i32
          %parallel_loop3A_96 = arith.addi %parallel_loop3A_86, %parallel_loop3A_95 : i32
          %parallel_loop3A_97 = vector.broadcast %parallel_loop3A_96 : i32 to vector<16xi32>
          %parallel_loop3A_98 = arith.addi %broadcast_in_dim3A_4, %parallel_loop3A_97 : vector<16xi32>
          %parallel_loop3A_99 = tpu.vector_load_idx %arg5[%add3A_3, %parallel_loop3A_98] : memref<32x512xf32, #tpu.memory_space<vmem>>[vector<16xi32>, vector<16xi32>], vector<16xf32>,
          %parallel_loop3A_100 = arith.index_cast %parallel_loop3A_84 : i32 to index
          %parallel_loop3A_101 = arith.constant 16 : index
          %parallel_loop3A_102 = tpu.vector_load %arg7[%parallel_loop3A_100, %parallel_loop3A_101] {strides = array<i32>} : memref<128x128xf32, #tpu.memory_space<vmem>>, vector<16xf32>,
          tpu.vector_store %arg7[%parallel_loop3A_100, %parallel_loop3A_101], %parallel_loop3A_99 {strides = array<i32>} : memref<128x128xf32, #tpu.memory_space<vmem>>, vector<16xf32>,
          %parallel_loop3A_103 = arith.constant 1 : i32
          %parallel_loop3A_104 = arith.addi %parallel_loop3A_86, %parallel_loop3A_103 : i32
          %parallel_loop3A_105 = vector.broadcast %parallel_loop3A_104 : i32 to vector<16xi32>
          %parallel_loop3A_106 = arith.addi %broadcast_in_dim3A_4, %parallel_loop3A_105 : vector<16xi32>
          %parallel_loop3A_107 = tpu.vector_load_idx %arg5[%iota3A, %parallel_loop3A_106] : memref<32x512xf32, #tpu.memory_space<vmem>>[vector<16xi32>, vector<16xi32>], vector<16xf32>,
          %parallel_loop3A_108 = arith.index_cast %parallel_loop3A_84 : i32 to index
          %parallel_loop3A_109 = arith.constant 32 : index
          %parallel_loop3A_110 = tpu.vector_load %arg7[%parallel_loop3A_108, %parallel_loop3A_109] {strides = array<i32>} : memref<128x128xf32, #tpu.memory_space<vmem>>, vector<16xf32>,
          tpu.vector_store %arg7[%parallel_loop3A_108, %parallel_loop3A_109], %parallel_loop3A_107 {strides = array<i32>} : memref<128x128xf32, #tpu.memory_space<vmem>>, vector<16xf32>,
          %parallel_loop3A_111 = arith.constant 1 : i32
          %parallel_loop3A_112 = arith.addi %parallel_loop3A_86, %parallel_loop3A_111 : i32
          %parallel_loop3A_113 = vector.broadcast %parallel_loop3A_112 : i32 to vector<16xi32>
          %parallel_loop3A_114 = arith.addi %broadcast_in_dim3A_4, %parallel_loop3A_113 : vector<16xi32>
          %parallel_loop3A_115 = tpu.vector_load_idx %arg5[%add3A_3, %parallel_loop3A_114] : memref<32x512xf32, #tpu.memory_space<vmem>>[vector<16xi32>, vector<16xi32>], vector<16xf32>,
          %parallel_loop3A_116 = arith.index_cast %parallel_loop3A_84 : i32 to index
          %parallel_loop3A_117 = arith.constant 48 : index
          %parallel_loop3A_118 = tpu.vector_load %arg7[%parallel_loop3A_116, %parallel_loop3A_117] {strides = array<i32>} : memref<128x128xf32, #tpu.memory_space<vmem>>, vector<16xf32>,
          tpu.vector_store %arg7[%parallel_loop3A_116, %parallel_loop3A_117], %parallel_loop3A_115 {strides = array<i32>} : memref<128x128xf32, #tpu.memory_space<vmem>>, vector<16xf32>,
          %parallel_loop3A_119 = arith.constant 2 : i32
          %parallel_loop3A_120 = arith.addi %parallel_loop3A_86, %parallel_loop3A_119 : i32
          %parallel_loop3A_121 = vector.broadcast %parallel_loop3A_120 : i32 to vector<16xi32>
          %parallel_loop3A_122 = arith.addi %broadcast_in_dim3A_4, %parallel_loop3A_121 : vector<16xi32>
          %parallel_loop3A_123 = tpu.vector_load_idx %arg5[%iota3A, %parallel_loop3A_122] : memref<32x512xf32, #tpu.memory_space<vmem>>[vector<16xi32>, vector<16xi32>], vector<16xf32>,
          %parallel_loop3A_124 = arith.index_cast %parallel_loop3A_84 : i32 to index
          %parallel_loop3A_125 = arith.constant 64 : index
          %parallel_loop3A_126 = tpu.vector_load %arg7[%parallel_loop3A_124, %parallel_loop3A_125] {strides = array<i32>} : memref<128x128xf32, #tpu.memory_space<vmem>>, vector<16xf32>,
          tpu.vector_store %arg7[%parallel_loop3A_124, %parallel_loop3A_125], %parallel_loop3A_123 {strides = array<i32>} : memref<128x128xf32, #tpu.memory_space<vmem>>, vector<16xf32>,
          %parallel_loop3A_127 = arith.constant 2 : i32
          %parallel_loop3A_128 = arith.addi %parallel_loop3A_86, %parallel_loop3A_127 : i32
          %parallel_loop3A_129 = vector.broadcast %parallel_loop3A_128 : i32 to vector<16xi32>
          %parallel_loop3A_130 = arith.addi %broadcast_in_dim3A_4, %parallel_loop3A_129 : vector<16xi32>
          %parallel_loop3A_131 = tpu.vector_load_idx %arg5[%add3A_3, %parallel_loop3A_130] : memref<32x512xf32, #tpu.memory_space<vmem>>[vector<16xi32>, vector<16xi32>], vector<16xf32>,
          %parallel_loop3A_132 = arith.index_cast %parallel_loop3A_84 : i32 to index
          %parallel_loop3A_133 = arith.constant 80 : index
          %parallel_loop3A_134 = tpu.vector_load %arg7[%parallel_loop3A_132, %parallel_loop3A_133] {strides = array<i32>} : memref<128x128xf32, #tpu.memory_space<vmem>>, vector<16xf32>,
          tpu.vector_store %arg7[%parallel_loop3A_132, %parallel_loop3A_133], %parallel_loop3A_131 {strides = array<i32>} : memref<128x128xf32, #tpu.memory_space<vmem>>, vector<16xf32>,
          %parallel_loop3A_135 = arith.constant 3 : i32
          %parallel_loop3A_136 = arith.addi %parallel_loop3A_86, %parallel_loop3A_135 : i32
          %parallel_loop3A_137 = vector.broadcast %parallel_loop3A_136 : i32 to vector<16xi32>
          %parallel_loop3A_138 = arith.addi %broadcast_in_dim3A_4, %parallel_loop3A_137 : vector<16xi32>
          %parallel_loop3A_139 = tpu.vector_load_idx %arg5[%iota3A, %parallel_loop3A_138] : memref<32x512xf32, #tpu.memory_space<vmem>>[vector<16xi32>, vector<16xi32>], vector<16xf32>,
          %parallel_loop3A_140 = arith.index_cast %parallel_loop3A_84 : i32 to index
          %parallel_loop3A_141 = arith.constant 96 : index
          %parallel_loop3A_142 = tpu.vector_load %arg7[%parallel_loop3A_140, %parallel_loop3A_141] {strides = array<i32>} : memref<128x128xf32, #tpu.memory_space<vmem>>, vector<16xf32>,
          tpu.vector_store %arg7[%parallel_loop3A_140, %parallel_loop3A_141], %parallel_loop3A_139 {strides = array<i32>} : memref<128x128xf32, #tpu.memory_space<vmem>>, vector<16xf32>,
          %parallel_loop3A_143 = arith.constant 3 : i32
          %parallel_loop3A_144 = arith.addi %parallel_loop3A_86, %parallel_loop3A_143 : i32
          %parallel_loop3A_145 = vector.broadcast %parallel_loop3A_144 : i32 to vector<16xi32>
          %parallel_loop3A_146 = arith.addi %broadcast_in_dim3A_4, %parallel_loop3A_145 : vector<16xi32>
          %parallel_loop3A_147 = tpu.vector_load_idx %arg5[%add3A_3, %parallel_loop3A_146] : memref<32x512xf32, #tpu.memory_space<vmem>>[vector<16xi32>, vector<16xi32>], vector<16xf32>,
          %parallel_loop3A_148 = arith.index_cast %parallel_loop3A_84 : i32 to index
          %parallel_loop3A_149 = arith.constant 112 : index
          %parallel_loop3A_150 = tpu.vector_load %arg7[%parallel_loop3A_148, %parallel_loop3A_149] {strides = array<i32>} : memref<128x128xf32, #tpu.memory_space<vmem>>, vector<16xf32>,
          tpu.vector_store %arg7[%parallel_loop3A_148, %parallel_loop3A_149], %parallel_loop3A_147 {strides = array<i32>} : memref<128x128xf32, #tpu.memory_space<vmem>>, vector<16xf32>,
        } {sc.loop_unroll_factor = 8 : i64, sc.parallel_access}
        %mul3A_72 = arith.constant 128 : i32
        %mul3A_73 = arith.muli %add3A_54, %mul3A_72 : i32
        %dma_start3A = arith.constant 0 : i32
        %dma_start3A_74 = tpu.memref_slice %arg3[%mul3A_73, %dma_start3A] : memref<131072x128xf32, #tpu.memory_space<hbm>> -> memref<128x128xf32, #tpu.memory_space<hbm>>
        %dma_start3A_75 = arith.constant 0 : i32
        %dma_start3A_76 = tpu.memref_slice %arg3[%mul3A_73, %dma_start3A_75] : memref<131072x128xf32, #tpu.memory_space<hbm>> -> memref<128x128xf32, #tpu.memory_space<hbm>>
        tpu.enqueue_dma source(%arg7 : memref<128x128xf32, #tpu.memory_space<vmem>>) target(%dma_start3A_76 : memref<128x128xf32, #tpu.memory_space<hbm>>) target_semaphore(%arg11 : memref<!tpu.dma_semaphore, #tpu.memory_space<semaphore_mem>>)
        %add3A_77 = arith.constant 64 : i32
        %add3A_78 = arith.addi %add3A_54, %add3A_77 : i32
        %lt3A_79 = arith.constant 1024 : i32
        %lt3A_80 = arith.cmpi slt, %add3A_78, %lt3A_79 : i32
        %convert_element_type3A_81 = arith.extui %lt3A_80 : i1 to i32
        %cond3A_82 = arith.constant 0 : i32
        %cond3A_83 = arith.cmpi ne, %convert_element_type3A_81, %cond3A_82 : i32
        scf.if %cond3A_83 {
          %mul3A_84 = arith.constant 512 : i32
          %mul3A_85 = arith.muli %add3A_78, %mul3A_84 : i32
          %dma_start3A_86 = arith.constant 0 : i32
          %dma_start3A_87 = tpu.memref_slice %arg2[%dma_start3A_86, %mul3A_85] : memref<32x1000000xf32, #tpu.memory_space<hbm>> -> memref<32x512xf32, #tpu.memory_space<hbm>>
          %dma_start3A_88 = arith.constant 0 : i32
          %dma_start3A_89 = tpu.memref_slice %arg2[%dma_start3A_88, %mul3A_85] : memref<32x1000000xf32, #tpu.memory_space<hbm>> -> memref<32x512xf32, #tpu.memory_space<hbm>>
          tpu.enqueue_dma source(%dma_start3A_89 : memref<32x512xf32, #tpu.memory_space<hbm>>) target(%arg5 : memref<32x512xf32, #tpu.memory_space<vmem>>) target_semaphore(%arg9 : memref<!tpu.dma_semaphore, #tpu.memory_space<semaphore_mem>>)
        } else {
        }
      } else {
      }
    }
    %scan3A_19 = arith.constant 16 : i32
    %dma_wait3A = arith.constant 0 : i32
    %dma_wait3A_20 = arith.constant 0 : i32
    %dma_wait3A_21 = tpu.memref_slice %arg3[%dma_wait3A, %dma_wait3A_20] : memref<131072x128xf32, #tpu.memory_space<hbm>> -> memref<128x128xf32, #tpu.memory_space<hbm>>
    %dma_wait3A_22 = arith.constant 0 : i32
    %dma_wait3A_23 = arith.constant 0 : i32
    %dma_wait3A_24 = tpu.memref_slice %arg3[%dma_wait3A_22, %dma_wait3A_23] : memref<131072x128xf32, #tpu.memory_space<hbm>> -> memref<128x128xf32, #tpu.memory_space<hbm>>
    tpu.wait_dma2 semaphore(%arg10 : memref<!tpu.dma_semaphore, #tpu.memory_space<semaphore_mem>>) src(%arg6 : memref<128x128xf32, #tpu.memory_space<vmem>>) dst(%dma_wait3A_24 : memref<128x128xf32, #tpu.memory_space<hbm>>)
    %dma_wait3A_25 = arith.constant 0 : i32
    %dma_wait3A_26 = arith.constant 0 : i32
    %dma_wait3A_27 = tpu.memref_slice %arg3[%dma_wait3A_25, %dma_wait3A_26] : memref<131072x128xf32, #tpu.memory_space<hbm>> -> memref<128x128xf32, #tpu.memory_space<hbm>>
    %dma_wait3A_28 = arith.constant 0 : i32
    %dma_wait3A_29 = arith.constant 0 : i32
    %dma_wait3A_30 = tpu.memref_slice %arg3[%dma_wait3A_28, %dma_wait3A_29] : memref<131072x128xf32, #tpu.memory_space<hbm>> -> memref<128x128xf32, #tpu.memory_space<hbm>>
    tpu.wait_dma2 semaphore(%arg11 : memref<!tpu.dma_semaphore, #tpu.memory_space<semaphore_mem>>) src(%arg7 : memref<128x128xf32, #tpu.memory_space<vmem>>) dst(%dma_wait3A_30 : memref<128x128xf32, #tpu.memory_space<hbm>>)
    return
  }
}

module attributes {stable_mosaic.version = 14 : i64} {
  func.func @body(%arg0: memref<32x16xf32, #tpu.memory_space<vmem>>, %arg1: memref<1x1xf32, #tpu.memory_space<smem>>) attributes {dimension_semantics = [], scalar_prefetch = 0 : i64, scratch_operands = 0 : i64, tpu.core_type = #tpu.core_type<tc>} {
    %get3A = arith.constant 0 : index
    %get3A_0 = arith.constant 0 : index
    %get3A_1 = vector.load %arg0[%get3A, %get3A_0] : memref<32x16xf32, #tpu.memory_space<vmem>>, vector<32x16xf32>
    %reduce_sum3A = vector.shape_cast %get3A_1 : vector<32x16xf32> to vector<1x32x16xf32>
    %reduce_sum3A_2 = arith.constant dense<0.000000e+00> : vector<1xf32>
    %reduce_sum3A_3 = vector.multi_reduction <add>, %reduce_sum3A, %reduce_sum3A_2 [1, 2] : vector<1x32x16xf32> to vector<1xf32>
    %reduce_sum3A_4 = vector.shape_cast %reduce_sum3A_3 : vector<1xf32> to vector<1x1x1xf32>
    %reduce_sum3A_5 = vector.extract %reduce_sum3A_4[0, 0, 0] : f32 from vector<1x1x1xf32>
    %mul3A = arith.constant 3.05175781E-5 : f32
    %mul3A_6 = arith.mulf %reduce_sum3A_5, %mul3A : f32
    %swap3A = arith.constant 0 : index
    %swap3A_7 = arith.constant 0 : index
    %swap3A_8 = memref.load %arg1[%swap3A, %swap3A_7] : memref<1x1xf32, #tpu.memory_space<smem>>
    memref.store %mul3A_6, %arg1[%swap3A, %swap3A_7] : memref<1x1xf32, #tpu.memory_space<smem>>
    return
  }
}

</mosaic_0001>

<sc_bundles>
// kernel: kernel.5.cloned.1.call-start
scs
__scs_entry_jumppad:
0x0: {  	(pc) =	sbr.rel $0x88, $3  }
0x1: {  	(tag) =	ssettag $0x0;
	lr =	simm.s32 $0x1  }
0x2: {  	[smem:$0x3F9E] =	sst lr;
	_ =	strace $0xD0000000  }
0x3: {  	_ = 	snop  }
0x4: {  	_ = 	snop  }
0x5: {  	_ = 	snop  }
0x6: {  	_ = 	snop  }
0x7: {  	_ = 	snop  }
__scs_overlays_trampoline_lowered:
0x8: {  	[smem:$0x3FAD] =	sst s0  }
0x9: {  	[smem:$0x3FAE] =	sst s1  }
0xa: {  	[smem:$0x3FAF] =	sst s2  }
0xb: {  	[smem:$0x3FB0] =	sst s3  }
0xc: {  	[smem:$0x3FB1] =	sst s4  }
0xd: {  	[smem:$0x3FB2] =	sst s5  }
0xe: {  	[smem:$0x3FB3] =	sst s6  }
0xf: {  	[smem:$0x3FB4] =	sst s7  }
0x10: {  	[smem:$0x3FB5] =	sst s8  }
0x11: {  	[smem:$0x3FB6] =	sst s9;
	s0 =	simm.s32 @!p0 $0x0  }
0x12: {  	s1 =	sld [smem:$0x3F9C];
	s0 =	simm.s32 @p0 $0x1  }
0x13: {  	[smem:$0x3FB7] =	sst s0;
	s0 =	simm.s32 @!p1 $0x0  }
0x14: {  	s2 =	sld [smem:$0x3F9B];
	s0 =	simm.s32 @p1 $0x1  }
0x15: {  	[smem:$0x3FB8] =	sst s0;
	s0 =	simm.s32 @!p2 $0x0  }
0x16: {  	s3 =	sld [smem:$0x3FDB];
	s0 =	simm.s32 @p2 $0x1  }
0x17: {  	s4 =	simm.s32 $0x1BF5;
	[smem:$0x3FBA] =	sst s0  }
0x18: {  	s0 =	sld [smem:$0x3F9D];
	_ =	swait.ge [sflag:s4], $0x0  }
0x19: {  	s7 =	sld [smem:$0x3F9E]  }
0x1a: {  	s8 =	sadd.s32 $0xFFFFE003, lr  }
0x1b: {  	s9 =	sadd.s32 $0xFFFFFEF7, lr;
	s5 =	simm.s32 $0xFFFFFFFF;
	p2 =	slt.u32 s8, $0xFFFFF086  }
0x1c: {  	p1 =	slt.u32 s9, $0xF7A;
	s5 =	simm.s32 @!p2 $0x0  }
0x1d: {  	s5 =	simm.s32 @p1 $0x1;
	p0 =	seq.s32 s7, s2  }
0x1e: {  	s7 =	smul.u32 @!p0 $0xF7A, s2;
	p2 =	seq.s32 @!p0 s5, $0x0  }
0x1f: {  	s9 =	smul.u32 $0xF7A, s1;
	s8 =	simm.s32 @!p0 $0x1BF5;
	p2 =	por !p2, p0  }
0x20: {  	[sflag:s8] =	ssyncset.s32 @!p0 $0xFFFFF086;
	s6 =	sadd.s32 @!p0 s3, s7;
	s7 =	simm.s32 @!p0 $0x108  }
0x21: {  	s3 =	sadd.s32 s3, s9;
	s6 =	sadd.s32 @!p0 $0x88, s6;
	s7 =	simm.s32 @p2 $0x1082  }
0x22: {  	[simem:s7], [sflag:s8] =	dma.local @!p0 [hbm:s6], $0xF7A  }
0x23: {  	s9 =	sor.u32 $0xD0000000, s2;
	s6 =	simm.s32 $0x108;
	_ =	swait.ge @!p0 [sflag:s8], $0x0  }
0x24: {  	s3 =	sadd.s32 $0x88, s3;
	s6 =	simm.s32 @!p1 $0x1082;
	[sflag:s4] =	ssyncset.s32 $0xFFFFF086  }
0x25: {  	[simem:s6], [sflag:s4] =	dma.local [hbm:s3], $0xF7A  }
0x26: {  	[smem:$0x3F9E] =	sst s1;
	(tag) =	ssettag s2;
	_ =	strace s9  }
0x27: {  	s1 =	sld [smem:$0x3FAE]  }
0x28: {  	s2 =	sld [smem:$0x3FAF]  }
0x29: {  	s4 =	sld [smem:$0x3FB1]  }
0x2a: {  	p0 =	seq.s32 s5, $0x0;
	s5 =	sld [smem:$0x3FB2]  }
0x2b: {  	s6 =	sld [smem:$0x3FB3]  }
0x2c: {  	s7 =	sld [smem:$0x3FB4]  }
0x2d: {  	s3 =	simm.s32 $0x108;
	s8 =	sld [smem:$0x3FB5]  }
0x2e: {  	s3 =	simm.s32 @!p0 $0x1082;
	s9 =	sld [smem:$0x3FB6]  }
0x2f: {  	lr =	sadd.s32 s0, s3;
	s0 =	sld [smem:$0x3FAD]  }
0x30: {  	s3 =	sld [smem:$0x3FB0]  }
0x31: {  	[smem:$0x3FB9] =	sst s10  }
0x32: {  	s10 =	sld [smem:$0x3FB7];
	_ =	sdelay $0x3  }
0x33: {  	p0 =	seq.s32 s10, $0x1;
	s10 =	sld [smem:$0x3FB9];
	_ =	sdelay $0x3  }
0x34: {  	[smem:$0x3FB9] =	sst s10  }
0x35: {  	s10 =	sld [smem:$0x3FB8];
	_ =	sdelay $0x3  }
0x36: {  	p1 =	seq.s32 s10, $0x1;
	s10 =	sld [smem:$0x3FB9];
	_ =	sdelay $0x3  }
0x37: {  	[smem:$0x3FB9] =	sst s10  }
0x38: {  	s10 =	sld [smem:$0x3FBA]  }
0x39: {  	_ = 	snop;
	(pc) =	sbr.ind lr, $3  }
0x3a: {  	_ = 	snop  }
0x3b: {  	_ = 	snop  }
0x3c: {  	p2 =	seq.s32 s10, $0x1;
	s10 =	sld [smem:$0x3FB9]  }
0x3d: {  	_ =	shalt  }
0x3e: {  	_ =	shalt  }
0x3f: {  	_ =	shalt  }
0x40: {  	_ =	shalt  }
0x41: {  	_ =	shalt  }
0x42: {  	_ =	shalt  }
0x43: {  	_ =	shalt  }
0x44: {  	_ =	shalt  }
0x45: {  	_ =	shalt  }
0x46: {  	_ =	shalt  }
0x47: {  	_ =	shalt  }
0x48: {  	_ =	shalt  }
0x49: {  	_ =	shalt  }
0x4a: {  	_ =	shalt  }
0x4b: {  	_ =	shalt  }
0x4c: {  	_ =	shalt  }
0x4d: {  	_ =	shalt  }
0x4e: {  	_ =	shalt  }
0x4f: {  	_ =	shalt  }
0x50: {  	_ =	shalt  }
0x51: {  	_ =	shalt  }
0x52: {  	_ =	shalt  }
0x53: {  	_ =	shalt  }
0x54: {  	_ =	shalt  }
0x55: {  	_ =	shalt  }
0x56: {  	_ =	shalt  }
0x57: {  	_ =	shalt  }
0x58: {  	_ =	shalt  }
0x59: {  	_ =	shalt  }
0x5a: {  	_ =	shalt  }
0x5b: {  	_ =	shalt  }
0x5c: {  	_ =	shalt  }
0x5d: {  	_ =	shalt  }
0x5e: {  	_ =	shalt  }
0x5f: {  	_ =	shalt  }
0x60: {  	_ =	shalt  }
0x61: {  	_ =	shalt  }
0x62: {  	_ =	shalt  }
0x63: {  	_ =	shalt  }
0x64: {  	_ =	shalt  }
0x65: {  	_ =	shalt  }
0x66: {  	_ =	shalt  }
0x67: {  	_ =	shalt  }
0x68: {  	_ =	shalt  }
0x69: {  	_ =	shalt  }
0x6a: {  	_ =	shalt  }
0x6b: {  	_ =	shalt  }
0x6c: {  	_ =	shalt  }
0x6d: {  	_ =	shalt  }
0x6e: {  	_ =	shalt  }
0x6f: {  	_ =	shalt  }
0x70: {  	_ =	shalt  }
0x71: {  	_ =	shalt  }
0x72: {  	_ =	shalt  }
0x73: {  	_ =	shalt  }
0x74: {  	_ =	shalt  }
0x75: {  	_ =	shalt  }
0x76: {  	_ =	shalt  }
0x77: {  	_ =	shalt  }
0x78: {  	_ =	shalt  }
0x79: {  	_ =	shalt  }
0x7a: {  	_ =	shalt  }
0x7b: {  	_ =	shalt  }
0x7c: {  	_ =	shalt  }
0x7d: {  	_ =	shalt  }
0x7e: {  	_ =	shalt  }
0x7f: {  	_ =	shalt  }
0x80: {  	_ =	shalt  }
0x81: {  	_ =	shalt  }
0x82: {  	_ =	shalt  }
0x83: {  	_ =	shalt  }
0x84: {  	_ =	shalt  }
0x85: {  	_ =	shalt  }
0x86: {  	_ =	shalt  }
0x87: {  	_ =	shalt  }
.Lfunc_end0:
.L_simem_size_0:
called_computation.1_lowered:
.L_overlay_start_0:
0x88: {  	s2 =	sld [smem:$0x3FD9]  }
0x89: {  	s3 =	sld [smem:$0x3FFE];
	_ =	sdelay $0x1  }
0x8a: {  	s1 =	srdreg.scid  }
0x8b: {  	s0 =	sand.u32 $0x1, s1  }
0x8c: {  	s17 =	sshll.u32 s0, $0xA;
	s2 =	sadd.s32 s3, s2  }
0x8d: {  	s2 =	sadd.s32 s2, s17  }
0x8e: {  	[smem:$0x3FC5] =	sst s2  }
0x8f: {  	_ = 	snop  }
0x90: {  	s18 =	sld [smem:$0x3FC7];
	(tm) =	ssettm $0x1  }
0x91: {  	s19 =	sld [smem:$0x3FFB];
	_ =	sdelay $0x3  }
0x92: {  	_ =	strace s19  }
0x93: {  	s2 =	sld [smem:$0x3FFC];
	_ =	sdelay $0x3  }
0x94: {  	_ =	strace s2  }
0x95: {  	s2 =	sld [smem:$0x3FFD];
	_ =	sdelay $0x3  }
0x96: {  	_ =	strace s2  }
0x97: {  	_ =	strace $0x8FFFFFFF  }
0x98: {  	s20 =	sld [smem:$0x3FDB];
	_ =	sdelay $0x1  }
0x99: {  	s4 =	simm.s32 $_scs_section_size  }
0x9a: {  	s5 =	simm.s32 $_size__tile_overlayer_lowered;
	s6 =	simm.s32 $_tile_overlayer_lowered  }
0x9b: {  	s7 =	simm.s32 $0x1BFF;
	s21 =	sshll.u32 s6, $0x1;
	s4 =	sadd.s32 s4, s20  }
0x9c: {  	s22 =	simm.s32 $0x0;
	s5 =	sshll.u32 s5, $0x1;
	s6 =	sadd.s32 s21, s4  }
0x9d: {  	[timem:s22], [sflag:s7] =	dma.local [hbm:s6], s5  }
0x9e: {  	_ =	swait.ge [sflag:s7], s5  }
0x9f: {  	s5 =	ssub.s32 $0x0, s5;
	[sflag:s7] =	ssyncset.done $0x0  }
0xa0: {  	[sflag:s7] =	ssyncadd.s32 s5;
	_ =	sdelay $0x1  }
0xa1: {  	s23 =	simm.s32 $0x1B8B  }
0xa2: {  	_ =	swait.ge [sflag:s23], $0x1  }
0xa3: {  	[sflag:s23] =	ssyncset.done $0x0  }
0xa4: {  	[sflag:s23] =	ssyncadd.s32 $0xFFFFFFFF  }
0xa5: {  	s5 =	sld [smem:$0x0]  }
0xa6: {  	s6 =	sand.u32 $0xFFFFFFFE, s1  }
0xa7: {  	p0 =	sne.s32 s1, s6  }
0xa8: {  	s6 =	sshll.u32 @p0 s6, $0xE  }
0xa9: {  	s6 =	sadd.s32 @p0 $0x11B8D, s6;
	s7 =	sshll.u32 @p0 s5, $0x11  }
0xaa: {  	s6 =	sor.u32 @p0 s7, s6  }
0xab: {  	[sflag:s6] =	ssyncadd.remote.s32 @p0 $0x1;
	_ =	sdelay $0x1  }
0xac: {  	s6 =	simm.s32 @p0 $0x1B8D  }
0xad: {  	_ =	swait.eq @p0 [sflag:s6], $0x1  }
0xae: {  	[sflag:s6] =	ssyncadd.s32 @p0 $0xFFFFFFFF  }
0xaf: {  	s7 =	sshll.u32 @!p0 s1, $0xE  }
0xb0: {  	s7 =	sor.u32 @!p0 $0x4000, s7;
	s6 =	simm.s32 @!p0 $0x1B8D  }
0xb1: {  	s5 =	sshll.u32 @!p0 s5, $0x11;
	s7 =	sadd.s32 @!p0 $0x11B8D, s7;
	_ =	swait.eq @!p0 [sflag:s6], $0x1  }
0xb2: {  	s5 =	sor.u32 @!p0 s5, s7;
	[sflag:s6] =	ssyncadd.s32 @!p0 $0xFFFFFFFF  }
0xb3: {  	s25 =	simm.s32 $0x1B8E;
	s24 =	sld [smem:$0x3FFE];
	[sflag:s5] =	ssyncadd.remote.s32 @!p0 $0x1  }
0xb4: {  	s26 =	simm.s32 $execute0_lowered;
	[smem:$0x3FD2] =	sst s25  }
0xb5: {  	s6 =	sshll.u32 s26, $0x1;
	_ =	strace $0x80000049;
	[dreg:$0x1] =	wrdreg $0xFFFFFFFF  }
0xb6: {  	s28 =	simm.s32 $_size_execute0_lowered;
	s4 =	sadd.s32 s4, s6;
	[dreg:$0x0] =	wrdreg $0x0  }
0xb7: {  	s6 =	sshll.u32 s28, $0x1;
	[dreg:$0x2] =	wrdreg s4  }
0xb8: {  	[dreg:$0x3] =	wrdreg s6  }
0xb9: {  	[dreg:$0x4] =	wrdreg $0xC0  }
0xba: {  	_ =	task [dreg:s22], $0x5FFFF  }
0xbb: {  	[dreg:$0x1] =	wrdreg $0xFFFFFFFF  }
0xbc: {  	[dreg:$0x0] =	wrdreg $0x60  }
0xbd: {  	[dreg:$0x2] =	wrdreg s18  }
0xbe: {  	[dreg:$0x3] =	wrdreg s24  }
0xbf: {  	[dreg:$0x4] =	wrdreg $0xA  }
0xc0: {  	_ =	task.clear_ibuf [dreg:s22], $0x5FFFF;
	_ =	strace $0x90000049  }
0xc1: {  	s29 =	simm.s32 $0xA;
	_ =	strace $0x8000004B  }
0xc2: {  	_ =	swait.ge [sflag:s29], $0x1  }
0xc3: {  	[sflag:s29] =	ssyncadd.s32 $0xFFFFFFFF  }
0xc4: {  	_ =	strace $0x9000004B  }
0xc5: {  	_ =	sfence  }
0xc6: {  	s30 =	sld [smem:$0x0];
	_ =	sdelay $0x2  }
0xc7: {  	s31 =	sshll.u32 s1, $0xD;
	s1 =	sshrl.u32 s1, $0x2  }
0xc8: {  	s4 =	sand.u32 $0x4000, s31;
	s1 =	sadd.s32 s1, s30  }
0xc9: {  	s0 =	sor.u32 s4, s0;
	s1 =	sshll.u32 s1, $0x11  }
0xca: {  	s0 =	sor.u32 s1, s0  }
0xcb: {  	s0 =	sadd.s32 $0x8F2B, s0  }
0xcc: {  	[sflag:s0] =	ssyncadd.remote.s32 $0x1  }
0xcd: {  	_ =	sfence.sel $0xFFFF  }
0xce: {  	[dreg:$0x0] =	wrdreg $0xFFFFFFFF;
	(pc) =	sbr.abs _section_cstart, $3  }
0xcf: {  	[dreg:$0x1] =	wrdreg $0xFFFFFFFF  }
0xd0: {  	_ =	task.clear_ibuf [dreg:s22], $0x2FFFF;
	_ =	strace $0x9FFFFFFF  }
0xd1: {  	(tm) =	ssettm $0x7FFFFFFF  }
tec
execute0_lowered:
.L_overlay_start_1:
0x0: {  	(tag) =	ssettag $0x1  }
0x1: {  	v0 =	vimm.s32 $0x1380;
	vm0 =	vcmask $0x300;
	v1 =	vimm.s32 $0x3380  }
0x2: {  	vm1 =	vcmask $0x704;
	v0 =	vsel vm0, $0x0, v0;
	v1 =	vsel vm0, $0x2000, v1  }
0x3: {  	vm15 =	vcmask $0xB08;
	v0 =	vsel vm1, $0x80, v0;
	v1 =	vsel vm1, $0x2080, v1  }
0x4: {  	vm4 =	vcmask $0xF0C;
	v0 =	vsel vm15, $0x100, v0;
	v1 =	vsel vm15, $0x2100, v1  }
0x5: {  	vm5 =	vcmask $0x1310;
	v0 =	vsel vm4, $0x180, v0;
	v1 =	vsel vm4, $0x2180, v1  }
0x6: {  	s4 =	rddreg [dreg:$0x0];
	vm6 =	vcmask $0x1714;
	v0 =	vsel vm5, $0x200, v0;
	v1 =	vsel vm5, $0x2200, v1  }
0x7: {  	s0 =	rddreg [dreg:$0x1];
	s1 =	srdreg.scid;
	vm7 =	vcmask $0x1B18;
	v0 =	vsel vm6, $0x280, v0;
	v1 =	vsel vm6, $0x2280, v1  }
0x8: {  	s2 =	stileid.u32;
	s3 =	simm.s32 $0x0;
	vm8 =	vcmask $0x1F1C;
	s1 =	sand.u32 $0x1, s1;
	v0 =	vsel vm7, $0x300, v0;
	v1 =	vsel vm7, $0x2300, v1  }
0x9: {  	vm9 =	vcmask $0x2320;
	s2 =	sshll.u32 s2, $0x1;
	[smem:$0x7FF] =	sst s3;
	s5 =	sadd.s32 $0x913C00, s0;
	v0 =	vsel vm8, $0x380, v0;
	v1 =	vsel vm8, $0x2380, v1  }
0xa: {  	vm10 =	vcmask $0x2724;
	s31 =	sadd.s32 $0x8000, s4;
	s6 =	sor.u32 s1, s2;
	_ =	strace $0x8000004A;
	v0 =	vsel vm9, $0x1000, v0;
	v1 =	vsel vm9, $0x3000, v1  }
0xb: {  	vm11 =	vcmask $0x2B28;
	s1 =	ssub.s32 $0x2, s1;
	[dreg:$0x8] =	wrdreg s31;
	s2 =	sshll.u32 s6, $0x9;
	v0 =	vsel vm10, $0x1080, v0;
	v1 =	vsel vm10, $0x3080, v1  }
.Ltmp0:
0xc: {  	vm12 =	vcmask $0x2F2C;
	[dreg:$0x3] =	wrdreg s6;
	s30 =	sor.u32 $0x3E0, s6;
	v0 =	vsel vm11, $0x1100, v0;
	v1 =	vsel vm11, $0x3100, v1;
	(pc) =	sbr.rel .LBB2_1-.Ltmp0, $4  }
0xd: {  	vm13 =	vcmask $0x3330;
	s28 =	sshrl.u32 s1, $0x1;
	s2 =	sadd.s32 s4, s2;
	[dreg:$0x6] =	wrdreg s30;
	v0 =	vsel vm12, $0x1180, v0;
	v1 =	vsel vm12, $0x3180, v1  }
0xe: {  	vm14 =	vcmask $0x3734;
	s0 =	ssub.s32 s1, s28;
	[dreg:$0x4] =	wrdreg s2;
	s29 =	sadd.s32 $0x4000, s2;
	v0 =	vsel vm13, $0x1200, v0;
	v1 =	vsel vm13, $0x3200, v1  }
0xf: {  	vm15 =	vcmask $0x3B38;
	s0 =	smax.u32 s0, $0x1;
	[dreg:$0x5] =	wrdreg s29;
	v0 =	vsel vm14, $0x1280, v0;
	v1 =	vsel vm14, $0x3280, v1  }
0x10: {  	s13 =	simm.s32 $0x4000;
	s2 =	simm.s32 $0x0;
	[dreg:$0x7] =	wrdreg s0;
	v0 =	vsel vm15, $0x1300, v0;
	v1 =	vsel vm15, $0x3300, v1  }
.LBB2_10:
0x11: {  	s0 =	simm.s32 $0x3  }
0x12: {  	_ =	swait.ge [sflag:s0], $0x4000  }
0x13: {  	[sflag:s0] =	ssyncset.done $0x0  }
0x14: {  	s1 =	simm.s32 $0x4;
	[sflag:s0] =	ssyncadd.s32 $0xFFFFC000  }
0x15: {  	_ =	swait.ge [sflag:s1], $0x4000  }
0x16: {  	s2 =	rddreg [dreg:$0x9]  }
0x17: {  	s31 =	rddreg [dreg:$0x7];
	s2 =	sadd.s32 $0x1, s2  }
0x18: {  	p0 =	sne.s32 s2, s31  }
.Ltmp1:
0x19: {  	_ = 	snop;
	(pc) =	sbr.rel @!p0 .LBB2_11-.Ltmp1, $3  }
0x1a: {  	_ =	sdelay $0x1  }
0x1b: {  	[sflag:s1] =	ssyncset.done $0x0  }
0x1c: {  	[sflag:s1] =	ssyncadd.s32 $0xFFFFC000  }
.LBB2_1:
0x1d: {  	[dreg:$0x9] =	wrdreg s2  }
0x1e: {  	s0 =	rddreg [dreg:$0x4];
	s1 =	simm.s32 $0x1000;
	s30 =	simm.s32 $0x7A1400  }
0x1f: {  	[tilespmem:s3], [sflag:$0x1] =	stream.strided.gather [hbm4b:s0+s1], $0x4000, s30, s1, $0x38;
	[tilespmem:$0x10000] =	vst v63  }
0x20: {  	s31 =	rddreg [dreg:$0x5];
	s21 =	simm.s32 $0x0  }
0x21: {  	[tilespmem:s13], [sflag:$0x2] =	stream.strided.gather [hbm4b:s31+s1], $0x4000, s30, s1, $0x38;
	[tilespmem:$0x10000] =	vst v63  }
.LBB2_2:
0x22: {  	s0 =	simm.s32 $0x4  }
0x23: {  	s1 =	simm.s32 $0x1C;
	s24 =	simm.s32 $0x8;
	s2 =	simm.s32 $0xC;
	v2 =	vmov s0  }
0x24: {  	s25 =	simm.s32 $0x10;
	s26 =	simm.s32 $0x14;
	s28 =	simm.s32 $0x0;
	v3 =	vmov s1;
	v4 =	vmov s24;
	v5 =	vmov s2  }
0x25: {  	s29 =	simm.s32 $0x18;
	s6 =	simm.s32 $0x9;
	s7 =	simm.s32 $0xD;
	v7 =	vmov s25;
	v8 =	vmov s28;
	v9 =	vmov s26  }
0x26: {  	s4 =	simm.s32 $0x11;
	s8 =	simm.s32 $0x15;
	s9 =	simm.s32 $0x19;
	v10 =	vmov s29;
	v21 =	vmov s6;
	v23 =	vmov s7  }
0x27: {  	s10 =	simm.s32 $0x1E;
	s14 =	simm.s32 $0xA;
	s15 =	simm.s32 $0xE;
	v24 =	vmov s4;
	v25 =	vmov s8;
	v26 =	vmov s9  }
0x28: {  	s16 =	simm.s32 $0x12;
	s17 =	simm.s32 $0x1F;
	s18 =	simm.s32 $0x16;
	v63 =	vmov s10;
	v39 =	vmov s14;
	v40 =	vmov s15  }
0x29: {  	s19 =	simm.s32 $0x1A;
	v41 =	vmov s16;
	v42 =	vmov s18;
	v43 =	vmov s17  }
0x2a: {  	v44 =	vmov s19;
	v6 =	vshll.u32 v3, $0x3;
	v3 =	vand.u32 $0x7C, v3  }
0x2b: {  	v12 =	vshll.u32 v2, $0x3;
	v13 =	vshll.u32 v4, $0x3;
	v14 =	vshll.u32 v5, $0x3  }
0x2c: {  	v15 =	vshll.u32 v7, $0x3;
	v16 =	vshll.u32 v9, $0x3;
	v17 =	vshll.u32 v10, $0x3  }
0x2d: {  	p0 =	seq.s32 s21, $0x0;
	v2 =	vand.u32 $0x64, v2;
	v4 =	vand.u32 $0x68, v4;
	v5 =	vand.u32 $0x6C, v5  }
0x2e: {  	s0 =	simm.s32 @!p0 $0x3;
	s1 =	simm.s32 $0x1;
	v7 =	vand.u32 $0x70, v7;
	v9 =	vand.u32 $0x74, v9;
	v6 =	vand.u32 $0xC00, v6  }
0x2f: {  	s2 =	simm.s32 $0x5;
	_ =	swait.ge @!p0 [sflag:s0], $0x4000;
	v10 =	vand.u32 $0x78, v10;
	v19 =	vmov s1;
	v3 =	vor.u32 v3, v6  }
0x30: {  	v20 =	vmov s2;
	v27 =	vshll.u32 v21, $0x3;
	[sflag:s0] =	ssyncset.done @!p0 $0x0;
	v11 =	vor.u32 v0, v3  }
0x31: {  	s30 =	simm.s32 $0x1;
	v12 =	vand.u32 $0xC00, v12;
	v13 =	vand.u32 $0xC00, v13;
	v14 =	vand.u32 $0xC00, v14;
	[sflag:s0] =	ssyncadd.s32 @!p0 $0xFFFFC000  }
0x32: {  	v16 =	vand.u32 $0xC00, v16;
	v6 =	vshll.u32 v8, $0x3;
	v2 =	vor.u32 v2, v12;
	_ =	swait.ge [sflag:s30], $0x4000  }
0x33: {  	v8 =	vand.u32 $0x60, v8;
	v4 =	vor.u32 v4, v13;
	v13 =	vor.u32 v0, v2;
	[sflag:s30] =	ssyncset.done $0x0  }
0x34: {  	v5 =	vor.u32 v5, v14;
	v6 =	vand.u32 $0xC00, v6;
	v14 =	vor.u32 v0, v4;
	[sflag:s30] =	ssyncadd.s32 $0xFFFFC000  }
0x35: {  	v6 =	vor.u32 v8, v6;
	v8 =	vor.u32 v9, v16;
	v16 =	vor.u32 v0, v5;
	v11 =	vld.idx.msk [tilespmem:v11+s3+$0x0], $0xffff  }
0x36: {  	v28 =	vshll.u32 v23, $0x3;
	v29 =	vshll.u32 v24, $0x3;
	v3 =	vor.u32 v1, v3  }
0x37: {  	s31 =	simm.s32 $0x1D;
	v15 =	vand.u32 $0xC00, v15;
	v17 =	vand.u32 $0xC00, v17;
	v9 =	vor.u32 v0, v6  }
0x38: {  	v10 =	vor.u32 v10, v17;
	v12 =	vmov s31;
	v17 =	vor.u32 v0, v8;
	v13 =	vld.idx.msk [tilespmem:v13+s3+$0x0], $0xffff  }
0x39: {  	s22 =	simm.s32 $0x8200;
	v7 =	vor.u32 v7, v15;
	v15 =	vshll.u32 v12, $0x3;
	v2 =	vor.u32 v1, v2;
	v14 =	vld.idx.msk [tilespmem:v14+s3+$0x0], $0xffff  }
0x3a: {  	v12 =	vand.u32 $0x7D, v12;
	v4 =	vor.u32 v1, v4;
	v15 =	vand.u32 $0x7FFFFC00, v15;
	v16 =	vld.idx.msk [tilespmem:v16+s3+$0x0], $0xffff;
	[tilespmem:s22+$0x180] =	vst v11  }
0x3b: {  	v30 =	vshll.u32 v25, $0x3;
	v12 =	vor.u32 v12, v15;
	v11 =	vor.u32 v0, v7;
	v3 =	vld.idx.msk [tilespmem:v3+s3+$0x0], $0xffff  }
0x3c: {  	v31 =	vshll.u32 v26, $0x3;
	v33 =	vshll.u32 v63, $0x3;
	v18 =	vadd.s32 v0, v12;
	v9 =	vld.idx.msk [tilespmem:v9+s3+$0x0], $0xffff  }
0x3d: {  	v34 =	vand.u32 $0x7E, v63;
	v35 =	vand.u32 $0x75, v25;
	v15 =	vor.u32 v0, v10;
	v17 =	vld.idx.msk [tilespmem:v17+s3+$0x0], $0xffff;
	[tilespmem:s22+$0xFFFFFE80] =	vst v13  }
0x3e: {  	v45 =	vshll.u32 v43, $0x3;
	v46 =	vshll.u32 v41, $0x3;
	v5 =	vor.u32 v1, v5;
	[tilespmem:s22+$0xFFFFFF00] =	vst v14;
	v2 =	vld.idx.msk [tilespmem:v2+s3+$0x0], $0xffff  }
0x3f: {  	v47 =	vshll.u32 v42, $0x3;
	v49 =	vand.u32 $0x72, v41;
	v6 =	vor.u32 v1, v6;
	v4 =	vld.idx.msk [tilespmem:v4+s3+$0x0], $0xffff  }
0x40: {  	v22 =	vshll.u32 v19, $0x3;
	v27 =	vand.u32 $0x7FFFFC00, v27;
	v8 =	vor.u32 v1, v8;
	v11 =	vld.idx.msk [tilespmem:v11+s3+$0x0], $0xffff;
	[tilespmem:s22+$0x190] =	vst v3  }
0x41: {  	v61 =	vand.u32 $0x7FFFFC00, v29;
	v62 =	vand.u32 $0x7FFFFC00, v30;
	v10 =	vor.u32 v1, v10;
	[tilespmem:s22+$0xFFFFFF80] =	vst v16;
	v18 =	vld.idx.msk [tilespmem:v18+s3+$0x0], $0xffff  }
0x42: {  	v22 =	vand.u32 $0xC00, v22;
	v12 =	vadd.s32 v1, v12;
	v7 =	vor.u32 v1, v7;
	[tilespmem:s22+$0xFFFFFE00] =	vst v9;
	v9 =	vld.idx.msk [tilespmem:v15+s3+$0x0], $0xffff  }
0x43: {  	v13 =	vand.u32 $0x61, v19;
	v19 =	vand.u32 $0x7FFFFC00, v31;
	v16 =	vand.u32 $0x71, v24;
	v5 =	vld.idx.msk [tilespmem:v5+s3+$0x0], $0xffff;
	[tilespmem:s22+$0x80] =	vst v17  }
0x44: {  	v14 =	vand.u32 $0x65, v20;
	v16 =	vor.u32 v16, v61;
	v17 =	vor.u32 v35, v62;
	v6 =	vld.idx.msk [tilespmem:v6+s3+$0x0], $0xffff;
	[tilespmem:s22+$0xFFFFFE90] =	vst v2  }
0x45: {  	v8 =	vld.idx.msk [tilespmem:v8+s3+$0x0], $0xffff;
	v3 =	vshll.u32 v20, $0x3;
	v20 =	vand.u32 $0x69, v21;
	v21 =	vand.u32 $0x7FFFFC00, v33;
	[tilespmem:s22+$0x0] =	vst v11  }
0x46: {  	v37 =	vadd.s32 v0, v17;
	v21 =	vor.u32 v34, v21;
	v11 =	vor.u32 v13, v22;
	[tilespmem:s22+$0x1A0] =	vst v18  }
0x47: {  	v3 =	vand.u32 $0x7FFFFC00, v3;
	[tilespmem:s22+$0x100] =	vst v9;
	v36 =	vadd.s32 v0, v21;
	v9 =	vor.u32 v0, v11;
	v12 =	vld.idx.msk [tilespmem:v12+s3+$0x0], $0xffff  }
0x48: {  	[tilespmem:s22+$0xFFFFFF10] =	vst v4;
	v3 =	vor.u32 v14, v3;
	v14 =	vor.u32 v20, v27;
	v13 =	vand.u32 $0x79, v26  }
0x49: {  	v50 =	vand.u32 $0x76, v42;
	[tilespmem:s22+$0xFFFFFF90] =	vst v5;
	v7 =	vld.idx.msk [tilespmem:v7+s3+$0x0], $0xffff;
	v13 =	vor.u32 v13, v19;
	v19 =	vadd.s32 v0, v14  }
0x4a: {  	v15 =	vand.u32 $0x7FFFFC00, v28;
	v20 =	vadd.s32 v0, v16;
	v10 =	vld.idx.msk [tilespmem:v10+s3+$0x0], $0xffff;
	[tilespmem:s22+$0x90] =	vst v8;
	v18 =	vand.u32 $0x6D, v23  }
0x4b: {  	v30 =	vand.u32 $0x7FFFFC00, v45;
	[tilespmem:s22+$0xFFFFFE10] =	vst v6;
	v23 =	vld.idx.msk [tilespmem:v37+s3+$0x0], $0xffff;
	v15 =	vor.u32 v18, v15;
	v18 =	vadd.s32 v0, v3  }
0x4c: {  	v28 =	vand.u32 $0x7F, v43;
	v17 =	vadd.s32 v1, v17;
	v2 =	vadd.s32 v1, v3;
	v5 =	vld.idx.msk [tilespmem:v9+s3+$0x0], $0xffff;
	[tilespmem:s22+$0x1B0] =	vst v12  }
0x4d: {  	v3 =	vadd.s32 v1, v14;
	v6 =	vadd.s32 v0, v15;
	v14 =	vadd.s32 v1, v15;
	v15 =	vld.idx.msk [tilespmem:v36+s3+$0x0], $0xffff  }
0x4e: {  	s12 =	simm.s32 $0x6;
	v48 =	vand.u32 $0x7FFFFC00, v47;
	v28 =	vor.u32 v28, v30;
	v21 =	vadd.s32 v1, v21;
	[tilespmem:s22+$0x10] =	vst v7;
	v8 =	vld.idx.msk [tilespmem:v19+s3+$0x0], $0xffff  }
0x4f: {  	v30 =	vadd.s32 v0, v28;
	v4 =	vmov s12;
	v16 =	vadd.s32 v1, v16;
	[tilespmem:s22+$0x110] =	vst v10;
	v20 =	vld.idx.msk [tilespmem:v20+s3+$0x0], $0xffff  }
0x50: {  	s11 =	simm.s32 $0x2;
	v22 =	vand.u32 $0x6A, v39;
	v11 =	vor.u32 v1, v11;
	v38 =	vadd.s32 v0, v13;
	[tilespmem:s22+$0xA0] =	vst v23;
	v7 =	vld.idx.msk [tilespmem:v18+s3+$0x0], $0xffff  }
0x51: {  	v13 =	vadd.s32 v1, v13;
	v19 =	vshll.u32 v39, $0x3;
	v12 =	vmov s11;
	[tilespmem:s22+$0xFFFFFE20] =	vst v5  }
0x52: {  	v18 =	vshll.u32 v4, $0x3;
	v4 =	vand.u32 $0x66, v4;
	v17 =	vld.idx.msk [tilespmem:v17+s3+$0x0], $0xffff;
	v9 =	vshll.u32 v12, $0x3;
	[tilespmem:s22+$0x1C0] =	vst v15  }
0x53: {  	v12 =	vand.u32 $0x62, v12;
	v5 =	vand.u32 $0xC00, v9;
	[tilespmem:s22+$0xFFFFFF20] =	vst v8;
	v8 =	vand.u32 $0x7FFFFC00, v46;
	v10 =	vld.idx.msk [tilespmem:v21+s3+$0x0], $0xffff  }
0x54: {  	v6 =	vld.idx.msk [tilespmem:v6+s3+$0x0], $0xffff;
	v9 =	vshll.u32 v44, $0x3;
	v5 =	vor.u32 v12, v5;
	[tilespmem:s22+$0x20] =	vst v20;
	v8 =	vor.u32 v49, v8  }
0x55: {  	v20 =	vor.u32 v50, v48;
	[tilespmem:s22+$0xFFFFFEA0] =	vst v7;
	v7 =	vand.u32 $0x7FFFFC00, v18;
	v18 =	vand.u32 $0x7FFFFC00, v19;
	v19 =	vld.idx.msk [tilespmem:v38+s3+$0x0], $0xffff  }
0x56: {  	v16 =	vld.idx.msk [tilespmem:v16+s3+$0x0], $0xffff;
	v51 =	vor.u32 v0, v5;
	v24 =	vadd.s32 v0, v8;
	v5 =	vor.u32 v1, v5  }
0x57: {  	v9 =	vand.u32 $0x7FFFFC00, v9;
	v25 =	vadd.s32 v0, v20;
	v8 =	vadd.s32 v1, v8;
	[tilespmem:s22+$0xB0] =	vst v17;
	v2 =	vld.idx.msk [tilespmem:v2+s3+$0x0], $0xffff  }
0x58: {  	v3 =	vld.idx.msk [tilespmem:v3+s3+$0x0], $0xffff;
	v20 =	vadd.s32 v1, v20;
	v15 =	vshll.u32 v40, $0x3;
	v18 =	vor.u32 v22, v18;
	[tilespmem:s22+$0x1D0] =	vst v10  }
0x59: {  	[tilespmem:s22+$0xFFFFFFA0] =	vst v6;
	v6 =	vand.u32 $0x6E, v40;
	v4 =	vor.u32 v4, v7;
	v22 =	vadd.s32 v0, v18;
	v10 =	vld.idx.msk [tilespmem:v30+s3+$0x0], $0xffff  }
0x5a: {  	s20 =	simm.s32 $0x3;
	v11 =	vld.idx.msk [tilespmem:v11+s3+$0x0], $0xffff;
	v7 =	vand.u32 $0x7A, v44;
	v15 =	vand.u32 $0x7FFFFC00, v15;
	[tilespmem:s22+$0x120] =	vst v19;
	v19 =	vadd.s32 v1, v28  }
0x5b: {  	s25 =	simm.s32 $0xF;
	v12 =	vmov s20;
	v14 =	vld.idx.msk [tilespmem:v14+s3+$0x0], $0xffff;
	v7 =	vor.u32 v7, v9;
	v6 =	vor.u32 v6, v15;
	[tilespmem:s22+$0x30] =	vst v16  }
0x5c: {  	s23 =	simm.s32 $0x7;
	v9 =	vmov s25;
	v53 =	vadd.s32 v0, v7;
	[tilespmem:s22+$0xFFFFFEB0] =	vst v2;
	v2 =	vadd.s32 v0, v4;
	v13 =	vld.idx.msk [tilespmem:v13+s3+$0x0], $0xffff  }
0x5d: {  	s29 =	simm.s32 $0x1B;
	v15 =	vmov s23;
	v54 =	vadd.s32 v1, v7;
	v52 =	vadd.s32 v0, v6;
	[tilespmem:s22+$0xFFFFFF30] =	vst v3;
	v24 =	vld.idx.msk [tilespmem:v24+s3+$0x0], $0xffff  }
0x5e: {  	s24 =	simm.s32 $0xB;
	v7 =	vmov s29;
	v17 =	vshll.u32 v9, $0x3;
	v9 =	vand.u32 $0x6F, v9;
	v22 =	vld.idx.msk [tilespmem:v22+s3+$0x0], $0xffff;
	[tilespmem:s22+$0x1E0] =	vst v10  }
0x5f: {  	[tilespmem:s22+$0xFFFFFE30] =	vst v11;
	v11 =	vmov s24;
	v3 =	vadd.s32 v1, v4;
	v4 =	vadd.s32 v1, v18;
	v18 =	vld.idx.msk [tilespmem:v19+s3+$0x0], $0xffff  }
0x60: {  	v6 =	vadd.s32 v1, v6;
	v55 =	vshll.u32 v15, $0x3;
	v59 =	vshll.u32 v7, $0x3;
	v19 =	vld.idx.msk [tilespmem:v51+s3+$0x0], $0xffff  }
0x61: {  	v17 =	vand.u32 $0x7FFFFC00, v17;
	v15 =	vand.u32 $0x67, v15;
	v16 =	vshll.u32 v12, $0x3;
	[tilespmem:s22+$0xFFFFFFB0] =	vst v14;
	v2 =	vld.idx.msk [tilespmem:v2+s3+$0x0], $0xffff  }
0x62: {  	v56 =	vshll.u32 v11, $0x3;
	v12 =	vand.u32 $0x63, v12;
	v27 =	vand.u32 $0x7FFFFC00, v59;
	v23 =	vld.idx.msk [tilespmem:v52+s3+$0x0], $0xffff;
	[tilespmem:s22+$0x130] =	vst v13  }
0x63: {  	s28 =	simm.s32 $0x17;
	v11 =	vand.u32 $0x6B, v11;
	v63 =	vor.u32 v9, v17;
	v28 =	vand.u32 $0x7FFFFC00, v56;
	v26 =	vld.idx.msk [tilespmem:v53+s3+$0x0], $0xffff;
	[tilespmem:s22+$0xFFFFFF40] =	vst v22  }
0x64: {  	v14 =	vmov s28;
	v28 =	vor.u32 v11, v28;
	v13 =	vand.u32 $0xC00, v16;
	v22 =	vld.idx.msk [tilespmem:v4+s3+$0x0], $0xffff;
	[tilespmem:s22+$0x1F0] =	vst v18  }
0x65: {  	v58 =	vshll.u32 v14, $0x3;
	v16 =	vand.u32 $0x7FFFFC00, v55;
	v61 =	vor.u32 v12, v13;
	v18 =	vld.idx.msk [tilespmem:v25+s3+$0x0], $0xffff;
	[tilespmem:s22+$0xFFFFFE40] =	vst v19  }
0x66: {  	s26 =	simm.s32 $0x13;
	v60 =	vand.u32 $0x7FFFFC00, v58;
	v62 =	vor.u32 v15, v16;
	v13 =	vadd.s32 v0, v28;
	[tilespmem:s22+$0xFFFFFEC0] =	vst v2;
	v5 =	vld.idx.msk [tilespmem:v5+s3+$0x0], $0xffff  }
0x67: {  	[tilespmem:s22+$0x40] =	vst v24;
	v12 =	vadd.s32 v0, v63;
	v10 =	vmov s26;
	v4 =	vand.u32 $0x7B, v7;
	v3 =	vld.idx.msk [tilespmem:v3+s3+$0x0], $0xffff  }
0x68: {  	v57 =	vshll.u32 v10, $0x3;
	[tilespmem:s22+$0xFFFFFFC0] =	vst v23;
	v7 =	vor.u32 v4, v27;
	v4 =	vadd.s32 v1, v62  }
0x69: {  	v29 =	vand.u32 $0x7FFFFC00, v57;
	v17 =	vld.idx.msk [tilespmem:v6+s3+$0x0], $0xffff;
	v6 =	vadd.s32 v0, v7;
	[tilespmem:s22+$0x140] =	vst v26;
	v19 =	vor.u32 v0, v61  }
0x6a: {  	v15 =	vld.idx.msk [tilespmem:v8+s3+$0x0], $0xffff;
	v2 =	vand.u32 $0x73, v10;
	v10 =	vand.u32 $0x77, v14;
	[tilespmem:s22+$0xC0] =	vst v18;
	v18 =	vadd.s32 v0, v62  }
0x6b: {  	v11 =	vor.u32 v2, v29;
	v10 =	vor.u32 v10, v60;
	v14 =	vld.idx.msk [tilespmem:v20+s3+$0x0], $0xffff;
	[tilespmem:s22+$0xFFFFFE50] =	vst v5  }
0x6c: {  	s30 =	sshll.u32 s21, $0x6;
	s25 =	simm.s32 $0x0;
	v2 =	vadd.s32 v1, v63;
	v8 =	vadd.s32 v0, v11;
	v16 =	vld.idx.msk [tilespmem:v54+s3+$0x0], $0xffff;
	s31 =	rddreg [dreg:$0x3];
	[tilespmem:s22+$0xFFFFFED0] =	vst v3  }
0x6d: {  	s24 =	simm.s32 $0x8200;
	s26 =	simm.s32 $0x3F;
	v9 =	vadd.s32 v0, v10;
	v5 =	vor.u32 v1, v61;
	[tilespmem:s22+$0xFFFFFF50] =	vst v22;
	v3 =	vadd.s32 v1, v28;
	s23 =	sor.u32 s31, s30  }
.LBB2_3:
0x6e: {  	s0 =	sadd.s32 $0xFFFFFFE5, s26;
	s1 =	sadd.s32 $0xFFFFFFFD, s26;
	s25 =	sadd.s32 $0x8, s25;
	v19 =	vld.idx.msk [tilespmem:v19+s3+$0x0], $0xffff;
	[tilespmem:s22+$0xFFFFFFD0] =	vst v17;
	v11 =	vadd.s32 v1, v11;
	v10 =	vadd.s32 v1, v10  }
0x6f: {  	s2 =	sadd.s32 $0xFFFFFFED, s26;
	v7 =	vadd.s32 v1, v7;
	v17 =	vmov s0;
	s0 =	sadd.s32 $0xFFFFFFE9, s26;
	v20 =	vmov s1;
	p0 =	slt.u32 s25, $0x78;
	v18 =	vld.idx.msk [tilespmem:v18+s3+$0x0], $0xffff;
	[tilespmem:s22+$0x50] =	vst v15  }
0x70: {  	v21 =	vmov s2;
	s1 =	sadd.s32 $0xFFFFFFF5, s26;
	s2 =	sadd.s32 $0xFFFFFFF9, s26;
	v15 =	vmov s0;
	s0 =	sadd.s32 $0xFFFFFFF1, s26;
	v22 =	vshll.u32 v20, $0x3;
	v13 =	vld.idx.msk [tilespmem:v13+s3+$0x0], $0xffff;
	[tilespmem:s22+$0xD0] =	vst v14  }
0x71: {  	s4 =	sadd.s32 $0xFFFFFFE1, s26;
	s11 =	sadd.s32 $0xFFFFFFE2, s26;
	s12 =	sadd.s32 $0xFFFFFFE6, s26;
	v20 =	vand.u32 $0x7C, v20;
	v14 =	vmov s0;
	v22 =	vand.u32 $0xC00, v22;
	v12 =	vld.idx.msk [tilespmem:v12+s3+$0x0], $0xffff;
	[tilespmem:s22+$0x150] =	vst v16  }
0x72: {  	s19 =	sadd.s32 $0xFFFFFFEA, s26;
	s8 =	sadd.s32 $0xFFFFFFEE, s26;
	v23 =	vmov s1;
	v16 =	vmov s4;
	s4 =	sadd.s32 $0xFFFFFFF2, s26;
	v20 =	vor.u32 v20, v22;
	v8 =	vld.idx.msk [tilespmem:v8+s3+$0x0], $0xffff  }
0x73: {  	s17 =	sadd.s32 $0xFFFFFFE3, s26;
	s10 =	sadd.s32 $0xFFFFFFF6, s26;
	s14 =	sadd.s32 $0xFFFFFFFA, s26;
	v24 =	vmov s2;
	v22 =	vshll.u32 v16, $0x3;
	v25 =	vor.u32 v0, v20;
	v9 =	vld.idx.msk [tilespmem:v9+s3+$0x0], $0xffff  }
0x74: {  	s20 =	sadd.s32 $0xFFFFFFE7, s26;
	s6 =	sadd.s32 $0xFFFFFFEF, s26;
	v26 =	vshll.u32 v17, $0x3;
	v28 =	vshll.u32 v21, $0x3;
	v27 =	vshll.u32 v15, $0x3;
	s0 =	sadd.s32 $0xFFFFFFEB, s26;
	[tilespmem:s22+$0xFFFFFE60] =	vst v19;
	v6 =	vld.idx.msk [tilespmem:v6+s3+$0x0], $0xffff  }
0x75: {  	s15 =	sadd.s32 $0xFFFFFFF3, s26;
	s18 =	sadd.s32 $0xFFFFFFF7, s26;
	s9 =	sadd.s32 $0xFFFFFFFB, s26;
	v29 =	vshll.u32 v23, $0x3;
	v30 =	vshll.u32 v24, $0x3;
	v19 =	vshll.u32 v14, $0x3;
	v5 =	vld.idx.msk [tilespmem:v5+s3+$0x0], $0xffff;
	[tilespmem:s22+$0xFFFFFEE0] =	vst v18  }
0x76: {  	s7 =	sadd.s32 $0xFFFFFFE4, s26;
	s2 =	sadd.s32 $0xFFFFFFE8, s26;
	s1 =	sadd.s32 $0xFFFFFFEC, s26;
	v18 =	vand.u32 $0xC00, v22;
	v22 =	vand.u32 $0xC00, v26;
	v26 =	vand.u32 $0xC00, v27;
	v4 =	vld.idx.msk [tilespmem:v4+s3+$0x0], $0xffff;
	[tilespmem:s22+$0xFFFFFF60] =	vst v13  }
0x77: {  	s31 =	sadd.s32 $0xFFFFFFF0, s26;
	s30 =	sadd.s32 $0xFFFFFFF4, s26;
	s28 =	sadd.s32 $0xFFFFFFF8, s26;
	v19 =	vand.u32 $0xC00, v19;
	v27 =	vand.u32 $0xC00, v29;
	v13 =	vand.u32 $0xC00, v28;
	v3 =	vld.idx.msk [tilespmem:v3+s3+$0x0], $0xffff;
	[tilespmem:s22+$0xFFFFFFE0] =	vst v12  }
0x78: {  	s29 =	sadd.s32 $0xFFFFFFFC, s26;
	v12 =	vand.u32 $0x60, v16;
	v16 =	vand.u32 $0x64, v17;
	v17 =	vand.u32 $0xC00, v30;
	v25 =	vld.idx.msk [tilespmem:v25+s3+$0x0], $0xffff;
	[tilespmem:s22+$0x60] =	vst v8  }
0x79: {  	v14 =	vand.u32 $0x70, v14;
	v8 =	vand.u32 $0x68, v15;
	v15 =	vand.u32 $0x6C, v21;
	v21 =	vld.idx.msk [tilespmem:v2+s3+$0x0], $0xffff;
	[tilespmem:s22+$0xE0] =	vst v9  }
0x7a: {  	v20 =	vor.u32 v1, v20;
	v2 =	vand.u32 $0x74, v23;
	v9 =	vand.u32 $0x78, v24;
	v11 =	vld.idx.msk [tilespmem:v11+s3+$0x0], $0xffff;
	[tilespmem:s22+$0x160] =	vst v6  }
0x7b: {  	v8 =	vor.u32 v8, v26;
	v6 =	vor.u32 v12, v18;
	v12 =	vor.u32 v16, v22;
	v10 =	vld.idx.msk [tilespmem:v10+s3+$0x0], $0xffff  }
0x7c: {  	s16 =	sadd.s32 $0xFFFFFFFE, s26;
	v14 =	vor.u32 v14, v19;
	v13 =	vor.u32 v15, v13;
	v15 =	vor.u32 v2, v27;
	v2 =	vld.idx.msk [tilespmem:v7+s3+$0x0], $0xffff  }
0x7d: {  	v9 =	vor.u32 v9, v17;
	v16 =	vmov s16;
	s22 =	sadd.s32 $0x400, s22;
	v7 =	vor.u32 v0, v6;
	[tilespmem:s24+$0xFFFFFE70] =	vst v5  }
0x7e: {  	v17 =	vor.u32 v0, v8;
	v18 =	vshll.u32 v16, $0x3;
	v5 =	vor.u32 v0, v12;
	[tilespmem:s22+$0x180] =	vst v25  }
0x7f: {  	v19 =	vor.u32 v0, v13;
	v16 =	vand.u32 $0x7D, v16;
	v18 =	vand.u32 $0x7FFFFC00, v18;
	v20 =	vld.idx.msk [tilespmem:v20+s3+$0x0], $0xffff;
	[tilespmem:s24+$0xFFFFFEF0] =	vst v4  }
0x80: {  	v22 =	vor.u32 v0, v15;
	v16 =	vor.u32 v16, v18;
	v4 =	vor.u32 v0, v14;
	[tilespmem:s24+$0xFFFFFF70] =	vst v3  }
0x81: {  	v18 =	vadd.s32 v0, v16;
	v3 =	vor.u32 v1, v6;
	v6 =	vor.u32 v0, v9;
	[tilespmem:s24+$0xFFFFFFF0] =	vst v21  }
0x82: {  	v8 =	vor.u32 v1, v8;
	v13 =	vor.u32 v1, v13;
	v12 =	vor.u32 v1, v12;
	v7 =	vld.idx.msk [tilespmem:v7+s3+$0x0], $0xffff  }
0x83: {  	v15 =	vor.u32 v1, v15;
	v14 =	vor.u32 v1, v14;
	v9 =	vor.u32 v1, v9;
	v5 =	vld.idx.msk [tilespmem:v5+s3+$0x0], $0xffff  }
0x84: {  	v23 =	vmov s12;
	v24 =	vmov s19;
	v21 =	vmov s11;
	v17 =	vld.idx.msk [tilespmem:v17+s3+$0x0], $0xffff  }
0x85: {  	v26 =	vmov s8;
	v27 =	vmov s4;
	v25 =	vshll.u32 v21, $0x3;
	v19 =	vld.idx.msk [tilespmem:v19+s3+$0x0], $0xffff;
	[tilespmem:s22+$0x190] =	vst v20  }
0x86: {  	v29 =	vmov s14;
	v28 =	vmov s10;
	v20 =	vshll.u32 v23, $0x3;
	v18 =	vld.idx.msk [tilespmem:v18+s3+$0x0], $0xffff;
	[tilespmem:s24+$0x70] =	vst v11  }
0x87: {  	v30 =	vshll.u32 v26, $0x3;
	v31 =	vshll.u32 v27, $0x3;
	v11 =	vshll.u32 v24, $0x3;
	v4 =	vld.idx.msk [tilespmem:v4+s3+$0x0], $0xffff;
	[tilespmem:s24+$0xF0] =	vst v10  }
0x88: {  	v16 =	vadd.s32 v1, v16;
	v10 =	vshll.u32 v28, $0x3;
	[tilespmem:s22+$0xFFFFFE00] =	vst v7;
	v7 =	vld.idx.msk [tilespmem:v22+s3+$0x0], $0xffff;
	v22 =	vshll.u32 v29, $0x3  }
0x89: {  	v25 =	vand.u32 $0xC00, v25;
	v11 =	vand.u32 $0x7FFFFC00, v11;
	[tilespmem:s22+$0xFFFFFE80] =	vst v5;
	v5 =	vand.u32 $0x7FFFFC00, v20;
	v6 =	vld.idx.msk [tilespmem:v6+s3+$0x0], $0xffff  }
0x8a: {  	s4 =	sadd.s32 $0xFFFFFFFF, s26;
	v10 =	vand.u32 $0x7FFFFC00, v10;
	v20 =	vand.u32 $0x7FFFFC00, v31;
	v3 =	vld.idx.msk [tilespmem:v3+s3+$0x0], $0xffff;
	[tilespmem:s22+$0xFFFFFF00] =	vst v17;
	v17 =	vand.u32 $0x7FFFFC00, v30  }
0x8b: {  	v21 =	vand.u32 $0x61, v21;
	v12 =	vld.idx.msk [tilespmem:v12+s3+$0x0], $0xffff;
	[tilespmem:s22+$0xFFFFFF80] =	vst v19;
	v19 =	vand.u32 $0x7FFFFC00, v22;
	v22 =	vmov s4  }
0x8c: {  	v23 =	vand.u32 $0x65, v23;
	v24 =	vand.u32 $0x69, v24;
	v8 =	vld.idx.msk [tilespmem:v8+s3+$0x0], $0xffff;
	[tilespmem:s22+$0x1A0] =	vst v18;
	v18 =	vshll.u32 v22, $0x3  }
0x8d: {  	v26 =	vand.u32 $0x6D, v26;
	[tilespmem:s22+$0x0] =	vst v4;
	v4 =	vld.idx.msk [tilespmem:v16+s3+$0x0], $0xffff;
	v16 =	vand.u32 $0x7E, v22;
	v18 =	vand.u32 $0x7FFFFC00, v18  }
0x8e: {  	v22 =	vand.u32 $0x71, v27;
	v13 =	vld.idx.msk [tilespmem:v13+s3+$0x0], $0xffff;
	[tilespmem:s22+$0x80] =	vst v7;
	v7 =	vand.u32 $0x75, v28;
	v16 =	vor.u32 v16, v18  }
0x8f: {  	v18 =	vor.u32 v21, v25;
	v14 =	vld.idx.msk [tilespmem:v14+s3+$0x0], $0xffff;
	[tilespmem:s22+$0x100] =	vst v6;
	v6 =	vand.u32 $0x79, v29;
	v21 =	vadd.s32 v0, v16  }
0x90: {  	v11 =	vor.u32 v24, v11;
	v5 =	vor.u32 v23, v5;
	v17 =	vor.u32 v26, v17;
	v15 =	vld.idx.msk [tilespmem:v15+s3+$0x0], $0xffff  }
0x91: {  	v20 =	vor.u32 v22, v20;
	v7 =	vor.u32 v7, v10;
	v6 =	vor.u32 v6, v19;
	v9 =	vld.idx.msk [tilespmem:v9+s3+$0x0], $0xffff  }
0x92: {  	v10 =	vadd.s32 v0, v5;
	v19 =	vadd.s32 v0, v11;
	[tilespmem:s22+$0xFFFFFE10] =	vst v3;
	v3 =	vor.u32 v0, v18  }
0x93: {  	v22 =	vadd.s32 v0, v17;
	v23 =	vadd.s32 v0, v20;
	v24 =	vadd.s32 v0, v7;
	[tilespmem:s22+$0x1B0] =	vst v4  }
0x94: {  	v4 =	vor.u32 v1, v18;
	v18 =	vmov s17;
	[tilespmem:s22+$0xFFFFFE90] =	vst v12;
	v12 =	vadd.s32 v0, v6;
	v21 =	vld.idx.msk [tilespmem:v21+s3+$0x0], $0xffff  }
0x95: {  	v5 =	vadd.s32 v1, v5;
	[tilespmem:s22+$0xFFFFFF10] =	vst v8;
	v8 =	vadd.s32 v1, v11;
	v11 =	vadd.s32 v1, v17  }
0x96: {  	v16 =	vadd.s32 v1, v16;
	v7 =	vadd.s32 v1, v7;
	[tilespmem:s22+$0xFFFFFF90] =	vst v13;
	v13 =	vadd.s32 v1, v20  }
0x97: {  	v6 =	vadd.s32 v1, v6;
	v17 =	vmov s20;
	v20 =	vmov s0;
	v3 =	vld.idx.msk [tilespmem:v3+s3+$0x0], $0xffff;
	[tilespmem:s22+$0x10] =	vst v14  }
0x98: {  	v26 =	vmov s15;
	v25 =	vmov s6;
	v14 =	vshll.u32 v18, $0x3;
	v10 =	vld.idx.msk [tilespmem:v10+s3+$0x0], $0xffff;
	[tilespmem:s22+$0x90] =	vst v15  }
0x99: {  	v27 =	vmov s18;
	v15 =	vshll.u32 v17, $0x3;
	v19 =	vld.idx.msk [tilespmem:v19+s3+$0x0], $0xffff;
	[tilespmem:s22+$0x110] =	vst v9;
	v9 =	vmov s26  }
0x9a: {  	v29 =	vmov s9;
	v28 =	vshll.u32 v20, $0x3;
	v22 =	vld.idx.msk [tilespmem:v22+s3+$0x0], $0xffff;
	[tilespmem:s22+$0x1C0] =	vst v21;
	v21 =	vshll.u32 v9, $0x3  }
0x9b: {  	v30 =	vshll.u32 v25, $0x3;
	v9 =	vand.u32 $0x7F, v9;
	v16 =	vld.idx.msk [tilespmem:v16+s3+$0x0], $0xffff;
	v21 =	vand.u32 $0x7FFFFC00, v21;
	[tilespmem:s24+$0x170] =	vst v2;
	s24 =	smov.u32 s22  }
0x9c: {  	v31 =	vshll.u32 v27, $0x3;
	v2 =	vld.idx.msk [tilespmem:v23+s3+$0x0], $0xffff;
	v23 =	vshll.u32 v26, $0x3;
	v9 =	vor.u32 v9, v21  }
0x9d: {  	v21 =	vshll.u32 v29, $0x3;
	[tilespmem:s22+$0xFFFFFE20] =	vst v3;
	v3 =	vand.u32 $0xC00, v14;
	v14 =	vld.idx.msk [tilespmem:v24+s3+$0x0], $0xffff;
	v24 =	vadd.s32 v0, v9  }
0x9e: {  	[tilespmem:s22+$0xFFFFFEA0] =	vst v10;
	v10 =	vand.u32 $0x7FFFFC00, v15;
	v15 =	vand.u32 $0x7FFFFC00, v28;
	v28 =	vand.u32 $0x7FFFFC00, v30;
	v12 =	vld.idx.msk [tilespmem:v12+s3+$0x0], $0xffff  }
0x9f: {  	v21 =	vand.u32 $0x7FFFFC00, v21;
	v4 =	vld.idx.msk [tilespmem:v4+s3+$0x0], $0xffff;
	[tilespmem:s22+$0xFFFFFF20] =	vst v19;
	v19 =	vand.u32 $0x7FFFFC00, v23;
	v23 =	vand.u32 $0x7FFFFC00, v31  }
0xa0: {  	v18 =	vand.u32 $0x62, v18;
	v20 =	vand.u32 $0x6A, v20;
	v17 =	vand.u32 $0x66, v17;
	v5 =	vld.idx.msk [tilespmem:v5+s3+$0x0], $0xffff;
	[tilespmem:s22+$0xFFFFFFA0] =	vst v22  }
0xa1: {  	v22 =	vand.u32 $0x6E, v25;
	v25 =	vand.u32 $0x72, v26;
	v26 =	vand.u32 $0x76, v27;
	v8 =	vld.idx.msk [tilespmem:v8+s3+$0x0], $0xffff;
	[tilespmem:s22+$0x1D0] =	vst v16  }
0xa2: {  	v3 =	vor.u32 v18, v3;
	v10 =	vor.u32 v17, v10;
	[tilespmem:s22+$0x20] =	vst v2;
	v2 =	vand.u32 $0x7A, v29;
	v16 =	vld.idx.msk [tilespmem:v24+s3+$0x0], $0xffff  }
0xa3: {  	v17 =	vmov s7;
	v15 =	vor.u32 v20, v15;
	v18 =	vor.u32 v22, v28;
	v11 =	vld.idx.msk [tilespmem:v11+s3+$0x0], $0xffff;
	[tilespmem:s22+$0xA0] =	vst v14  }
0xa4: {  	v9 =	vadd.s32 v1, v9;
	v19 =	vor.u32 v25, v19;
	v14 =	vmov s2;
	v13 =	vld.idx.msk [tilespmem:v13+s3+$0x0], $0xffff;
	[tilespmem:s22+$0x120] =	vst v12  }
0xa5: {  	v2 =	vor.u32 v2, v21;
	v12 =	vor.u32 v26, v23;
	[tilespmem:s22+$0xFFFFFE30] =	vst v4;
	v4 =	vmov s1;
	v7 =	vld.idx.msk [tilespmem:v7+s3+$0x0], $0xffff  }
0xa6: {  	v20 =	vor.u32 v0, v3;
	v21 =	vmov s31;
	[tilespmem:s22+$0xFFFFFEB0] =	vst v5;
	v5 =	vadd.s32 v0, v10;
	v6 =	vld.idx.msk [tilespmem:v6+s3+$0x0], $0xffff  }
0xa7: {  	v22 =	vadd.s32 v0, v18;
	v23 =	vadd.s32 v0, v19;
	[tilespmem:s22+$0xFFFFFF30] =	vst v8;
	v8 =	vadd.s32 v0, v15  }
0xa8: {  	v3 =	vor.u32 v1, v3;
	v25 =	vadd.s32 v0, v2;
	v24 =	vadd.s32 v0, v12;
	[tilespmem:s22+$0x1E0] =	vst v16  }
0xa9: {  	v10 =	vadd.s32 v1, v10;
	v15 =	vadd.s32 v1, v15;
	[tilespmem:s22+$0xFFFFFFB0] =	vst v11;
	v11 =	vmov s30;
	v9 =	vld.idx.msk [tilespmem:v9+s3+$0x0], $0xffff  }
0xaa: {  	v12 =	vadd.s32 v1, v12;
	v16 =	vadd.s32 v1, v18;
	[tilespmem:s22+$0x30] =	vst v13;
	v13 =	vadd.s32 v1, v19  }
0xab: {  	v2 =	vadd.s32 v1, v2;
	v19 =	vmov s29;
	v18 =	vld.idx.msk [tilespmem:v20+s3+$0x0], $0xffff;
	[tilespmem:s22+$0xB0] =	vst v7;
	v7 =	vmov s28  }
0xac: {  	v26 =	vshll.u32 v14, $0x3;
	v27 =	vshll.u32 v4, $0x3;
	v20 =	vshll.u32 v17, $0x3;
	v5 =	vld.idx.msk [tilespmem:v5+s3+$0x0], $0xffff;
	[tilespmem:s22+$0x130] =	vst v6  }
0xad: {  	v28 =	vshll.u32 v11, $0x3;
	v29 =	vshll.u32 v7, $0x3;
	v6 =	vld.idx.msk [tilespmem:v8+s3+$0x0], $0xffff;
	v8 =	vshll.u32 v21, $0x3  }
0xae: {  	v26 =	vand.u32 $0x7FFFFC00, v26;
	v30 =	vshll.u32 v19, $0x3;
	v20 =	vand.u32 $0xC00, v20;
	v22 =	vld.idx.msk [tilespmem:v22+s3+$0x0], $0xffff  }
0xaf: {  	v27 =	vand.u32 $0x7FFFFC00, v27;
	v28 =	vand.u32 $0x7FFFFC00, v28;
	v8 =	vand.u32 $0x7FFFFC00, v8;
	v23 =	vld.idx.msk [tilespmem:v23+s3+$0x0], $0xffff;
	[tilespmem:s22+$0x1F0] =	vst v9  }
0xb0: {  	v30 =	vand.u32 $0x7FFFFC00, v30;
	v29 =	vand.u32 $0x7FFFFC00, v29;
	v9 =	vand.u32 $0x63, v17;
	v24 =	vld.idx.msk [tilespmem:v24+s3+$0x0], $0xffff  }
0xb1: {  	v14 =	vand.u32 $0x67, v14;
	v4 =	vand.u32 $0x6B, v4;
	v17 =	vand.u32 $0x6F, v21;
	[tilespmem:s22+$0xFFFFFE40] =	vst v18;
	v21 =	vld.idx.msk [tilespmem:v25+s3+$0x0], $0xffff  }
0xb2: {  	v7 =	vand.u32 $0x77, v7;
	v18 =	vand.u32 $0x7B, v19;
	v3 =	vld.idx.msk [tilespmem:v3+s3+$0x0], $0xffff;
	[tilespmem:s22+$0xFFFFFEC0] =	vst v5;
	v5 =	vand.u32 $0x73, v11  }
0xb3: {  	v9 =	vor.u32 v9, v20;
	v25 =	vor.u32 v14, v26;
	v20 =	vld.idx.msk [tilespmem:v10+s3+$0x0], $0xffff;
	[tilespmem:s22+$0xFFFFFF40] =	vst v6  }
0xb4: {  	v27 =	vor.u32 v4, v27;
	v26 =	vld.idx.msk [tilespmem:v15+s3+$0x0], $0xffff;
	[tilespmem:s22+$0xFFFFFFC0] =	vst v22;
	v22 =	vor.u32 v17, v8  }
0xb5: {  	v11 =	vor.u32 v5, v28;
	v10 =	vor.u32 v7, v29;
	v17 =	vld.idx.msk [tilespmem:v16+s3+$0x0], $0xffff;
	[tilespmem:s22+$0x40] =	vst v23  }
.Ltmp2:
0xb6: {  	v19 =	vor.u32 v0, v9;
	v7 =	vor.u32 v18, v30;
	v15 =	vld.idx.msk [tilespmem:v13+s3+$0x0], $0xffff;
	[tilespmem:s22+$0xC0] =	vst v24;
	(pc) =	sbr.rel @p0 .LBB2_3-.Ltmp2, $4  }
0xb7: {  	v18 =	vadd.s32 v0, v25;
	v13 =	vadd.s32 v0, v27;
	v14 =	vld.idx.msk [tilespmem:v12+s3+$0x0], $0xffff;
	[tilespmem:s22+$0x140] =	vst v21  }
0xb8: {  	v8 =	vadd.s32 v0, v11;
	v12 =	vadd.s32 v0, v22;
	[tilespmem:s22+$0xFFFFFE50] =	vst v3;
	v16 =	vld.idx.msk [tilespmem:v2+s3+$0x0], $0xffff  }
0xb9: {  	v5 =	vor.u32 v1, v9;
	v9 =	vadd.s32 v0, v10;
	v6 =	vadd.s32 v0, v7;
	[tilespmem:s22+$0xFFFFFED0] =	vst v20  }
0xba: {  	s26 =	sadd.s32 $0x20, s26;
	v4 =	vadd.s32 v1, v25;
	v3 =	vadd.s32 v1, v27;
	v2 =	vadd.s32 v1, v22;
	[tilespmem:s22+$0xFFFFFF50] =	vst v26  }
0xbb: {  	_ =	sdelay $0x3  }
0xbc: {  	v19 =	vld.idx.msk [tilespmem:v19+s3+$0x0], $0xffff  }
0xbd: {  	[tilespmem:s22+$0xFFFFFFD0] =	vst v17;
	v61 =	vld.idx.msk [tilespmem:v18+s3+$0x0], $0xffff  }
0xbe: {  	[tilespmem:s22+$0x50] =	vst v15;
	v13 =	vld.idx.msk [tilespmem:v13+s3+$0x0], $0xffff  }
0xbf: {  	[tilespmem:s22+$0xD0] =	vst v14;
	v12 =	vld.idx.msk [tilespmem:v12+s3+$0x0], $0xffff  }
0xc0: {  	v8 =	vld.idx.msk [tilespmem:v8+s3+$0x0], $0xffff;
	[tilespmem:s22+$0x150] =	vst v16  }
0xc1: {  	v9 =	vld.idx.msk [tilespmem:v9+s3+$0x0], $0xffff;
	[tilespmem:s22+$0xFFFFFE60] =	vst v19  }
0xc2: {  	v11 =	vadd.s32 v1, v11;
	v6 =	vld.idx.msk [tilespmem:v6+s3+$0x0], $0xffff;
	[tilespmem:s22+$0xFFFFFEE0] =	vst v61  }
0xc3: {  	v10 =	vadd.s32 v1, v10;
	[tilespmem:s22+$0xFFFFFF60] =	vst v13;
	v5 =	vld.idx.msk [tilespmem:v5+s3+$0x0], $0xffff  }
0xc4: {  	v7 =	vadd.s32 v1, v7;
	v4 =	vld.idx.msk [tilespmem:v4+s3+$0x0], $0xffff;
	[tilespmem:s22+$0xFFFFFFE0] =	vst v12  }
0xc5: {  	v3 =	vld.idx.msk [tilespmem:v3+s3+$0x0], $0xffff;
	[tilespmem:s22+$0x60] =	vst v8  }
0xc6: {  	v2 =	vld.idx.msk [tilespmem:v2+s3+$0x0], $0xffff;
	[tilespmem:s22+$0xE0] =	vst v9  }
0xc7: {  	v8 =	vld.idx.msk [tilespmem:v11+s3+$0x0], $0xffff;
	[tilespmem:s22+$0x160] =	vst v6  }
0xc8: {  	v62 =	vld.idx.msk [tilespmem:v10+s3+$0x0], $0xffff;
	[tilespmem:s24+$0xFFFFFE70] =	vst v5  }
0xc9: {  	v63 =	vld.idx.msk [tilespmem:v7+s3+$0x0], $0xffff;
	[tilespmem:s24+$0xFFFFFEF0] =	vst v4  }
0xca: {  	[tilespmem:s24+$0xFFFFFF70] =	vst v3  }
0xcb: {  	p0 =	seq.s32 s21, $0xF;
	[tilespmem:s24+$0xFFFFFFF0] =	vst v2  }
0xcc: {  	p1 =	seq.s32 @!p0 s21, $0x0;
	[tilespmem:s24+$0x70] =	vst v8  }
0xcd: {  	s0 =	sshll.u32 s23, $0xB;
	s1 =	simm.s32 $0x8000;
	p1 =	por p0, !p1;
	[tilespmem:s24+$0xF0] =	vst v62  }
.Ltmp3:
0xce: {  	s0 =	sadd.s32 s5, s0;
	s2 =	simm.s32 @!p0 $0x7A1400;
	[tilespmem:s24+$0x170] =	vst v63;
	(pc) =	sbr.rel @!p1 .LBB2_6-.Ltmp3, $4  }
0xcf: {  	[hbm4b:s0+s3] =	stream.linear.scatter [tilespmem:s1], [sflag:$0x3], $0x4000, $0x38;
	[tilespmem:$0x10000] =	vst v63  }
0xd0: {  	s4 =	simm.s32 @!p0 $0x0;
	s0 =	sshll.u32 @!p0 s23, $0x9;
	s1 =	rddreg [dreg:$0x8]  }
0xd1: {  	s22 =	sor.u32 @!p0 $0x20, s23;
	s0 =	sadd.s32 @!p0 s1, s0;
	s1 =	simm.s32 @!p0 $0x1000  }
0xd2: {  	[tilespmem:s4], [sflag:$0x1] =	stream.strided.gather @!p0 [hbm4b:s0+s1], $0x4000, s2, s1, $0x38;
	[tilespmem:$0x10000] =	vst v63  }
0xd3: {  	s1 =	simm.s32 $0x4  }
0xd4: {  	_ =	swait.ge [sflag:s1], $0x4000  }
0xd5: {  	[sflag:s1] =	ssyncset.done $0x0;
	s0 =	rddreg [dreg:$0x6]  }
0xd6: {  	s22 =	smov.u32 @p0 s0;
	[sflag:s1] =	ssyncadd.s32 $0xFFFFC000  }
.LBB2_6:
0xd7: {  	s0 =	simm.s32 $0x4  }
0xd8: {  	s1 =	simm.s32 $0x1C;
	s25 =	simm.s32 $0x8;
	s2 =	simm.s32 $0xC;
	v2 =	vmov s0  }
0xd9: {  	s26 =	simm.s32 $0x10;
	s28 =	simm.s32 $0x14;
	s29 =	simm.s32 $0x0;
	v3 =	vmov s1;
	v4 =	vmov s25;
	v5 =	vmov s2  }
0xda: {  	s30 =	simm.s32 $0x18;
	s4 =	simm.s32 $0x5;
	s6 =	simm.s32 $0x9;
	v7 =	vmov s26;
	v8 =	vmov s29;
	v9 =	vmov s28  }
0xdb: {  	s7 =	simm.s32 $0xD;
	s8 =	simm.s32 $0x11;
	s9 =	simm.s32 $0x15;
	v10 =	vmov s30;
	v20 =	vmov s4;
	v21 =	vmov s6  }
0xdc: {  	s10 =	simm.s32 $0x19;
	s11 =	simm.s32 $0x1E;
	s15 =	simm.s32 $0xA;
	v22 =	vmov s7;
	v24 =	vmov s8;
	v26 =	vmov s9  }
0xdd: {  	s16 =	simm.s32 $0xE;
	s17 =	simm.s32 $0x12;
	s19 =	simm.s32 $0x16;
	v27 =	vmov s10;
	v34 =	vmov s11;
	v40 =	vmov s15  }
0xde: {  	s18 =	simm.s32 $0x1F;
	s20 =	simm.s32 $0x1A;
	v41 =	vmov s16;
	v42 =	vmov s17;
	v43 =	vmov s19  }
0xdf: {  	v44 =	vmov s18;
	v45 =	vmov s20;
	v6 =	vshll.u32 v3, $0x3  }
0xe0: {  	v3 =	vand.u32 $0x7C, v3;
	v12 =	vshll.u32 v2, $0x3;
	v13 =	vshll.u32 v4, $0x3  }
0xe1: {  	v14 =	vshll.u32 v5, $0x3;
	v15 =	vshll.u32 v7, $0x3;
	v16 =	vshll.u32 v9, $0x3  }
0xe2: {  	v17 =	vshll.u32 v10, $0x3;
	v2 =	vand.u32 $0x64, v2;
	v4 =	vand.u32 $0x68, v4  }
0xe3: {  	s2 =	simm.s32 $0x1;
	v5 =	vand.u32 $0x6C, v5;
	v7 =	vand.u32 $0x70, v7;
	v9 =	vand.u32 $0x74, v9  }
0xe4: {  	v10 =	vand.u32 $0x78, v10;
	v19 =	vmov s2;
	v6 =	vand.u32 $0xC00, v6  }
0xe5: {  	v25 =	vshll.u32 v20, $0x3;
	v28 =	vshll.u32 v22, $0x3;
	v3 =	vor.u32 v3, v6  }
0xe6: {  	v12 =	vand.u32 $0xC00, v12;
	v13 =	vand.u32 $0xC00, v13;
	v11 =	vor.u32 v0, v3  }
0xe7: {  	s31 =	simm.s32 $0x2;
	v14 =	vand.u32 $0xC00, v14;
	v16 =	vand.u32 $0xC00, v16;
	v6 =	vshll.u32 v8, $0x3  }
0xe8: {  	_ =	swait.ge [sflag:s31], $0x4000;
	v8 =	vand.u32 $0x60, v8;
	v2 =	vor.u32 v2, v12;
	v5 =	vor.u32 v5, v14  }
0xe9: {  	[sflag:s31] =	ssyncset.done $0x0;
	v9 =	vor.u32 v9, v16;
	v6 =	vand.u32 $0xC00, v6;
	v16 =	vor.u32 v0, v5  }
0xea: {  	[sflag:s31] =	ssyncadd.s32 $0xFFFFC000;
	v4 =	vor.u32 v4, v13;
	v13 =	vor.u32 v0, v2;
	v6 =	vor.u32 v8, v6  }
0xeb: {  	v29 =	vshll.u32 v24, $0x3;
	v30 =	vshll.u32 v26, $0x3;
	v8 =	vld.idx.msk [tilespmem:v11+s13+$0x0], $0xffff;
	v11 =	vor.u32 v0, v6  }
0xec: {  	v31 =	vshll.u32 v27, $0x3;
	v15 =	vand.u32 $0xC00, v15;
	v14 =	vor.u32 v0, v4  }
0xed: {  	v17 =	vand.u32 $0xC00, v17;
	v7 =	vor.u32 v7, v15;
	v3 =	vor.u32 v1, v3  }
0xee: {  	s1 =	simm.s32 $0x1D;
	v35 =	vshll.u32 v34, $0x3;
	v10 =	vor.u32 v10, v17;
	v17 =	vor.u32 v0, v7;
	v16 =	vld.idx.msk [tilespmem:v16+s13+$0x0], $0xffff  }
0xef: {  	v36 =	vand.u32 $0x7E, v34;
	v12 =	vmov s1;
	v5 =	vor.u32 v1, v5;
	v13 =	vld.idx.msk [tilespmem:v13+s13+$0x0], $0xffff  }
0xf0: {  	s23 =	simm.s32 $0xC200;
	v37 =	vand.u32 $0x75, v26;
	v15 =	vshll.u32 v12, $0x3;
	v18 =	vor.u32 v0, v9;
	v11 =	vld.idx.msk [tilespmem:v11+s13+$0x0], $0xffff  }
0xf1: {  	v12 =	vand.u32 $0x7D, v12;
	v15 =	vand.u32 $0x7FFFFC00, v15;
	v14 =	vld.idx.msk [tilespmem:v14+s13+$0x0], $0xffff;
	[tilespmem:s23+$0x180] =	vst v8;
	v8 =	vor.u32 v0, v10  }
0xf2: {  	v46 =	vshll.u32 v44, $0x3;
	v12 =	vor.u32 v12, v15;
	v6 =	vor.u32 v1, v6;
	v3 =	vld.idx.msk [tilespmem:v3+s13+$0x0], $0xffff  }
0xf3: {  	v47 =	vshll.u32 v43, $0x3;
	v23 =	vshll.u32 v19, $0x3;
	v15 =	vadd.s32 v0, v12;
	v17 =	vld.idx.msk [tilespmem:v17+s13+$0x0], $0xffff;
	[tilespmem:s23+$0xFFFFFF80] =	vst v16  }
0xf4: {  	v25 =	vand.u32 $0x7FFFFC00, v25;
	v63 =	vand.u32 $0x7FFFFC00, v29;
	v2 =	vor.u32 v1, v2;
	[tilespmem:s23+$0xFFFFFE80] =	vst v13;
	v5 =	vld.idx.msk [tilespmem:v5+s13+$0x0], $0xffff  }
0xf5: {  	v23 =	vand.u32 $0xC00, v23;
	v4 =	vor.u32 v1, v4;
	v7 =	vor.u32 v1, v7;
	[tilespmem:s23+$0xFFFFFE00] =	vst v11;
	v11 =	vld.idx.msk [tilespmem:v18+s13+$0x0], $0xffff  }
0xf6: {  	v9 =	vor.u32 v1, v9;
	v12 =	vadd.s32 v1, v12;
	v13 =	vand.u32 $0x61, v19;
	[tilespmem:s23+$0xFFFFFF00] =	vst v14;
	v8 =	vld.idx.msk [tilespmem:v8+s13+$0x0], $0xffff  }
0xf7: {  	v16 =	vand.u32 $0x6D, v22;
	v13 =	vor.u32 v13, v23;
	v18 =	vand.u32 $0x7FFFFC00, v28;
	[tilespmem:s23+$0x190] =	vst v3;
	v6 =	vld.idx.msk [tilespmem:v6+s13+$0x0], $0xffff  }
0xf8: {  	v14 =	vand.u32 $0x65, v20;
	[tilespmem:s23+$0x0] =	vst v17;
	v16 =	vor.u32 v16, v18;
	v18 =	vor.u32 v0, v13;
	v15 =	vld.idx.msk [tilespmem:v15+s13+$0x0], $0xffff  }
0xf9: {  	v19 =	vand.u32 $0x7FFFFC00, v31;
	v17 =	vand.u32 $0x79, v27;
	v2 =	vld.idx.msk [tilespmem:v2+s13+$0x0], $0xffff;
	v14 =	vor.u32 v14, v25;
	[tilespmem:s23+$0xFFFFFF90] =	vst v5  }
0xfa: {  	v17 =	vor.u32 v17, v19;
	v7 =	vld.idx.msk [tilespmem:v7+s13+$0x0], $0xffff;
	v19 =	vadd.s32 v0, v14;
	v3 =	vshll.u32 v21, $0x3;
	[tilespmem:s23+$0x80] =	vst v11  }
0xfb: {  	v10 =	vor.u32 v1, v10;
	v20 =	vand.u32 $0x69, v21;
	v4 =	vld.idx.msk [tilespmem:v4+s13+$0x0], $0xffff;
	v3 =	vand.u32 $0x7FFFFC00, v3;
	[tilespmem:s23+$0x100] =	vst v8  }
0xfc: {  	v33 =	vand.u32 $0x7FFFFC00, v30;
	v3 =	vor.u32 v20, v3;
	v8 =	vadd.s32 v0, v16;
	v9 =	vld.idx.msk [tilespmem:v9+s13+$0x0], $0xffff;
	[tilespmem:s23+$0xFFFFFE10] =	vst v6  }
0xfd: {  	v39 =	vadd.s32 v0, v17;
	v21 =	vand.u32 $0x7FFFFC00, v35;
	v20 =	vadd.s32 v0, v3;
	[tilespmem:s23+$0x1A0] =	vst v15;
	v5 =	vld.idx.msk [tilespmem:v18+s13+$0x0], $0xffff  }
0xfe: {  	[tilespmem:s23+$0xFFFFFE90] =	vst v2;
	v21 =	vor.u32 v36, v21;
	v6 =	vor.u32 v1, v13;
	v15 =	vand.u32 $0x71, v24;
	v12 =	vld.idx.msk [tilespmem:v12+s13+$0x0], $0xffff  }
0xff: {  	v30 =	vand.u32 $0x7FFFFC00, v46;
	[tilespmem:s23+$0x10] =	vst v7;
	v7 =	vld.idx.msk [tilespmem:v19+s13+$0x0], $0xffff;
	v22 =	vadd.s32 v0, v21;
	v11 =	vor.u32 v15, v63  }
0x100: {  	v28 =	vand.u32 $0x7F, v44;
	[tilespmem:s23+$0xFFFFFF10] =	vst v4;
	v10 =	vld.idx.msk [tilespmem:v10+s13+$0x0], $0xffff;
	v15 =	vor.u32 v37, v33;
	v38 =	vadd.s32 v0, v11  }
0x101: {  	v48 =	vand.u32 $0x72, v42;
	v28 =	vor.u32 v28, v30;
	v24 =	vadd.s32 v0, v15;
	v8 =	vld.idx.msk [tilespmem:v8+s13+$0x0], $0xffff;
	[tilespmem:s23+$0x90] =	vst v9  }
0x102: {  	s12 =	simm.s32 $0x2;
	v49 =	vand.u32 $0x76, v43;
	v17 =	vadd.s32 v1, v17;
	v30 =	vadd.s32 v0, v28;
	v9 =	vld.idx.msk [tilespmem:v20+s13+$0x0], $0xffff;
	[tilespmem:s23+$0xFFFFFE20] =	vst v5  }
0x103: {  	v4 =	vadd.s32 v1, v21;
	v3 =	vadd.s32 v1, v3;
	v13 =	vmov s12;
	[tilespmem:s23+$0x1B0] =	vst v12;
	v6 =	vld.idx.msk [tilespmem:v6+s13+$0x0], $0xffff  }
0x104: {  	s14 =	simm.s32 $0x6;
	v21 =	vand.u32 $0x6A, v40;
	v18 =	vshll.u32 v13, $0x3;
	v12 =	vadd.s32 v1, v14;
	v2 =	vld.idx.msk [tilespmem:v22+s13+$0x0], $0xffff  }
0x105: {  	[tilespmem:s23+$0xFFFFFEA0] =	vst v7;
	v13 =	vand.u32 $0x62, v13;
	v14 =	vadd.s32 v1, v16;
	v16 =	vmov s14;
	v23 =	vld.idx.msk [tilespmem:v38+s13+$0x0], $0xffff  }
0x106: {  	v11 =	vadd.s32 v1, v11;
	v20 =	vshll.u32 v40, $0x3;
	[tilespmem:s23+$0x110] =	vst v10;
	v19 =	vshll.u32 v16, $0x3;
	v24 =	vld.idx.msk [tilespmem:v24+s13+$0x0], $0xffff  }
0x107: {  	v15 =	vadd.s32 v1, v15;
	v7 =	vand.u32 $0x7FFFFC00, v19;
	v19 =	vand.u32 $0x7FFFFC00, v20;
	v20 =	vld.idx.msk [tilespmem:v39+s13+$0x0], $0xffff;
	[tilespmem:s23+$0xFFFFFF20] =	vst v9  }
0x108: {  	v10 =	vshll.u32 v42, $0x3;
	v5 =	vand.u32 $0xC00, v18;
	v18 =	vshll.u32 v45, $0x3;
	[tilespmem:s23+$0xFFFFFFA0] =	vst v8;
	v3 =	vld.idx.msk [tilespmem:v3+s13+$0x0], $0xffff  }
0x109: {  	v18 =	vand.u32 $0x7FFFFC00, v18;
	v16 =	vand.u32 $0x66, v16;
	v9 =	vand.u32 $0x7FFFFC00, v10;
	v8 =	vld.idx.msk [tilespmem:v12+s13+$0x0], $0xffff;
	[tilespmem:s23+$0x1C0] =	vst v2  }
0x10a: {  	v10 =	vand.u32 $0x7FFFFC00, v47;
	v19 =	vor.u32 v21, v19;
	v9 =	vor.u32 v48, v9;
	[tilespmem:s23+$0x20] =	vst v23;
	v4 =	vld.idx.msk [tilespmem:v4+s13+$0x0], $0xffff  }
0x10b: {  	v10 =	vor.u32 v49, v10;
	v51 =	vadd.s32 v0, v19;
	v2 =	vshll.u32 v41, $0x3;
	[tilespmem:s23+$0xA0] =	vst v24;
	v11 =	vld.idx.msk [tilespmem:v11+s13+$0x0], $0xffff  }
0x10c: {  	s26 =	simm.s32 $0xB;
	v12 =	vand.u32 $0x6E, v41;
	[tilespmem:s23+$0xFFFFFE30] =	vst v6;
	v53 =	vadd.s32 v0, v9;
	v2 =	vand.u32 $0x7FFFFC00, v2;
	v15 =	vld.idx.msk [tilespmem:v15+s13+$0x0], $0xffff  }
0x10d: {  	v6 =	vmov s26;
	v25 =	vadd.s32 v0, v10;
	[tilespmem:s23+$0x120] =	vst v20;
	v2 =	vor.u32 v12, v2;
	v12 =	vld.idx.msk [tilespmem:v14+s13+$0x0], $0xffff  }
0x10e: {  	v9 =	vadd.s32 v1, v9;
	v57 =	vshll.u32 v6, $0x3;
	v6 =	vand.u32 $0x6B, v6;
	v17 =	vld.idx.msk [tilespmem:v17+s13+$0x0], $0xffff;
	[tilespmem:s23+$0xFFFFFF30] =	vst v3  }
0x10f: {  	v52 =	vadd.s32 v0, v2;
	[tilespmem:s23+$0x1D0] =	vst v4;
	v4 =	vor.u32 v13, v5;
	v5 =	vor.u32 v16, v7  }
0x110: {  	s25 =	simm.s32 $0x7;
	v20 =	vadd.s32 v1, v28;
	v28 =	vand.u32 $0x7FFFFC00, v57;
	[tilespmem:s23+$0xFFFFFEB0] =	vst v8;
	v13 =	vld.idx.msk [tilespmem:v30+s13+$0x0], $0xffff;
	v8 =	vadd.s32 v0, v5  }
0x111: {  	v14 =	vmov s25;
	v28 =	vor.u32 v6, v28;
	v2 =	vadd.s32 v1, v2;
	v22 =	vld.idx.msk [tilespmem:v51+s13+$0x0], $0xffff;
	[tilespmem:s23+$0x30] =	vst v11  }
0x112: {  	s24 =	simm.s32 $0x3;
	s28 =	simm.s32 $0xF;
	v56 =	vshll.u32 v14, $0x3;
	v7 =	vand.u32 $0x7A, v45;
	[tilespmem:s23+$0xB0] =	vst v15;
	v50 =	vor.u32 v0, v4;
	v24 =	vld.idx.msk [tilespmem:v53+s13+$0x0], $0xffff  }
0x113: {  	v16 =	vmov s24;
	v7 =	vor.u32 v7, v18;
	v18 =	vmov s28;
	[tilespmem:s23+$0xFFFFFFB0] =	vst v12;
	v25 =	vld.idx.msk [tilespmem:v25+s13+$0x0], $0xffff  }
0x114: {  	s30 =	simm.s32 $0x17;
	v4 =	vor.u32 v1, v4;
	v3 =	vadd.s32 v1, v5;
	v5 =	vadd.s32 v1, v19;
	v23 =	vld.idx.msk [tilespmem:v52+s13+$0x0], $0xffff  }
0x115: {  	v12 =	vmov s30;
	v11 =	vshll.u32 v16, $0x3;
	v54 =	vadd.s32 v0, v7;
	[tilespmem:s23+$0x1E0] =	vst v13;
	v8 =	vld.idx.msk [tilespmem:v8+s13+$0x0], $0xffff  }
0x116: {  	s31 =	simm.s32 $0x1B;
	[tilespmem:s23+$0x130] =	vst v17;
	v17 =	vand.u32 $0x7FFFFC00, v56;
	v16 =	vand.u32 $0x63, v16;
	v55 =	vadd.s32 v1, v7;
	v19 =	vld.idx.msk [tilespmem:v20+s13+$0x0], $0xffff  }
0x117: {  	v7 =	vmov s31;
	v15 =	vshll.u32 v18, $0x3;
	[tilespmem:s23+$0xFFFFFF40] =	vst v22;
	v20 =	vadd.s32 v1, v10;
	v10 =	vld.idx.msk [tilespmem:v50+s13+$0x0], $0xffff  }
0x118: {  	s29 =	simm.s32 $0x13;
	v59 =	vshll.u32 v12, $0x3;
	v11 =	vand.u32 $0xC00, v11;
	v60 =	vshll.u32 v7, $0x3;
	[tilespmem:s23+$0x40] =	vst v24  }
0x119: {  	v15 =	vand.u32 $0x7FFFFC00, v15;
	v61 =	vor.u32 v16, v11;
	v13 =	vmov s29;
	v22 =	vld.idx.msk [tilespmem:v5+s13+$0x0], $0xffff;
	[tilespmem:s23+$0xC0] =	vst v25  }
0x11a: {  	v27 =	vand.u32 $0x7FFFFC00, v60;
	v5 =	vand.u32 $0x7B, v7;
	v58 =	vshll.u32 v13, $0x3;
	v26 =	vld.idx.msk [tilespmem:v54+s13+$0x0], $0xffff;
	[tilespmem:s23+$0xFFFFFFC0] =	vst v23  }
0x11b: {  	v16 =	vld.idx.msk [tilespmem:v9+s13+$0x0], $0xffff;
	v9 =	vor.u32 v5, v27;
	v5 =	vor.u32 v1, v61;
	v29 =	vand.u32 $0x7FFFFC00, v58;
	[tilespmem:s23+$0xFFFFFEC0] =	vst v8  }
0x11c: {  	v6 =	vadd.s32 v0, v9;
	v8 =	vand.u32 $0x73, v13;
	[tilespmem:s23+$0xFFFFFE40] =	vst v10;
	v10 =	vand.u32 $0x67, v14;
	v3 =	vld.idx.msk [tilespmem:v3+s13+$0x0], $0xffff  }
0x11d: {  	[tilespmem:s23+$0x1F0] =	vst v19;
	v19 =	vand.u32 $0x7FFFFC00, v59;
	v4 =	vld.idx.msk [tilespmem:v4+s13+$0x0], $0xffff;
	v62 =	vor.u32 v10, v17;
	v10 =	vand.u32 $0x77, v12  }
0x11e: {  	v13 =	vadd.s32 v0, v28;
	v17 =	vld.idx.msk [tilespmem:v2+s13+$0x0], $0xffff;
	v10 =	vor.u32 v10, v19;
	v19 =	vor.u32 v0, v61  }
0x11f: {  	[tilespmem:s23+$0xFFFFFF50] =	vst v22;
	v14 =	vand.u32 $0x6F, v18;
	v11 =	vor.u32 v8, v29;
	v18 =	vadd.s32 v0, v62  }
0x120: {  	[tilespmem:s23+$0x140] =	vst v26;
	v63 =	vor.u32 v14, v15;
	v14 =	vld.idx.msk [tilespmem:v20+s13+$0x0], $0xffff;
	v7 =	vadd.s32 v0, v11  }
0x121: {  	v15 =	vld.idx.msk [tilespmem:v55+s13+$0x0], $0xffff;
	v12 =	vadd.s32 v0, v63;
	v2 =	vadd.s32 v1, v63;
	[tilespmem:s23+$0xFFFFFED0] =	vst v3  }
0x122: {  	s26 =	simm.s32 $0x3F;
	s25 =	simm.s32 $0x0;
	s24 =	simm.s32 $0xC200;
	v8 =	vadd.s32 v0, v10;
	v3 =	vadd.s32 v1, v28;
	[tilespmem:s23+$0xFFFFFE50] =	vst v4;
	v4 =	vadd.s32 v1, v62  }
.LBB2_7:
0x123: {  	s0 =	sadd.s32 $0xFFFFFFE5, s26;
	s1 =	sadd.s32 $0xFFFFFFFD, s26;
	s25 =	sadd.s32 $0x8, s25;
	v19 =	vld.idx.msk [tilespmem:v19+s13+$0x0], $0xffff;
	[tilespmem:s23+$0xFFFFFFD0] =	vst v17;
	v11 =	vadd.s32 v1, v11;
	v10 =	vadd.s32 v1, v10  }
0x124: {  	s2 =	sadd.s32 $0xFFFFFFED, s26;
	v9 =	vadd.s32 v1, v9;
	v17 =	vmov s0;
	s0 =	sadd.s32 $0xFFFFFFE9, s26;
	v20 =	vmov s1;
	p1 =	slt.u32 s25, $0x78;
	v18 =	vld.idx.msk [tilespmem:v18+s13+$0x0], $0xffff;
	[tilespmem:s23+$0x50] =	vst v16  }
0x125: {  	v21 =	vmov s2;
	s1 =	sadd.s32 $0xFFFFFFF5, s26;
	s2 =	sadd.s32 $0xFFFFFFF9, s26;
	v16 =	vmov s0;
	s0 =	sadd.s32 $0xFFFFFFF1, s26;
	v22 =	vshll.u32 v20, $0x3;
	v13 =	vld.idx.msk [tilespmem:v13+s13+$0x0], $0xffff;
	[tilespmem:s23+$0xD0] =	vst v14  }
0x126: {  	s4 =	sadd.s32 $0xFFFFFFE1, s26;
	s11 =	sadd.s32 $0xFFFFFFE2, s26;
	s12 =	sadd.s32 $0xFFFFFFE6, s26;
	v20 =	vand.u32 $0x7C, v20;
	v14 =	vmov s0;
	v22 =	vand.u32 $0xC00, v22;
	v12 =	vld.idx.msk [tilespmem:v12+s13+$0x0], $0xffff;
	[tilespmem:s23+$0x150] =	vst v15  }
0x127: {  	s10 =	sadd.s32 $0xFFFFFFEA, s26;
	s8 =	sadd.s32 $0xFFFFFFF2, s26;
	v23 =	vmov s1;
	v15 =	vmov s4;
	s4 =	sadd.s32 $0xFFFFFFEE, s26;
	v20 =	vor.u32 v20, v22;
	v7 =	vld.idx.msk [tilespmem:v7+s13+$0x0], $0xffff  }
0x128: {  	s17 =	sadd.s32 $0xFFFFFFE3, s26;
	s19 =	sadd.s32 $0xFFFFFFF6, s26;
	s14 =	sadd.s32 $0xFFFFFFFA, s26;
	v24 =	vmov s2;
	v22 =	vshll.u32 v15, $0x3;
	v25 =	vor.u32 v0, v20;
	v8 =	vld.idx.msk [tilespmem:v8+s13+$0x0], $0xffff  }
0x129: {  	s20 =	sadd.s32 $0xFFFFFFE7, s26;
	s6 =	sadd.s32 $0xFFFFFFEF, s26;
	v26 =	vshll.u32 v17, $0x3;
	v28 =	vshll.u32 v21, $0x3;
	v27 =	vshll.u32 v16, $0x3;
	s0 =	sadd.s32 $0xFFFFFFEB, s26;
	[tilespmem:s23+$0xFFFFFE60] =	vst v19;
	v6 =	vld.idx.msk [tilespmem:v6+s13+$0x0], $0xffff  }
0x12a: {  	s15 =	sadd.s32 $0xFFFFFFF3, s26;
	s18 =	sadd.s32 $0xFFFFFFF7, s26;
	s9 =	sadd.s32 $0xFFFFFFFB, s26;
	v29 =	vshll.u32 v23, $0x3;
	v30 =	vshll.u32 v24, $0x3;
	v19 =	vshll.u32 v14, $0x3;
	v5 =	vld.idx.msk [tilespmem:v5+s13+$0x0], $0xffff;
	[tilespmem:s23+$0xFFFFFEE0] =	vst v18  }
0x12b: {  	s7 =	sadd.s32 $0xFFFFFFE4, s26;
	s2 =	sadd.s32 $0xFFFFFFE8, s26;
	s1 =	sadd.s32 $0xFFFFFFEC, s26;
	v18 =	vand.u32 $0xC00, v22;
	v22 =	vand.u32 $0xC00, v26;
	v26 =	vand.u32 $0xC00, v27;
	v4 =	vld.idx.msk [tilespmem:v4+s13+$0x0], $0xffff;
	[tilespmem:s23+$0xFFFFFF60] =	vst v13  }
0x12c: {  	s31 =	sadd.s32 $0xFFFFFFF0, s26;
	s30 =	sadd.s32 $0xFFFFFFF4, s26;
	s28 =	sadd.s32 $0xFFFFFFF8, s26;
	v19 =	vand.u32 $0xC00, v19;
	v27 =	vand.u32 $0xC00, v29;
	v13 =	vand.u32 $0xC00, v28;
	v3 =	vld.idx.msk [tilespmem:v3+s13+$0x0], $0xffff;
	[tilespmem:s23+$0xFFFFFFE0] =	vst v12  }
0x12d: {  	s29 =	sadd.s32 $0xFFFFFFFC, s26;
	v12 =	vand.u32 $0x60, v15;
	v15 =	vand.u32 $0x64, v17;
	v17 =	vand.u32 $0xC00, v30;
	v25 =	vld.idx.msk [tilespmem:v25+s13+$0x0], $0xffff;
	[tilespmem:s23+$0x60] =	vst v7  }
0x12e: {  	v14 =	vand.u32 $0x70, v14;
	v7 =	vand.u32 $0x68, v16;
	v16 =	vand.u32 $0x6C, v21;
	v21 =	vld.idx.msk [tilespmem:v2+s13+$0x0], $0xffff;
	[tilespmem:s23+$0xE0] =	vst v8  }
0x12f: {  	v20 =	vor.u32 v1, v20;
	v2 =	vand.u32 $0x74, v23;
	v8 =	vand.u32 $0x78, v24;
	v11 =	vld.idx.msk [tilespmem:v11+s13+$0x0], $0xffff;
	[tilespmem:s23+$0x160] =	vst v6  }
0x130: {  	v7 =	vor.u32 v7, v26;
	v6 =	vor.u32 v12, v18;
	v12 =	vor.u32 v15, v22;
	v10 =	vld.idx.msk [tilespmem:v10+s13+$0x0], $0xffff  }
0x131: {  	s16 =	sadd.s32 $0xFFFFFFFE, s26;
	v14 =	vor.u32 v14, v19;
	v13 =	vor.u32 v16, v13;
	v15 =	vor.u32 v2, v27;
	v2 =	vld.idx.msk [tilespmem:v9+s13+$0x0], $0xffff  }
0x132: {  	v16 =	vmov s16;
	v8 =	vor.u32 v8, v17;
	s23 =	sadd.s32 $0x400, s23;
	v9 =	vor.u32 v0, v6;
	[tilespmem:s24+$0xFFFFFE70] =	vst v5  }
0x133: {  	v17 =	vor.u32 v0, v7;
	v18 =	vshll.u32 v16, $0x3;
	v5 =	vor.u32 v0, v12;
	[tilespmem:s23+$0x180] =	vst v25  }
0x134: {  	v19 =	vor.u32 v0, v13;
	v16 =	vand.u32 $0x7D, v16;
	v18 =	vand.u32 $0x7FFFFC00, v18;
	v20 =	vld.idx.msk [tilespmem:v20+s13+$0x0], $0xffff;
	[tilespmem:s24+$0xFFFFFEF0] =	vst v4  }
0x135: {  	v22 =	vor.u32 v0, v15;
	v16 =	vor.u32 v16, v18;
	v4 =	vor.u32 v0, v14;
	[tilespmem:s24+$0xFFFFFF70] =	vst v3  }
0x136: {  	v18 =	vadd.s32 v0, v16;
	v3 =	vor.u32 v1, v6;
	v6 =	vor.u32 v0, v8;
	[tilespmem:s24+$0xFFFFFFF0] =	vst v21  }
0x137: {  	v7 =	vor.u32 v1, v7;
	v13 =	vor.u32 v1, v13;
	v12 =	vor.u32 v1, v12;
	v9 =	vld.idx.msk [tilespmem:v9+s13+$0x0], $0xffff  }
0x138: {  	v15 =	vor.u32 v1, v15;
	v14 =	vor.u32 v1, v14;
	v8 =	vor.u32 v1, v8;
	v5 =	vld.idx.msk [tilespmem:v5+s13+$0x0], $0xffff  }
0x139: {  	v23 =	vmov s12;
	v24 =	vmov s10;
	v21 =	vmov s11;
	v17 =	vld.idx.msk [tilespmem:v17+s13+$0x0], $0xffff  }
0x13a: {  	v26 =	vmov s4;
	v27 =	vmov s8;
	v25 =	vshll.u32 v21, $0x3;
	v19 =	vld.idx.msk [tilespmem:v19+s13+$0x0], $0xffff;
	[tilespmem:s23+$0x190] =	vst v20  }
0x13b: {  	v29 =	vmov s14;
	v28 =	vmov s19;
	v20 =	vshll.u32 v23, $0x3;
	v18 =	vld.idx.msk [tilespmem:v18+s13+$0x0], $0xffff;
	[tilespmem:s24+$0x70] =	vst v11  }
0x13c: {  	v30 =	vshll.u32 v26, $0x3;
	v31 =	vshll.u32 v27, $0x3;
	v11 =	vshll.u32 v24, $0x3;
	v4 =	vld.idx.msk [tilespmem:v4+s13+$0x0], $0xffff;
	[tilespmem:s24+$0xF0] =	vst v10  }
0x13d: {  	v16 =	vadd.s32 v1, v16;
	v10 =	vshll.u32 v28, $0x3;
	[tilespmem:s23+$0xFFFFFE00] =	vst v9;
	v9 =	vld.idx.msk [tilespmem:v22+s13+$0x0], $0xffff;
	v22 =	vshll.u32 v29, $0x3  }
0x13e: {  	v25 =	vand.u32 $0xC00, v25;
	v11 =	vand.u32 $0x7FFFFC00, v11;
	[tilespmem:s23+$0xFFFFFE80] =	vst v5;
	v5 =	vand.u32 $0x7FFFFC00, v20;
	v6 =	vld.idx.msk [tilespmem:v6+s13+$0x0], $0xffff  }
0x13f: {  	s4 =	sadd.s32 $0xFFFFFFFF, s26;
	v10 =	vand.u32 $0x7FFFFC00, v10;
	v20 =	vand.u32 $0x7FFFFC00, v31;
	v3 =	vld.idx.msk [tilespmem:v3+s13+$0x0], $0xffff;
	[tilespmem:s23+$0xFFFFFF00] =	vst v17;
	v17 =	vand.u32 $0x7FFFFC00, v30  }
0x140: {  	v21 =	vand.u32 $0x61, v21;
	v12 =	vld.idx.msk [tilespmem:v12+s13+$0x0], $0xffff;
	[tilespmem:s23+$0xFFFFFF80] =	vst v19;
	v19 =	vand.u32 $0x7FFFFC00, v22;
	v22 =	vmov s4  }
0x141: {  	v23 =	vand.u32 $0x65, v23;
	v24 =	vand.u32 $0x69, v24;
	v7 =	vld.idx.msk [tilespmem:v7+s13+$0x0], $0xffff;
	[tilespmem:s23+$0x1A0] =	vst v18;
	v18 =	vshll.u32 v22, $0x3  }
0x142: {  	v26 =	vand.u32 $0x6D, v26;
	[tilespmem:s23+$0x0] =	vst v4;
	v4 =	vld.idx.msk [tilespmem:v16+s13+$0x0], $0xffff;
	v16 =	vand.u32 $0x7E, v22;
	v18 =	vand.u32 $0x7FFFFC00, v18  }
0x143: {  	v22 =	vand.u32 $0x71, v27;
	v13 =	vld.idx.msk [tilespmem:v13+s13+$0x0], $0xffff;
	[tilespmem:s23+$0x80] =	vst v9;
	v9 =	vand.u32 $0x75, v28;
	v16 =	vor.u32 v16, v18  }
0x144: {  	v18 =	vor.u32 v21, v25;
	v14 =	vld.idx.msk [tilespmem:v14+s13+$0x0], $0xffff;
	[tilespmem:s23+$0x100] =	vst v6;
	v6 =	vand.u32 $0x79, v29;
	v21 =	vadd.s32 v0, v16  }
0x145: {  	v11 =	vor.u32 v24, v11;
	v5 =	vor.u32 v23, v5;
	v17 =	vor.u32 v26, v17;
	v15 =	vld.idx.msk [tilespmem:v15+s13+$0x0], $0xffff  }
0x146: {  	v20 =	vor.u32 v22, v20;
	v9 =	vor.u32 v9, v10;
	v6 =	vor.u32 v6, v19;
	v8 =	vld.idx.msk [tilespmem:v8+s13+$0x0], $0xffff  }
0x147: {  	v10 =	vadd.s32 v0, v5;
	v19 =	vadd.s32 v0, v11;
	[tilespmem:s23+$0xFFFFFE10] =	vst v3;
	v3 =	vor.u32 v0, v18  }
0x148: {  	v22 =	vadd.s32 v0, v17;
	v23 =	vadd.s32 v0, v20;
	v24 =	vadd.s32 v0, v9;
	[tilespmem:s23+$0x1B0] =	vst v4  }
0x149: {  	v4 =	vor.u32 v1, v18;
	v18 =	vmov s17;
	[tilespmem:s23+$0xFFFFFE90] =	vst v12;
	v12 =	vadd.s32 v0, v6;
	v21 =	vld.idx.msk [tilespmem:v21+s13+$0x0], $0xffff  }
0x14a: {  	v5 =	vadd.s32 v1, v5;
	[tilespmem:s23+$0xFFFFFF10] =	vst v7;
	v7 =	vadd.s32 v1, v11;
	v11 =	vadd.s32 v1, v17  }
0x14b: {  	v16 =	vadd.s32 v1, v16;
	v9 =	vadd.s32 v1, v9;
	[tilespmem:s23+$0xFFFFFF90] =	vst v13;
	v13 =	vadd.s32 v1, v20  }
0x14c: {  	v6 =	vadd.s32 v1, v6;
	v17 =	vmov s20;
	v20 =	vmov s0;
	v3 =	vld.idx.msk [tilespmem:v3+s13+$0x0], $0xffff;
	[tilespmem:s23+$0x10] =	vst v14  }
0x14d: {  	v26 =	vmov s15;
	v25 =	vmov s6;
	v14 =	vshll.u32 v18, $0x3;
	v10 =	vld.idx.msk [tilespmem:v10+s13+$0x0], $0xffff;
	[tilespmem:s23+$0x90] =	vst v15  }
0x14e: {  	v27 =	vmov s18;
	v15 =	vshll.u32 v17, $0x3;
	v19 =	vld.idx.msk [tilespmem:v19+s13+$0x0], $0xffff;
	[tilespmem:s23+$0x110] =	vst v8;
	v8 =	vmov s26  }
0x14f: {  	v29 =	vmov s9;
	v28 =	vshll.u32 v20, $0x3;
	v22 =	vld.idx.msk [tilespmem:v22+s13+$0x0], $0xffff;
	[tilespmem:s23+$0x1C0] =	vst v21;
	v21 =	vshll.u32 v8, $0x3  }
0x150: {  	v30 =	vshll.u32 v25, $0x3;
	v8 =	vand.u32 $0x7F, v8;
	v16 =	vld.idx.msk [tilespmem:v16+s13+$0x0], $0xffff;
	v21 =	vand.u32 $0x7FFFFC00, v21;
	[tilespmem:s24+$0x170] =	vst v2;
	s24 =	smov.u32 s23  }
0x151: {  	v31 =	vshll.u32 v27, $0x3;
	v2 =	vld.idx.msk [tilespmem:v23+s13+$0x0], $0xffff;
	v23 =	vshll.u32 v26, $0x3;
	v8 =	vor.u32 v8, v21  }
0x152: {  	v21 =	vshll.u32 v29, $0x3;
	[tilespmem:s23+$0xFFFFFE20] =	vst v3;
	v3 =	vand.u32 $0xC00, v14;
	v14 =	vld.idx.msk [tilespmem:v24+s13+$0x0], $0xffff;
	v24 =	vadd.s32 v0, v8  }
0x153: {  	[tilespmem:s23+$0xFFFFFEA0] =	vst v10;
	v10 =	vand.u32 $0x7FFFFC00, v15;
	v15 =	vand.u32 $0x7FFFFC00, v28;
	v28 =	vand.u32 $0x7FFFFC00, v30;
	v12 =	vld.idx.msk [tilespmem:v12+s13+$0x0], $0xffff  }
0x154: {  	v21 =	vand.u32 $0x7FFFFC00, v21;
	v4 =	vld.idx.msk [tilespmem:v4+s13+$0x0], $0xffff;
	[tilespmem:s23+$0xFFFFFF20] =	vst v19;
	v19 =	vand.u32 $0x7FFFFC00, v23;
	v23 =	vand.u32 $0x7FFFFC00, v31  }
0x155: {  	v18 =	vand.u32 $0x62, v18;
	v20 =	vand.u32 $0x6A, v20;
	v17 =	vand.u32 $0x66, v17;
	v5 =	vld.idx.msk [tilespmem:v5+s13+$0x0], $0xffff;
	[tilespmem:s23+$0xFFFFFFA0] =	vst v22  }
0x156: {  	v22 =	vand.u32 $0x6E, v25;
	v25 =	vand.u32 $0x72, v26;
	v26 =	vand.u32 $0x76, v27;
	v7 =	vld.idx.msk [tilespmem:v7+s13+$0x0], $0xffff;
	[tilespmem:s23+$0x1D0] =	vst v16  }
0x157: {  	v3 =	vor.u32 v18, v3;
	v10 =	vor.u32 v17, v10;
	[tilespmem:s23+$0x20] =	vst v2;
	v2 =	vand.u32 $0x7A, v29;
	v16 =	vld.idx.msk [tilespmem:v24+s13+$0x0], $0xffff  }
0x158: {  	v17 =	vmov s7;
	v15 =	vor.u32 v20, v15;
	v18 =	vor.u32 v22, v28;
	v11 =	vld.idx.msk [tilespmem:v11+s13+$0x0], $0xffff;
	[tilespmem:s23+$0xA0] =	vst v14  }
0x159: {  	v8 =	vadd.s32 v1, v8;
	v19 =	vor.u32 v25, v19;
	v14 =	vmov s2;
	v13 =	vld.idx.msk [tilespmem:v13+s13+$0x0], $0xffff;
	[tilespmem:s23+$0x120] =	vst v12  }
0x15a: {  	v2 =	vor.u32 v2, v21;
	v12 =	vor.u32 v26, v23;
	[tilespmem:s23+$0xFFFFFE30] =	vst v4;
	v4 =	vmov s1;
	v9 =	vld.idx.msk [tilespmem:v9+s13+$0x0], $0xffff  }
0x15b: {  	v20 =	vor.u32 v0, v3;
	v21 =	vmov s31;
	[tilespmem:s23+$0xFFFFFEB0] =	vst v5;
	v5 =	vadd.s32 v0, v10;
	v6 =	vld.idx.msk [tilespmem:v6+s13+$0x0], $0xffff  }
0x15c: {  	v22 =	vadd.s32 v0, v18;
	v23 =	vadd.s32 v0, v19;
	[tilespmem:s23+$0xFFFFFF30] =	vst v7;
	v7 =	vadd.s32 v0, v15  }
0x15d: {  	v3 =	vor.u32 v1, v3;
	v25 =	vadd.s32 v0, v2;
	v24 =	vadd.s32 v0, v12;
	[tilespmem:s23+$0x1E0] =	vst v16  }
0x15e: {  	v10 =	vadd.s32 v1, v10;
	v15 =	vadd.s32 v1, v15;
	[tilespmem:s23+$0xFFFFFFB0] =	vst v11;
	v11 =	vmov s30;
	v8 =	vld.idx.msk [tilespmem:v8+s13+$0x0], $0xffff  }
0x15f: {  	v12 =	vadd.s32 v1, v12;
	v16 =	vadd.s32 v1, v18;
	[tilespmem:s23+$0x30] =	vst v13;
	v13 =	vadd.s32 v1, v19  }
0x160: {  	v2 =	vadd.s32 v1, v2;
	v19 =	vmov s29;
	v18 =	vld.idx.msk [tilespmem:v20+s13+$0x0], $0xffff;
	[tilespmem:s23+$0xB0] =	vst v9;
	v9 =	vmov s28  }
0x161: {  	v26 =	vshll.u32 v14, $0x3;
	v27 =	vshll.u32 v4, $0x3;
	v20 =	vshll.u32 v17, $0x3;
	v5 =	vld.idx.msk [tilespmem:v5+s13+$0x0], $0xffff;
	[tilespmem:s23+$0x130] =	vst v6  }
0x162: {  	v28 =	vshll.u32 v11, $0x3;
	v29 =	vshll.u32 v9, $0x3;
	v6 =	vld.idx.msk [tilespmem:v7+s13+$0x0], $0xffff;
	v7 =	vshll.u32 v21, $0x3  }
0x163: {  	v26 =	vand.u32 $0x7FFFFC00, v26;
	v30 =	vshll.u32 v19, $0x3;
	v20 =	vand.u32 $0xC00, v20;
	v22 =	vld.idx.msk [tilespmem:v22+s13+$0x0], $0xffff  }
0x164: {  	v27 =	vand.u32 $0x7FFFFC00, v27;
	v28 =	vand.u32 $0x7FFFFC00, v28;
	v7 =	vand.u32 $0x7FFFFC00, v7;
	v23 =	vld.idx.msk [tilespmem:v23+s13+$0x0], $0xffff;
	[tilespmem:s23+$0x1F0] =	vst v8  }
0x165: {  	v30 =	vand.u32 $0x7FFFFC00, v30;
	v29 =	vand.u32 $0x7FFFFC00, v29;
	v8 =	vand.u32 $0x63, v17;
	v24 =	vld.idx.msk [tilespmem:v24+s13+$0x0], $0xffff  }
0x166: {  	v14 =	vand.u32 $0x67, v14;
	v4 =	vand.u32 $0x6B, v4;
	v17 =	vand.u32 $0x6F, v21;
	[tilespmem:s23+$0xFFFFFE40] =	vst v18;
	v21 =	vld.idx.msk [tilespmem:v25+s13+$0x0], $0xffff  }
0x167: {  	v9 =	vand.u32 $0x77, v9;
	v18 =	vand.u32 $0x7B, v19;
	v3 =	vld.idx.msk [tilespmem:v3+s13+$0x0], $0xffff;
	[tilespmem:s23+$0xFFFFFEC0] =	vst v5;
	v5 =	vand.u32 $0x73, v11  }
0x168: {  	v8 =	vor.u32 v8, v20;
	v25 =	vor.u32 v14, v26;
	v20 =	vld.idx.msk [tilespmem:v10+s13+$0x0], $0xffff;
	[tilespmem:s23+$0xFFFFFF40] =	vst v6  }
0x169: {  	v27 =	vor.u32 v4, v27;
	v26 =	vld.idx.msk [tilespmem:v15+s13+$0x0], $0xffff;
	[tilespmem:s23+$0xFFFFFFC0] =	vst v22;
	v22 =	vor.u32 v17, v7  }
0x16a: {  	v11 =	vor.u32 v5, v28;
	v10 =	vor.u32 v9, v29;
	v17 =	vld.idx.msk [tilespmem:v16+s13+$0x0], $0xffff;
	[tilespmem:s23+$0x40] =	vst v23  }
.Ltmp4:
0x16b: {  	v19 =	vor.u32 v0, v8;
	v9 =	vor.u32 v18, v30;
	v16 =	vld.idx.msk [tilespmem:v13+s13+$0x0], $0xffff;
	[tilespmem:s23+$0xC0] =	vst v24;
	(pc) =	sbr.rel @p1 .LBB2_7-.Ltmp4, $4  }
0x16c: {  	v18 =	vadd.s32 v0, v25;
	v13 =	vadd.s32 v0, v27;
	v14 =	vld.idx.msk [tilespmem:v12+s13+$0x0], $0xffff;
	[tilespmem:s23+$0x140] =	vst v21  }
0x16d: {  	v7 =	vadd.s32 v0, v11;
	v12 =	vadd.s32 v0, v22;
	[tilespmem:s23+$0xFFFFFE50] =	vst v3;
	v15 =	vld.idx.msk [tilespmem:v2+s13+$0x0], $0xffff  }
0x16e: {  	v5 =	vor.u32 v1, v8;
	v8 =	vadd.s32 v0, v10;
	v6 =	vadd.s32 v0, v9;
	[tilespmem:s23+$0xFFFFFED0] =	vst v20  }
0x16f: {  	s26 =	sadd.s32 $0x20, s26;
	v4 =	vadd.s32 v1, v25;
	v3 =	vadd.s32 v1, v27;
	v2 =	vadd.s32 v1, v22;
	[tilespmem:s23+$0xFFFFFF50] =	vst v26  }
0x170: {  	_ =	sdelay $0x3  }
0x171: {  	v19 =	vld.idx.msk [tilespmem:v19+s13+$0x0], $0xffff  }
0x172: {  	[tilespmem:s23+$0xFFFFFFD0] =	vst v17;
	v61 =	vld.idx.msk [tilespmem:v18+s13+$0x0], $0xffff  }
0x173: {  	[tilespmem:s23+$0x50] =	vst v16;
	v13 =	vld.idx.msk [tilespmem:v13+s13+$0x0], $0xffff  }
0x174: {  	[tilespmem:s23+$0xD0] =	vst v14;
	v12 =	vld.idx.msk [tilespmem:v12+s13+$0x0], $0xffff  }
0x175: {  	v7 =	vld.idx.msk [tilespmem:v7+s13+$0x0], $0xffff;
	[tilespmem:s23+$0x150] =	vst v15  }
0x176: {  	v8 =	vld.idx.msk [tilespmem:v8+s13+$0x0], $0xffff;
	[tilespmem:s23+$0xFFFFFE60] =	vst v19  }
0x177: {  	v11 =	vadd.s32 v1, v11;
	v6 =	vld.idx.msk [tilespmem:v6+s13+$0x0], $0xffff;
	[tilespmem:s23+$0xFFFFFEE0] =	vst v61  }
0x178: {  	v10 =	vadd.s32 v1, v10;
	[tilespmem:s23+$0xFFFFFF60] =	vst v13;
	v5 =	vld.idx.msk [tilespmem:v5+s13+$0x0], $0xffff  }
0x179: {  	v9 =	vadd.s32 v1, v9;
	v4 =	vld.idx.msk [tilespmem:v4+s13+$0x0], $0xffff;
	[tilespmem:s23+$0xFFFFFFE0] =	vst v12  }
0x17a: {  	v3 =	vld.idx.msk [tilespmem:v3+s13+$0x0], $0xffff;
	[tilespmem:s23+$0x60] =	vst v7  }
0x17b: {  	v2 =	vld.idx.msk [tilespmem:v2+s13+$0x0], $0xffff;
	[tilespmem:s23+$0xE0] =	vst v8  }
0x17c: {  	v7 =	vld.idx.msk [tilespmem:v11+s13+$0x0], $0xffff;
	[tilespmem:s23+$0x160] =	vst v6  }
0x17d: {  	v62 =	vld.idx.msk [tilespmem:v10+s13+$0x0], $0xffff;
	[tilespmem:s24+$0xFFFFFE70] =	vst v5  }
0x17e: {  	v63 =	vld.idx.msk [tilespmem:v9+s13+$0x0], $0xffff;
	[tilespmem:s24+$0xFFFFFEF0] =	vst v4  }
0x17f: {  	[tilespmem:s24+$0xFFFFFF70] =	vst v3  }
.Ltmp5:
0x180: {  	[tilespmem:s24+$0xFFFFFFF0] =	vst v2;
	(pc) =	sbr.rel @p0 .LBB2_10-.Ltmp5, $4  }
0x181: {  	[tilespmem:s24+$0x70] =	vst v7  }
0x182: {  	s0 =	sshll.u32 s22, $0xB;
	[tilespmem:s24+$0xF0] =	vst v62  }
0x183: {  	s1 =	simm.s32 $0xC000;
	s0 =	sadd.s32 s5, s0;
	[tilespmem:s24+$0x170] =	vst v63  }
0x184: {  	[hbm4b:s0+s3] =	stream.linear.scatter [tilespmem:s1], [sflag:$0x4], $0x4000, $0x38;
	[tilespmem:$0x10000] =	vst v63  }
.Ltmp6:
0x185: {  	s0 =	sshll.u32 s22, $0x9;
	(pc) =	sbr.rel .LBB2_2-.Ltmp6, $4  }
0x186: {  	s0 =	sadd.s32 $0x8000, s0  }
0x187: {  	s1 =	rddreg [dreg:$0x0];
	s31 =	simm.s32 $0x1000;
	s0 =	sand.u32 $0x1FFFFE00, s0  }
0x188: {  	s2 =	simm.s32 $0x7A1400;
	s21 =	sadd.s32 $0x1, s21;
	s0 =	sadd.s32 s1, s0  }
0x189: {  	[tilespmem:s13], [sflag:$0x2] =	stream.strided.gather [hbm4b:s0+s31], $0x4000, s2, s31, $0x38;
	[tilespmem:$0x10000] =	vst v63  }
.LBB2_11:
0x18a: {  	_ =	sfence.sel $0x180000  }
0x18b: {  	[bflag:$0x0] =	sbarrier.arrive $0xFFFF  }
0x18c: {  	_ =	strace $0x9000004A  }
0x18d: {  	s0 =	stileid.u32;
	[bflag:$0x2] =	sbarrier.arrive $0xFFFF  }
0x18e: {  	p0 =	sne.s32 s0, $0x0;
	s0 =	rddreg [dreg:$0x2]  }
0x18f: {  	s0 =	sadd.s32 @!p0 $0x100000, s0  }
0x190: {  	[sflag:s0] =	ssyncadd.tile.s32 @!p0 $0x1;
	_ =	shalt  }
.Lfunc_end2:
_tile_overlayer_lowered:
.L_overlay_start_2:
0x191: {  	(tag) =	ssettag $0x2  }
0x192: {  	s0 =	rddreg [dreg:$0x0];
	s2 =	stileid.u32  }
0x193: {  	s1 =	rddreg [dreg:$0x1];
	p0 =	sne.s32 s2, $0x0  }
0x194: {  	s3 =	rddreg [dreg:$0x2];
	[bflag:$0x3] =	sbarrier.arrive $0xFFFF;
	s2 =	simm.s32 @!p0 $0x1C05  }
0x195: {  	[timem:s3], [sflag:s2] =	dma.local @!p0 [hbm:s0], s1  }
0x196: {  	s0 =	simm.s32 @!p0 $0x5  }
0x197: {  	_ =	swait.ge @!p0 [sflag:s0], s1  }
0x198: {  	s1 =	ssub.s32 @!p0 $0x0, s1;
	[sflag:s0] =	ssyncset.done @!p0 $0x0  }
0x199: {  	[sflag:s0] =	ssyncadd.s32 @!p0 s1  }
0x19a: {  	[bflag:$0x3] =	sbarrier.arrive $0xFFFF  }
0x19b: {  	_ =	shalt  }

// kernel: kernel.8.cloned.1.call-start
scs
__scs_entry_jumppad:
0x0: {  	(pc) =	sbr.rel $0x88, $3  }
0x1: {  	(tag) =	ssettag $0x0;
	lr =	simm.s32 $0x1  }
0x2: {  	[smem:$0x3F9E] =	sst lr;
	_ =	strace $0xD0000000  }
0x3: {  	_ = 	snop  }
0x4: {  	_ = 	snop  }
0x5: {  	_ = 	snop  }
0x6: {  	_ = 	snop  }
0x7: {  	_ = 	snop  }
__scs_overlays_trampoline_lowered:
0x8: {  	[smem:$0x3FAD] =	sst s0  }
0x9: {  	[smem:$0x3FAE] =	sst s1  }
0xa: {  	[smem:$0x3FAF] =	sst s2  }
0xb: {  	[smem:$0x3FB0] =	sst s3  }
0xc: {  	[smem:$0x3FB1] =	sst s4  }
0xd: {  	[smem:$0x3FB2] =	sst s5  }
0xe: {  	[smem:$0x3FB3] =	sst s6  }
0xf: {  	[smem:$0x3FB4] =	sst s7  }
0x10: {  	[smem:$0x3FB5] =	sst s8  }
0x11: {  	[smem:$0x3FB6] =	sst s9;
	s0 =	simm.s32 @!p0 $0x0  }
0x12: {  	s1 =	sld [smem:$0x3F9C];
	s0 =	simm.s32 @p0 $0x1  }
0x13: {  	[smem:$0x3FB7] =	sst s0;
	s0 =	simm.s32 @!p1 $0x0  }
0x14: {  	s2 =	sld [smem:$0x3F9B];
	s0 =	simm.s32 @p1 $0x1  }
0x15: {  	[smem:$0x3FB8] =	sst s0;
	s0 =	simm.s32 @!p2 $0x0  }
0x16: {  	s3 =	sld [smem:$0x3FDB];
	s0 =	simm.s32 @p2 $0x1  }
0x17: {  	s4 =	simm.s32 $0x1BF5;
	[smem:$0x3FBA] =	sst s0  }
0x18: {  	s0 =	sld [smem:$0x3F9D];
	_ =	swait.ge [sflag:s4], $0x0  }
0x19: {  	s7 =	sld [smem:$0x3F9E]  }
0x1a: {  	s8 =	sadd.s32 $0xFFFFE003, lr  }
0x1b: {  	s9 =	sadd.s32 $0xFFFFFEF7, lr;
	s5 =	simm.s32 $0xFFFFFFFF;
	p2 =	slt.u32 s8, $0xFFFFF086  }
0x1c: {  	p1 =	slt.u32 s9, $0xF7A;
	s5 =	simm.s32 @!p2 $0x0  }
0x1d: {  	s5 =	simm.s32 @p1 $0x1;
	p0 =	seq.s32 s7, s2  }
0x1e: {  	s7 =	smul.u32 @!p0 $0xF7A, s2;
	p2 =	seq.s32 @!p0 s5, $0x0  }
0x1f: {  	s9 =	smul.u32 $0xF7A, s1;
	s8 =	simm.s32 @!p0 $0x1BF5;
	p2 =	por !p2, p0  }
0x20: {  	[sflag:s8] =	ssyncset.s32 @!p0 $0xFFFFF086;
	s6 =	sadd.s32 @!p0 s3, s7;
	s7 =	simm.s32 @!p0 $0x108  }
0x21: {  	s3 =	sadd.s32 s3, s9;
	s6 =	sadd.s32 @!p0 $0x88, s6;
	s7 =	simm.s32 @p2 $0x1082  }
0x22: {  	[simem:s7], [sflag:s8] =	dma.local @!p0 [hbm:s6], $0xF7A  }
0x23: {  	s9 =	sor.u32 $0xD0000000, s2;
	s6 =	simm.s32 $0x108;
	_ =	swait.ge @!p0 [sflag:s8], $0x0  }
0x24: {  	s3 =	sadd.s32 $0x88, s3;
	s6 =	simm.s32 @!p1 $0x1082;
	[sflag:s4] =	ssyncset.s32 $0xFFFFF086  }
0x25: {  	[simem:s6], [sflag:s4] =	dma.local [hbm:s3], $0xF7A  }
0x26: {  	[smem:$0x3F9E] =	sst s1;
	(tag) =	ssettag s2;
	_ =	strace s9  }
0x27: {  	s1 =	sld [smem:$0x3FAE]  }
0x28: {  	s2 =	sld [smem:$0x3FAF]  }
0x29: {  	s4 =	sld [smem:$0x3FB1]  }
0x2a: {  	p0 =	seq.s32 s5, $0x0;
	s5 =	sld [smem:$0x3FB2]  }
0x2b: {  	s6 =	sld [smem:$0x3FB3]  }
0x2c: {  	s7 =	sld [smem:$0x3FB4]  }
0x2d: {  	s3 =	simm.s32 $0x108;
	s8 =	sld [smem:$0x3FB5]  }
0x2e: {  	s3 =	simm.s32 @!p0 $0x1082;
	s9 =	sld [smem:$0x3FB6]  }
0x2f: {  	lr =	sadd.s32 s0, s3;
	s0 =	sld [smem:$0x3FAD]  }
0x30: {  	s3 =	sld [smem:$0x3FB0]  }
0x31: {  	[smem:$0x3FB9] =	sst s10  }
0x32: {  	s10 =	sld [smem:$0x3FB7];
	_ =	sdelay $0x3  }
0x33: {  	p0 =	seq.s32 s10, $0x1;
	s10 =	sld [smem:$0x3FB9];
	_ =	sdelay $0x3  }
0x34: {  	[smem:$0x3FB9] =	sst s10  }
0x35: {  	s10 =	sld [smem:$0x3FB8];
	_ =	sdelay $0x3  }
0x36: {  	p1 =	seq.s32 s10, $0x1;
	s10 =	sld [smem:$0x3FB9];
	_ =	sdelay $0x3  }
0x37: {  	[smem:$0x3FB9] =	sst s10  }
0x38: {  	s10 =	sld [smem:$0x3FBA]  }
0x39: {  	_ = 	snop;
	(pc) =	sbr.ind lr, $3  }
0x3a: {  	_ = 	snop  }
0x3b: {  	_ = 	snop  }
0x3c: {  	p2 =	seq.s32 s10, $0x1;
	s10 =	sld [smem:$0x3FB9]  }
0x3d: {  	_ =	shalt  }
0x3e: {  	_ =	shalt  }
0x3f: {  	_ =	shalt  }
0x40: {  	_ =	shalt  }
0x41: {  	_ =	shalt  }
0x42: {  	_ =	shalt  }
0x43: {  	_ =	shalt  }
0x44: {  	_ =	shalt  }
0x45: {  	_ =	shalt  }
0x46: {  	_ =	shalt  }
0x47: {  	_ =	shalt  }
0x48: {  	_ =	shalt  }
0x49: {  	_ =	shalt  }
0x4a: {  	_ =	shalt  }
0x4b: {  	_ =	shalt  }
0x4c: {  	_ =	shalt  }
0x4d: {  	_ =	shalt  }
0x4e: {  	_ =	shalt  }
0x4f: {  	_ =	shalt  }
0x50: {  	_ =	shalt  }
0x51: {  	_ =	shalt  }
0x52: {  	_ =	shalt  }
0x53: {  	_ =	shalt  }
0x54: {  	_ =	shalt  }
0x55: {  	_ =	shalt  }
0x56: {  	_ =	shalt  }
0x57: {  	_ =	shalt  }
0x58: {  	_ =	shalt  }
0x59: {  	_ =	shalt  }
0x5a: {  	_ =	shalt  }
0x5b: {  	_ =	shalt  }
0x5c: {  	_ =	shalt  }
0x5d: {  	_ =	shalt  }
0x5e: {  	_ =	shalt  }
0x5f: {  	_ =	shalt  }
0x60: {  	_ =	shalt  }
0x61: {  	_ =	shalt  }
0x62: {  	_ =	shalt  }
0x63: {  	_ =	shalt  }
0x64: {  	_ =	shalt  }
0x65: {  	_ =	shalt  }
0x66: {  	_ =	shalt  }
0x67: {  	_ =	shalt  }
0x68: {  	_ =	shalt  }
0x69: {  	_ =	shalt  }
0x6a: {  	_ =	shalt  }
0x6b: {  	_ =	shalt  }
0x6c: {  	_ =	shalt  }
0x6d: {  	_ =	shalt  }
0x6e: {  	_ =	shalt  }
0x6f: {  	_ =	shalt  }
0x70: {  	_ =	shalt  }
0x71: {  	_ =	shalt  }
0x72: {  	_ =	shalt  }
0x73: {  	_ =	shalt  }
0x74: {  	_ =	shalt  }
0x75: {  	_ =	shalt  }
0x76: {  	_ =	shalt  }
0x77: {  	_ =	shalt  }
0x78: {  	_ =	shalt  }
0x79: {  	_ =	shalt  }
0x7a: {  	_ =	shalt  }
0x7b: {  	_ =	shalt  }
0x7c: {  	_ =	shalt  }
0x7d: {  	_ =	shalt  }
0x7e: {  	_ =	shalt  }
0x7f: {  	_ =	shalt  }
0x80: {  	_ =	shalt  }
0x81: {  	_ =	shalt  }
0x82: {  	_ =	shalt  }
0x83: {  	_ =	shalt  }
0x84: {  	_ =	shalt  }
0x85: {  	_ =	shalt  }
0x86: {  	_ =	shalt  }
0x87: {  	_ =	shalt  }
.Lfunc_end0:
.L_simem_size_0:
called_computation.2_lowered:
.L_overlay_start_0:
0x88: {  	s2 =	sld [smem:$0x3FD9]  }
0x89: {  	s3 =	sld [smem:$0x3FFE];
	_ =	sdelay $0x1  }
0x8a: {  	s1 =	srdreg.scid  }
0x8b: {  	s0 =	sand.u32 $0x1, s1  }
0x8c: {  	s17 =	sshll.u32 s0, $0xA;
	s2 =	sadd.s32 s3, s2  }
0x8d: {  	s2 =	sadd.s32 s2, s17  }
0x8e: {  	[smem:$0x3FC5] =	sst s2  }
0x8f: {  	_ = 	snop  }
0x90: {  	s2 =	sld [smem:$0x3FC9]  }
0x91: {  	s18 =	sld [smem:$0x3FC8];
	(tm) =	ssettm $0x1  }
0x92: {  	s4 =	sld [smem:$0x3FFB];
	_ =	sdelay $0x3  }
0x93: {  	_ =	strace s4  }
0x94: {  	s4 =	sld [smem:$0x3FFC];
	_ =	sdelay $0x3  }
0x95: {  	_ =	strace s4  }
0x96: {  	s4 =	sld [smem:$0x3FFD];
	_ =	sdelay $0x3  }
0x97: {  	_ =	strace s4  }
0x98: {  	_ =	strace $0x8FFFFFFF  }
0x99: {  	s19 =	sld [smem:$0x3FDB];
	_ =	sdelay $0x1  }
0x9a: {  	s5 =	simm.s32 $_scs_section_size  }
0x9b: {  	s6 =	simm.s32 $_size__tile_overlayer_lowered;
	s7 =	simm.s32 $_tile_overlayer_lowered  }
0x9c: {  	s22 =	simm.s32 $0x1BFF;
	s21 =	sshll.u32 s7, $0x1;
	s4 =	sadd.s32 s5, s19  }
0x9d: {  	s8 =	simm.s32 $0x0;
	s20 =	sshll.u32 s6, $0x1;
	s6 =	sadd.s32 s21, s4  }
0x9e: {  	[timem:s8], [sflag:s22] =	dma.local [hbm:s6], s20  }
0x9f: {  	_ =	swait.ge [sflag:s22], s20  }
0xa0: {  	s5 =	ssub.s32 $0x0, s20;
	[sflag:s22] =	ssyncset.done $0x0  }
0xa1: {  	[sflag:s22] =	ssyncadd.s32 s5;
	_ =	sdelay $0x1  }
0xa2: {  	s23 =	simm.s32 $0x1B8B  }
0xa3: {  	_ =	swait.ge [sflag:s23], $0x1  }
0xa4: {  	[sflag:s23] =	ssyncset.done $0x0  }
0xa5: {  	s25 =	simm.s32 $0x1B8E;
	s24 =	sld [smem:$0x3FFE];
	[sflag:s23] =	ssyncadd.s32 $0xFFFFFFFF  }
0xa6: {  	s26 =	simm.s32 $execute0_lowered;
	[smem:$0x3FD2] =	sst s25  }
0xa7: {  	s6 =	sshll.u32 s26, $0x1;
	_ =	strace $0x8000004C;
	[dreg:$0x1] =	wrdreg $0xFFFFFFFF  }
0xa8: {  	s28 =	simm.s32 $_size_execute0_lowered;
	s4 =	sadd.s32 s4, s6;
	[dreg:$0x0] =	wrdreg $0x0  }
0xa9: {  	s6 =	sshll.u32 s28, $0x1;
	[dreg:$0x2] =	wrdreg s4  }
0xaa: {  	[dreg:$0x3] =	wrdreg s6  }
0xab: {  	[dreg:$0x4] =	wrdreg $0xC0  }
0xac: {  	_ =	task [dreg:s8], $0x5FFFF  }
0xad: {  	[dreg:$0x1] =	wrdreg $0xFFFFFFFF  }
0xae: {  	[dreg:$0x0] =	wrdreg $0x60  }
0xaf: {  	[dreg:$0x2] =	wrdreg s2  }
0xb0: {  	[dreg:$0x3] =	wrdreg s18  }
0xb1: {  	[dreg:$0x4] =	wrdreg s24  }
0xb2: {  	[dreg:$0x5] =	wrdreg $0x9  }
0xb3: {  	_ =	task.clear_ibuf [dreg:s8], $0x6FFFF;
	_ =	strace $0x9000004C  }
0xb4: {  	s29 =	simm.s32 $0x9;
	_ =	strace $0x8000004E  }
0xb5: {  	_ =	swait.ge [sflag:s29], $0x1  }
0xb6: {  	[sflag:s29] =	ssyncadd.s32 $0xFFFFFFFF  }
0xb7: {  	_ =	strace $0x9000004E  }
0xb8: {  	_ =	sfence  }
0xb9: {  	s30 =	sld [smem:$0x0];
	_ =	sdelay $0x2  }
0xba: {  	s31 =	sshll.u32 s1, $0xD;
	s1 =	sshrl.u32 s1, $0x2  }
0xbb: {  	s3 =	sand.u32 $0x4000, s31;
	s1 =	sadd.s32 s1, s30  }
0xbc: {  	s0 =	sor.u32 s3, s0;
	s1 =	sshll.u32 s1, $0x11  }
0xbd: {  	s0 =	sor.u32 s1, s0  }
0xbe: {  	s0 =	sadd.s32 $0x8F2B, s0  }
0xbf: {  	[sflag:s0] =	ssyncadd.remote.s32 $0x1  }
0xc0: {  	_ =	sfence.sel $0xFFFF  }
0xc1: {  	[dreg:$0x0] =	wrdreg $0xFFFFFFFF;
	(pc) =	sbr.abs _section_cstart, $3  }
0xc2: {  	[dreg:$0x1] =	wrdreg $0xFFFFFFFF  }
0xc3: {  	_ =	task.clear_ibuf [dreg:s8], $0x2FFFF;
	_ =	strace $0x9FFFFFFF  }
0xc4: {  	(tm) =	ssettm $0x7FFFFFFF  }
0xc5: {  	_ =	shalt  }
tec
execute0_lowered:
.L_overlay_start_1:
0x0: {  	(tag) =	ssettag $0x1  }
0x1: {  	s0 =	rddreg [dreg:$0x0]  }
0x2: {  	s1 =	rddreg [dreg:$0x1]  }
0x3: {  	s2 =	rddreg [dreg:$0x2];
	s30 =	simm.s32 $0x0;
	s3 =	srdreg.scid  }
0x4: {  	s4 =	stileid.u32;
	[smem:$0x7FF] =	sst s30  }
0x5: {  	s3 =	sand.u32 $0x1, s3;
	s4 =	sshll.u32 s4, $0x1;
	s5 =	sadd.s32 $0x913C00, s2  }
0x6: {  	s24 =	sadd.s32 $0xE00, s2;
	_ =	strace $0x8000004D;
	[dreg:$0x8] =	wrdreg s5  }
0x7: {  	s4 =	sor.u32 s3, s4;
	[dreg:$0x9] =	wrdreg s24  }
0x8: {  	s3 =	ssub.s32 $0x2, s3;
	s25 =	sshll.u32 s4, $0x4;
	s6 =	sshll.u32 s4, $0x6  }
0x9: {  	s26 =	sshrl.u32 s3, $0x1;
	s4 =	sshll.u32 s4, $0x9;
	s0 =	sadd.s32 s0, s6  }
0xa: {  	v0 =	vlaneseq.u32;
	s2 =	sadd.s32 s25, s2;
	s28 =	sadd.s32 s1, s4;
	[dreg:$0xa] =	wrdreg s0  }
0xb: {  	v0 =	vmul.u32 $0x80, v0;
	s3 =	ssub.s32 s3, s26;
	[dreg:$0xb] =	wrdreg s28;
	s29 =	sadd.s32 $0x1D1800, s2  }
0xc: {  	s15 =	simm.s32 $0x800;
	s31 =	smax.u32 s3, $0x1;
	[dreg:$0xc] =	wrdreg s29  }
0xd: {  	[tilespmem:$0x1FFF0] =	vst v0;
	s1 =	simm.s32 $0x3;
	s2 =	simm.s32 $0x0;
	[dreg:$0xd] =	wrdreg s31  }
.LBB2_1:
0xe: {  	[dreg:$0xe] =	wrdreg s2  }
0xf: {  	s0 =	rddreg [dreg:$0xa]  }
0x10: {  	[tilespmem:s30], [sflag:$0x3] =	stream.linear.gather [hbm4b:s0+s30], $0x200, $0x38;
	[tilespmem:$0x14880] =	vst v63  }
0x11: {  	v5 =	vld [tilespmem:$0x1FFF0];
	_ =	swait.ge [sflag:s1], $0x200  }
0x12: {  	s4 =	simm.s32 $0x1000;
	s5 =	simm.s32 $0x20000;
	[sflag:s1] =	ssyncset.done $0x0  }
0x13: {  	s3 =	simm.s32 $0x10800;
	s2 =	rddreg [dreg:$0xb];
	[sflag:s1] =	ssyncadd.s32 $0xFFFFFE00  }
0x14: {  	[tilespmem:s3], [sflag:$0x2] =	stream.strided.gather [hbm4b:s2+s4], $0x4000, s5, s4, $0x38;
	[tilespmem:$0x14880] =	vst v63  }
0x15: {  	v0 =	vld [tilespmem:$0x0];
	_ =	sdelay $0x2  }
0x16: {  	v1 =	vld [tilespmem:$0x10];
	_ =	sdelay $0x1  }
0x17: {  	v2 =	vshrl.u32 v0, $0x2;
	vm0 =	vlt.u32 v0, $0x80000  }
0x18: {  	v4 =	vld [tilespmem:$0x20];
	v3 =	vnsel vm0, $0xFFFFFFFF, v2;
	v2 =	vadd.s32 $0xFFFE0000, v2  }
0x19: {  	v0 =	vshll.u32 v0, $0x5;
	[tilespmem:$0x200] =	vst v3;
	v2 =	vsel vm0, $0xFFFFFFFF, v2  }
0x1a: {  	vm9 =	vlt.u32 v1, $0x80000;
	v0 =	vand.u32 $0x60, v0;
	[tilespmem:$0x400] =	vst v2;
	v2 =	vshrl.u32 v1, $0x2  }
0x1b: {  	[tilespmem:$0x600] =	vst v0;
	v3 =	vld [tilespmem:$0x30];
	v0 =	vnsel vm9, $0xFFFFFFFF, v2;
	v2 =	vadd.s32 $0xFFFE0000, v2  }
0x1c: {  	v1 =	vshll.u32 v1, $0x5;
	[tilespmem:$0x210] =	vst v0;
	v0 =	vsel vm9, $0xFFFFFFFF, v2  }
0x1d: {  	vm10 =	vlt.u32 v4, $0x80000;
	v1 =	vand.u32 $0x60, v1;
	[tilespmem:$0x410] =	vst v0;
	v0 =	vshrl.u32 v4, $0x2  }
0x1e: {  	[tilespmem:$0x610] =	vst v1;
	v2 =	vld [tilespmem:$0x40];
	v1 =	vnsel vm10, $0xFFFFFFFF, v0;
	v0 =	vadd.s32 $0xFFFE0000, v0  }
0x1f: {  	v4 =	vshll.u32 v4, $0x5;
	[tilespmem:$0x220] =	vst v1;
	v0 =	vsel vm10, $0xFFFFFFFF, v0  }
0x20: {  	vm11 =	vlt.u32 v3, $0x80000;
	v1 =	vand.u32 $0x60, v4;
	[tilespmem:$0x420] =	vst v0;
	v0 =	vshrl.u32 v3, $0x2  }
0x21: {  	v4 =	vld [tilespmem:$0x50];
	[tilespmem:$0x620] =	vst v1;
	v1 =	vnsel vm11, $0xFFFFFFFF, v0;
	v0 =	vadd.s32 $0xFFFE0000, v0  }
0x22: {  	v3 =	vshll.u32 v3, $0x5;
	[tilespmem:$0x230] =	vst v1;
	v0 =	vsel vm11, $0xFFFFFFFF, v0  }
0x23: {  	vm12 =	vlt.u32 v2, $0x80000;
	v1 =	vand.u32 $0x60, v3;
	[tilespmem:$0x430] =	vst v0;
	v0 =	vshrl.u32 v2, $0x2  }
0x24: {  	v3 =	vld [tilespmem:$0x60];
	[tilespmem:$0x630] =	vst v1;
	v1 =	vnsel vm12, $0xFFFFFFFF, v0;
	v0 =	vadd.s32 $0xFFFE0000, v0  }
0x25: {  	v2 =	vshll.u32 v2, $0x5;
	[tilespmem:$0x240] =	vst v1;
	v0 =	vsel vm12, $0xFFFFFFFF, v0  }
0x26: {  	vm13 =	vlt.u32 v4, $0x80000;
	v1 =	vand.u32 $0x60, v2;
	[tilespmem:$0x440] =	vst v0;
	v0 =	vshrl.u32 v4, $0x2  }
0x27: {  	v2 =	vld [tilespmem:$0x70];
	[tilespmem:$0x640] =	vst v1;
	v1 =	vnsel vm13, $0xFFFFFFFF, v0;
	v0 =	vadd.s32 $0xFFFE0000, v0  }
0x28: {  	v4 =	vshll.u32 v4, $0x5;
	[tilespmem:$0x250] =	vst v1;
	v0 =	vsel vm13, $0xFFFFFFFF, v0  }
0x29: {  	vm14 =	vlt.u32 v3, $0x80000;
	v1 =	vand.u32 $0x60, v4;
	[tilespmem:$0x450] =	vst v0;
	v0 =	vshrl.u32 v3, $0x2  }
0x2a: {  	v4 =	vld [tilespmem:$0x80];
	[tilespmem:$0x650] =	vst v1;
	v1 =	vnsel vm14, $0xFFFFFFFF, v0;
	v0 =	vadd.s32 $0xFFFE0000, v0  }
0x2b: {  	v3 =	vshll.u32 v3, $0x5;
	[tilespmem:$0x260] =	vst v1;
	v0 =	vsel vm14, $0xFFFFFFFF, v0  }
0x2c: {  	vm15 =	vlt.u32 v2, $0x80000;
	v1 =	vand.u32 $0x60, v3;
	[tilespmem:$0x460] =	vst v0;
	v0 =	vshrl.u32 v2, $0x2  }
0x2d: {  	v3 =	vld [tilespmem:$0x90];
	[tilespmem:$0x660] =	vst v1;
	v1 =	vnsel vm15, $0xFFFFFFFF, v0;
	v0 =	vadd.s32 $0xFFFE0000, v0  }
0x2e: {  	v2 =	vshll.u32 v2, $0x5;
	[tilespmem:$0x270] =	vst v1;
	v0 =	vsel vm15, $0xFFFFFFFF, v0  }
0x2f: {  	vm4 =	vlt.u32 v4, $0x80000;
	v1 =	vand.u32 $0x60, v2;
	[tilespmem:$0x470] =	vst v0;
	v0 =	vshrl.u32 v4, $0x2  }
0x30: {  	v2 =	vld [tilespmem:$0xA0];
	[tilespmem:$0x670] =	vst v1;
	v1 =	vnsel vm4, $0xFFFFFFFF, v0;
	v0 =	vadd.s32 $0xFFFE0000, v0  }
0x31: {  	v4 =	vshll.u32 v4, $0x5;
	[tilespmem:$0x280] =	vst v1;
	v0 =	vsel vm4, $0xFFFFFFFF, v0  }
0x32: {  	vm5 =	vlt.u32 v3, $0x80000;
	v1 =	vand.u32 $0x60, v4;
	[tilespmem:$0x480] =	vst v0;
	v0 =	vshrl.u32 v3, $0x2  }
0x33: {  	v4 =	vld [tilespmem:$0xB0];
	[tilespmem:$0x680] =	vst v1;
	v1 =	vnsel vm5, $0xFFFFFFFF, v0;
	v0 =	vadd.s32 $0xFFFE0000, v0  }
0x34: {  	v3 =	vshll.u32 v3, $0x5;
	[tilespmem:$0x290] =	vst v1;
	v0 =	vsel vm5, $0xFFFFFFFF, v0  }
0x35: {  	vm6 =	vlt.u32 v2, $0x80000;
	v1 =	vand.u32 $0x60, v3;
	[tilespmem:$0x490] =	vst v0;
	v0 =	vshrl.u32 v2, $0x2  }
0x36: {  	v3 =	vld [tilespmem:$0xC0];
	[tilespmem:$0x690] =	vst v1;
	v1 =	vnsel vm6, $0xFFFFFFFF, v0;
	v0 =	vadd.s32 $0xFFFE0000, v0  }
0x37: {  	v2 =	vshll.u32 v2, $0x5;
	[tilespmem:$0x2A0] =	vst v1;
	v0 =	vsel vm6, $0xFFFFFFFF, v0  }
0x38: {  	vm7 =	vlt.u32 v4, $0x80000;
	v1 =	vand.u32 $0x60, v2;
	[tilespmem:$0x4A0] =	vst v0;
	v0 =	vshrl.u32 v4, $0x2  }
0x39: {  	v2 =	vld [tilespmem:$0xD0];
	[tilespmem:$0x6A0] =	vst v1;
	v1 =	vnsel vm7, $0xFFFFFFFF, v0;
	v0 =	vadd.s32 $0xFFFE0000, v0  }
0x3a: {  	v4 =	vshll.u32 v4, $0x5;
	[tilespmem:$0x2B0] =	vst v1;
	v0 =	vsel vm7, $0xFFFFFFFF, v0  }
0x3b: {  	vm8 =	vlt.u32 v3, $0x80000;
	v1 =	vand.u32 $0x60, v4;
	[tilespmem:$0x4B0] =	vst v0;
	v0 =	vshrl.u32 v3, $0x2  }
0x3c: {  	v4 =	vld [tilespmem:$0xE0];
	[tilespmem:$0x6B0] =	vst v1;
	v1 =	vnsel vm8, $0xFFFFFFFF, v0;
	v0 =	vadd.s32 $0xFFFE0000, v0  }
0x3d: {  	v3 =	vshll.u32 v3, $0x5;
	[tilespmem:$0x2C0] =	vst v1;
	v0 =	vsel vm8, $0xFFFFFFFF, v0  }
0x3e: {  	vm9 =	vlt.u32 v2, $0x80000;
	v1 =	vand.u32 $0x60, v3;
	[tilespmem:$0x4C0] =	vst v0;
	v0 =	vshrl.u32 v2, $0x2  }
0x3f: {  	v3 =	vld [tilespmem:$0xF0];
	[tilespmem:$0x6C0] =	vst v1;
	v1 =	vnsel vm9, $0xFFFFFFFF, v0;
	v0 =	vadd.s32 $0xFFFE0000, v0  }
0x40: {  	v2 =	vshll.u32 v2, $0x5;
	[tilespmem:$0x2D0] =	vst v1;
	v0 =	vsel vm9, $0xFFFFFFFF, v0  }
0x41: {  	vm10 =	vlt.u32 v4, $0x80000;
	v1 =	vand.u32 $0x60, v2;
	[tilespmem:$0x4D0] =	vst v0;
	v0 =	vshrl.u32 v4, $0x2  }
0x42: {  	v2 =	vld [tilespmem:$0x100];
	[tilespmem:$0x6D0] =	vst v1;
	v1 =	vnsel vm10, $0xFFFFFFFF, v0;
	v0 =	vadd.s32 $0xFFFE0000, v0  }
0x43: {  	v4 =	vshll.u32 v4, $0x5;
	[tilespmem:$0x2E0] =	vst v1;
	v0 =	vsel vm10, $0xFFFFFFFF, v0  }
0x44: {  	vm11 =	vlt.u32 v3, $0x80000;
	v1 =	vand.u32 $0x60, v4;
	[tilespmem:$0x4E0] =	vst v0;
	v0 =	vshrl.u32 v3, $0x2  }
0x45: {  	v4 =	vld [tilespmem:$0x110];
	[tilespmem:$0x6E0] =	vst v1;
	v1 =	vnsel vm11, $0xFFFFFFFF, v0;
	v0 =	vadd.s32 $0xFFFE0000, v0  }
0x46: {  	v3 =	vshll.u32 v3, $0x5;
	[tilespmem:$0x2F0] =	vst v1;
	v0 =	vsel vm11, $0xFFFFFFFF, v0  }
0x47: {  	vm12 =	vlt.u32 v2, $0x80000;
	v1 =	vand.u32 $0x60, v3;
	[tilespmem:$0x4F0] =	vst v0;
	v0 =	vshrl.u32 v2, $0x2  }
0x48: {  	v3 =	vld [tilespmem:$0x120];
	[tilespmem:$0x6F0] =	vst v1;
	v1 =	vnsel vm12, $0xFFFFFFFF, v0;
	v0 =	vadd.s32 $0xFFFE0000, v0  }
0x49: {  	v2 =	vshll.u32 v2, $0x5;
	[tilespmem:$0x300] =	vst v1;
	v0 =	vsel vm12, $0xFFFFFFFF, v0  }
0x4a: {  	vm13 =	vlt.u32 v4, $0x80000;
	v1 =	vand.u32 $0x60, v2;
	[tilespmem:$0x500] =	vst v0;
	v0 =	vshrl.u32 v4, $0x2  }
0x4b: {  	v2 =	vld [tilespmem:$0x130];
	[tilespmem:$0x700] =	vst v1;
	v1 =	vnsel vm13, $0xFFFFFFFF, v0;
	v0 =	vadd.s32 $0xFFFE0000, v0  }
0x4c: {  	v4 =	vshll.u32 v4, $0x5;
	[tilespmem:$0x310] =	vst v1;
	v0 =	vsel vm13, $0xFFFFFFFF, v0  }
0x4d: {  	vm14 =	vlt.u32 v3, $0x80000;
	v1 =	vand.u32 $0x60, v4;
	[tilespmem:$0x510] =	vst v0;
	v0 =	vshrl.u32 v3, $0x2  }
0x4e: {  	v4 =	vld [tilespmem:$0x140];
	[tilespmem:$0x710] =	vst v1;
	v1 =	vnsel vm14, $0xFFFFFFFF, v0;
	v0 =	vadd.s32 $0xFFFE0000, v0  }
0x4f: {  	v3 =	vshll.u32 v3, $0x5;
	[tilespmem:$0x320] =	vst v1;
	v0 =	vsel vm14, $0xFFFFFFFF, v0  }
0x50: {  	vm15 =	vlt.u32 v2, $0x80000;
	v1 =	vand.u32 $0x60, v3;
	[tilespmem:$0x520] =	vst v0;
	v0 =	vshrl.u32 v2, $0x2  }
0x51: {  	v3 =	vld [tilespmem:$0x150];
	[tilespmem:$0x720] =	vst v1;
	v1 =	vnsel vm15, $0xFFFFFFFF, v0;
	v0 =	vadd.s32 $0xFFFE0000, v0  }
0x52: {  	v2 =	vshll.u32 v2, $0x5;
	[tilespmem:$0x330] =	vst v1;
	v0 =	vsel vm15, $0xFFFFFFFF, v0  }
0x53: {  	vm4 =	vlt.u32 v4, $0x80000;
	v1 =	vand.u32 $0x60, v2;
	[tilespmem:$0x530] =	vst v0;
	v0 =	vshrl.u32 v4, $0x2  }
0x54: {  	v2 =	vld [tilespmem:$0x160];
	[tilespmem:$0x730] =	vst v1;
	v1 =	vnsel vm4, $0xFFFFFFFF, v0;
	v0 =	vadd.s32 $0xFFFE0000, v0  }
0x55: {  	v4 =	vshll.u32 v4, $0x5;
	[tilespmem:$0x340] =	vst v1;
	v0 =	vsel vm4, $0xFFFFFFFF, v0  }
0x56: {  	vm5 =	vlt.u32 v3, $0x80000;
	v1 =	vand.u32 $0x60, v4;
	[tilespmem:$0x540] =	vst v0;
	v0 =	vshrl.u32 v3, $0x2  }
0x57: {  	v4 =	vld [tilespmem:$0x170];
	[tilespmem:$0x740] =	vst v1;
	v1 =	vnsel vm5, $0xFFFFFFFF, v0;
	v0 =	vadd.s32 $0xFFFE0000, v0  }
0x58: {  	v3 =	vshll.u32 v3, $0x5;
	[tilespmem:$0x350] =	vst v1;
	v0 =	vsel vm5, $0xFFFFFFFF, v0  }
0x59: {  	vm6 =	vlt.u32 v2, $0x80000;
	v1 =	vand.u32 $0x60, v3;
	[tilespmem:$0x550] =	vst v0;
	v0 =	vshrl.u32 v2, $0x2  }
0x5a: {  	v3 =	vld [tilespmem:$0x180];
	[tilespmem:$0x750] =	vst v1;
	v1 =	vnsel vm6, $0xFFFFFFFF, v0;
	v0 =	vadd.s32 $0xFFFE0000, v0  }
0x5b: {  	v2 =	vshll.u32 v2, $0x5;
	[tilespmem:$0x360] =	vst v1;
	v0 =	vsel vm6, $0xFFFFFFFF, v0  }
0x5c: {  	vm7 =	vlt.u32 v4, $0x80000;
	v1 =	vand.u32 $0x60, v2;
	[tilespmem:$0x560] =	vst v0;
	v0 =	vshrl.u32 v4, $0x2  }
0x5d: {  	v2 =	vld [tilespmem:$0x190];
	[tilespmem:$0x760] =	vst v1;
	v1 =	vnsel vm7, $0xFFFFFFFF, v0;
	v0 =	vadd.s32 $0xFFFE0000, v0  }
0x5e: {  	v4 =	vshll.u32 v4, $0x5;
	[tilespmem:$0x370] =	vst v1;
	v0 =	vsel vm7, $0xFFFFFFFF, v0  }
0x5f: {  	vm8 =	vlt.u32 v3, $0x80000;
	v1 =	vand.u32 $0x60, v4;
	[tilespmem:$0x570] =	vst v0;
	v0 =	vshrl.u32 v3, $0x2  }
0x60: {  	v4 =	vld [tilespmem:$0x1A0];
	[tilespmem:$0x770] =	vst v1;
	v1 =	vnsel vm8, $0xFFFFFFFF, v0;
	v0 =	vadd.s32 $0xFFFE0000, v0  }
0x61: {  	v3 =	vshll.u32 v3, $0x5;
	[tilespmem:$0x380] =	vst v1;
	v0 =	vsel vm8, $0xFFFFFFFF, v0  }
0x62: {  	vm9 =	vlt.u32 v2, $0x80000;
	v1 =	vand.u32 $0x60, v3;
	[tilespmem:$0x580] =	vst v0;
	v0 =	vshrl.u32 v2, $0x2  }
0x63: {  	v3 =	vld [tilespmem:$0x1B0];
	[tilespmem:$0x780] =	vst v1;
	v1 =	vnsel vm9, $0xFFFFFFFF, v0;
	v0 =	vadd.s32 $0xFFFE0000, v0  }
0x64: {  	v2 =	vshll.u32 v2, $0x5;
	[tilespmem:$0x390] =	vst v1;
	v0 =	vsel vm9, $0xFFFFFFFF, v0  }
0x65: {  	vm10 =	vlt.u32 v4, $0x80000;
	v1 =	vand.u32 $0x60, v2;
	[tilespmem:$0x590] =	vst v0;
	v0 =	vshrl.u32 v4, $0x2  }
0x66: {  	v2 =	vld [tilespmem:$0x1C0];
	[tilespmem:$0x790] =	vst v1;
	v1 =	vnsel vm10, $0xFFFFFFFF, v0;
	v0 =	vadd.s32 $0xFFFE0000, v0  }
0x67: {  	v4 =	vshll.u32 v4, $0x5;
	[tilespmem:$0x3A0] =	vst v1;
	v0 =	vsel vm10, $0xFFFFFFFF, v0  }
0x68: {  	vm11 =	vlt.u32 v3, $0x80000;
	v1 =	vand.u32 $0x60, v4;
	[tilespmem:$0x5A0] =	vst v0;
	v0 =	vshrl.u32 v3, $0x2  }
0x69: {  	v4 =	vld [tilespmem:$0x1D0];
	[tilespmem:$0x7A0] =	vst v1;
	v1 =	vnsel vm11, $0xFFFFFFFF, v0;
	v0 =	vadd.s32 $0xFFFE0000, v0  }
0x6a: {  	v3 =	vshll.u32 v3, $0x5;
	[tilespmem:$0x3B0] =	vst v1;
	v0 =	vsel vm11, $0xFFFFFFFF, v0  }
0x6b: {  	vm12 =	vlt.u32 v2, $0x80000;
	v1 =	vand.u32 $0x60, v3;
	[tilespmem:$0x5B0] =	vst v0;
	v0 =	vshrl.u32 v2, $0x2  }
0x6c: {  	v3 =	vld [tilespmem:$0x1E0];
	[tilespmem:$0x7B0] =	vst v1;
	v1 =	vnsel vm12, $0xFFFFFFFF, v0;
	v0 =	vadd.s32 $0xFFFE0000, v0  }
0x6d: {  	v2 =	vshll.u32 v2, $0x5;
	[tilespmem:$0x3C0] =	vst v1;
	v0 =	vsel vm12, $0xFFFFFFFF, v0  }
0x6e: {  	vm13 =	vlt.u32 v4, $0x80000;
	v1 =	vand.u32 $0x60, v2;
	[tilespmem:$0x5C0] =	vst v0;
	v0 =	vshrl.u32 v4, $0x2  }
0x6f: {  	v2 =	vld [tilespmem:$0x1F0];
	[tilespmem:$0x7C0] =	vst v1;
	v1 =	vnsel vm13, $0xFFFFFFFF, v0;
	v0 =	vadd.s32 $0xFFFE0000, v0  }
0x70: {  	v4 =	vshll.u32 v4, $0x5;
	[tilespmem:$0x3D0] =	vst v1;
	v0 =	vsel vm13, $0xFFFFFFFF, v0  }
0x71: {  	vm14 =	vlt.u32 v3, $0x80000;
	v1 =	vand.u32 $0x60, v4;
	[tilespmem:$0x5D0] =	vst v0;
	v0 =	vshrl.u32 v3, $0x2  }
0x72: {  	[tilespmem:$0x7D0] =	vst v1;
	v1 =	vnsel vm14, $0xFFFFFFFF, v0;
	v0 =	vadd.s32 $0xFFFE0000, v0  }
0x73: {  	v3 =	vshll.u32 v3, $0x5;
	[tilespmem:$0x3E0] =	vst v1;
	v0 =	vsel vm14, $0xFFFFFFFF, v0  }
0x74: {  	vm15 =	vlt.u32 v2, $0x80000;
	v1 =	vand.u32 $0x60, v3;
	[tilespmem:$0x5E0] =	vst v0;
	v0 =	vshrl.u32 v2, $0x2  }
0x75: {  	[tilespmem:$0x7E0] =	vst v1;
	v1 =	vnsel vm15, $0xFFFFFFFF, v0;
	v0 =	vadd.s32 $0xFFFE0000, v0  }
0x76: {  	v2 =	vshll.u32 v2, $0x5;
	[tilespmem:$0x3F0] =	vst v1;
	v0 =	vsel vm15, $0xFFFFFFFF, v0  }
0x77: {  	v1 =	vand.u32 $0x60, v2;
	[tilespmem:$0x5F0] =	vst v0  }
0x78: {  	s7 =	simm.s32 $0x80;
	[tilespmem:$0x7F0] =	vst v1;
	(ifvalue) =	ssetifvalue $0xFFFFFFFF  }
0x79: {  	s8 =	simm.s32 $0x200;
	(ifvalue) =	ssetifvalue $0xFFFFFFFF;
	s6 =	rddreg [dreg:$0x8]  }
0x7a: {  	[tilespmem:s15], [sflag:$0x1] =	stream.indirect.gather [hbm4b:s6+s7], $0x80, s8, s7, $0x40b8;
	[tilespmem:$0x14880] =	vst v63  }
0x7b: {  	(ifvalue) =	ssetifvalue $0xFFFFFFFF  }
0x7c: {  	s10 =	simm.s32 $0x400;
	(ifvalue) =	ssetifvalue $0xFFFFFFFF;
	s9 =	rddreg [dreg:$0x9]  }
0x7d: {  	[tilespmem:s15], [sflag:$0x1] =	stream.indirect.gather [hbm4b:s9+s7], $0x80, s10, s7, $0x40b8;
	[tilespmem:$0x14880] =	vst v63  }
0x7e: {  	(ifvalue) =	ssetifvalue $0xFFFFFFFF  }
0x7f: {  	s11 =	simm.s32 $0x280;
	s4 =	simm.s32 $0x4800;
	(ifvalue) =	ssetifvalue $0xFFFFFFFF  }
0x80: {  	[tilespmem:s4], [sflag:$0x1] =	stream.indirect.gather [hbm4b:s6+s7], $0x80, s11, s7, $0x40b8;
	[tilespmem:$0x14880] =	vst v63  }
0x81: {  	(ifvalue) =	ssetifvalue $0xFFFFFFFF  }
0x82: {  	s12 =	simm.s32 $0x480;
	(ifvalue) =	ssetifvalue $0xFFFFFFFF  }
0x83: {  	[tilespmem:s4], [sflag:$0x1] =	stream.indirect.gather [hbm4b:s9+s7], $0x80, s12, s7, $0x40b8;
	[tilespmem:$0x14880] =	vst v63  }
0x84: {  	(ifvalue) =	ssetifvalue $0xFFFFFFFF  }
0x85: {  	s13 =	simm.s32 $0x300;
	s14 =	simm.s32 $0x8800;
	(ifvalue) =	ssetifvalue $0xFFFFFFFF  }
0x86: {  	[tilespmem:s14], [sflag:$0x1] =	stream.indirect.gather [hbm4b:s6+s7], $0x80, s13, s7, $0x40b8;
	[tilespmem:$0x14880] =	vst v63  }
0x87: {  	(ifvalue) =	ssetifvalue $0xFFFFFFFF  }
0x88: {  	s16 =	simm.s32 $0x500;
	(ifvalue) =	ssetifvalue $0xFFFFFFFF  }
0x89: {  	[tilespmem:s14], [sflag:$0x1] =	stream.indirect.gather [hbm4b:s9+s7], $0x80, s16, s7, $0x40b8;
	[tilespmem:$0x14880] =	vst v63  }
0x8a: {  	(ifvalue) =	ssetifvalue $0xFFFFFFFF  }
0x8b: {  	s17 =	simm.s32 $0x380;
	s18 =	simm.s32 $0xC800;
	(ifvalue) =	ssetifvalue $0xFFFFFFFF  }
0x8c: {  	[tilespmem:s18], [sflag:$0x1] =	stream.indirect.gather [hbm4b:s6+s7], $0x80, s17, s7, $0x40b8;
	[tilespmem:$0x14880] =	vst v63  }
0x8d: {  	(ifvalue) =	ssetifvalue $0xFFFFFFFF  }
0x8e: {  	s19 =	simm.s32 $0x580;
	s20 =	simm.s32 $0x2;
	(ifvalue) =	ssetifvalue $0xFFFFFFFF  }
0x8f: {  	[tilespmem:s18], [sflag:$0x1] =	stream.indirect.gather [hbm4b:s9+s7], $0x80, s19, s7, $0x40b8;
	[tilespmem:$0x14880] =	vst v63  }
0x90: {  	_ =	swait.ge [sflag:s20], $0x4000  }
0x91: {  	[sflag:s20] =	ssyncset.done $0x0  }
0x92: {  	s21 =	simm.s32 $0x1;
	[sflag:s20] =	ssyncadd.s32 $0xFFFFC000  }
0x93: {  	_ =	swait.ge [sflag:s21], $0x4000  }
0x94: {  	[sflag:s21] =	ssyncset.done $0x0  }
0x95: {  	[sflag:s21] =	ssyncadd.s32 $0xFFFFC000  }
0x96: {  	_ =	swait.ge [sflag:s21], $0x4000  }
0x97: {  	[sflag:s21] =	ssyncset.done $0x0  }
0x98: {  	[sflag:s21] =	ssyncadd.s32 $0xFFFFC000  }
0x99: {  	_ =	swait.ge [sflag:s21], $0x4000  }
0x9a: {  	[sflag:s21] =	ssyncset.done $0x0  }
0x9b: {  	[sflag:s21] =	ssyncadd.s32 $0xFFFFC000  }
0x9c: {  	_ =	swait.ge [sflag:s21], $0x4000  }
0x9d: {  	[sflag:s21] =	ssyncset.done $0x0  }
0x9e: {  	[sflag:s21] =	ssyncadd.s32 $0xFFFFC000  }
0x9f: {  	_ =	swait.ge [sflag:s21], $0x4000  }
0xa0: {  	[sflag:s21] =	ssyncset.done $0x0  }
0xa1: {  	[sflag:s21] =	ssyncadd.s32 $0xFFFFC000  }
0xa2: {  	_ =	swait.ge [sflag:s21], $0x4000  }
0xa3: {  	[sflag:s21] =	ssyncset.done $0x0  }
0xa4: {  	[sflag:s21] =	ssyncadd.s32 $0xFFFFC000  }
0xa5: {  	_ =	swait.ge [sflag:s21], $0x4000  }
0xa6: {  	[sflag:s21] =	ssyncset.done $0x0  }
0xa7: {  	[sflag:s21] =	ssyncadd.s32 $0xFFFFC000  }
0xa8: {  	_ =	swait.ge [sflag:s21], $0x4000  }
0xa9: {  	[sflag:s21] =	ssyncset.done $0x0  }
0xaa: {  	s22 =	simm.s32 $0x610;
	[sflag:s21] =	ssyncadd.s32 $0xFFFFC000  }
0xab: {  	v22 =	vld [tilespmem:s22+$0x0]  }
0xac: {  	s0 =	simm.s32 $0x10;
	v0 =	vmov s30  }
0xad: {  	v1 =	vmov s0;
	v0 =	vshll.u32 v0, $0x7  }
0xae: {  	v36 =	vor.u32 v5, v0;
	v0 =	vshll.u32 v1, $0x7  }
0xaf: {  	v29 =	vimm.f32 $0.0e+00;
	v0 =	vor.u32 v5, v0  }
0xb0: {  	v2 =	vadd.s32 $0x1E, v22;
	v1 =	vadd.s32 $0x1F, v22;
	v5 =	vadd.s32 $0x1B, v22  }
0xb1: {  	v4 =	vadd.s32 $0x1C, v22;
	v3 =	vadd.s32 $0x1D, v22;
	v8 =	vadd.s32 $0x18, v22  }
0xb2: {  	v7 =	vadd.s32 $0x19, v22;
	v6 =	vadd.s32 $0x1A, v22;
	v11 =	vadd.s32 $0x15, v22  }
0xb3: {  	v10 =	vadd.s32 $0x16, v22;
	v9 =	vadd.s32 $0x17, v22;
	v12 =	vadd.s32 $0x14, v22  }
0xb4: {  	v15 =	vadd.s32 $0x11, v22;
	v14 =	vadd.s32 $0x12, v22;
	v13 =	vadd.s32 $0x13, v22  }
0xb5: {  	v21 =	vld [tilespmem:s22+$0xFFFFFFF0];
	v17 =	vadd.s32 $0xF, v22;
	v16 =	vadd.s32 $0x10, v22;
	v20 =	vadd.s32 $0xC, v22  }
0xb6: {  	v19 =	vadd.s32 $0xD, v22;
	v18 =	vadd.s32 $0xE, v22;
	v25 =	vadd.s32 $0x9, v22  }
0xb7: {  	v24 =	vadd.s32 $0xA, v22;
	v23 =	vadd.s32 $0xB, v22;
	v30 =	vadd.s32 $0x6, v22  }
0xb8: {  	v28 =	vadd.s32 $0x7, v22;
	v26 =	vadd.s32 $0x8, v22;
	v34 =	vadd.s32 $0x3, v22  }
0xb9: {  	v33 =	vadd.s32 $0x4, v22;
	v32 =	vadd.s32 $0x5, v22;
	v38 =	vand.u32 $0x7F, v22  }
0xba: {  	v40 =	vadd.s32 $0x1, v22;
	v35 =	vadd.s32 $0x2, v22;
	v44 =	vadd.s32 $0x1E, v21  }
0xbb: {  	v42 =	vand.u32 $0xFFFFFF80, v22;
	v22 =	vand.u32 $0xFFFFFF80, v21;
	v27 =	vand.u32 $0x7F, v21  }
0xbc: {  	v31 =	vadd.s32 $0x1, v21;
	v39 =	vadd.s32 $0x2, v21;
	v55 =	vadd.s32 $0x3, v21  }
0xbd: {  	v59 =	vadd.s32 $0x4, v21;
	v22 =	vadd.s32 v36, v22;
	v57 =	vand.u32 $0xFFFFFF80, v55  }
0xbe: {  	v55 =	vand.u32 $0x7F, v55;
	v22 =	vor.u32 v27, v22;
	v27 =	vand.u32 $0xFFFFFF80, v31  }
0xbf: {  	s3 =	sand.u32 $0xC00, s30;
	v31 =	vand.u32 $0x7F, v31;
	v57 =	vadd.s32 v36, v57;
	v27 =	vadd.s32 v36, v27  }
0xc0: {  	s2 =	sand.u32 $0x60, s30;
	s1 =	sadd.s32 $0x10800, s3;
	v55 =	vor.u32 v55, v57;
	v57 =	vand.u32 $0xFFFFFF80, v59;
	v59 =	vand.u32 $0x7F, v59  }
0xc1: {  	s23 =	sor.u32 s2, s1;
	v31 =	vor.u32 v31, v27;
	v27 =	vand.u32 $0xFFFFFF80, v39;
	v57 =	vadd.s32 v36, v57  }
0xc2: {  	v58 =	vld [tilespmem:s23+$0x0];
	v54 =	vand.u32 $0x7F, v39;
	v27 =	vadd.s32 v36, v27;
	v57 =	vor.u32 v59, v57  }
0xc3: {  	v61 =	vld [tilespmem:s23+$0x80];
	v43 =	vadd.s32 $0x1F, v21;
	v62 =	vadd.s32 $0x5, v21;
	v54 =	vor.u32 v54, v27  }
0xc4: {  	v50 =	vadd.s32 $0x1B, v21;
	v48 =	vadd.s32 $0x1C, v21;
	v59 =	vand.u32 $0xFFFFFF80, v62;
	v22 =	vld.idx.msk [tilespmem:v22+s15+$0x0], $0xffff  }
0xc5: {  	v60 =	vadd.s32 $0x6, v21;
	v62 =	vand.u32 $0x7F, v62;
	v59 =	vadd.s32 v36, v59;
	v55 =	vld.idx.msk [tilespmem:v55+s15+$0x0], $0xffff  }
0xc6: {  	v46 =	vadd.s32 $0x1D, v21;
	v59 =	vor.u32 v62, v59;
	v62 =	vand.u32 $0xFFFFFF80, v60;
	v31 =	vld.idx.msk [tilespmem:v31+s15+$0x0], $0xffff  }
0xc7: {  	v63 =	vadd.s32 $0x7, v21;
	v60 =	vand.u32 $0x7F, v60;
	v62 =	vadd.s32 v36, v62;
	v57 =	vld.idx.msk [tilespmem:v57+s15+$0x0], $0xffff  }
0xc8: {  	v53 =	vadd.s32 $0x18, v21;
	v60 =	vor.u32 v60, v62;
	v62 =	vand.u32 $0xFFFFFF80, v63;
	v54 =	vld.idx.msk [tilespmem:v54+s15+$0x0], $0xffff  }
0xc9: {  	v63 =	vand.u32 $0x7F, v63;
	v62 =	vadd.s32 v36, v62;
	v22 =	vsub.f32 v58, v22;
	v58 =	vld [tilespmem:s23+$0x100]  }
0xca: {  	v51 =	vadd.s32 $0x19, v21;
	v52 =	vadd.s32 $0x1A, v21;
	v62 =	vor.u32 v63, v62;
	v63 =	vld [tilespmem:s23+$0x200]  }
0xcb: {  	v45 =	vadd.s32 $0x15, v21;
	v49 =	vadd.s32 $0x16, v21;
	v31 =	vsub.f32 v61, v31;
	v61 =	vld [tilespmem:s23+$0x180]  }
0xcc: {  	s5 =	sand.u32 $0x3, s30;
	v47 =	vadd.s32 $0x17, v21;
	v37 =	vadd.s32 $0x12, v21;
	v22 =	vmul.f32 v22, v22  }
0xcd: {  	s5 =	sshll.u32 s5, $0x5;
	v41 =	vadd.s32 $0x13, v21;
	v56 =	vadd.s32 $0xC, v21;
	v39 =	vadd.s32 $0x14, v21  }
0xce: {  	s24 =	sadd.s32 $0x0, s5;
	v22 =	vadd.f32 v22, v29;
	v29 =	vmul.f32 v31, v31;
	v54 =	vsub.f32 v58, v54  }
0xcf: {  	s4 =	sor.u32 $0x300, s24;
	v27 =	vadd.s32 $0xF, v21;
	v60 =	vld.idx.msk [tilespmem:v60+s15+$0x0], $0xffff;
	v31 =	vadd.s32 $0x8, v21;
	v57 =	vsub.f32 v63, v57  }
0xd0: {  	v63 =	vld [tilespmem:s4+$0x10800];
	v22 =	vadd.f32 v29, v22;
	v54 =	vmul.f32 v54, v54;
	v55 =	vsub.f32 v61, v55  }
0xd1: {  	v59 =	vld.idx.msk [tilespmem:v59+s15+$0x0], $0xffff;
	v58 =	vadd.s32 $0x9, v21;
	v29 =	vand.u32 $0xFFFFFF80, v31;
	v31 =	vand.u32 $0x7F, v31  }
0xd2: {  	v29 =	vadd.s32 v36, v29;
	v61 =	vld [tilespmem:s23+$0x280];
	v22 =	vadd.f32 v54, v22;
	v55 =	vmul.f32 v55, v55  }
0xd3: {  	v29 =	vor.u32 v31, v29;
	v54 =	vand.u32 $0xFFFFFF80, v58;
	v58 =	vand.u32 $0x7F, v58  }
0xd4: {  	s25 =	sor.u32 s30, s30;
	v54 =	vadd.s32 v36, v54;
	v22 =	vadd.f32 v55, v22;
	v55 =	vmul.f32 v57, v57  }
0xd5: {  	v62 =	vld.idx.msk [tilespmem:v62+s15+$0x0], $0xffff;
	s4 =	sor.u32 $0x380, s25;
	v31 =	vadd.s32 $0xA, v21;
	v60 =	vsub.f32 v63, v60;
	v54 =	vor.u32 v58, v54  }
0xd6: {  	v58 =	vand.u32 $0xFFFFFF80, v31;
	v31 =	vand.u32 $0x7F, v31;
	v22 =	vadd.f32 v55, v22;
	v55 =	vld [tilespmem:s4+$0x10800]  }
0xd7: {  	v57 =	vadd.s32 $0xB, v21;
	v58 =	vadd.s32 v36, v58;
	v59 =	vsub.f32 v61, v59  }
0xd8: {  	v61 =	vand.u32 $0xFFFFFF80, v57;
	v57 =	vand.u32 $0x7F, v57;
	v31 =	vor.u32 v31, v58  }
0xd9: {  	v58 =	vand.u32 $0xFFFFFF80, v56;
	s4 =	sadd.s32 $0x11800, s3;
	v61 =	vadd.s32 v36, v61;
	v59 =	vmul.f32 v59, v59  }
0xda: {  	v29 =	vld.idx.msk [tilespmem:v29+s15+$0x0], $0xffff;
	v56 =	vand.u32 $0x7F, v56;
	s26 =	sor.u32 s2, s4;
	v58 =	vadd.s32 v36, v58;
	v57 =	vor.u32 v57, v61  }
0xdb: {  	s5 =	sadd.s32 $0x11880, s3;
	v63 =	vld [tilespmem:s26+$0x0];
	v22 =	vadd.f32 v59, v22;
	v59 =	vmul.f32 v60, v60;
	v55 =	vsub.f32 v55, v62  }
0xdc: {  	s6 =	sor.u32 s2, s5;
	v61 =	vadd.s32 $0x10, v21;
	v56 =	vor.u32 v56, v58;
	v58 =	vadd.s32 $0x11, v21;
	v54 =	vld.idx.msk [tilespmem:v54+s15+$0x0], $0xffff  }
0xdd: {  	v60 =	vadd.s32 $0xD, v21;
	v62 =	vld [tilespmem:s6+$0x0];
	v22 =	vadd.f32 v59, v22;
	v55 =	vmul.f32 v55, v55  }
0xde: {  	v21 =	vadd.s32 $0xE, v21;
	v59 =	vand.u32 $0xFFFFFF80, v60;
	s6 =	sadd.s32 $0x11900, s3;
	v60 =	vand.u32 $0x7F, v60  }
0xdf: {  	v31 =	vld.idx.msk [tilespmem:v31+s15+$0x0], $0xffff;
	v59 =	vadd.s32 v36, v59;
	s7 =	sor.u32 s2, s6;
	v55 =	vadd.f32 v55, v22;
	v22 =	vand.u32 $0xFFFFFF80, v2  }
0xe0: {  	v29 =	vsub.f32 v63, v29;
	v63 =	vand.u32 $0xFFFFFF80, v21;
	v59 =	vor.u32 v60, v59;
	v60 =	vld [tilespmem:s7+$0x0]  }
0xe1: {  	v57 =	vld.idx.msk [tilespmem:v57+s15+$0x0], $0xffff;
	s7 =	sadd.s32 $0x11980, s3;
	v21 =	vand.u32 $0x7F, v21;
	v63 =	vadd.s32 v36, v63  }
0xe2: {  	s8 =	sor.u32 s2, s7;
	v29 =	vmul.f32 v29, v29;
	[tilespmem:$0x1FC10] =	vst v22;
	v62 =	vsub.f32 v62, v54;
	v22 =	vmovc v2;
	v2 =	vand.u32 $0xFFFFFF80, v1  }
0xe3: {  	v63 =	vor.u32 v21, v63;
	v21 =	vld [tilespmem:s8+$0x0];
	s8 =	sadd.s32 $0x11A00, s3;
	[tilespmem:$0x1FC20] =	vst v2  }
0xe4: {  	v29 =	vadd.f32 v29, v55;
	v55 =	vand.u32 $0xFFFFFF80, v27;
	s9 =	sor.u32 s2, s8;
	v62 =	vmul.f32 v62, v62;
	v56 =	vld.idx.msk [tilespmem:v56+s15+$0x0], $0xffff  }
0xe5: {  	v27 =	vand.u32 $0x7F, v27;
	v55 =	vadd.s32 v36, v55;
	v31 =	vsub.f32 v60, v31;
	v60 =	vld [tilespmem:s9+$0x0]  }
0xe6: {  	v55 =	vor.u32 v27, v55;
	v29 =	vadd.f32 v62, v29;
	v62 =	vand.u32 $0xFFFFFF80, v61;
	s9 =	sadd.s32 $0x11A80, s3  }
0xe7: {  	v61 =	vand.u32 $0x7F, v61;
	v59 =	vld.idx.msk [tilespmem:v59+s15+$0x0], $0xffff;
	v31 =	vmul.f32 v31, v31;
	v62 =	vadd.s32 v36, v62;
	s10 =	sor.u32 s2, s9  }
0xe8: {  	v21 =	vsub.f32 v21, v57;
	v57 =	vand.u32 $0xFFFFFF80, v58;
	v61 =	vor.u32 v61, v62;
	v62 =	vld [tilespmem:s10+$0x0];
	s10 =	sadd.s32 $0x11B00, s3  }
0xe9: {  	v63 =	vld.idx.msk [tilespmem:v63+s15+$0x0], $0xffff;
	v58 =	vand.u32 $0x7F, v58;
	v29 =	vadd.f32 v31, v29;
	v57 =	vadd.s32 v36, v57;
	s11 =	sor.u32 s2, s10  }
0xea: {  	v21 =	vmul.f32 v21, v21;
	v57 =	vor.u32 v58, v57;
	v58 =	vld [tilespmem:s11+$0x0];
	v60 =	vsub.f32 v60, v56  }
0xeb: {  	v42 =	vadd.s32 v0, v42;
	s11 =	sadd.s32 $0x11B80, s3  }
0xec: {  	v55 =	vld.idx.msk [tilespmem:v55+s15+$0x0], $0xffff;
	s12 =	sor.u32 s2, s11;
	v21 =	vadd.f32 v21, v29;
	v29 =	vand.u32 $0xFFFFFF80, v37;
	v60 =	vmul.f32 v60, v60  }
0xed: {  	v37 =	vand.u32 $0x7F, v37;
	v29 =	vadd.s32 v36, v29;
	v59 =	vsub.f32 v62, v59;
	v62 =	vld [tilespmem:s12+$0x0]  }
0xee: {  	s12 =	sadd.s32 $0x12800, s3;
	v29 =	vor.u32 v37, v29;
	v21 =	vadd.f32 v60, v21;
	v60 =	vand.u32 $0xFFFFFF80, v41  }
0xef: {  	v61 =	vld.idx.msk [tilespmem:v61+s15+$0x0], $0xffff;
	s13 =	sor.u32 s2, s12;
	v41 =	vand.u32 $0x7F, v41;
	v59 =	vmul.f32 v59, v59;
	v58 =	vsub.f32 v58, v63  }
0xf0: {  	v54 =	vmovc v1;
	v63 =	vand.u32 $0xFFFFFF80, v39;
	v1 =	vld [tilespmem:s13+$0x0];
	s13 =	sadd.s32 $0x12880, s3;
	v39 =	vand.u32 $0x7F, v39;
	v60 =	vadd.s32 v36, v60  }
0xf1: {  	v57 =	vld.idx.msk [tilespmem:v57+s15+$0x0], $0xffff;
	v63 =	vadd.s32 v36, v63;
	s14 =	sor.u32 s2, s13;
	v60 =	vor.u32 v41, v60;
	v21 =	vadd.f32 v59, v21  }
0xf2: {  	v58 =	vmul.f32 v58, v58;
	v59 =	vor.u32 v39, v63;
	v63 =	vld [tilespmem:s14+$0x0];
	v55 =	vsub.f32 v62, v55  }
0xf3: {  	v38 =	vor.u32 v38, v42;
	v42 =	vand.u32 $0xFFFFFF80, v25;
	v25 =	vand.u32 $0x7F, v25;
	s14 =	sadd.s32 $0x12900, s3  }
0xf4: {  	v62 =	vand.u32 $0xFFFFFF80, v45;
	s16 =	sor.u32 s2, s14;
	v21 =	vadd.f32 v58, v21;
	v29 =	vld.idx.msk [tilespmem:v29+s15+$0x0], $0xffff;
	v55 =	vmul.f32 v55, v55  }
0xf5: {  	v45 =	vand.u32 $0x7F, v45;
	v58 =	vadd.s32 v36, v62;
	v1 =	vsub.f32 v1, v61;
	v61 =	vld [tilespmem:s16+$0x0]  }
0xf6: {  	v27 =	vand.u32 $0xFFFFFF80, v5;
	v58 =	vor.u32 v45, v58;
	s16 =	sadd.s32 $0x12980, s3;
	v21 =	vadd.f32 v55, v21  }
0xf7: {  	s17 =	sor.u32 s2, s16;
	v55 =	vand.u32 $0xFFFFFF80, v49;
	v49 =	vand.u32 $0x7F, v49;
	v60 =	vld.idx.msk [tilespmem:v60+s15+$0x0], $0xffff;
	v57 =	vsub.f32 v63, v57  }
0xf8: {  	v62 =	vld [tilespmem:s17+$0x0];
	s17 =	sadd.s32 $0x12A00, s3;
	v1 =	vmul.f32 v1, v1;
	v63 =	vand.u32 $0xFFFFFF80, v47;
	v55 =	vadd.s32 v36, v55  }
0xf9: {  	v47 =	vand.u32 $0x7F, v47;
	v59 =	vld.idx.msk [tilespmem:v59+s15+$0x0], $0xffff;
	s18 =	sor.u32 s2, s17;
	v55 =	vor.u32 v49, v55;
	v49 =	vadd.s32 v36, v63  }
0xfa: {  	v1 =	vadd.f32 v1, v21;
	v21 =	vld [tilespmem:s18+$0x0];
	v57 =	vmul.f32 v57, v57;
	v29 =	vsub.f32 v61, v29  }
0xfb: {  	v63 =	vor.u32 v47, v49;
	v61 =	vand.u32 $0xFFFFFF80, v53;
	v53 =	vand.u32 $0x7F, v53  }
0xfc: {  	s20 =	sadd.s32 $0x12A80, s3;
	v1 =	vadd.f32 v57, v1;
	v57 =	vadd.s32 v36, v61;
	v29 =	vmul.f32 v29, v29  }
0xfd: {  	s28 =	sor.u32 s2, s20;
	v37 =	vand.u32 $0xFFFFFF80, v8;
	v58 =	vld.idx.msk [tilespmem:v58+s15+$0x0], $0xffff;
	v61 =	vand.u32 $0xFFFFFF80, v51;
	v57 =	vor.u32 v53, v57  }
0xfe: {  	v51 =	vand.u32 $0x7F, v51;
	v60 =	vsub.f32 v62, v60;
	v1 =	vadd.f32 v29, v1;
	v29 =	vld [tilespmem:s28+$0x0]  }
0xff: {  	s23 =	sadd.s32 $0x12B00, s3;
	v61 =	vadd.s32 v36, v61;
	v21 =	vsub.f32 v21, v59;
	v59 =	vand.u32 $0xFFFFFF80, v52;
	v55 =	vld.idx.msk [tilespmem:v55+s15+$0x0], $0xffff  }
0x100: {  	s29 =	sor.u32 s2, s23;
	v52 =	vand.u32 $0x7F, v52;
	v60 =	vmul.f32 v60, v60;
	v59 =	vadd.s32 v36, v59;
	v62 =	vld.idx.msk [tilespmem:v63+s15+$0x0], $0xffff  }
0x101: {  	s26 =	sadd.s32 $0x12B80, s3;
	v8 =	vand.u32 $0x7F, v8;
	v61 =	vor.u32 v51, v61;
	v52 =	vor.u32 v52, v59;
	v59 =	vld [tilespmem:s29+$0x0]  }
0x102: {  	s24 =	sadd.s32 $0x13800, s3;
	s19 =	sor.u32 s2, s26;
	v1 =	vadd.f32 v60, v1;
	v60 =	vand.u32 $0xFFFFFF80, v50;
	v21 =	vmul.f32 v21, v21;
	v57 =	vld.idx.msk [tilespmem:v57+s15+$0x0], $0xffff  }
0x103: {  	s21 =	sor.u32 s2, s24;
	v50 =	vand.u32 $0x7F, v50;
	v60 =	vadd.s32 v36, v60;
	v29 =	vsub.f32 v29, v58;
	v58 =	vld [tilespmem:s19+$0x0]  }
0x104: {  	v50 =	vor.u32 v50, v60;
	v60 =	vand.u32 $0xFFFFFF80, v48;
	v1 =	vadd.f32 v21, v1;
	v21 =	vld [tilespmem:s21+$0x0]  }
0x105: {  	s25 =	sadd.s32 $0x13880, s3;
	v63 =	vand.u32 $0x7F, v48;
	v60 =	vadd.s32 v36, v60;
	v29 =	vmul.f32 v29, v29  }
0x106: {  	s22 =	sor.u32 s2, s25;
	v41 =	vand.u32 $0xFFFFFF80, v7;
	v60 =	vor.u32 v63, v60;
	v55 =	vsub.f32 v59, v55;
	v59 =	vld.idx.msk [tilespmem:v61+s15+$0x0], $0xffff  }
0x107: {  	v63 =	vand.u32 $0x7F, v46;
	v61 =	vand.u32 $0xFFFFFF80, v46;
	v1 =	vadd.f32 v29, v1;
	v29 =	vld [tilespmem:s22+$0x0]  }
0x108: {  	s18 =	sadd.s32 $0x13900, s3;
	v52 =	vld.idx.msk [tilespmem:v52+s15+$0x0], $0xffff;
	v61 =	vadd.s32 v36, v61;
	v55 =	vmul.f32 v55, v55;
	v58 =	vsub.f32 v58, v62  }
0x109: {  	v45 =	vand.u32 $0xFFFFFF80, v11;
	s19 =	sor.u32 s2, s18;
	v61 =	vor.u32 v63, v61;
	v21 =	vsub.f32 v21, v57;
	v2 =	vld.idx.msk [tilespmem:v50+s15+$0x0], $0xffff  }
0x10a: {  	s21 =	sadd.s32 $0x13980, s3;
	v62 =	vand.u32 $0xFFFFFF80, v44;
	v1 =	vadd.f32 v55, v1;
	v55 =	vld [tilespmem:s19+$0x0];
	v58 =	vmul.f32 v58, v58  }
0x10b: {  	s28 =	sor.u32 s2, s21;
	v57 =	vand.u32 $0xFFFFFF80, v43;
	v63 =	vand.u32 $0x7F, v44;
	s22 =	sadd.s32 $0x13A00, s3;
	v62 =	vadd.s32 v36, v62;
	v60 =	vld.idx.msk [tilespmem:v60+s15+$0x0], $0xffff  }
0x10c: {  	v21 =	vmul.f32 v21, v21;
	v1 =	vadd.f32 v58, v1;
	v58 =	vld [tilespmem:s28+$0x0];
	v29 =	vsub.f32 v29, v59;
	s28 =	sor.u32 s2, s22  }
0x10d: {  	v11 =	vand.u32 $0x7F, v11;
	s19 =	sadd.s32 $0x13A80, s3;
	v59 =	vor.u32 v63, v62;
	v63 =	vadd.s32 v36, v57;
	v57 =	vld [tilespmem:s28+$0x0]  }
0x10e: {  	v43 =	vand.u32 $0x7F, v43;
	s29 =	sor.u32 s2, s19;
	v1 =	vadd.f32 v21, v1;
	v21 =	vmul.f32 v29, v29  }
0x10f: {  	v49 =	vand.u32 $0xFFFFFF80, v10;
	v62 =	vor.u32 v43, v63;
	v29 =	vld [tilespmem:s29+$0x0];
	v52 =	vsub.f32 v55, v52  }
0x110: {  	v53 =	vand.u32 $0xFFFFFF80, v14;
	v63 =	vand.u32 $0xFFFFFF80, v33;
	v1 =	vadd.f32 v21, v1;
	v21 =	vld.idx.msk [tilespmem:v61+s15+$0x0], $0xffff  }
0x111: {  	s28 =	sadd.s32 $0x13B00, s3;
	v52 =	vmul.f32 v52, v52;
	v61 =	vand.u32 $0xFFFFFF80, v40;
	v2 =	vsub.f32 v58, v2  }
0x112: {  	s29 =	sor.u32 s2, s28;
	v40 =	vand.u32 $0x7F, v40;
	v58 =	vadd.s32 v0, v61;
	v59 =	vld.idx.msk [tilespmem:v59+s15+$0x0], $0xffff;
	v57 =	vsub.f32 v57, v60  }
0x113: {  	v1 =	vadd.f32 v52, v1;
	v52 =	vld [tilespmem:s29+$0x0];
	v40 =	vor.u32 v40, v58;
	v2 =	vmul.f32 v2, v2  }
0x114: {  	v33 =	vand.u32 $0x7F, v33;
	v61 =	vld.idx.msk [tilespmem:v62+s15+$0x0], $0xffff;
	v62 =	vand.u32 $0xFFFFFF80, v34;
	v57 =	vmul.f32 v57, v57  }
0x115: {  	s3 =	sadd.s32 $0x13B80, s3;
	v1 =	vadd.f32 v2, v1;
	v21 =	vsub.f32 v29, v21;
	v29 =	vand.u32 $0xFFFFFF80, v35  }
0x116: {  	v38 =	vld.idx.msk [tilespmem:v38+s15+$0x0], $0xffff;
	s2 =	sor.u32 s2, s3;
	v34 =	vand.u32 $0x7F, v34;
	v35 =	vand.u32 $0x7F, v35;
	v29 =	vadd.s32 v0, v29  }
0x117: {  	v2 =	vld [tilespmem:s2+$0x0];
	s2 =	sand.u32 $0x70, s0;
	v29 =	vor.u32 v35, v29;
	v35 =	vadd.s32 v0, v62;
	v1 =	vadd.f32 v57, v1  }
0x118: {  	s1 =	sor.u32 s2, s1;
	v21 =	vmul.f32 v21, v21;
	v57 =	vand.u32 $0xFFFFFF80, v30;
	v52 =	vsub.f32 v52, v59;
	v40 =	vld.idx.msk [tilespmem:v40+s15+$0x0], $0xffff  }
0x119: {  	v59 =	vadd.s32 v0, v63;
	v62 =	vld [tilespmem:s1+$0x100];
	v63 =	vand.u32 $0xFFFFFF80, v26;
	v30 =	vand.u32 $0x7F, v30  }
0x11a: {  	v34 =	vor.u32 v34, v35;
	v35 =	vld [tilespmem:s1+$0x0];
	v33 =	vor.u32 v33, v59;
	v57 =	vadd.s32 v0, v57  }
0x11b: {  	s0 =	sor.u32 s0, s30;
	v1 =	vadd.f32 v21, v1;
	v52 =	vmul.f32 v52, v52;
	v30 =	vor.u32 v30, v57;
	v57 =	vld [tilespmem:s1+$0x280]  }
0x11c: {  	s0 =	sor.u32 $0x380, s0;
	v59 =	vand.u32 $0xFFFFFF80, v28;
	v28 =	vand.u32 $0x7F, v28;
	v2 =	vsub.f32 v2, v61;
	v61 =	vld [tilespmem:s1+$0x80]  }
0x11d: {  	v21 =	vand.u32 $0xFFFFFF80, v32;
	v1 =	vadd.f32 v52, v1;
	v52 =	vadd.s32 v0, v63;
	v63 =	vld [tilespmem:s0+$0x10800]  }
0x11e: {  	v32 =	vand.u32 $0x7F, v32;
	v59 =	vadd.s32 v0, v59;
	v21 =	vadd.s32 v0, v21;
	v29 =	vld.idx.msk [tilespmem:v29+s15+$0x0], $0xffff  }
0x11f: {  	v21 =	vor.u32 v32, v21;
	v2 =	vmul.f32 v2, v2;
	v34 =	vld.idx.msk [tilespmem:v34+s15+$0x0], $0xffff;
	v35 =	vsub.f32 v35, v38  }
0x120: {  	v58 =	vand.u32 $0xFFFFFF80, v24;
	v60 =	vand.u32 $0xFFFFFF80, v23;
	s29 =	sand.u32 $0x7, s30;
	v28 =	vor.u32 v28, v59;
	v38 =	vld [tilespmem:s1+$0x180]  }
0x121: {  	s29 =	sshll.u32 s29, $0x4;
	v33 =	vld.idx.msk [tilespmem:v33+s15+$0x0], $0xffff;
	v1 =	vadd.f32 v2, v1;
	v35 =	vmul.f32 v35, v35;
	v40 =	vsub.f32 v61, v40  }
0x122: {  	v24 =	vand.u32 $0x7F, v24;
	v23 =	vand.u32 $0x7F, v23;
	s29 =	sadd.s32 $0x0, s29;
	v26 =	vand.u32 $0x7F, v26;
	v2 =	vld [tilespmem:s1+$0x200]  }
0x123: {  	s29 =	sadd.s32 $0x10, s29;
	v30 =	vld.idx.msk [tilespmem:v30+s15+$0x0], $0xffff;
	v1 =	vadd.f32 v35, v1;
	v61 =	vmul.f32 v40, v40;
	v29 =	vsub.f32 v62, v29  }
0x124: {  	v26 =	vor.u32 v26, v52;
	v52 =	vadd.s32 v0, v60;
	s1 =	sor.u32 $0x300, s29;
	v21 =	vld.idx.msk [tilespmem:v21+s15+$0x0], $0xffff;
	v62 =	vadd.s32 v0, v42  }
0x125: {  	v59 =	vld [tilespmem:s1+$0x10800];
	v34 =	vsub.f32 v38, v34;
	v1 =	vadd.f32 v61, v1;
	v29 =	vmul.f32 v29, v29  }
0x126: {  	v23 =	vor.u32 v23, v52;
	s29 =	sor.u32 s2, s6;
	v28 =	vld.idx.msk [tilespmem:v28+s15+$0x0], $0xffff;
	v25 =	vor.u32 v25, v62;
	v38 =	vadd.s32 v0, v58  }
0x127: {  	s4 =	sor.u32 s2, s4;
	v60 =	vld [tilespmem:s29+$0x0];
	v2 =	vsub.f32 v2, v33;
	v1 =	vadd.f32 v29, v1;
	v29 =	vmul.f32 v34, v34  }
0x128: {  	v50 =	vand.u32 $0xFFFFFF80, v19;
	v19 =	vand.u32 $0x7F, v19;
	v42 =	vld [tilespmem:s4+$0x0];
	v24 =	vor.u32 v24, v38  }
0x129: {  	s5 =	sor.u32 s2, s5;
	v26 =	vld.idx.msk [tilespmem:v26+s15+$0x0], $0xffff;
	v2 =	vmul.f32 v2, v2;
	v21 =	vsub.f32 v57, v21;
	v1 =	vadd.f32 v29, v1  }
0x12a: {  	v43 =	vand.u32 $0xFFFFFF80, v18;
	v55 =	vand.u32 $0xFFFFFF80, v20;
	v20 =	vand.u32 $0x7F, v20;
	v58 =	vld [tilespmem:s5+$0x0]  }
0x12b: {  	v23 =	vld.idx.msk [tilespmem:v23+s15+$0x0], $0xffff;
	v29 =	vadd.s32 v0, v55;
	v1 =	vadd.f32 v2, v1;
	v2 =	vmul.f32 v21, v21  }
0x12c: {  	v25 =	vld.idx.msk [tilespmem:v25+s15+$0x0], $0xffff;
	v20 =	vor.u32 v20, v29;
	v29 =	vadd.s32 v0, v50;
	v21 =	vsub.f32 v59, v30  }
0x12d: {  	v18 =	vand.u32 $0x7F, v18;
	s30 =	sor.u32 s2, s7;
	v24 =	vld.idx.msk [tilespmem:v24+s15+$0x0], $0xffff;
	v19 =	vor.u32 v19, v29;
	v1 =	vadd.f32 v2, v1  }
0x12e: {  	s1 =	sor.u32 s2, s8;
	v30 =	vld [tilespmem:s30+$0x0];
	v2 =	vmul.f32 v21, v21;
	v21 =	vsub.f32 v63, v28;
	v28 =	vadd.s32 v0, v43  }
0x12f: {  	v46 =	vand.u32 $0xFFFFFF80, v17;
	v17 =	vand.u32 $0x7F, v17;
	s4 =	sor.u32 s2, s9;
	v29 =	vld [tilespmem:s1+$0x0];
	v18 =	vor.u32 v18, v28  }
0x130: {  	v28 =	vld [tilespmem:s4+$0x0];
	v1 =	vadd.f32 v2, v1;
	v2 =	vmul.f32 v21, v21;
	v21 =	vsub.f32 v42, v26  }
0x131: {  	v44 =	vand.u32 $0xFFFFFF80, v16;
	v16 =	vand.u32 $0x7F, v16;
	s5 =	sor.u32 s2, s10;
	v26 =	vadd.s32 v0, v46;
	v20 =	vld.idx.msk [tilespmem:v20+s15+$0x0], $0xffff  }
0x132: {  	v17 =	vor.u32 v17, v26;
	v26 =	vld [tilespmem:s5+$0x0];
	v1 =	vadd.f32 v2, v1;
	v2 =	vmul.f32 v21, v21  }
0x133: {  	v36 =	vand.u32 $0xFFFFFF80, v15;
	s6 =	sor.u32 s2, s11;
	v19 =	vld.idx.msk [tilespmem:v19+s15+$0x0], $0xffff;
	v21 =	vsub.f32 v58, v25;
	v25 =	vadd.s32 v0, v44  }
0x134: {  	v15 =	vand.u32 $0x7F, v15;
	v16 =	vor.u32 v16, v25;
	v25 =	vld [tilespmem:s6+$0x0];
	v1 =	vadd.f32 v2, v1  }
0x135: {  	s7 =	sor.u32 s2, s12;
	v2 =	vmul.f32 v21, v21;
	v21 =	vsub.f32 v60, v24;
	v24 =	vadd.s32 v0, v36;
	v18 =	vld.idx.msk [tilespmem:v18+s15+$0x0], $0xffff  }
0x136: {  	v14 =	vand.u32 $0x7F, v14;
	v51 =	vand.u32 $0xFFFFFF80, v13;
	v15 =	vor.u32 v15, v24;
	v24 =	vld [tilespmem:s7+$0x0]  }
0x137: {  	v1 =	vadd.f32 v2, v1;
	v2 =	vmul.f32 v21, v21;
	v21 =	vsub.f32 v30, v23;
	v17 =	vld.idx.msk [tilespmem:v17+s15+$0x0], $0xffff  }
0x138: {  	s8 =	sor.u32 s2, s13;
	v20 =	vsub.f32 v29, v20;
	v23 =	vadd.s32 v0, v53;
	v19 =	vsub.f32 v28, v19;
	v28 =	vld [tilespmem:$0x1FFF0]  }
0x139: {  	v14 =	vor.u32 v14, v23;
	v23 =	vld [tilespmem:s8+$0x0];
	v1 =	vadd.f32 v2, v1;
	v2 =	vmul.f32 v21, v21  }
0x13a: {  	v13 =	vand.u32 $0x7F, v13;
	v48 =	vand.u32 $0xFFFFFF80, v12;
	s9 =	sor.u32 s2, s14;
	v21 =	vadd.s32 v0, v51;
	v16 =	vld.idx.msk [tilespmem:v16+s15+$0x0], $0xffff  }
0x13b: {  	v13 =	vor.u32 v13, v21;
	v21 =	vld [tilespmem:s9+$0x0];
	v1 =	vadd.f32 v2, v1;
	v2 =	vmul.f32 v20, v20  }
0x13c: {  	v12 =	vand.u32 $0x7F, v12;
	s10 =	sor.u32 s2, s16;
	v18 =	vsub.f32 v26, v18;
	v20 =	vadd.s32 v0, v48;
	v15 =	vld.idx.msk [tilespmem:v15+s15+$0x0], $0xffff  }
0x13d: {  	v12 =	vor.u32 v12, v20;
	v20 =	vld [tilespmem:s10+$0x0];
	v1 =	vadd.f32 v2, v1;
	v2 =	vmul.f32 v19, v19  }
0x13e: {  	v47 =	vand.u32 $0xFFFFFF80, v9;
	s11 =	sor.u32 s2, s17;
	v17 =	vsub.f32 v25, v17;
	v19 =	vadd.s32 v0, v45;
	v14 =	vld.idx.msk [tilespmem:v14+s15+$0x0], $0xffff  }
0x13f: {  	v11 =	vor.u32 v11, v19;
	v19 =	vld [tilespmem:s11+$0x0];
	v1 =	vadd.f32 v2, v1;
	v2 =	vmul.f32 v18, v18  }
0x140: {  	v10 =	vand.u32 $0x7F, v10;
	s12 =	sor.u32 s2, s20;
	v16 =	vsub.f32 v24, v16;
	v18 =	vadd.s32 v0, v49;
	v13 =	vld.idx.msk [tilespmem:v13+s15+$0x0], $0xffff  }
0x141: {  	v10 =	vor.u32 v10, v18;
	v18 =	vld [tilespmem:s12+$0x0];
	v1 =	vadd.f32 v2, v1;
	v2 =	vmul.f32 v17, v17  }
0x142: {  	v9 =	vand.u32 $0x7F, v9;
	s13 =	sor.u32 s2, s23;
	v15 =	vsub.f32 v23, v15;
	v17 =	vadd.s32 v0, v47;
	v12 =	vld.idx.msk [tilespmem:v12+s15+$0x0], $0xffff  }
0x143: {  	v9 =	vor.u32 v9, v17;
	v17 =	vld [tilespmem:s13+$0x0];
	v1 =	vadd.f32 v2, v1;
	v2 =	vmul.f32 v16, v16  }
0x144: {  	v39 =	vand.u32 $0xFFFFFF80, v6;
	s14 =	sor.u32 s2, s26;
	v14 =	vsub.f32 v21, v14;
	v16 =	vadd.s32 v0, v37;
	v11 =	vld.idx.msk [tilespmem:v11+s15+$0x0], $0xffff  }
0x145: {  	v8 =	vor.u32 v8, v16;
	v16 =	vld [tilespmem:s14+$0x0];
	v1 =	vadd.f32 v2, v1;
	v2 =	vmul.f32 v15, v15  }
0x146: {  	v7 =	vand.u32 $0x7F, v7;
	s16 =	sor.u32 s2, s24;
	v13 =	vsub.f32 v20, v13;
	v15 =	vadd.s32 v0, v41;
	v10 =	vld.idx.msk [tilespmem:v10+s15+$0x0], $0xffff  }
0x147: {  	v7 =	vor.u32 v7, v15;
	v15 =	vld [tilespmem:s16+$0x0];
	v1 =	vadd.f32 v2, v1;
	v2 =	vmul.f32 v14, v14  }
0x148: {  	v6 =	vand.u32 $0x7F, v6;
	s20 =	simm.s32 $0x630;
	v12 =	vsub.f32 v19, v12;
	v14 =	vadd.s32 v0, v39;
	v9 =	vld.idx.msk [tilespmem:v9+s15+$0x0], $0xffff  }
0x149: {  	v6 =	vor.u32 v6, v14;
	v14 =	vld [tilespmem:s20+$0x0];
	v1 =	vadd.f32 v2, v1;
	v2 =	vmul.f32 v13, v13  }
0x14a: {  	v5 =	vand.u32 $0x7F, v5;
	v31 =	vand.u32 $0xFFFFFF80, v4;
	v4 =	vand.u32 $0x7F, v4;
	s17 =	sor.u32 s2, s25;
	v8 =	vld.idx.msk [tilespmem:v8+s15+$0x0], $0xffff  }
0x14b: {  	v13 =	vadd.s32 v0, v27;
	v1 =	vadd.f32 v2, v1;
	v2 =	vmul.f32 v12, v12;
	v12 =	vld [tilespmem:s17+$0x0]  }
0x14c: {  	v11 =	vsub.f32 v18, v11;
	v5 =	vor.u32 v5, v13;
	v13 =	vadd.s32 v0, v31;
	v7 =	vld.idx.msk [tilespmem:v7+s15+$0x0], $0xffff  }
0x14d: {  	v56 =	vand.u32 $0xFFFFFF80, v3;
	v4 =	vor.u32 v4, v13;
	v13 =	vld [tilespmem:$0x1FC10]  }
0x14e: {  	v10 =	vsub.f32 v17, v10;
	v1 =	vadd.f32 v2, v1;
	v2 =	vmul.f32 v11, v11;
	v6 =	vld.idx.msk [tilespmem:v6+s15+$0x0], $0xffff  }
0x14f: {  	v3 =	vand.u32 $0x7F, v3;
	s23 =	sor.u32 s2, s18;
	v9 =	vsub.f32 v16, v9;
	v8 =	vsub.f32 v15, v8;
	v15 =	vld [tilespmem:$0x1FC20]  }
0x150: {  	v11 =	vadd.s32 v0, v56;
	v1 =	vadd.f32 v2, v1;
	v2 =	vmul.f32 v10, v10;
	v10 =	vld [tilespmem:s23+$0x0]  }
0x151: {  	s24 =	sor.u32 s2, s21;
	v62 =	vadd.s32 $0x1E, v14;
	v3 =	vor.u32 v3, v11;
	v11 =	vand.u32 $0x7F, v22;
	v5 =	vld.idx.msk [tilespmem:v5+s15+$0x0], $0xffff  }
0x152: {  	v13 =	vadd.s32 v0, v13;
	v1 =	vadd.f32 v2, v1;
	v2 =	vmul.f32 v9, v9;
	v9 =	vld [tilespmem:s24+$0x0]  }
0x153: {  	v7 =	vsub.f32 v12, v7;
	v11 =	vor.u32 v11, v13;
	v13 =	vand.u32 $0x7F, v54  }
0x154: {  	s25 =	sor.u32 s2, s22;
	s10 =	simm.s32 $0x20;
	v4 =	vld.idx.msk [tilespmem:v4+s15+$0x0], $0xffff;
	v0 =	vadd.s32 v0, v15;
	v1 =	vadd.f32 v2, v1;
	v2 =	vmul.f32 v8, v8  }
0x155: {  	v12 =	vld [tilespmem:s25+$0x0];
	v8 =	vmov s10;
	v0 =	vor.u32 v13, v0;
	v6 =	vsub.f32 v10, v6  }
0x156: {  	s26 =	sor.u32 s2, s19;
	s17 =	simm.s32 $0x30;
	v3 =	vld.idx.msk [tilespmem:v3+s15+$0x0], $0xffff;
	v1 =	vadd.f32 v2, v1;
	v2 =	vmul.f32 v7, v7;
	v7 =	vshll.u32 v8, $0x7  }
0x157: {  	s28 =	sor.u32 s2, s28;
	v10 =	vld [tilespmem:s26+$0x0];
	v8 =	vmov s17;
	v5 =	vsub.f32 v9, v5;
	v49 =	vor.u32 v28, v7  }
0x158: {  	v7 =	vshll.u32 v8, $0x7;
	v8 =	vld [tilespmem:s28+$0x0];
	v1 =	vadd.f32 v2, v1;
	v2 =	vmul.f32 v6, v6  }
0x159: {  	v58 =	vadd.s32 $0x1F, v14;
	v55 =	vadd.s32 $0x1C, v14;
	v18 =	vadd.s32 $0x1D, v14;
	v6 =	vld.idx.msk [tilespmem:v11+s15+$0x0], $0xffff  }
0x15a: {  	s29 =	sor.u32 s2, s3;
	v4 =	vsub.f32 v12, v4;
	v5 =	vmul.f32 v5, v5;
	v1 =	vadd.f32 v2, v1;
	v0 =	vld.idx.msk [tilespmem:v0+s15+$0x0], $0xffff  }
0x15b: {  	v21 =	vadd.s32 $0x15, v14;
	v26 =	vadd.s32 $0x16, v14;
	v2 =	vor.u32 v28, v7;
	v7 =	vld [tilespmem:s29+$0x0]  }
0x15c: {  	v4 =	vmul.f32 v4, v4;
	v3 =	vsub.f32 v10, v3;
	v1 =	vadd.f32 v5, v1  }
0x15d: {  	v24 =	vadd.s32 $0x17, v14;
	v52 =	vadd.s32 $0x14, v14;
	v5 =	vadd.s32 $0x1B, v14  }
0x15e: {  	v3 =	vmul.f32 v3, v3;
	v1 =	vadd.f32 v4, v1;
	v4 =	vsub.f32 v8, v6  }
0x15f: {  	v27 =	vadd.s32 $0x13, v14;
	v32 =	vadd.s32 $0xF, v14;
	[tilespmem:$0x1FCB0] =	vst v5;
	v5 =	vadd.s32 $0x18, v14  }
0x160: {  	v0 =	vsub.f32 v7, v0;
	v1 =	vadd.f32 v3, v1;
	v3 =	vmul.f32 v4, v4  }
0x161: {  	v30 =	vadd.s32 $0x10, v14;
	v44 =	vadd.s32 $0xC, v14;
	[tilespmem:$0x1FD10] =	vst v5;
	v5 =	vadd.s32 $0x19, v14  }
0x162: {  	[tilespmem:$0x1FD30] =	vst v5;
	v5 =	vadd.s32 $0x1A, v14;
	v0 =	vmul.f32 v0, v0;
	v1 =	vadd.f32 v3, v1  }
0x163: {  	v35 =	vadd.s32 $0xD, v14;
	v33 =	vadd.s32 $0xE, v14;
	v48 =	vadd.s32 $0x9, v14;
	[tilespmem:$0x1FD50] =	vst v5  }
0x164: {  	v46 =	vadd.s32 $0xA, v14;
	v45 =	vadd.s32 $0xB, v14;
	v51 =	vadd.f32 v0, v1;
	v0 =	vld [tilespmem:s20+$0xFFFFFFF0]  }
0x165: {  	v17 =	vadd.s32 $0x3, v14;
	v16 =	vadd.s32 $0x4, v14;
	v50 =	vadd.s32 $0x2, v14  }
0x166: {  	v54 =	vadd.s32 $0x8, v14;
	v15 =	vadd.s32 $0x11, v14;
	v1 =	vand.u32 $0x7F, v14  }
0x167: {  	v13 =	vadd.s32 $0x5, v14;
	v12 =	vadd.s32 $0x6, v14;
	[tilespmem:$0x1FC30] =	vst v1;
	v1 =	vadd.s32 $0x1, v14  }
0x168: {  	v11 =	vadd.s32 $0x7, v14;
	v28 =	vadd.s32 $0x12, v14;
	[tilespmem:$0x1FC40] =	vst v1;
	v1 =	vand.u32 $0xFFFFFF80, v14  }
0x169: {  	v29 =	vadd.s32 $0x1E, v0;
	v63 =	vadd.s32 $0x1F, v0;
	v22 =	vadd.s32 $0x1B, v0  }
0x16a: {  	v20 =	vadd.s32 $0x1C, v0;
	v14 =	vadd.s32 $0x1D, v0;
	v5 =	vadd.s32 $0x18, v0  }
0x16b: {  	v3 =	vadd.s32 $0x19, v0;
	v19 =	vadd.s32 $0x1A, v0;
	v9 =	vadd.s32 $0x15, v0  }
0x16c: {  	v7 =	vadd.s32 $0x16, v0;
	v6 =	vadd.s32 $0x17, v0;
	v38 =	vadd.s32 $0x12, v0  }
0x16d: {  	v10 =	vadd.s32 $0x13, v0;
	v34 =	vadd.s32 $0x14, v0;
	v25 =	vadd.s32 $0xF, v0  }
0x16e: {  	[tilespmem:$0x1FC70] =	vst v62;
	v41 =	vadd.s32 $0x10, v0;
	v40 =	vadd.s32 $0x11, v0;
	v47 =	vadd.s32 $0xC, v0  }
0x16f: {  	[tilespmem:$0x1FC90] =	vst v58;
	v23 =	vadd.s32 $0xD, v0;
	v43 =	vadd.s32 $0xE, v0;
	v31 =	vadd.s32 $0x9, v0  }
0x170: {  	[tilespmem:$0x1FC50] =	vst v1;
	v53 =	vadd.s32 $0xA, v0;
	v1 =	vand.u32 $0xFFFFFF80, v0;
	v4 =	vand.u32 $0x7F, v0  }
0x171: {  	[tilespmem:$0x1FCD0] =	vst v55;
	v8 =	vadd.s32 $0x1, v0;
	v61 =	vadd.s32 $0xB, v0;
	v57 =	vadd.s32 $0x6, v0  }
0x172: {  	[tilespmem:$0x1FCF0] =	vst v18;
	v36 =	vadd.s32 $0x7, v0;
	v56 =	vadd.s32 $0x8, v0;
	v1 =	vadd.s32 v49, v1  }
0x173: {  	v60 =	vadd.s32 $0x3, v0;
	[tilespmem:$0x1FC60] =	vst v61;
	v61 =	vor.u32 v4, v1;
	v1 =	vand.u32 $0xFFFFFF80, v8  }
0x174: {  	[tilespmem:$0x1FD70] =	vst v21;
	v59 =	vadd.s32 $0x4, v0;
	v4 =	vand.u32 $0x7F, v8;
	v1 =	vadd.s32 v49, v1  }
0x175: {  	[tilespmem:$0x1FD90] =	vst v26;
	v37 =	vadd.s32 $0x5, v0;
	v39 =	vor.u32 v4, v1;
	v1 =	vadd.s32 $0x2, v0  }
0x176: {  	[tilespmem:$0x1FDB0] =	vst v24;
	v0 =	vand.u32 $0xFFFFFF80, v1;
	v42 =	vand.u32 $0x7F, v1;
	v1 =	vand.u32 $0xFFFFFF80, v62  }
0x177: {  	[tilespmem:$0x1FC80] =	vst v1;
	v1 =	vand.u32 $0xFFFFFF80, v58  }
0x178: {  	[tilespmem:$0x1FCA0] =	vst v1;
	v1 =	vld [tilespmem:$0x1FCB0]  }
0x179: {  	[tilespmem:$0x1FDD0] =	vst v28  }
0x17a: {  	[tilespmem:$0x1FDF0] =	vst v27  }
0x17b: {  	[tilespmem:$0x1FE10] =	vst v52  }
0x17c: {  	[tilespmem:$0x1FE30] =	vst v32  }
0x17d: {  	[tilespmem:$0x1FE50] =	vst v30;
	v1 =	vand.u32 $0xFFFFFF80, v1  }
0x17e: {  	[tilespmem:$0x1FCC0] =	vst v1;
	v1 =	vand.u32 $0xFFFFFF80, v55  }
0x17f: {  	[tilespmem:$0x1FCE0] =	vst v1;
	v1 =	vand.u32 $0xFFFFFF80, v18  }
0x180: {  	[tilespmem:$0x1FD00] =	vst v1;
	v1 =	vld [tilespmem:$0x1FD10]  }
0x181: {  	[tilespmem:$0x1FE70] =	vst v15  }
0x182: {  	[tilespmem:$0x1FE90] =	vst v44  }
0x183: {  	[tilespmem:$0x1FEB0] =	vst v35  }
0x184: {  	[tilespmem:$0x1FED0] =	vst v33  }
0x185: {  	[tilespmem:$0x1FEF0] =	vst v48;
	v1 =	vand.u32 $0xFFFFFF80, v1  }
0x186: {  	[tilespmem:$0x1FD20] =	vst v1;
	v1 =	vld [tilespmem:$0x1FD30]  }
0x187: {  	[tilespmem:$0x1FF00] =	vst v46  }
0x188: {  	[tilespmem:$0x1FF10] =	vst v45  }
0x189: {  	[tilespmem:$0x1FF30] =	vst v12  }
0x18a: {  	[tilespmem:$0x1FF50] =	vst v11  }
0x18b: {  	[tilespmem:$0x1FF70] =	vst v54;
	v1 =	vand.u32 $0xFFFFFF80, v1  }
0x18c: {  	[tilespmem:$0x1FD40] =	vst v1;
	v1 =	vld [tilespmem:$0x1FD50]  }
0x18d: {  	[tilespmem:$0x1FF90] =	vst v17  }
0x18e: {  	[tilespmem:$0x1FFB0] =	vst v16  }
0x18f: {  	[tilespmem:$0x1FFC0] =	vst v13  }
0x190: {  	[tilespmem:$0x1FFE0] =	vst v50  }
0x191: {  	[tilespmem:$0x1FFD0] =	vst v63;
	v1 =	vand.u32 $0xFFFFFF80, v1  }
0x192: {  	[tilespmem:$0x1FD60] =	vst v1;
	v1 =	vand.u32 $0xFFFFFF80, v21  }
0x193: {  	[tilespmem:$0x1FD80] =	vst v1;
	v1 =	vand.u32 $0xFFFFFF80, v26  }
0x194: {  	[tilespmem:$0x1FDA0] =	vst v1;
	v1 =	vand.u32 $0xFFFFFF80, v24  }
0x195: {  	[tilespmem:$0x1FDC0] =	vst v1;
	v1 =	vand.u32 $0xFFFFFF80, v28  }
0x196: {  	[tilespmem:$0x1FDE0] =	vst v1;
	v1 =	vand.u32 $0xFFFFFF80, v27  }
0x197: {  	[tilespmem:$0x1FE00] =	vst v1;
	v1 =	vand.u32 $0xFFFFFF80, v52  }
0x198: {  	v63 =	vand.u32 $0xFFFFFF80, v63;
	v8 =	vand.u32 $0xFFFFFF80, v19;
	[tilespmem:$0x1FE20] =	vst v1;
	v1 =	vand.u32 $0xFFFFFF80, v32  }
0x199: {  	v0 =	vadd.s32 v49, v0;
	v58 =	vand.u32 $0xFFFFFF80, v46;
	[tilespmem:$0x1FE40] =	vst v1;
	v1 =	vand.u32 $0xFFFFFF80, v30  }
0x19a: {  	v55 =	vand.u32 $0xFFFFFF80, v48;
	v48 =	vand.u32 $0xFFFFFF80, v50;
	[tilespmem:$0x1FE60] =	vst v1;
	v1 =	vand.u32 $0xFFFFFF80, v15  }
0x19b: {  	v21 =	vand.u32 $0xFFFFFF80, v34;
	v26 =	vand.u32 $0xFFFFFF80, v13;
	[tilespmem:$0x1FE80] =	vst v1;
	v1 =	vand.u32 $0xFFFFFF80, v44  }
0x19c: {  	v4 =	vmovc v29;
	v13 =	vand.u32 $0xFFFFFF80, v5;
	v24 =	vand.u32 $0xFFFFFF80, v29;
	[tilespmem:$0x1FEA0] =	vst v1;
	v1 =	vand.u32 $0xFFFFFF80, v35  }
0x19d: {  	v62 =	vmovc v22;
	v18 =	vmovc v19;
	v29 =	vand.u32 $0xFFFFFF80, v20;
	v28 =	vand.u32 $0xFFFFFF80, v14;
	[tilespmem:$0x1FEC0] =	vst v1;
	v1 =	vand.u32 $0xFFFFFF80, v33  }
0x19e: {  	v52 =	vand.u32 $0xFFFFFF80, v16;
	v32 =	vand.u32 $0xFFFFFF80, v22;
	v22 =	vmovc v20;
	v20 =	vmovc v5;
	[tilespmem:$0x1FEE0] =	vst v1;
	v1 =	vand.u32 $0xFFFFFF80, v45  }
0x19f: {  	v5 =	vmovc v6;
	v6 =	vmovc v7;
	v7 =	vmov v9;
	v9 =	vmov v10;
	[tilespmem:$0x1FF20] =	vst v1;
	v1 =	vand.u32 $0xFFFFFF80, v12  }
0x1a0: {  	v10 =	vmovc v38;
	v38 =	vmovc v40;
	v19 =	vand.u32 $0xFFFFFF80, v7;
	v46 =	vand.u32 $0xFFFFFF80, v9;
	[tilespmem:$0x1FF40] =	vst v1;
	v1 =	vand.u32 $0xFFFFFF80, v11  }
0x1a1: {  	s31 =	simm.s32 $0x100;
	v27 =	vand.u32 $0xFFFFFF80, v10;
	v30 =	vand.u32 $0xFFFFFF80, v38;
	[tilespmem:$0x1FF60] =	vst v1;
	v1 =	vand.u32 $0xFFFFFF80, v54  }
0x1a2: {  	s2 =	simm.s32 $0x0;
	s1 =	simm.s32 $0x2;
	s30 =	simm.s32 $0x0;
	v40 =	vmovc v41;
	v15 =	vmovc v14;
	v14 =	vand.u32 $0xFFFFFF80, v5;
	v35 =	vand.u32 $0xFFFFFF80, v3;
	[tilespmem:$0x1FF80] =	vst v1;
	v1 =	vand.u32 $0xFFFFFF80, v17  }
0x1a3: {  	s14 =	simm.s32 $0x650;
	s16 =	sand.u32 $0xC00, s31;
	[dreg:$0x4] =	wrdreg s30;
	v41 =	vmovc v25;
	v33 =	vand.u32 $0xFFFFFF80, v25;
	v54 =	vand.u32 $0xFFFFFF80, v40;
	v17 =	vand.u32 $0xFFFFFF80, v6;
	[tilespmem:$0x1FFA0] =	vst v1  }
.LBB2_2:
0x1a4: {  	[tilespmem:$0x1FBB0] =	vst v48;
	v0 =	vor.u32 v42, v0  }
0x1a5: {  	[tilespmem:$0x1FBF0] =	vst v58;
	v58 =	vand.u32 $0xFFFFFF80, v60;
	v44 =	vand.u32 $0xFFFFFF80, v43;
	v48 =	vand.u32 $0x7F, v60  }
0x1a6: {  	[tilespmem:$0x1FBC0] =	vst v52;
	v61 =	vld.idx.msk [tilespmem:v61+s15+$0x0], $0xffff;
	v45 =	vand.u32 $0xFFFFFF80, v23;
	v50 =	vand.u32 $0xFFFFFF80, v59;
	v52 =	vand.u32 $0x7F, v59  }
0x1a7: {  	[tilespmem:$0x1FBE0] =	vst v55;
	s7 =	sand.u32 $0x60, s10;
	s19 =	sadd.s32 $0x10800, s16;
	v39 =	vld.idx.msk [tilespmem:v39+s15+$0x0], $0xffff;
	v55 =	vand.u32 $0xFFFFFF80, v37;
	v38 =	vand.u32 $0x7F, v38;
	v30 =	vadd.s32 v49, v30  }
0x1a8: {  	[tilespmem:$0x1FBD0] =	vst v26;
	v26 =	vmovc v63;
	v63 =	vld [tilespmem:$0x1FC60];
	s2 =	sadd.s32 $0x1, s2;
	v10 =	vand.u32 $0x7F, v10;
	v27 =	vadd.s32 v49, v27;
	v21 =	vadd.s32 v49, v21;
	s0 =	sor.u32 s7, s19  }
0x1a9: {  	v42 =	vadd.s32 v49, v58;
	v60 =	vadd.s32 v49, v50;
	s8 =	sand.u32 $0x3, s2;
	v30 =	vor.u32 v38, v30;
	v11 =	vld [tilespmem:s0+$0x0]  }
0x1aa: {  	[dreg:$0x6] =	wrdreg s1;
	v10 =	vor.u32 v10, v27;
	v27 =	vand.u32 $0x7F, v9;
	v42 =	vor.u32 v48, v42;
	v50 =	vld [tilespmem:s0+$0x80];
	s1 =	sshll.u32 s8, $0x5;
	s8 =	sadd.s32 $0x12980, s16  }
0x1ab: {  	v9 =	vand.u32 $0x7F, v34;
	v59 =	vor.u32 v52, v60;
	v60 =	vadd.s32 v49, v55;
	v55 =	vld [tilespmem:s0+$0x100];
	s4 =	sor.u32 s7, s8  }
0x1ac: {  	v16 =	vand.u32 $0xFFFFFF80, v47;
	v1 =	vand.u32 $0xFFFFFF80, v53;
	v9 =	vor.u32 v9, v21;
	v21 =	vld [tilespmem:s4+$0x0]  }
0x1ad: {  	v58 =	vand.u32 $0x7F, v37;
	v1 =	vadd.s32 v49, v1;
	v52 =	vand.u32 $0xFFFFFF80, v31;
	v0 =	vld.idx.msk [tilespmem:v0+s15+$0x0], $0xffff  }
0x1ae: {  	v37 =	vor.u32 v58, v60;
	v60 =	vand.u32 $0xFFFFFF80, v57;
	v58 =	vand.u32 $0xFFFFFF80, v56;
	v30 =	vld.idx.msk [tilespmem:v30+s15+$0x0], $0xffff  }
0x1af: {  	v57 =	vand.u32 $0x7F, v57;
	v60 =	vadd.s32 v49, v60;
	v11 =	vsub.f32 v11, v61;
	v42 =	vld.idx.msk [tilespmem:v42+s15+$0x0], $0xffff  }
0x1b0: {  	v57 =	vor.u32 v57, v60;
	v60 =	vand.u32 $0xFFFFFF80, v36;
	v36 =	vand.u32 $0x7F, v36;
	v61 =	vld [tilespmem:s0+$0x180]  }
0x1b1: {  	v39 =	vsub.f32 v50, v39;
	v50 =	vld.idx.msk [tilespmem:v59+s15+$0x0], $0xffff;
	v59 =	vadd.s32 v49, v60;
	v11 =	vmul.f32 v11, v11  }
0x1b2: {  	v56 =	vand.u32 $0x7F, v56;
	v58 =	vadd.s32 v49, v58;
	v60 =	vld [tilespmem:s0+$0x200];
	v36 =	vor.u32 v36, v59  }
0x1b3: {  	s9 =	sadd.s32 s1, s31;
	v37 =	vld.idx.msk [tilespmem:v37+s15+$0x0], $0xffff;
	v25 =	vmul.f32 v39, v39;
	v0 =	vsub.f32 v55, v0;
	v11 =	vadd.f32 v11, v51  }
0x1b4: {  	v31 =	vand.u32 $0x7F, v31;
	v52 =	vadd.s32 v49, v52;
	v39 =	vld [tilespmem:s0+$0x280];
	s0 =	sor.u32 $0x300, s9;
	v55 =	vor.u32 v56, v58  }
0x1b5: {  	v56 =	vld [tilespmem:s0+$0x10800];
	v0 =	vmul.f32 v0, v0;
	v11 =	vadd.f32 v25, v11;
	v25 =	vsub.f32 v61, v42  }
0x1b6: {  	s11 =	sor.u32 s10, s31;
	v31 =	vor.u32 v31, v52;
	v48 =	vand.u32 $0xFFFFFF80, v63;
	v42 =	vld.idx.msk [tilespmem:v57+s15+$0x0], $0xffff;
	v61 =	vand.u32 $0x7F, v53  }
0x1b7: {  	s0 =	sor.u32 $0x380, s11;
	v36 =	vld.idx.msk [tilespmem:v36+s15+$0x0], $0xffff;
	v0 =	vadd.f32 v0, v11;
	v11 =	vmul.f32 v25, v25;
	v25 =	vsub.f32 v60, v50  }
0x1b8: {  	s12 =	sadd.s32 $0x11800, s16;
	v48 =	vadd.s32 v49, v48;
	v58 =	vand.u32 $0x7F, v63;
	v57 =	vld [tilespmem:s0+$0x10800];
	v1 =	vor.u32 v61, v1  }
0x1b9: {  	s0 =	sor.u32 s7, s12;
	v59 =	vld.idx.msk [tilespmem:v55+s15+$0x0], $0xffff;
	v0 =	vadd.f32 v11, v0;
	v11 =	vmul.f32 v25, v25;
	v25 =	vsub.f32 v39, v37  }
0x1ba: {  	s20 =	sadd.s32 $0x11880, s16;
	v16 =	vadd.s32 v49, v16;
	v48 =	vor.u32 v58, v48;
	v61 =	vand.u32 $0x7F, v47;
	v60 =	vld [tilespmem:s0+$0x0]  }
0x1bb: {  	s22 =	sadd.s32 $0x11900, s16;
	s13 =	sor.u32 s7, s20;
	v31 =	vld.idx.msk [tilespmem:v31+s15+$0x0], $0xffff;
	v0 =	vadd.f32 v11, v0;
	v11 =	vmul.f32 v25, v25;
	v25 =	vsub.f32 v56, v42  }
0x1bc: {  	v23 =	vand.u32 $0x7F, v23;
	v45 =	vadd.s32 v49, v45;
	s18 =	sor.u32 s7, s22;
	v63 =	vld [tilespmem:s13+$0x0];
	v16 =	vor.u32 v61, v16  }
0x1bd: {  	v51 =	vld [tilespmem:s18+$0x0];
	v0 =	vadd.f32 v11, v0;
	v11 =	vmul.f32 v25, v25;
	v25 =	vsub.f32 v57, v36  }
0x1be: {  	s23 =	sadd.s32 $0x11980, s16;
	v44 =	vadd.s32 v49, v44;
	v23 =	vor.u32 v23, v45;
	v52 =	vand.u32 $0x7F, v43;
	v1 =	vld.idx.msk [tilespmem:v1+s15+$0x0], $0xffff  }
0x1bf: {  	s21 =	sor.u32 s7, s23;
	v53 =	vld.idx.msk [tilespmem:v48+s15+$0x0], $0xffff;
	v0 =	vadd.f32 v11, v0;
	v11 =	vmul.f32 v25, v25;
	v25 =	vsub.f32 v60, v59  }
0x1c0: {  	s25 =	sadd.s32 $0x11A00, s16;
	v41 =	vand.u32 $0x7F, v41;
	v33 =	vadd.s32 v49, v33;
	v43 =	vor.u32 v52, v44;
	v56 =	vld [tilespmem:s21+$0x0]  }
0x1c1: {  	s24 =	sor.u32 s7, s25;
	v16 =	vld.idx.msk [tilespmem:v16+s15+$0x0], $0xffff;
	v0 =	vadd.f32 v11, v0;
	v11 =	vmul.f32 v25, v25;
	v25 =	vsub.f32 v63, v31  }
0x1c2: {  	s29 =	sadd.s32 $0x11A80, s16;
	v40 =	vand.u32 $0x7F, v40;
	v33 =	vor.u32 v41, v33;
	v57 =	vadd.s32 v49, v54;
	v31 =	vld [tilespmem:s24+$0x0]  }
0x1c3: {  	s26 =	sor.u32 s7, s29;
	v23 =	vld.idx.msk [tilespmem:v23+s15+$0x0], $0xffff;
	v1 =	vsub.f32 v51, v1;
	v0 =	vadd.f32 v11, v0;
	v11 =	vmul.f32 v25, v25  }
0x1c4: {  	s18 =	sadd.s32 $0x11B00, s16;
	v58 =	vor.u32 v40, v57;
	v25 =	vld [tilespmem:s26+$0x0]  }
0x1c5: {  	s28 =	sor.u32 s7, s18;
	v59 =	vld.idx.msk [tilespmem:v43+s15+$0x0], $0xffff;
	v1 =	vmul.f32 v1, v1;
	v0 =	vadd.f32 v11, v0;
	v11 =	vsub.f32 v56, v53  }
0x1c6: {  	v7 =	vand.u32 $0x7F, v7;
	v19 =	vadd.s32 v49, v19;
	v6 =	vand.u32 $0x7F, v6;
	s21 =	sadd.s32 $0x11B80, s16;
	v60 =	vld [tilespmem:s28+$0x0]  }
0x1c7: {  	s30 =	sor.u32 s7, s21;
	v0 =	vadd.f32 v1, v0;
	v1 =	vmul.f32 v11, v11;
	v11 =	vsub.f32 v31, v16;
	v16 =	vld.idx.msk [tilespmem:v33+s15+$0x0], $0xffff  }
0x1c8: {  	v17 =	vadd.s32 v49, v17;
	v7 =	vor.u32 v7, v19;
	v61 =	vadd.s32 v49, v46;
	s24 =	sadd.s32 $0x12800, s16;
	v31 =	vld [tilespmem:s30+$0x0]  }
0x1c9: {  	s1 =	sor.u32 s7, s24;
	v0 =	vadd.f32 v1, v0;
	v1 =	vmul.f32 v11, v11;
	v11 =	vsub.f32 v25, v23;
	v23 =	vld.idx.msk [tilespmem:v58+s15+$0x0], $0xffff  }
0x1ca: {  	s5 =	sadd.s32 $0x12880, s16;
	v6 =	vor.u32 v6, v17;
	v27 =	vor.u32 v27, v61;
	v25 =	vld [tilespmem:s1+$0x0]  }
0x1cb: {  	[dreg:$0x5] =	wrdreg s2;
	s2 =	sor.u32 s7, s5;
	v10 =	vld.idx.msk [tilespmem:v10+s15+$0x0], $0xffff;
	v0 =	vadd.f32 v1, v0;
	v1 =	vmul.f32 v11, v11;
	v11 =	vsub.f32 v60, v59  }
0x1cc: {  	s6 =	sadd.s32 $0x12900, s16;
	v5 =	vand.u32 $0x7F, v5;
	v14 =	vadd.s32 v49, v14;
	v63 =	vld [tilespmem:s2+$0x0]  }
0x1cd: {  	s3 =	sor.u32 s7, s6;
	v7 =	vld.idx.msk [tilespmem:v7+s15+$0x0], $0xffff;
	v0 =	vadd.f32 v1, v0;
	v1 =	vmul.f32 v11, v11;
	v11 =	vsub.f32 v31, v16  }
0x1ce: {  	v13 =	vadd.s32 v49, v13;
	v5 =	vor.u32 v5, v14;
	v14 =	vand.u32 $0x7F, v20;
	v16 =	vld [tilespmem:s3+$0x0]  }
0x1cf: {  	v6 =	vld.idx.msk [tilespmem:v6+s15+$0x0], $0xffff;
	v0 =	vadd.f32 v1, v0;
	v1 =	vmul.f32 v11, v11;
	v11 =	vsub.f32 v25, v23  }
0x1d0: {  	v3 =	vand.u32 $0x7F, v3;
	v13 =	vor.u32 v14, v13;
	v14 =	vadd.s32 v49, v35;
	v19 =	vld.idx.msk [tilespmem:v27+s15+$0x0], $0xffff;
	s26 =	sadd.s32 $0x12A00, s16  }
0x1d1: {  	v9 =	vld.idx.msk [tilespmem:v9+s15+$0x0], $0xffff;
	s9 =	sor.u32 s7, s26;
	s3 =	sadd.s32 $0x12B00, s16;
	v0 =	vadd.f32 v1, v0;
	v1 =	vmul.f32 v11, v11;
	v11 =	vsub.f32 v63, v30  }
0x1d2: {  	[dreg:$0x7] =	wrdreg s12;
	v3 =	vor.u32 v3, v14;
	v17 =	vld [tilespmem:s9+$0x0];
	s9 =	sadd.s32 $0x12A80, s16;
	s12 =	sor.u32 s7, s3  }
0x1d3: {  	s11 =	sor.u32 s7, s9;
	v10 =	vsub.f32 v16, v10;
	v16 =	vld [tilespmem:s12+$0x0];
	v0 =	vadd.f32 v1, v0;
	v1 =	vmul.f32 v11, v11  }
0x1d4: {  	v8 =	vadd.s32 v49, v8;
	v14 =	vand.u32 $0x7F, v18;
	v11 =	vld [tilespmem:s11+$0x0]  }
0x1d5: {  	s4 =	sadd.s32 $0x12B80, s16;
	v0 =	vadd.f32 v1, v0;
	v1 =	vmul.f32 v10, v10;
	v10 =	vsub.f32 v21, v19  }
0x1d6: {  	v15 =	vand.u32 $0x7F, v15;
	v8 =	vor.u32 v14, v8;
	v5 =	vld.idx.msk [tilespmem:v5+s15+$0x0], $0xffff;
	s13 =	sor.u32 s7, s4  }
0x1d7: {  	v9 =	vsub.f32 v17, v9;
	v0 =	vadd.f32 v1, v0;
	v1 =	vmul.f32 v10, v10;
	v10 =	vld [tilespmem:s13+$0x0]  }
0x1d8: {  	v14 =	vand.u32 $0x7F, v62;
	v3 =	vld.idx.msk [tilespmem:v3+s15+$0x0], $0xffff;
	v17 =	vadd.s32 v49, v32;
	s13 =	sadd.s32 $0x13800, s16;
	v6 =	vsub.f32 v16, v6  }
0x1d9: {  	s2 =	sadd.s32 $0x13880, s16;
	v7 =	vsub.f32 v11, v7;
	s28 =	sor.u32 s7, s13;
	v0 =	vadd.f32 v1, v0;
	v1 =	vmul.f32 v9, v9;
	v9 =	vld.idx.msk [tilespmem:v13+s15+$0x0], $0xffff  }
0x1da: {  	s30 =	sor.u32 s7, s2;
	v16 =	vadd.s32 v49, v28;
	v11 =	vld [tilespmem:s28+$0x0];
	v13 =	vor.u32 v14, v17;
	v14 =	vand.u32 $0x7F, v22  }
0x1db: {  	v17 =	vadd.s32 v49, v29;
	v0 =	vadd.f32 v1, v0;
	v1 =	vmul.f32 v7, v7;
	v7 =	vld [tilespmem:s30+$0x0]  }
0x1dc: {  	v14 =	vor.u32 v14, v17;
	s30 =	sadd.s32 $0x13900, s16;
	v5 =	vsub.f32 v10, v5;
	v10 =	vor.u32 v15, v16;
	v16 =	vld [tilespmem:$0x1FC40]  }
0x1dd: {  	s1 =	sor.u32 s7, s30;
	v0 =	vadd.f32 v1, v0;
	v1 =	vmul.f32 v6, v6;
	v6 =	vld.idx.msk [tilespmem:v8+s15+$0x0], $0xffff  }
0x1de: {  	v8 =	vld [tilespmem:s1+$0x0]  }
0x1df: {  	v0 =	vadd.f32 v1, v0;
	v1 =	vmul.f32 v5, v5;
	v5 =	vsub.f32 v11, v9;
	v9 =	vld.idx.msk [tilespmem:v13+s15+$0x0], $0xffff  }
0x1e0: {  	v13 =	vld [tilespmem:$0x1FFD0]  }
0x1e1: {  	v3 =	vsub.f32 v7, v3;
	v0 =	vadd.f32 v1, v0;
	v1 =	vmul.f32 v5, v5;
	v5 =	vld.idx.msk [tilespmem:v14+s15+$0x0], $0xffff  }
0x1e2: {  	v14 =	vld [tilespmem:$0x1FC50]  }
0x1e3: {  	s28 =	sadd.s32 $0x13980, s16;
	v0 =	vadd.f32 v1, v0;
	v1 =	vmul.f32 v3, v3;
	v3 =	vsub.f32 v8, v6;
	v6 =	vld.idx.msk [tilespmem:v10+s15+$0x0], $0xffff  }
0x1e4: {  	s11 =	sor.u32 s7, s28;
	v10 =	vld [tilespmem:$0x1FC30]  }
0x1e5: {  	v15 =	vand.u32 $0x7F, v4;
	v4 =	vadd.s32 v49, v24;
	v11 =	vld [tilespmem:s11+$0x0]  }
0x1e6: {  	v4 =	vor.u32 v15, v4;
	v15 =	vadd.s32 v49, v26;
	v13 =	vand.u32 $0x7F, v13  }
0x1e7: {  	s1 =	sadd.s32 $0x13A00, s16;
	v13 =	vor.u32 v13, v15  }
0x1e8: {  	s12 =	sor.u32 s7, s1;
	v15 =	vand.u32 $0xFFFFFF80, v16;
	v0 =	vadd.f32 v1, v0;
	v14 =	vadd.s32 v2, v14  }
0x1e9: {  	v7 =	vld [tilespmem:s12+$0x0];
	v15 =	vadd.s32 v2, v15;
	v10 =	vor.u32 v10, v14;
	v14 =	vand.u32 $0x7F, v16  }
0x1ea: {  	v1 =	vmul.f32 v3, v3;
	v3 =	vsub.f32 v11, v9;
	v11 =	vor.u32 v14, v15;
	v14 =	vld [tilespmem:$0x1FFE0]  }
0x1eb: {  	v15 =	vld [tilespmem:$0x1FBB0];
	_ =	sdelay $0x1  }
0x1ec: {  	s0 =	sadd.s32 $0x13A80, s16  }
0x1ed: {  	s11 =	sor.u32 s7, s0  }
0x1ee: {  	v8 =	vld [tilespmem:s11+$0x0];
	v0 =	vadd.f32 v1, v0;
	v1 =	vmul.f32 v3, v3  }
0x1ef: {  	v3 =	vsub.f32 v7, v5;
	v5 =	vld.idx.msk [tilespmem:v13+s15+$0x0], $0xffff;
	v14 =	vand.u32 $0x7F, v14;
	v15 =	vadd.s32 v2, v15  }
0x1f0: {  	v13 =	vor.u32 v14, v15;
	v14 =	vld [tilespmem:$0x1FF90]  }
0x1f1: {  	v15 =	vld [tilespmem:$0x1FFA0];
	_ =	sdelay $0x1  }
0x1f2: {  	s11 =	sadd.s32 $0x13B00, s16  }
0x1f3: {  	v4 =	vld.idx.msk [tilespmem:v4+s15+$0x0], $0xffff;
	s12 =	sor.u32 s7, s11  }
0x1f4: {  	v9 =	vld [tilespmem:s12+$0x0];
	v0 =	vadd.f32 v1, v0;
	v1 =	vmul.f32 v3, v3  }
0x1f5: {  	v3 =	vsub.f32 v8, v6;
	v6 =	vld.idx.msk [tilespmem:v10+s15+$0x0], $0xffff;
	v14 =	vand.u32 $0x7F, v14;
	v15 =	vadd.s32 v2, v15  }
0x1f6: {  	v10 =	vor.u32 v14, v15;
	v14 =	vld [tilespmem:$0x1FFB0]  }
0x1f7: {  	v15 =	vld [tilespmem:$0x1FBC0];
	_ =	sdelay $0x1  }
0x1f8: {  	s16 =	sadd.s32 $0x13B80, s16  }
0x1f9: {  	s7 =	sor.u32 s7, s16  }
0x1fa: {  	v7 =	vld [tilespmem:s7+$0x0];
	v0 =	vadd.f32 v1, v0;
	v1 =	vmul.f32 v3, v3  }
0x1fb: {  	v3 =	vsub.f32 v9, v4;
	v4 =	vld.idx.msk [tilespmem:v11+s15+$0x0], $0xffff;
	v14 =	vand.u32 $0x7F, v14;
	v15 =	vadd.s32 v2, v15  }
0x1fc: {  	v11 =	vor.u32 v14, v15;
	v14 =	vld [tilespmem:$0x1FFC0]  }
0x1fd: {  	v15 =	vld [tilespmem:$0x1FBD0];
	_ =	sdelay $0x1  }
0x1fe: {  	s7 =	sand.u32 $0x70, s17  }
0x1ff: {  	s12 =	sor.u32 s7, s19  }
0x200: {  	v8 =	vld [tilespmem:s12+$0x0];
	v0 =	vadd.f32 v1, v0;
	v1 =	vmul.f32 v3, v3  }
0x201: {  	v3 =	vsub.f32 v7, v5;
	v5 =	vld.idx.msk [tilespmem:v13+s15+$0x0], $0xffff;
	v14 =	vand.u32 $0x7F, v14;
	v15 =	vadd.s32 v2, v15  }
0x202: {  	v13 =	vor.u32 v14, v15;
	v14 =	vld [tilespmem:$0x1FF30]  }
0x203: {  	v15 =	vld [tilespmem:$0x1FF40];
	_ =	sdelay $0x3  }
0x204: {  	v9 =	vld [tilespmem:s12+$0x80];
	v0 =	vadd.f32 v1, v0;
	v1 =	vmul.f32 v3, v3  }
0x205: {  	v3 =	vsub.f32 v8, v6;
	v6 =	vld.idx.msk [tilespmem:v10+s15+$0x0], $0xffff;
	v14 =	vand.u32 $0x7F, v14;
	v15 =	vadd.s32 v2, v15  }
0x206: {  	v10 =	vor.u32 v14, v15;
	v14 =	vld [tilespmem:$0x1FF50]  }
0x207: {  	v15 =	vld [tilespmem:$0x1FF60];
	_ =	sdelay $0x3  }
0x208: {  	v7 =	vld [tilespmem:s12+$0x100];
	v0 =	vadd.f32 v1, v0;
	v1 =	vmul.f32 v3, v3  }
0x209: {  	v3 =	vsub.f32 v9, v4;
	v4 =	vld.idx.msk [tilespmem:v11+s15+$0x0], $0xffff;
	v14 =	vand.u32 $0x7F, v14;
	v15 =	vadd.s32 v2, v15  }
0x20a: {  	v11 =	vor.u32 v14, v15;
	v14 =	vld [tilespmem:$0x1FF70]  }
0x20b: {  	v15 =	vld [tilespmem:$0x1FF80];
	_ =	sdelay $0x3  }
0x20c: {  	v8 =	vld [tilespmem:s12+$0x180];
	v0 =	vadd.f32 v1, v0;
	v1 =	vmul.f32 v3, v3  }
0x20d: {  	v3 =	vsub.f32 v7, v5;
	v5 =	vld.idx.msk [tilespmem:v13+s15+$0x0], $0xffff;
	v14 =	vand.u32 $0x7F, v14;
	v15 =	vadd.s32 v2, v15  }
0x20e: {  	v13 =	vor.u32 v14, v15;
	v14 =	vld [tilespmem:$0x1FEF0]  }
0x20f: {  	v15 =	vld [tilespmem:$0x1FBE0];
	_ =	sdelay $0x3  }
0x210: {  	v9 =	vld [tilespmem:s12+$0x200];
	v0 =	vadd.f32 v1, v0;
	v1 =	vmul.f32 v3, v3  }
0x211: {  	v3 =	vsub.f32 v8, v6;
	v6 =	vld.idx.msk [tilespmem:v10+s15+$0x0], $0xffff;
	v14 =	vand.u32 $0x7F, v14;
	v15 =	vadd.s32 v2, v15  }
0x212: {  	v10 =	vor.u32 v14, v15;
	v14 =	vld [tilespmem:$0x1FF00]  }
0x213: {  	v15 =	vld [tilespmem:$0x1FBF0];
	_ =	sdelay $0x3  }
0x214: {  	s19 =	smov.u32 s17;
	s17 =	rddreg [dreg:$0x4];
	v7 =	vld [tilespmem:s12+$0x280];
	v0 =	vadd.f32 v1, v0;
	v1 =	vmul.f32 v3, v3  }
0x215: {  	s17 =	sadd.s32 $0x2, s17;
	v3 =	vsub.f32 v9, v4;
	v4 =	vld.idx.msk [tilespmem:v11+s15+$0x0], $0xffff;
	v14 =	vand.u32 $0x7F, v14;
	v15 =	vadd.s32 v2, v15  }
0x216: {  	[dreg:$0x4] =	wrdreg s17;
	s17 =	sand.u32 $0x7, s17;
	v11 =	vor.u32 v14, v15;
	v14 =	vld [tilespmem:$0x1FF10]  }
0x217: {  	s17 =	sshll.u32 s17, $0x4;
	v15 =	vld [tilespmem:$0x1FF20]  }
0x218: {  	s17 =	sadd.s32 s31, s17  }
0x219: {  	s17 =	sadd.s32 $0x10, s17  }
0x21a: {  	s12 =	sor.u32 $0x300, s17  }
0x21b: {  	v8 =	vld [tilespmem:s12+$0x10800];
	v0 =	vadd.f32 v1, v0;
	v1 =	vmul.f32 v3, v3  }
0x21c: {  	v3 =	vsub.f32 v7, v5;
	v5 =	vld.idx.msk [tilespmem:v13+s15+$0x0], $0xffff;
	v14 =	vand.u32 $0x7F, v14;
	v15 =	vadd.s32 v2, v15  }
0x21d: {  	v13 =	vor.u32 v14, v15;
	v14 =	vld [tilespmem:$0x1FE90]  }
0x21e: {  	v15 =	vld [tilespmem:$0x1FEA0];
	_ =	sdelay $0x1  }
0x21f: {  	s19 =	sor.u32 s19, s31  }
0x220: {  	s12 =	sor.u32 $0x380, s19  }
0x221: {  	v9 =	vld [tilespmem:s12+$0x10800];
	v0 =	vadd.f32 v1, v0;
	v1 =	vmul.f32 v3, v3  }
0x222: {  	v3 =	vsub.f32 v8, v6;
	v6 =	vld.idx.msk [tilespmem:v10+s15+$0x0], $0xffff;
	v14 =	vand.u32 $0x7F, v14;
	v15 =	vadd.s32 v2, v15  }
0x223: {  	v10 =	vor.u32 v14, v15;
	v14 =	vld [tilespmem:$0x1FEB0]  }
0x224: {  	v15 =	vld [tilespmem:$0x1FEC0];
	_ =	sdelay $0x1  }
0x225: {  	s17 =	rddreg [dreg:$0x7]  }
0x226: {  	s12 =	sor.u32 s7, s17  }
0x227: {  	v7 =	vld [tilespmem:s12+$0x0];
	v0 =	vadd.f32 v1, v0;
	v1 =	vmul.f32 v3, v3  }
0x228: {  	v3 =	vsub.f32 v9, v4;
	v4 =	vld.idx.msk [tilespmem:v11+s15+$0x0], $0xffff;
	v14 =	vand.u32 $0x7F, v14;
	v15 =	vadd.s32 v2, v15  }
0x229: {  	v11 =	vor.u32 v14, v15;
	v14 =	vld [tilespmem:$0x1FED0]  }
0x22a: {  	v15 =	vld [tilespmem:$0x1FEE0];
	_ =	sdelay $0x2  }
0x22b: {  	s19 =	sor.u32 s7, s20  }
0x22c: {  	v8 =	vld [tilespmem:s19+$0x0];
	v0 =	vadd.f32 v1, v0;
	v1 =	vmul.f32 v3, v3  }
0x22d: {  	v3 =	vsub.f32 v7, v5;
	v5 =	vld.idx.msk [tilespmem:v13+s15+$0x0], $0xffff;
	v14 =	vand.u32 $0x7F, v14;
	v15 =	vadd.s32 v2, v15  }
0x22e: {  	v13 =	vor.u32 v14, v15;
	v14 =	vld [tilespmem:$0x1FE30]  }
0x22f: {  	v15 =	vld [tilespmem:$0x1FE40];
	_ =	sdelay $0x2  }
0x230: {  	s20 =	sor.u32 s7, s22  }
0x231: {  	v9 =	vld [tilespmem:s20+$0x0];
	v0 =	vadd.f32 v1, v0;
	v1 =	vmul.f32 v3, v3  }
0x232: {  	v3 =	vsub.f32 v8, v6;
	v6 =	vld.idx.msk [tilespmem:v10+s15+$0x0], $0xffff;
	v14 =	vand.u32 $0x7F, v14;
	v15 =	vadd.s32 v2, v15  }
0x233: {  	v10 =	vor.u32 v14, v15;
	v14 =	vld [tilespmem:$0x1FE50]  }
0x234: {  	v15 =	vld [tilespmem:$0x1FE60];
	_ =	sdelay $0x2  }
0x235: {  	s22 =	sor.u32 s7, s23  }
0x236: {  	v7 =	vld [tilespmem:s22+$0x0];
	v0 =	vadd.f32 v1, v0;
	v1 =	vmul.f32 v3, v3  }
0x237: {  	v3 =	vsub.f32 v9, v4;
	v4 =	vld.idx.msk [tilespmem:v11+s15+$0x0], $0xffff;
	v14 =	vand.u32 $0x7F, v14;
	v15 =	vadd.s32 v2, v15  }
0x238: {  	v11 =	vor.u32 v14, v15;
	v14 =	vld [tilespmem:$0x1FE70]  }
0x239: {  	v15 =	vld [tilespmem:$0x1FE80];
	_ =	sdelay $0x2  }
0x23a: {  	s23 =	sor.u32 s7, s25  }
0x23b: {  	v8 =	vld [tilespmem:s23+$0x0];
	v0 =	vadd.f32 v1, v0;
	v1 =	vmul.f32 v3, v3  }
0x23c: {  	v3 =	vsub.f32 v7, v5;
	v5 =	vld.idx.msk [tilespmem:v13+s15+$0x0], $0xffff;
	v14 =	vand.u32 $0x7F, v14;
	v15 =	vadd.s32 v2, v15  }
0x23d: {  	v13 =	vor.u32 v14, v15;
	v14 =	vld [tilespmem:$0x1FDD0]  }
0x23e: {  	v15 =	vld [tilespmem:$0x1FDE0];
	_ =	sdelay $0x2  }
0x23f: {  	s25 =	sor.u32 s7, s29  }
0x240: {  	v9 =	vld [tilespmem:s25+$0x0];
	v0 =	vadd.f32 v1, v0;
	v1 =	vmul.f32 v3, v3  }
0x241: {  	v3 =	vsub.f32 v8, v6;
	v6 =	vld.idx.msk [tilespmem:v10+s15+$0x0], $0xffff;
	v14 =	vand.u32 $0x7F, v14;
	v15 =	vadd.s32 v2, v15  }
0x242: {  	v10 =	vor.u32 v14, v15;
	v14 =	vld [tilespmem:$0x1FDF0]  }
0x243: {  	v15 =	vld [tilespmem:$0x1FE00];
	_ =	sdelay $0x2  }
0x244: {  	s29 =	sor.u32 s7, s18  }
0x245: {  	v7 =	vld [tilespmem:s29+$0x0];
	v0 =	vadd.f32 v1, v0;
	v1 =	vmul.f32 v3, v3  }
0x246: {  	v3 =	vsub.f32 v9, v4;
	v4 =	vld.idx.msk [tilespmem:v11+s15+$0x0], $0xffff;
	v14 =	vand.u32 $0x7F, v14;
	v15 =	vadd.s32 v2, v15  }
0x247: {  	v11 =	vor.u32 v14, v15;
	v14 =	vld [tilespmem:$0x1FE10]  }
0x248: {  	v15 =	vld [tilespmem:$0x1FE20];
	_ =	sdelay $0x2  }
0x249: {  	s17 =	sor.u32 s7, s21  }
0x24a: {  	v8 =	vld [tilespmem:s17+$0x0];
	v0 =	vadd.f32 v1, v0;
	v1 =	vmul.f32 v3, v3  }
0x24b: {  	v3 =	vsub.f32 v7, v5;
	v5 =	vld.idx.msk [tilespmem:v13+s15+$0x0], $0xffff;
	v14 =	vand.u32 $0x7F, v14;
	v15 =	vadd.s32 v2, v15  }
0x24c: {  	v13 =	vor.u32 v14, v15;
	v14 =	vld [tilespmem:$0x1FD70]  }
0x24d: {  	v15 =	vld [tilespmem:$0x1FD80];
	_ =	sdelay $0x2  }
0x24e: {  	s18 =	sor.u32 s7, s24  }
0x24f: {  	v9 =	vld [tilespmem:s18+$0x0];
	v0 =	vadd.f32 v1, v0;
	v1 =	vmul.f32 v3, v3  }
0x250: {  	v3 =	vsub.f32 v8, v6;
	v6 =	vld.idx.msk [tilespmem:v10+s15+$0x0], $0xffff;
	v14 =	vand.u32 $0x7F, v14;
	v15 =	vadd.s32 v2, v15  }
0x251: {  	v10 =	vor.u32 v14, v15;
	v14 =	vld [tilespmem:$0x1FD90]  }
0x252: {  	v15 =	vld [tilespmem:$0x1FDA0];
	_ =	sdelay $0x2  }
0x253: {  	s5 =	sor.u32 s7, s5  }
0x254: {  	v7 =	vld [tilespmem:s5+$0x0];
	v0 =	vadd.f32 v1, v0;
	v1 =	vmul.f32 v3, v3  }
0x255: {  	v3 =	vsub.f32 v9, v4;
	v4 =	vld.idx.msk [tilespmem:v11+s15+$0x0], $0xffff;
	v14 =	vand.u32 $0x7F, v14;
	v15 =	vadd.s32 v2, v15  }
0x256: {  	v11 =	vor.u32 v14, v15;
	v14 =	vld [tilespmem:$0x1FDB0]  }
0x257: {  	v15 =	vld [tilespmem:$0x1FDC0];
	_ =	sdelay $0x2  }
0x258: {  	s19 =	sor.u32 s7, s6  }
0x259: {  	v8 =	vld [tilespmem:s19+$0x0];
	v0 =	vadd.f32 v1, v0;
	v1 =	vmul.f32 v3, v3  }
0x25a: {  	v3 =	vsub.f32 v7, v5;
	v5 =	vld.idx.msk [tilespmem:v13+s15+$0x0], $0xffff;
	v14 =	vand.u32 $0x7F, v14;
	v15 =	vadd.s32 v2, v15  }
0x25b: {  	v13 =	vor.u32 v14, v15;
	v14 =	vld [tilespmem:$0x1FD10]  }
0x25c: {  	v15 =	vld [tilespmem:$0x1FD20];
	_ =	sdelay $0x2  }
0x25d: {  	s20 =	sor.u32 s7, s8  }
0x25e: {  	v9 =	vld [tilespmem:s20+$0x0];
	v0 =	vadd.f32 v1, v0;
	v1 =	vmul.f32 v3, v3  }
0x25f: {  	v3 =	vsub.f32 v8, v6;
	v6 =	vld.idx.msk [tilespmem:v10+s15+$0x0], $0xffff;
	v14 =	vand.u32 $0x7F, v14;
	v15 =	vadd.s32 v2, v15  }
0x260: {  	v10 =	vor.u32 v14, v15;
	v14 =	vld [tilespmem:$0x1FD30]  }
0x261: {  	v15 =	vld [tilespmem:$0x1FD40];
	_ =	sdelay $0x2  }
0x262: {  	s21 =	sor.u32 s7, s26  }
0x263: {  	v7 =	vld [tilespmem:s21+$0x0];
	v0 =	vadd.f32 v1, v0;
	v1 =	vmul.f32 v3, v3  }
0x264: {  	v3 =	vsub.f32 v9, v4;
	v4 =	vld.idx.msk [tilespmem:v11+s15+$0x0], $0xffff;
	v14 =	vand.u32 $0x7F, v14;
	v15 =	vadd.s32 v2, v15  }
0x265: {  	v11 =	vor.u32 v14, v15;
	v14 =	vld [tilespmem:$0x1FD50]  }
0x266: {  	v15 =	vld [tilespmem:$0x1FD60];
	_ =	sdelay $0x2  }
0x267: {  	s22 =	sor.u32 s7, s9  }
0x268: {  	v8 =	vld [tilespmem:s22+$0x0];
	v0 =	vadd.f32 v1, v0;
	v1 =	vmul.f32 v3, v3  }
0x269: {  	v3 =	vsub.f32 v7, v5;
	v5 =	vld.idx.msk [tilespmem:v13+s15+$0x0], $0xffff;
	v14 =	vand.u32 $0x7F, v14;
	v15 =	vadd.s32 v2, v15  }
0x26a: {  	v13 =	vor.u32 v14, v15;
	v14 =	vld [tilespmem:$0x1FCB0]  }
0x26b: {  	v15 =	vld [tilespmem:$0x1FCC0];
	_ =	sdelay $0x2  }
0x26c: {  	s3 =	sor.u32 s7, s3  }
0x26d: {  	v9 =	vld [tilespmem:s3+$0x0];
	v0 =	vadd.f32 v1, v0;
	v1 =	vmul.f32 v3, v3  }
0x26e: {  	v3 =	vsub.f32 v8, v6;
	v6 =	vld.idx.msk [tilespmem:v10+s15+$0x0], $0xffff;
	v14 =	vand.u32 $0x7F, v14;
	v15 =	vadd.s32 v2, v15  }
0x26f: {  	v10 =	vor.u32 v14, v15;
	v14 =	vld [tilespmem:$0x1FCD0]  }
0x270: {  	v15 =	vld [tilespmem:$0x1FCE0];
	_ =	sdelay $0x1  }
0x271: {  	v12 =	vld [tilespmem:s14+$0x0];
	s23 =	sor.u32 s7, s4  }
0x272: {  	s24 =	sor.u32 s7, s13;
	v7 =	vld [tilespmem:s23+$0x0]  }
0x273: {  	v0 =	vadd.f32 v1, v0;
	v8 =	vld [tilespmem:s24+$0x0];
	v1 =	vmul.f32 v3, v3  }
0x274: {  	v3 =	vsub.f32 v9, v4;
	v4 =	vld.idx.msk [tilespmem:v11+s15+$0x0], $0xffff;
	v14 =	vand.u32 $0x7F, v14;
	v15 =	vadd.s32 v2, v15  }
0x275: {  	v11 =	vor.u32 v14, v15;
	v14 =	vld [tilespmem:$0x1FCF0]  }
0x276: {  	v15 =	vld [tilespmem:$0x1FD00]  }
0x277: {  	v62 =	vadd.s32 $0x2, v12;
	s2 =	sor.u32 s7, s2  }
0x278: {  	s25 =	sor.u32 s7, s30;
	v0 =	vadd.f32 v1, v0;
	v9 =	vld [tilespmem:s2+$0x0];
	v1 =	vmul.f32 v3, v3;
	v3 =	vsub.f32 v7, v5  }
0x279: {  	v52 =	vadd.s32 $0x4, v12;
	v50 =	vadd.s32 $0x3, v12;
	[tilespmem:$0x1FFE0] =	vst v62;
	s26 =	sor.u32 s7, s28;
	v7 =	vld [tilespmem:s25+$0x0]  }
0x27a: {  	[tilespmem:$0x1FF90] =	vst v50;
	v0 =	vadd.f32 v1, v0;
	v1 =	vmul.f32 v3, v3;
	v3 =	vsub.f32 v8, v6;
	v8 =	vld [tilespmem:s26+$0x0]  }
0x27b: {  	v48 =	vadd.s32 $0x5, v12;
	[tilespmem:$0x1FFB0] =	vst v52;
	v5 =	vld.idx.msk [tilespmem:v13+s15+$0x0], $0xffff;
	v14 =	vand.u32 $0x7F, v14;
	v15 =	vadd.s32 v2, v15  }
0x27c: {  	v61 =	vadd.s32 $0x6, v12;
	[tilespmem:$0x1FFC0] =	vst v48;
	v13 =	vor.u32 v14, v15;
	v14 =	vld [tilespmem:$0x1FC70]  }
0x27d: {  	v54 =	vadd.s32 $0x7, v12;
	[tilespmem:$0x1FF30] =	vst v61;
	v15 =	vld [tilespmem:$0x1FC80]  }
0x27e: {  	v46 =	vadd.s32 $0x8, v12;
	[tilespmem:$0x1FF50] =	vst v54;
	v6 =	vld.idx.msk [tilespmem:v10+s15+$0x0], $0xffff  }
0x27f: {  	s1 =	sor.u32 s7, s1;
	v0 =	vadd.f32 v1, v0;
	v1 =	vmul.f32 v3, v3;
	v3 =	vsub.f32 v9, v4;
	v4 =	vld.idx.msk [tilespmem:v11+s15+$0x0], $0xffff  }
0x280: {  	v45 =	vadd.s32 $0x9, v12;
	[tilespmem:$0x1FF70] =	vst v46;
	v11 =	vld [tilespmem:s1+$0x0]  }
0x281: {  	s0 =	sor.u32 s7, s0;
	v0 =	vadd.f32 v1, v0;
	v1 =	vmul.f32 v3, v3;
	v3 =	vsub.f32 v7, v5;
	v5 =	vld.idx.msk [tilespmem:v13+s15+$0x0], $0xffff  }
0x282: {  	v44 =	vadd.s32 $0xA, v12;
	[tilespmem:$0x1FEF0] =	vst v45;
	v14 =	vand.u32 $0x7F, v14;
	v15 =	vadd.s32 v2, v15;
	v13 =	vld [tilespmem:s0+$0x0]  }
0x283: {  	v39 =	vadd.s32 $0xC, v12;
	v42 =	vadd.s32 $0xB, v12;
	[tilespmem:$0x1FF00] =	vst v44;
	v10 =	vor.u32 v14, v15;
	v14 =	vld [tilespmem:$0x1FC90]  }
0x284: {  	[tilespmem:$0x1FF10] =	vst v42;
	v0 =	vadd.f32 v1, v0;
	v1 =	vmul.f32 v3, v3;
	v3 =	vsub.f32 v8, v6;
	v15 =	vld [tilespmem:$0x1FCA0]  }
0x285: {  	v17 =	vadd.s32 $0x1E, v12;
	v26 =	vadd.s32 $0x14, v12;
	[tilespmem:$0x1FE90] =	vst v39  }
0x286: {  	[tilespmem:$0x1FE10] =	vst v26;
	v0 =	vadd.f32 v1, v0;
	v1 =	vmul.f32 v3, v3;
	v3 =	vsub.f32 v11, v4  }
0x287: {  	v55 =	vld [tilespmem:$0x1FFF0];
	v58 =	vadd.s32 $0x1C, v12;
	s29 =	sor.u32 s7, s11;
	[tilespmem:$0x1FC70] =	vst v17;
	v17 =	vand.u32 $0xFFFFFF80, v17  }
0x288: {  	[tilespmem:$0x1FCD0] =	vst v58;
	v8 =	vld [tilespmem:s29+$0x0];
	v0 =	vadd.f32 v1, v0;
	v1 =	vmul.f32 v3, v3;
	v3 =	vsub.f32 v13, v5  }
0x289: {  	s10 =	sadd.s32 $0x20, s10;
	[tilespmem:$0x1FC80] =	vst v17;
	v13 =	vadd.s32 $0x1B, v12;
	v14 =	vand.u32 $0x7F, v14;
	v2 =	vadd.s32 v2, v15;
	v6 =	vld.idx.msk [tilespmem:v10+s15+$0x0], $0xffff  }
0x28a: {  	v9 =	vmov s10;
	v15 =	vadd.s32 $0x1F, v12;
	[tilespmem:$0x1FCB0] =	vst v13;
	v2 =	vor.u32 v14, v2  }
0x28b: {  	s17 =	sadd.s32 $0x10, s10;
	v7 =	vshll.u32 v9, $0x7;
	v13 =	vand.u32 $0xFFFFFF80, v13;
	[tilespmem:$0x1FC90] =	vst v15  }
0x28c: {  	v9 =	vmov s17;
	v49 =	vor.u32 v55, v7;
	[tilespmem:$0x1FCC0] =	vst v13;
	v13 =	vand.u32 $0xFFFFFF80, v58  }
0x28d: {  	v7 =	vshll.u32 v9, $0x7;
	v0 =	vadd.f32 v1, v0;
	v14 =	vadd.s32 $0x19, v12;
	[tilespmem:$0x1FCE0] =	vst v13  }
0x28e: {  	v1 =	vmul.f32 v3, v3;
	[tilespmem:$0x1FD30] =	vst v14;
	v3 =	vsub.f32 v8, v6;
	v8 =	vadd.s32 $0x1A, v12  }
0x28f: {  	v4 =	vld.idx.msk [tilespmem:v2+s15+$0x0], $0xffff;
	v2 =	vor.u32 v55, v7;
	v55 =	vadd.s32 $0x1D, v12;
	[tilespmem:$0x1FD50] =	vst v8  }
0x290: {  	s30 =	sor.u32 s7, s16;
	v8 =	vand.u32 $0xFFFFFF80, v8;
	[tilespmem:$0x1FCF0] =	vst v55  }
0x291: {  	v21 =	vadd.s32 $0x15, v12;
	v7 =	vld [tilespmem:s30+$0x0];
	v13 =	vand.u32 $0xFFFFFF80, v55;
	[tilespmem:$0x1FD60] =	vst v8  }
0x292: {  	v16 =	vadd.s32 $0x18, v12;
	v8 =	vand.u32 $0xFFFFFF80, v21;
	[tilespmem:$0x1FD00] =	vst v13  }
0x293: {  	v19 =	vadd.s32 $0x16, v12;
	v13 =	vand.u32 $0xFFFFFF80, v16;
	[tilespmem:$0x1FD80] =	vst v8  }
0x294: {  	v8 =	vand.u32 $0xFFFFFF80, v19;
	[tilespmem:$0x1FD20] =	vst v13  }
0x295: {  	v0 =	vadd.f32 v1, v0;
	v13 =	vand.u32 $0xFFFFFF80, v14;
	[tilespmem:$0x1FDA0] =	vst v8  }
0x296: {  	v1 =	vmul.f32 v3, v3;
	[tilespmem:$0x1FD40] =	vst v13;
	v3 =	vsub.f32 v7, v4;
	v4 =	vadd.s32 $0x17, v12  }
0x297: {  	v27 =	vadd.s32 $0x13, v12;
	v28 =	vadd.s32 $0x12, v12;
	[tilespmem:$0x1FDB0] =	vst v4;
	v4 =	vand.u32 $0xFFFFFF80, v4  }
0x298: {  	v0 =	vadd.f32 v1, v0;
	v1 =	vmul.f32 v3, v3;
	[tilespmem:$0x1FDC0] =	vst v4;
	v4 =	vand.u32 $0xFFFFFF80, v28  }
0x299: {  	[tilespmem:$0x1FDE0] =	vst v4;
	v4 =	vand.u32 $0xFFFFFF80, v27  }
0x29a: {  	v0 =	vadd.f32 v1, v0;
	v1 =	vand.u32 $0x7F, v12;
	[tilespmem:$0x1FE00] =	vst v4  }
0x29b: {  	v35 =	vadd.s32 $0xD, v12;
	v4 =	vand.u32 $0xFFFFFF80, v26;
	[tilespmem:$0x1FC30] =	vst v1  }
0x29c: {  	v33 =	vadd.s32 $0xE, v12;
	v32 =	vadd.s32 $0xF, v12;
	v30 =	vadd.s32 $0x10, v12;
	[tilespmem:$0x1FE20] =	vst v4  }
0x29d: {  	v29 =	vadd.s32 $0x11, v12;
	v52 =	vand.u32 $0xFFFFFF80, v52;
	v1 =	vadd.s32 $0x1, v12;
	[tilespmem:$0x1FC00] =	vst v0  }
0x29e: {  	v17 =	vand.u32 $0xFFFFFF80, v15;
	v58 =	vand.u32 $0xFFFFFF80, v44;
	v4 =	vand.u32 $0xFFFFFF80, v32;
	v0 =	vld [tilespmem:s14+$0xFFFFFFF0];
	[tilespmem:$0x1FC40] =	vst v1  }
0x29f: {  	v15 =	vand.u32 $0xFFFFFF80, v61;
	v55 =	vand.u32 $0xFFFFFF80, v45;
	[tilespmem:$0x1FE40] =	vst v4;
	v4 =	vand.u32 $0xFFFFFF80, v30  }
0x2a0: {  	v14 =	vand.u32 $0xFFFFFF80, v54;
	v8 =	vand.u32 $0xFFFFFF80, v50;
	[tilespmem:$0x1FE60] =	vst v4;
	v4 =	vand.u32 $0xFFFFFF80, v29  }
0x2a1: {  	v13 =	vand.u32 $0xFFFFFF80, v46;
	v26 =	vand.u32 $0xFFFFFF80, v48;
	[tilespmem:$0x1FE80] =	vst v4;
	v4 =	vand.u32 $0xFFFFFF80, v39  }
0x2a2: {  	v48 =	vand.u32 $0xFFFFFF80, v62;
	v1 =	vand.u32 $0xFFFFFF80, v12;
	[tilespmem:$0x1FEA0] =	vst v4;
	v4 =	vand.u32 $0xFFFFFF80, v35  }
0x2a3: {  	[tilespmem:$0x1FEC0] =	vst v4;
	v4 =	vand.u32 $0xFFFFFF80, v33;
	v24 =	vadd.s32 $0x1E, v0;
	v63 =	vadd.s32 $0x1F, v0  }
0x2a4: {  	[tilespmem:$0x1FEB0] =	vst v35;
	v22 =	vadd.s32 $0x1B, v0;
	v20 =	vadd.s32 $0x1C, v0;
	v18 =	vadd.s32 $0x1D, v0  }
0x2a5: {  	[tilespmem:$0x1FED0] =	vst v33;
	v6 =	vadd.s32 $0x18, v0;
	v5 =	vadd.s32 $0x19, v0;
	v3 =	vadd.s32 $0x1A, v0  }
0x2a6: {  	[tilespmem:$0x1FE30] =	vst v32;
	v25 =	vadd.s32 $0x15, v0;
	v51 =	vadd.s32 $0x16, v0;
	v7 =	vadd.s32 $0x17, v0  }
0x2a7: {  	[tilespmem:$0x1FE50] =	vst v30;
	v10 =	vadd.s32 $0x12, v0;
	v9 =	vadd.s32 $0x13, v0;
	v34 =	vadd.s32 $0x14, v0  }
0x2a8: {  	[tilespmem:$0x1FE70] =	vst v29;
	v41 =	vadd.s32 $0xF, v0;
	v40 =	vadd.s32 $0x10, v0;
	v38 =	vadd.s32 $0x11, v0  }
0x2a9: {  	[tilespmem:$0x1FDD0] =	vst v28;
	v47 =	vadd.s32 $0xC, v0;
	v23 =	vadd.s32 $0xD, v0;
	v43 =	vadd.s32 $0xE, v0  }
0x2aa: {  	[tilespmem:$0x1FC50] =	vst v1;
	v31 =	vadd.s32 $0x9, v0;
	v53 =	vadd.s32 $0xA, v0;
	v1 =	vadd.s32 $0xB, v0  }
0x2ab: {  	[tilespmem:$0x1FD70] =	vst v21;
	v57 =	vadd.s32 $0x6, v0;
	v36 =	vadd.s32 $0x7, v0;
	v56 =	vadd.s32 $0x8, v0  }
0x2ac: {  	v60 =	vadd.s32 $0x3, v0;
	v59 =	vadd.s32 $0x4, v0;
	v37 =	vadd.s32 $0x5, v0;
	[tilespmem:$0x1FEE0] =	vst v4  }
0x2ad: {  	v11 =	vadd.s32 $0x1, v0;
	v12 =	vadd.s32 $0x2, v0;
	v4 =	vand.u32 $0xFFFFFF80, v42;
	[tilespmem:$0x1FC60] =	vst v1  }
0x2ae: {  	v1 =	vand.u32 $0x7F, v0;
	v0 =	vand.u32 $0xFFFFFF80, v0;
	[tilespmem:$0x1FFD0] =	vst v63;
	v63 =	vand.u32 $0xFFFFFF80, v63  }
0x2af: {  	[tilespmem:$0x1FFA0] =	vst v8;
	v32 =	vand.u32 $0xFFFFFF80, v22;
	v29 =	vand.u32 $0xFFFFFF80, v20;
	v28 =	vand.u32 $0xFFFFFF80, v18  }
0x2b0: {  	s28 =	rddreg [dreg:$0x6];
	[tilespmem:$0x1FF80] =	vst v13;
	v13 =	vand.u32 $0xFFFFFF80, v6;
	v35 =	vand.u32 $0xFFFFFF80, v5;
	v8 =	vand.u32 $0xFFFFFF80, v3  }
0x2b1: {  	[tilespmem:$0x1FD90] =	vst v19;
	s1 =	sadd.s32 $0x2, s28;
	v19 =	vand.u32 $0xFFFFFF80, v25;
	v46 =	vand.u32 $0xFFFFFF80, v9;
	v21 =	vand.u32 $0xFFFFFF80, v34  }
0x2b2: {  	[tilespmem:$0x1FDF0] =	vst v27;
	p0 =	slt.u32 s1, $0x1E;
	v27 =	vand.u32 $0xFFFFFF80, v10;
	v30 =	vand.u32 $0xFFFFFF80, v38;
	v54 =	vand.u32 $0xFFFFFF80, v40  }
.Ltmp0:
0x2b3: {  	[tilespmem:$0x1FF40] =	vst v15;
	v62 =	vmovc v22;
	v42 =	vand.u32 $0x7F, v12;
	v33 =	vand.u32 $0xFFFFFF80, v41;
	v0 =	vadd.s32 v49, v0;
	(pc) =	sbr.rel @p0 .LBB2_2-.Ltmp0, $4  }
0x2b4: {  	[tilespmem:$0x1FF20] =	vst v4;
	v15 =	vmovc v18;
	v4 =	vmovc v24;
	v24 =	vand.u32 $0xFFFFFF80, v24;
	v61 =	vor.u32 v1, v0;
	v0 =	vand.u32 $0xFFFFFF80, v11  }
0x2b5: {  	[tilespmem:$0x1FD10] =	vst v16;
	v22 =	vmovc v20;
	v20 =	vmovc v6;
	v6 =	vmov v51;
	v1 =	vand.u32 $0x7F, v11;
	v0 =	vadd.s32 v49, v0  }
0x2b6: {  	s31 =	sadd.s32 $0x100, s31;
	[tilespmem:$0x1FCA0] =	vst v17;
	v18 =	vmovc v3;
	v3 =	vmovc v5;
	v5 =	vmov v7;
	v39 =	vor.u32 v1, v0;
	v0 =	vand.u32 $0xFFFFFF80, v12  }
0x2b7: {  	s16 =	sand.u32 $0xC00, s31;
	s2 =	rddreg [dreg:$0x5];
	[tilespmem:$0x1FF60] =	vst v14;
	s14 =	sadd.s32 $0x20, s14;
	v51 =	vld [tilespmem:$0x1FC00];
	v7 =	vmovc v25;
	v17 =	vand.u32 $0xFFFFFF80, v6;
	v14 =	vand.u32 $0xFFFFFF80, v5;
	v0 =	vadd.s32 v49, v0  }
0x2b8: {  	_ =	sdelay $0x3  }
0x2b9: {  	v0 =	vor.u32 v42, v0;
	s11 =	sand.u32 $0x60, s10;
	s0 =	sadd.s32 $0x10800, s16;
	v1 =	vld.idx.msk [tilespmem:v61+s15+$0x0], $0xffff;
	v11 =	vand.u32 $0xFFFFFF80, v60  }
0x2ba: {  	v16 =	vand.u32 $0x7F, v60;
	v39 =	vld.idx.msk [tilespmem:v39+s15+$0x0], $0xffff;
	v61 =	vand.u32 $0xFFFFFF80, v59;
	v25 =	vand.u32 $0x7F, v59;
	s1 =	sor.u32 s11, s0  }
0x2bb: {  	v45 =	vand.u32 $0xFFFFFF80, v37;
	v50 =	vand.u32 $0x7F, v37;
	v11 =	vadd.s32 v49, v11;
	v12 =	vld [tilespmem:s1+$0x0]  }
0x2bc: {  	v10 =	vand.u32 $0x7F, v10;
	v27 =	vadd.s32 v49, v27;
	v11 =	vor.u32 v16, v11;
	v44 =	vld [tilespmem:s1+$0x80]  }
0x2bd: {  	v59 =	vadd.s32 v49, v45;
	v10 =	vor.u32 v10, v27;
	v16 =	vadd.s32 v49, v61;
	v60 =	vld [tilespmem:s1+$0x100]  }
0x2be: {  	v37 =	vor.u32 v50, v59;
	v50 =	vld [tilespmem:s1+$0x180];
	v16 =	vor.u32 v25, v16  }
0x2bf: {  	v6 =	vand.u32 $0x7F, v6;
	v0 =	vld.idx.msk [tilespmem:v0+s15+$0x0], $0xffff  }
0x2c0: {  	v17 =	vadd.s32 v49, v17;
	v61 =	vand.u32 $0xFFFFFF80, v57;
	v25 =	vand.u32 $0x7F, v57;
	v57 =	vld [tilespmem:s1+$0x200]  }
0x2c1: {  	s2 =	sadd.s32 $0x1, s2;
	v6 =	vor.u32 v6, v17;
	v1 =	vsub.f32 v12, v1;
	v11 =	vld.idx.msk [tilespmem:v11+s15+$0x0], $0xffff;
	v12 =	vadd.s32 v49, v61  }
0x2c2: {  	s2 =	sand.u32 $0x3, s2;
	v59 =	vand.u32 $0xFFFFFF80, v56;
	v10 =	vld.idx.msk [tilespmem:v10+s15+$0x0], $0xffff;
	v39 =	vsub.f32 v44, v39;
	v12 =	vor.u32 v25, v12  }
0x2c3: {  	s13 =	sshll.u32 s2, $0x5;
	v61 =	vand.u32 $0x7F, v56;
	v16 =	vld.idx.msk [tilespmem:v16+s15+$0x0], $0xffff;
	v25 =	vand.u32 $0xFFFFFF80, v36;
	v1 =	vmul.f32 v1, v1  }
0x2c4: {  	v56 =	vand.u32 $0xFFFFFF80, v53;
	v25 =	vadd.s32 v49, v25;
	v0 =	vsub.f32 v60, v0;
	v60 =	vld [tilespmem:s1+$0x280];
	s1 =	sadd.s32 s13, s31  }
0x2c5: {  	v37 =	vld.idx.msk [tilespmem:v37+s15+$0x0], $0xffff;
	v39 =	vmul.f32 v39, v39;
	v1 =	vadd.f32 v1, v51;
	v51 =	vand.u32 $0x7F, v36;
	s1 =	sor.u32 $0x300, s1  }
0x2c6: {  	v36 =	vadd.s32 v49, v56;
	v25 =	vor.u32 v51, v25;
	v11 =	vsub.f32 v50, v11;
	v50 =	vld [tilespmem:s1+$0x10800]  }
0x2c7: {  	v0 =	vmul.f32 v0, v0;
	v1 =	vadd.f32 v39, v1;
	v39 =	vadd.s32 v49, v59;
	v12 =	vld.idx.msk [tilespmem:v12+s15+$0x0], $0xffff  }
0x2c8: {  	s14 =	sor.u32 s10, s31;
	v16 =	vsub.f32 v57, v16;
	v57 =	vand.u32 $0x7F, v53;
	v59 =	vld [tilespmem:$0x1FC60];
	v39 =	vor.u32 v61, v39  }
0x2c9: {  	s18 =	sor.u32 $0x380, s14;
	v6 =	vld.idx.msk [tilespmem:v6+s15+$0x0], $0xffff;
	v36 =	vor.u32 v57, v36  }
0x2ca: {  	v42 =	vand.u32 $0xFFFFFF80, v31;
	s1 =	sadd.s32 $0x11800, s16;
	v11 =	vmul.f32 v11, v11;
	v61 =	vld [tilespmem:s18+$0x10800];
	v0 =	vadd.f32 v0, v1  }
0x2cb: {  	v45 =	vand.u32 $0x7F, v31;
	s3 =	sor.u32 s11, s1;
	v1 =	vadd.s32 v49, v42;
	v51 =	vsub.f32 v60, v37;
	v25 =	vld.idx.msk [tilespmem:v25+s15+$0x0], $0xffff  }
0x2cc: {  	v16 =	vmul.f32 v16, v16;
	v0 =	vadd.f32 v11, v0;
	v12 =	vsub.f32 v50, v12;
	v50 =	vld [tilespmem:s3+$0x0]  }
0x2cd: {  	v1 =	vor.u32 v45, v1;
	v11 =	vmul.f32 v51, v51;
	v60 =	vand.u32 $0xFFFFFF80, v59;
	s3 =	sadd.s32 $0x11880, s16;
	v37 =	vld.idx.msk [tilespmem:v39+s15+$0x0], $0xffff  }
0x2ce: {  	s2 =	sadd.s32 $0x11900, s16;
	v45 =	vand.u32 $0x7F, v59;
	v0 =	vadd.f32 v16, v0;
	v16 =	vadd.s32 v49, v60;
	s4 =	sor.u32 s11, s3;
	v56 =	vld.idx.msk [tilespmem:v36+s15+$0x0], $0xffff  }
0x2cf: {  	s5 =	sor.u32 s11, s2;
	v51 =	vand.u32 $0xFFFFFF80, v47;
	v16 =	vor.u32 v45, v16;
	v57 =	vld [tilespmem:s4+$0x0];
	s4 =	sadd.s32 $0x11980, s16  }
0x2d0: {  	v53 =	vand.u32 $0x7F, v47;
	v45 =	vld [tilespmem:s5+$0x0];
	v0 =	vadd.f32 v11, v0;
	v11 =	vadd.s32 v49, v51;
	s6 =	sor.u32 s11, s4  }
0x2d1: {  	v7 =	vand.u32 $0x7F, v7;
	v39 =	vadd.s32 v49, v19;
	v11 =	vor.u32 v53, v11;
	v53 =	vld [tilespmem:s6+$0x0];
	s6 =	sadd.s32 $0x11B00, s16  }
0x2d2: {  	v47 =	vand.u32 $0xFFFFFF80, v43;
	v7 =	vor.u32 v7, v39;
	v1 =	vld.idx.msk [tilespmem:v1+s15+$0x0], $0xffff;
	s9 =	sor.u32 s11, s6  }
0x2d3: {  	s10 =	sadd.s32 $0x11B80, s16;
	v42 =	vadd.s32 v49, v47;
	v60 =	vand.u32 $0xFFFFFF80, v23;
	v25 =	vsub.f32 v61, v25;
	v47 =	vld [tilespmem:s9+$0x0]  }
0x2d4: {  	s19 =	sor.u32 s11, s10;
	s13 =	sadd.s32 $0x12900, s16;
	v61 =	vand.u32 $0x7F, v23;
	v59 =	vsub.f32 v50, v37;
	v37 =	vadd.s32 v49, v60;
	v16 =	vld.idx.msk [tilespmem:v16+s15+$0x0], $0xffff  }
0x2d5: {  	s14 =	sor.u32 s11, s13;
	v50 =	vand.u32 $0x7F, v43;
	v23 =	vor.u32 v61, v37;
	v61 =	vadd.s32 v49, v54;
	v54 =	vld [tilespmem:s19+$0x0]  }
0x2d6: {  	v12 =	vmul.f32 v12, v12;
	s5 =	sadd.s32 $0x11A00, s16;
	v37 =	vor.u32 v50, v42;
	v50 =	vand.u32 $0x7F, v38;
	v38 =	vld [tilespmem:s14+$0x0]  }
0x2d7: {  	v33 =	vadd.s32 v49, v33;
	s7 =	sor.u32 s11, s5;
	v7 =	vld.idx.msk [tilespmem:v7+s15+$0x0], $0xffff  }
0x2d8: {  	v30 =	vadd.s32 v49, v30;
	v0 =	vadd.f32 v12, v0;
	s19 =	sadd.s32 $0x12A80, s16;
	v1 =	vsub.f32 v57, v1;
	v57 =	vld [tilespmem:s7+$0x0]  }
0x2d9: {  	v25 =	vmul.f32 v25, v25;
	v60 =	vand.u32 $0x7F, v40;
	v51 =	vmul.f32 v59, v59;
	s7 =	sadd.s32 $0x11A80, s16;
	s22 =	sor.u32 s11, s19;
	v11 =	vld.idx.msk [tilespmem:v11+s15+$0x0], $0xffff  }
0x2da: {  	v59 =	vand.u32 $0x7F, v41;
	v36 =	vor.u32 v60, v61;
	v30 =	vor.u32 v50, v30;
	s8 =	sor.u32 s11, s7;
	v50 =	vld [tilespmem:s22+$0x0];
	s22 =	sadd.s32 $0x12B80, s16  }
0x2db: {  	v60 =	vadd.s32 v49, v46;
	v33 =	vor.u32 v59, v33;
	v59 =	vand.u32 $0x7F, v9;
	v44 =	vld [tilespmem:s8+$0x0];
	s24 =	sor.u32 s11, s22  }
0x2dc: {  	v0 =	vadd.f32 v25, v0;
	v25 =	vor.u32 v59, v60;
	v59 =	vld [tilespmem:s24+$0x0]  }
0x2dd: {  	v21 =	vadd.s32 v49, v21;
	v61 =	vand.u32 $0x7F, v34;
	v23 =	vld.idx.msk [tilespmem:v23+s15+$0x0], $0xffff  }
0x2de: {  	v9 =	vor.u32 v61, v21;
	v43 =	vld.idx.msk [tilespmem:v37+s15+$0x0], $0xffff  }
0x2df: {  	s8 =	sadd.s32 $0x12800, s16;
	v12 =	vsub.f32 v53, v16;
	v53 =	vld.idx.msk [tilespmem:v36+s15+$0x0], $0xffff  }
0x2e0: {  	v56 =	vsub.f32 v45, v56;
	v0 =	vadd.f32 v51, v0;
	v1 =	vmul.f32 v1, v1;
	s12 =	sor.u32 s11, s8;
	v51 =	vld.idx.msk [tilespmem:v33+s15+$0x0], $0xffff  }
0x2e1: {  	v45 =	vsub.f32 v57, v11;
	v57 =	vld [tilespmem:s12+$0x0]  }
0x2e2: {  	s29 =	smov.u32 s17;
	s17 =	sadd.s32 $0x12980, s16;
	v42 =	vmul.f32 v56, v56;
	v0 =	vadd.f32 v1, v0;
	v33 =	vld.idx.msk [tilespmem:v30+s15+$0x0], $0xffff  }
0x2e3: {  	s21 =	sor.u32 s11, s17;
	v9 =	vld.idx.msk [tilespmem:v9+s15+$0x0], $0xffff  }
0x2e4: {  	v0 =	vadd.f32 v42, v0;
	v42 =	vld [tilespmem:s21+$0x0]  }
0x2e5: {  	v7 =	vsub.f32 v50, v7;
	v50 =	vld [tilespmem:$0x1FFB0]  }
0x2e6: {  	v21 =	vadd.s32 v49, v29;
	v29 =	vand.u32 $0x7F, v4;
	s12 =	sadd.s32 $0x12880, s16;
	v30 =	vadd.s32 v49, v24;
	v40 =	vld.idx.msk [tilespmem:v25+s15+$0x0], $0xffff  }
0x2e7: {  	s20 =	sor.u32 s11, s12;
	v4 =	vor.u32 v29, v30;
	v30 =	vld [tilespmem:$0x1FF10]  }
0x2e8: {  	s9 =	sadd.s32 $0x12A00, s16;
	v36 =	vld [tilespmem:s20+$0x0]  }
0x2e9: {  	s18 =	sor.u32 s11, s9;
	s14 =	sadd.s32 $0x13980, s16;
	v1 =	vmul.f32 v45, v45;
	v45 =	vadd.s32 v49, v14;
	v14 =	vand.u32 $0x7F, v62;
	v62 =	vld [tilespmem:$0x1FF60]  }
0x2ea: {  	s26 =	sor.u32 s11, s14;
	v12 =	vmul.f32 v12, v12;
	v16 =	vsub.f32 v44, v23;
	v44 =	vld [tilespmem:s18+$0x0]  }
0x2eb: {  	v56 =	vsub.f32 v47, v43;
	v47 =	vand.u32 $0x7F, v20;
	v20 =	vand.u32 $0x7F, v22;
	v22 =	vld [tilespmem:s26+$0x0]  }
0x2ec: {  	v5 =	vand.u32 $0x7F, v5;
	v0 =	vadd.f32 v12, v0;
	s20 =	sadd.s32 $0x12B00, s16;
	v43 =	vsub.f32 v38, v10;
	v38 =	vld [tilespmem:$0x1FC30]  }
0x2ed: {  	v5 =	vor.u32 v5, v45;
	s23 =	sor.u32 s11, s20;
	s18 =	sadd.s32 $0x13800, s16;
	v45 =	vld [tilespmem:$0x1FF90]  }
0x2ee: {  	v0 =	vadd.f32 v1, v0;
	s21 =	sor.u32 s11, s18;
	v1 =	vmul.f32 v56, v56;
	v56 =	vld [tilespmem:s23+$0x0]  }
0x2ef: {  	v61 =	vld [tilespmem:s21+$0x0]  }
0x2f0: {  	v37 =	vsub.f32 v57, v53;
	v53 =	vadd.s32 v49, v35;
	v35 =	vld [tilespmem:$0x1FC40]  }
0x2f1: {  	v4 =	vld.idx.msk [tilespmem:v4+s15+$0x0], $0xffff  }
0x2f2: {  	v3 =	vand.u32 $0x7F, v3;
	s23 =	sadd.s32 $0x13880, s16;
	v12 =	vsub.f32 v42, v40;
	v42 =	vld [tilespmem:$0x1FFE0]  }
0x2f3: {  	v13 =	vadd.s32 v49, v13;
	s21 =	sadd.s32 $0x13900, s16;
	v3 =	vor.u32 v3, v53;
	s25 =	sor.u32 s11, s23;
	v53 =	vld [tilespmem:$0x1FFC0]  }
0x2f4: {  	v11 =	vor.u32 v47, v13;
	v16 =	vmul.f32 v16, v16;
	v34 =	vsub.f32 v54, v51;
	s24 =	sor.u32 s11, s21;
	v17 =	vld [tilespmem:s25+$0x0]  }
0x2f5: {  	v8 =	vadd.s32 v49, v8;
	v13 =	vand.u32 $0x7F, v18;
	v19 =	vld [tilespmem:s24+$0x0]  }
0x2f6: {  	v8 =	vor.u32 v13, v8;
	v0 =	vadd.f32 v16, v0;
	v16 =	vmul.f32 v34, v34;
	v34 =	vld [tilespmem:$0x1FC50]  }
0x2f7: {  	v5 =	vld.idx.msk [tilespmem:v5+s15+$0x0], $0xffff  }
0x2f8: {  	s24 =	sadd.s32 $0x13A00, s16;
	v51 =	vsub.f32 v44, v9;
	v9 =	vor.u32 v20, v21;
	v20 =	vld [tilespmem:$0x1FF80]  }
0x2f9: {  	s25 =	sor.u32 s11, s24;
	v57 =	vld.idx.msk [tilespmem:v11+s15+$0x0], $0xffff  }
0x2fa: {  	v27 =	vadd.s32 v49, v28;
	v28 =	vld [tilespmem:s25+$0x0]  }
0x2fb: {  	v25 =	vand.u32 $0x7F, v15;
	v23 =	vld.idx.msk [tilespmem:v8+s15+$0x0], $0xffff  }
0x2fc: {  	v0 =	vadd.f32 v1, v0;
	v8 =	vor.u32 v25, v27;
	v25 =	vld [tilespmem:$0x1FF00]  }
0x2fd: {  	s25 =	sadd.s32 $0x13A80, s16;
	v3 =	vld.idx.msk [tilespmem:v3+s15+$0x0], $0xffff  }
0x2fe: {  	s26 =	sor.u32 s11, s25;
	v0 =	vadd.f32 v16, v0;
	v16 =	vadd.s32 v49, v32;
	v32 =	vld [tilespmem:$0x1FFD0]  }
0x2ff: {  	v41 =	vsub.f32 v36, v33;
	v33 =	vld [tilespmem:s26+$0x0]  }
0x300: {  	v60 =	vmul.f32 v7, v7;
	s26 =	sadd.s32 $0x13B00, s16;
	v7 =	vadd.s32 v2, v34;
	v34 =	vld [tilespmem:$0x1FEA0]  }
0x301: {  	s16 =	sadd.s32 $0x13B80, s16;
	s28 =	sor.u32 s11, s26;
	v9 =	vld.idx.msk [tilespmem:v9+s15+$0x0], $0xffff  }
0x302: {  	v1 =	vmul.f32 v37, v37;
	s11 =	sor.u32 s11, s16;
	v37 =	vld [tilespmem:s28+$0x0]  }
0x303: {  	v39 =	vld [tilespmem:s11+$0x0]  }
0x304: {  	v5 =	vsub.f32 v59, v5;
	v59 =	vld [tilespmem:$0x1FF30]  }
0x305: {  	v46 =	vmul.f32 v41, v41;
	v0 =	vadd.f32 v1, v0;
	v18 =	vsub.f32 v61, v57;
	v61 =	vld [tilespmem:$0x1FF50]  }
0x306: {  	s11 =	sand.u32 $0x70, s29;
	v8 =	vld.idx.msk [tilespmem:v8+s15+$0x0], $0xffff  }
0x307: {  	s0 =	sor.u32 s11, s0;
	v0 =	vadd.f32 v46, v0;
	v46 =	vld [tilespmem:$0x1FFA0]  }
0x308: {  	v1 =	vmul.f32 v43, v43;
	v43 =	vadd.s32 v2, v48;
	v48 =	vld [tilespmem:s0+$0x0]  }
0x309: {  	v31 =	vadd.s32 v49, v63;
	v49 =	vld [tilespmem:s0+$0x80]  }
0x30a: {  	v57 =	vld [tilespmem:s0+$0x180]  }
0x30b: {  	v7 =	vor.u32 v38, v7;
	s1 =	sor.u32 s11, s1;
	v63 =	vld [tilespmem:s0+$0x200]  }
0x30c: {  	s28 =	rddreg [dreg:$0x4];
	v27 =	vld [tilespmem:s1+$0x0];
	v11 =	vand.u32 $0x7F, v32  }
0x30d: {  	s28 =	sadd.s32 $0x2, s28;
	v0 =	vadd.f32 v1, v0;
	v1 =	vmul.f32 v51, v51;
	v51 =	vadd.s32 v2, v52;
	v52 =	vld [tilespmem:s0+$0x100]  }
0x30e: {  	v36 =	vand.u32 $0xFFFFFF80, v35;
	s28 =	sand.u32 $0x7, s28;
	v10 =	vor.u32 v11, v31;
	v31 =	vld [tilespmem:$0x1FF20]  }
0x30f: {  	s28 =	sshll.u32 s28, $0x4;
	v11 =	vadd.s32 v2, v36;
	v36 =	vld [tilespmem:$0x1FEB0]  }
0x310: {  	s28 =	sadd.s32 s31, s28;
	s31 =	sor.u32 s29, s31;
	s29 =	sor.u32 s11, s2;
	v44 =	vld.idx.msk [tilespmem:v7+s15+$0x0], $0xffff  }
0x311: {  	v54 =	vmul.f32 v12, v12;
	v12 =	vand.u32 $0x7F, v35;
	v35 =	vld [tilespmem:s29+$0x0]  }
0x312: {  	s2 =	sor.u32 s11, s7;
	v4 =	vsub.f32 v37, v4;
	v37 =	vld [tilespmem:$0x1FEC0]  }
0x313: {  	v7 =	vand.u32 $0x7F, v45;
	v45 =	vld [tilespmem:s2+$0x0]  }
0x314: {  	v11 =	vor.u32 v12, v11;
	v12 =	vadd.s32 v2, v62;
	v62 =	vld [tilespmem:$0x1FE10];
	v0 =	vadd.f32 v54, v0  }
0x315: {  	v54 =	vadd.s32 v2, v26;
	v26 =	vadd.s32 v2, v58;
	v58 =	vld [tilespmem:$0x1FE00]  }
0x316: {  	s28 =	sadd.s32 $0x10, s28;
	v0 =	vadd.f32 v1, v0;
	v1 =	vor.u32 v14, v16;
	v16 =	vld [tilespmem:s0+$0x280]  }
0x317: {  	s0 =	sor.u32 $0x300, s28;
	s28 =	sor.u32 s11, s3;
	v41 =	vld.idx.msk [tilespmem:v10+s15+$0x0], $0xffff  }
0x318: {  	s3 =	sor.u32 s11, s6;
	s6 =	sor.u32 s11, s12;
	v29 =	vld [tilespmem:s28+$0x0]  }
0x319: {  	v6 =	vsub.f32 v56, v6;
	v40 =	vsub.f32 v28, v9;
	v9 =	vand.u32 $0x7F, v59;
	v59 =	vld [tilespmem:s6+$0x0]  }
0x31a: {  	v47 =	vld.idx.msk [tilespmem:v11+s15+$0x0], $0xffff  }
0x31b: {  	v6 =	vmul.f32 v6, v6;
	v10 =	vand.u32 $0x7F, v50;
	v0 =	vadd.f32 v60, v0;
	v60 =	vld [tilespmem:$0x1FF40]  }
0x31c: {  	v10 =	vor.u32 v10, v51;
	v51 =	vld [tilespmem:$0x1FE70]  }
0x31d: {  	v0 =	vadd.f32 v6, v0;
	v6 =	vmul.f32 v18, v18;
	v18 =	vld [tilespmem:s0+$0x10800]  }
0x31e: {  	s0 =	sor.u32 $0x380, s31;
	v1 =	vld.idx.msk [tilespmem:v1+s15+$0x0], $0xffff  }
0x31f: {  	s31 =	sor.u32 s11, s4;
	v24 =	vld [tilespmem:s0+$0x10800]  }
0x320: {  	v5 =	vmul.f32 v5, v5;
	s4 =	sor.u32 s11, s10;
	v38 =	vld [tilespmem:s31+$0x0]  }
0x321: {  	v50 =	vld [tilespmem:s4+$0x0]  }
0x322: {  	v0 =	vadd.f32 v5, v0;
	v5 =	vsub.f32 v19, v23;
	v19 =	vld [tilespmem:$0x1FF70]  }
0x323: {  	v23 =	vadd.s32 v2, v55;
	v55 =	vld [tilespmem:$0x1FDE0]  }
0x324: {  	v3 =	vsub.f32 v17, v3;
	v10 =	vld.idx.msk [tilespmem:v10+s15+$0x0], $0xffff  }
0x325: {  	s7 =	sor.u32 s11, s13;
	v56 =	vsub.f32 v49, v47;
	v11 =	vadd.s32 v2, v60;
	v47 =	vld [tilespmem:$0x1FE60];
	v0 =	vadd.f32 v6, v0  }
0x326: {  	v6 =	vand.u32 $0x7F, v42;
	v9 =	vor.u32 v9, v11;
	v11 =	vand.u32 $0x7F, v61;
	v61 =	vld [tilespmem:s7+$0x0]  }
0x327: {  	v6 =	vor.u32 v6, v43;
	v43 =	vld [tilespmem:$0x1FE30]  }
0x328: {  	v3 =	vmul.f32 v3, v3;
	v11 =	vor.u32 v11, v12;
	v12 =	vadd.s32 v2, v20;
	v20 =	vld [tilespmem:$0x1FD90]  }
0x329: {  	v5 =	vmul.f32 v5, v5;
	v1 =	vsub.f32 v22, v1;
	v22 =	vld [tilespmem:$0x1FEF0]  }
0x32a: {  	v0 =	vadd.f32 v3, v0;
	v3 =	vsub.f32 v33, v8;
	v8 =	vadd.s32 v2, v46;
	v33 =	vld [tilespmem:$0x1FE90]  }
0x32b: {  	v46 =	vld [tilespmem:$0x1FE50];
	v7 =	vor.u32 v7, v8  }
0x32c: {  	v8 =	vand.u32 $0x7F, v53;
	v0 =	vadd.f32 v5, v0;
	v5 =	vmul.f32 v40, v40;
	v40 =	vld [tilespmem:$0x1FED0]  }
0x32d: {  	v8 =	vor.u32 v8, v54;
	v54 =	vld [tilespmem:$0x1FDD0]  }
0x32e: {  	v1 =	vmul.f32 v1, v1;
	v21 =	vld.idx.msk [tilespmem:v9+s15+$0x0], $0xffff  }
0x32f: {  	v6 =	vld.idx.msk [tilespmem:v6+s15+$0x0], $0xffff  }
0x330: {  	s1 =	sor.u32 s11, s5;
	v0 =	vadd.f32 v1, v0;
	v11 =	vld.idx.msk [tilespmem:v11+s15+$0x0], $0xffff  }
0x331: {  	v1 =	vsub.f32 v39, v41;
	v39 =	vld [tilespmem:s1+$0x0]  }
0x332: {  	s10 =	sor.u32 s11, s9;
	v3 =	vmul.f32 v3, v3;
	v41 =	vld [tilespmem:$0x1FEE0];
	v0 =	vadd.f32 v5, v0  }
0x333: {  	v9 =	vand.u32 $0x7F, v22;
	v22 =	vld [tilespmem:s10+$0x0]  }
0x334: {  	v4 =	vmul.f32 v4, v4;
	v7 =	vld.idx.msk [tilespmem:v7+s15+$0x0], $0xffff;
	v0 =	vadd.f32 v3, v0  }
0x335: {  	v5 =	vsub.f32 v48, v44;
	v44 =	vld [tilespmem:$0x1FE40]  }
0x336: {  	v1 =	vmul.f32 v1, v1;
	v9 =	vor.u32 v9, v23;
	v48 =	vld [tilespmem:s3+$0x0];
	v0 =	vadd.f32 v4, v0  }
0x337: {  	s5 =	sor.u32 s11, s8;
	s8 =	sor.u32 s11, s17;
	v17 =	vld.idx.msk [tilespmem:v8+s15+$0x0], $0xffff  }
0x338: {  	v8 =	vand.u32 $0x7F, v19;
	v19 =	vld [tilespmem:s8+$0x0];
	v5 =	vmul.f32 v5, v5;
	v0 =	vadd.f32 v1, v0  }
0x339: {  	v8 =	vor.u32 v8, v12;
	v12 =	vadd.s32 v2, v31;
	v31 =	vld [tilespmem:$0x1FD30]  }
0x33a: {  	v4 =	vsub.f32 v52, v6;
	v52 =	vld [tilespmem:$0x1FE80];
	v1 =	vmul.f32 v56, v56;
	v0 =	vadd.f32 v5, v0  }
0x33b: {  	v32 =	vld.idx.msk [tilespmem:v9+s15+$0x0], $0xffff  }
0x33c: {  	s17 =	sor.u32 s11, s22;
	v3 =	vsub.f32 v57, v7;
	v57 =	vld [tilespmem:$0x1FDF0];
	v4 =	vmul.f32 v4, v4;
	v0 =	vadd.f32 v1, v0  }
0x33d: {  	v9 =	vand.u32 $0x7F, v33;
	v33 =	vld [tilespmem:s17+$0x0]  }
0x33e: {  	v3 =	vmul.f32 v3, v3;
	v28 =	vld.idx.msk [tilespmem:v8+s15+$0x0], $0xffff;
	v8 =	vand.u32 $0x7F, v30;
	v0 =	vadd.f32 v4, v0  }
0x33f: {  	s13 =	sor.u32 s11, s20;
	v56 =	vld [tilespmem:s5+$0x0];
	v5 =	vsub.f32 v63, v10;
	v8 =	vor.u32 v8, v12  }
0x340: {  	v30 =	vld [tilespmem:s13+$0x0];
	v12 =	vadd.s32 v2, v34;
	v0 =	vadd.f32 v3, v0;
	v3 =	vand.u32 $0x7F, v25  }
0x341: {  	s12 =	sor.u32 s11, s19;
	v63 =	vld [tilespmem:$0x1FE20];
	v5 =	vmul.f32 v5, v5;
	v1 =	vsub.f32 v16, v17;
	v3 =	vor.u32 v3, v26  }
0x342: {  	s18 =	sor.u32 s11, s18;
	v10 =	vsub.f32 v24, v11;
	v24 =	vld [tilespmem:s12+$0x0];
	v9 =	vor.u32 v9, v12;
	v12 =	vadd.s32 v2, v37  }
0x343: {  	v37 =	vld [tilespmem:s18+$0x0];
	v1 =	vmul.f32 v1, v1;
	v4 =	vsub.f32 v18, v21;
	v0 =	vadd.f32 v5, v0  }
0x344: {  	v17 =	vld [tilespmem:$0x1FD70]  }
0x345: {  	v8 =	vld.idx.msk [tilespmem:v8+s15+$0x0], $0xffff;
	v4 =	vmul.f32 v4, v4;
	v0 =	vadd.f32 v1, v0  }
0x346: {  	v10 =	vmul.f32 v10, v10;
	v5 =	vsub.f32 v27, v28;
	v3 =	vld.idx.msk [tilespmem:v3+s15+$0x0], $0xffff  }
0x347: {  	v42 =	vld.idx.msk [tilespmem:v9+s15+$0x0], $0xffff;
	v9 =	vand.u32 $0x7F, v43;
	v0 =	vadd.f32 v4, v0;
	v4 =	vand.u32 $0x7F, v36  }
0x348: {  	v18 =	vld [tilespmem:$0x1FD80];
	v5 =	vmul.f32 v5, v5;
	v1 =	vsub.f32 v29, v32;
	v4 =	vor.u32 v4, v12  }
0x349: {  	v21 =	vld [tilespmem:$0x1FDA0];
	v12 =	vadd.s32 v2, v41;
	v0 =	vadd.f32 v10, v0;
	v10 =	vand.u32 $0x7F, v40  }
0x34a: {  	v25 =	vld [tilespmem:$0x1FDB0];
	v1 =	vmul.f32 v1, v1;
	v10 =	vor.u32 v10, v12;
	v12 =	vadd.s32 v2, v44  }
0x34b: {  	v43 =	vld [tilespmem:$0x1FCE0];
	v0 =	vadd.f32 v5, v0;
	v9 =	vor.u32 v9, v12;
	v3 =	vsub.f32 v35, v3  }
0x34c: {  	v26 =	vld [tilespmem:$0x1FDC0];
	v6 =	vsub.f32 v38, v8;
	v12 =	vadd.s32 v2, v47  }
0x34d: {  	v0 =	vadd.f32 v1, v0;
	v1 =	vand.u32 $0x7F, v46;
	v4 =	vld.idx.msk [tilespmem:v4+s15+$0x0], $0xffff;
	v3 =	vmul.f32 v3, v3  }
0x34e: {  	v28 =	vld [tilespmem:$0x1FD10];
	v6 =	vmul.f32 v6, v6;
	v5 =	vsub.f32 v39, v42;
	v1 =	vor.u32 v1, v12  }
0x34f: {  	v12 =	vadd.s32 v2, v52;
	v49 =	vld.idx.msk [tilespmem:v10+s15+$0x0], $0xffff;
	v10 =	vand.u32 $0x7F, v51;
	v0 =	vadd.f32 v3, v0  }
0x350: {  	v5 =	vmul.f32 v5, v5;
	v10 =	vor.u32 v10, v12;
	v53 =	vld.idx.msk [tilespmem:v9+s15+$0x0], $0xffff  }
0x351: {  	v29 =	vld [tilespmem:$0x1FD20];
	v9 =	vand.u32 $0x7F, v54;
	v12 =	vadd.s32 v2, v55;
	v0 =	vadd.f32 v6, v0  }
0x352: {  	v32 =	vld [tilespmem:$0x1FD40];
	v9 =	vor.u32 v9, v12;
	v4 =	vsub.f32 v45, v4  }
0x353: {  	v36 =	vld [tilespmem:$0x1FD60];
	v12 =	vadd.s32 v2, v58;
	v0 =	vadd.f32 v5, v0  }
0x354: {  	v1 =	vld.idx.msk [tilespmem:v1+s15+$0x0], $0xffff;
	v5 =	vand.u32 $0x7F, v57;
	v4 =	vmul.f32 v4, v4;
	v3 =	vsub.f32 v48, v49  }
0x355: {  	s19 =	sor.u32 s11, s23;
	v5 =	vor.u32 v5, v12;
	v60 =	vld.idx.msk [tilespmem:v10+s15+$0x0], $0xffff;
	v6 =	vsub.f32 v50, v53;
	v10 =	vand.u32 $0x7F, v62  }
0x356: {  	v41 =	vld [tilespmem:s19+$0x0];
	v12 =	vadd.s32 v2, v63;
	v0 =	vadd.f32 v4, v0;
	v3 =	vmul.f32 v3, v3  }
0x357: {  	v10 =	vor.u32 v10, v12;
	v16 =	vld.idx.msk [tilespmem:v9+s15+$0x0], $0xffff;
	v9 =	vand.u32 $0x7F, v17  }
0x358: {  	v40 =	vld [tilespmem:$0x1FCC0];
	v12 =	vadd.s32 v2, v18;
	v6 =	vmul.f32 v6, v6;
	v0 =	vadd.f32 v3, v0  }
0x359: {  	v39 =	vld [tilespmem:$0x1FCB0];
	v9 =	vor.u32 v9, v12;
	v1 =	vsub.f32 v56, v1  }
0x35a: {  	v35 =	vld [tilespmem:$0x1FD50];
	v12 =	vadd.s32 v2, v21;
	v0 =	vadd.f32 v6, v0  }
0x35b: {  	v6 =	vand.u32 $0x7F, v20;
	v5 =	vld.idx.msk [tilespmem:v5+s15+$0x0], $0xffff;
	v1 =	vmul.f32 v1, v1;
	v4 =	vsub.f32 v59, v60  }
0x35c: {  	v6 =	vor.u32 v6, v12;
	v23 =	vld.idx.msk [tilespmem:v10+s15+$0x0], $0xffff;
	v3 =	vsub.f32 v61, v16;
	v10 =	vand.u32 $0x7F, v25  }
0x35d: {  	v42 =	vld [tilespmem:$0x1FCD0];
	v12 =	vadd.s32 v2, v26;
	v0 =	vadd.f32 v1, v0;
	v4 =	vmul.f32 v4, v4  }
0x35e: {  	v10 =	vor.u32 v10, v12;
	v27 =	vld.idx.msk [tilespmem:v9+s15+$0x0], $0xffff;
	v9 =	vand.u32 $0x7F, v28  }
0x35f: {  	v46 =	vld [tilespmem:$0x1FD00];
	v12 =	vadd.s32 v2, v29;
	v3 =	vmul.f32 v3, v3;
	v0 =	vadd.f32 v4, v0  }
0x360: {  	v45 =	vld [tilespmem:$0x1FCF0];
	v9 =	vor.u32 v9, v12;
	v5 =	vsub.f32 v19, v5  }
0x361: {  	v7 =	vand.u32 $0x7F, v35;
	v48 =	vld [tilespmem:$0x1FC70];
	v12 =	vadd.s32 v2, v32;
	v0 =	vadd.f32 v3, v0  }
0x362: {  	v3 =	vand.u32 $0x7F, v31;
	v6 =	vld.idx.msk [tilespmem:v6+s15+$0x0], $0xffff;
	v1 =	vsub.f32 v22, v23;
	v5 =	vmul.f32 v5, v5  }
0x363: {  	v3 =	vor.u32 v3, v12;
	v34 =	vld.idx.msk [tilespmem:v10+s15+$0x0], $0xffff;
	v4 =	vsub.f32 v24, v27;
	v10 =	vadd.s32 v2, v36  }
0x364: {  	v49 =	vld [tilespmem:$0x1FC80];
	v1 =	vmul.f32 v1, v1;
	v7 =	vor.u32 v7, v10;
	v10 =	vadd.s32 v2, v40  }
0x365: {  	v9 =	vld.idx.msk [tilespmem:v9+s15+$0x0], $0xffff;
	v0 =	vadd.f32 v5, v0;
	v38 =	vmul.f32 v4, v4;
	v4 =	vand.u32 $0x7F, v39  }
0x366: {  	v50 =	vld [tilespmem:$0x1FCA0];
	v4 =	vor.u32 v4, v10;
	v10 =	vadd.s32 v2, v43  }
0x367: {  	v53 =	vld [tilespmem:$0x1FC90];
	v0 =	vadd.f32 v1, v0;
	v6 =	vsub.f32 v30, v6;
	v1 =	vand.u32 $0x7F, v42  }
0x368: {  	s20 =	sor.u32 s11, s21;
	v13 =	vadd.s32 v2, v46;
	v3 =	vld.idx.msk [tilespmem:v3+s15+$0x0], $0xffff;
	v5 =	vsub.f32 v33, v34;
	v1 =	vor.u32 v1, v10  }
0x369: {  	v44 =	vld [tilespmem:s20+$0x0];
	v10 =	vand.u32 $0x7F, v45;
	v0 =	vadd.f32 v38, v0;
	v6 =	vmul.f32 v6, v6  }
0x36a: {  	s21 =	sor.u32 s11, s14;
	v12 =	vand.u32 $0x7F, v48;
	v10 =	vor.u32 v10, v13;
	v7 =	vld.idx.msk [tilespmem:v7+s15+$0x0], $0xffff;
	v9 =	vsub.f32 v37, v9  }
0x36b: {  	v47 =	vld [tilespmem:s21+$0x0];
	v13 =	vadd.s32 v2, v49;
	v5 =	vmul.f32 v5, v5;
	v0 =	vadd.f32 v6, v0  }
0x36c: {  	s22 =	sor.u32 s11, s24;
	v51 =	vadd.s32 v2, v50;
	v11 =	vand.u32 $0x7F, v53;
	v12 =	vor.u32 v12, v13;
	v4 =	vld.idx.msk [tilespmem:v4+s15+$0x0], $0xffff  }
0x36d: {  	v52 =	vld [tilespmem:s22+$0x0];
	v9 =	vmul.f32 v9, v9;
	v0 =	vadd.f32 v5, v0;
	v3 =	vsub.f32 v41, v3  }
0x36e: {  	s23 =	sor.u32 s11, s25;
	v2 =	vor.u32 v11, v51;
	v1 =	vld.idx.msk [tilespmem:v1+s15+$0x0], $0xffff  }
0x36f: {  	v54 =	vld [tilespmem:s23+$0x0];
	v7 =	vsub.f32 v44, v7;
	v0 =	vadd.f32 v9, v0;
	v3 =	vmul.f32 v3, v3  }
0x370: {  	s24 =	sor.u32 s11, s26;
	v55 =	vld.idx.msk [tilespmem:v10+s15+$0x0], $0xffff  }
0x371: {  	v56 =	vld [tilespmem:s24+$0x0];
	v57 =	vmul.f32 v7, v7;
	v4 =	vsub.f32 v47, v4;
	v0 =	vadd.f32 v3, v0  }
0x372: {  	s25 =	sor.u32 s11, s16;
	v58 =	vld.idx.msk [tilespmem:v12+s15+$0x0], $0xffff  }
0x373: {  	v59 =	vld [tilespmem:s25+$0x0];
	v1 =	vsub.f32 v52, v1;
	v60 =	vmul.f32 v4, v4;
	v0 =	vadd.f32 v57, v0  }
0x374: {  	v2 =	vld.idx.msk [tilespmem:v2+s15+$0x0], $0xffff  }
0x375: {  	v61 =	vsub.f32 v54, v55;
	v1 =	vmul.f32 v1, v1;
	v0 =	vadd.f32 v60, v0;
	_ =	sdelay $0x1  }
0x376: {  	v62 =	vsub.f32 v56, v58;
	v3 =	vmul.f32 v61, v61;
	v0 =	vadd.f32 v1, v0;
	_ =	sdelay $0x1  }
0x377: {  	v2 =	vsub.f32 v59, v2;
	v1 =	vmul.f32 v62, v62;
	v0 =	vadd.f32 v3, v0;
	_ =	sdelay $0x1  }
0x378: {  	v63 =	vmul.f32 v2, v2;
	v0 =	vadd.f32 v1, v0;
	_ =	sdelay $0x1  }
0x379: {  	v0 =	vadd.f32 v63, v0  }
0x37a: {  	s30 =	simm.s32 $0x0  }
0x37b: {  	s26 =	rddreg [dreg:$0xc];
	s28 =	simm.s32 $0x14800;
	s1 =	simm.s32 $0x3;
	[tilespmem:$0x14800] =	vst v0  }
0x37c: {  	[hbm4b:s26+s30] =	stream.linear.scatter [tilespmem:s28], [sflag:$0x3], $0x80, $0x38;
	[tilespmem:$0x14880] =	vst v63  }
0x37d: {  	_ =	swait.ge [sflag:s1], $0x80  }
0x37e: {  	s29 =	rddreg [dreg:$0xe]  }
0x37f: {  	s31 =	rddreg [dreg:$0xd];
	s2 =	sadd.s32 $0x1, s29  }
0x380: {  	p0 =	sne.s32 s2, s31  }
.Ltmp1:
0x381: {  	_ = 	snop;
	(pc) =	sbr.rel @p0 .LBB2_1-.Ltmp1, $3  }
0x382: {  	_ =	sdelay $0x1  }
0x383: {  	[sflag:s1] =	ssyncset.done $0x0  }
0x384: {  	[sflag:s1] =	ssyncadd.s32 $0xFFFFFF80  }
0x385: {  	_ =	sfence.sel $0x180000  }
0x386: {  	[bflag:$0x0] =	sbarrier.arrive $0xFFFF  }
0x387: {  	_ =	strace $0x9000004D  }
0x388: {  	s0 =	stileid.u32;
	[bflag:$0x2] =	sbarrier.arrive $0xFFFF  }
0x389: {  	p0 =	sne.s32 s0, $0x0;
	s0 =	rddreg [dreg:$0x3]  }
0x38a: {  	s0 =	sadd.s32 @!p0 $0x100000, s0  }
0x38b: {  	[sflag:s0] =	ssyncadd.tile.s32 @!p0 $0x1;
	_ =	shalt  }
.Lfunc_end2:
_tile_overlayer_lowered:
.L_overlay_start_2:
0x38c: {  	(tag) =	ssettag $0x2  }
0x38d: {  	s0 =	rddreg [dreg:$0x0];
	s2 =	stileid.u32  }
0x38e: {  	s1 =	rddreg [dreg:$0x1];
	p0 =	sne.s32 s2, $0x0  }
0x38f: {  	s3 =	rddreg [dreg:$0x2];
	[bflag:$0x3] =	sbarrier.arrive $0xFFFF;
	s2 =	simm.s32 @!p0 $0x1C03  }
0x390: {  	[timem:s3], [sflag:s2] =	dma.local @!p0 [hbm:s0], s1  }
0x391: {  	s0 =	simm.s32 @!p0 $0x3  }
0x392: {  	_ =	swait.ge @!p0 [sflag:s0], s1  }
0x393: {  	s1 =	ssub.s32 @!p0 $0x0, s1;
	[sflag:s0] =	ssyncset.done @!p0 $0x0  }
0x394: {  	[sflag:s0] =	ssyncadd.s32 @!p0 s1  }
0x395: {  	[bflag:$0x3] =	sbarrier.arrive $0xFFFF  }
0x396: {  	_ =	shalt  }

// kernel: sparse-core-data-format-call.cloned.1.call-start
scs
called_computation_lowered:
.L_overlay_start_0:
0x0: {  	s1 =	sld [smem:$0x3FD9]  }
0x1: {  	s2 =	sld [smem:$0x3FFE];
	_ =	sdelay $0x1  }
0x2: {  	s3 =	srdreg.scid  }
0x3: {  	s0 =	sand.u32 $0x1, s3  }
0x4: {  	s17 =	sshll.u32 s0, $0xA;
	s1 =	sadd.s32 s2, s1  }
0x5: {  	s1 =	sadd.s32 s1, s17  }
0x6: {  	[smem:$0x3FC5] =	sst s1  }
0x7: {  	_ = 	snop  }
0x8: {  	(tm) =	ssettm $0x1  }
0x9: {  	s18 =	sld [smem:$0x3FFB];
	_ =	sdelay $0x3  }
0xa: {  	_ =	strace s18  }
0xb: {  	s1 =	sld [smem:$0x3FFC];
	_ =	sdelay $0x3  }
0xc: {  	_ =	strace s1  }
0xd: {  	s1 =	sld [smem:$0x3FFD];
	_ =	sdelay $0x3  }
0xe: {  	_ =	strace s1  }
0xf: {  	_ =	strace $0x8FFFFFFF  }
0x10: {  	s19 =	sld [smem:$0x3FDB];
	_ =	sdelay $0x1  }
0x11: {  	s20 =	simm.s32 $_scs_section_size  }
0x12: {  	s4 =	simm.s32 $_size__tile_overlayer_lowered;
	s5 =	simm.s32 $_tile_overlayer_lowered  }
0x13: {  	s23 =	simm.s32 $0x1BFF;
	s22 =	sshll.u32 s5, $0x1;
	s1 =	sadd.s32 s20, s19  }
0x14: {  	s6 =	simm.s32 $0x0;
	s21 =	sshll.u32 s4, $0x1;
	s4 =	sadd.s32 s22, s1  }
0x15: {  	[timem:s6], [sflag:s23] =	dma.local [hbm:s4], s21  }
0x16: {  	_ =	swait.ge [sflag:s23], s21  }
0x17: {  	s2 =	ssub.s32 $0x0, s21;
	[sflag:s23] =	ssyncset.done $0x0  }
0x18: {  	[sflag:s23] =	ssyncadd.s32 s2;
	_ =	sdelay $0x1  }
0x19: {  	s24 =	simm.s32 $0x1B8B  }
0x1a: {  	_ =	swait.ge [sflag:s24], $0x1  }
0x1b: {  	[sflag:s24] =	ssyncset.done $0x0  }
0x1c: {  	s26 =	simm.s32 $0x1B8E;
	s25 =	sld [smem:$0x3FFE];
	[sflag:s24] =	ssyncadd.s32 $0xFFFFFFFF  }
0x1d: {  	s27 =	simm.s32 $execute0_lowered;
	[smem:$0x3FD2] =	sst s26  }
0x1e: {  	s4 =	sshll.u32 s27, $0x1;
	_ =	strace $0x80000046;
	[dreg:$0x1] =	wrdreg $0xFFFFFFFF  }
0x1f: {  	s28 =	simm.s32 $_size_execute0_lowered;
	s1 =	sadd.s32 s1, s4;
	[dreg:$0x0] =	wrdreg $0x0  }
0x20: {  	s4 =	sshll.u32 s28, $0x1;
	[dreg:$0x2] =	wrdreg s1  }
0x21: {  	[dreg:$0x3] =	wrdreg s4  }
0x22: {  	[dreg:$0x4] =	wrdreg $0xC0  }
0x23: {  	_ =	task [dreg:s6], $0x5FFFF  }
0x24: {  	[dreg:$0x1] =	wrdreg $0xFFFFFFFF  }
0x25: {  	[dreg:$0x0] =	wrdreg $0x60  }
0x26: {  	[dreg:$0x2] =	wrdreg s25  }
0x27: {  	[dreg:$0x3] =	wrdreg $0x9  }
0x28: {  	_ =	task.clear_ibuf [dreg:s6], $0x4FFFF;
	_ =	strace $0x90000046  }
0x29: {  	s29 =	simm.s32 $0x9;
	_ =	strace $0x80000048  }
0x2a: {  	_ =	swait.ge [sflag:s29], $0x1  }
0x2b: {  	[sflag:s29] =	ssyncadd.s32 $0xFFFFFFFF  }
0x2c: {  	_ =	strace $0x90000048  }
0x2d: {  	_ =	sfence  }
0x2e: {  	s30 =	sld [smem:$0x0];
	_ =	sdelay $0x2  }
0x2f: {  	s31 =	sshll.u32 s3, $0xD;
	s3 =	sshrl.u32 s3, $0x2  }
0x30: {  	s2 =	sand.u32 $0x4000, s31;
	s1 =	sadd.s32 s3, s30  }
0x31: {  	s0 =	sor.u32 s2, s0;
	s1 =	sshll.u32 s1, $0x11  }
0x32: {  	s0 =	sor.u32 s1, s0  }
0x33: {  	s0 =	sadd.s32 $0x8F2B, s0  }
0x34: {  	[sflag:s0] =	ssyncadd.remote.s32 $0x1  }
0x35: {  	_ =	sfence.sel $0xFFFF  }
0x36: {  	[dreg:$0x0] =	wrdreg $0xFFFFFFFF;
	(pc) =	sbr.abs _section_cstart, $3  }
0x37: {  	[dreg:$0x1] =	wrdreg $0xFFFFFFFF  }
0x38: {  	_ =	task.clear_ibuf [dreg:s6], $0x2FFFF;
	_ =	strace $0x9FFFFFFF  }
0x39: {  	(tm) =	ssettm $0x7FFFFFFF  }
tec
execute0_lowered:
.L_overlay_start_1:
0x0: {  	(tag) =	ssettag $0x1  }
0x1: {  	s0 =	srdreg.scid  }
0x2: {  	s5 =	rddreg [dreg:$0x0];
	s1 =	stileid.u32;
	s4 =	simm.s32 $0x1  }
0x3: {  	s6 =	simm.s32 $0x2;
	s15 =	simm.s32 $0x0;
	p0 =	por $0x0, $0x0  }
0x4: {  	s8 =	simm.s32 $0x80;
	s14 =	simm.s32 $0x0;
	s2 =	sshll.u32 s0, $0x4  }
0x5: {  	s9 =	simm.s32 $0x0;
	s10 =	simm.s32 $0x0;
	s2 =	sand.u32 $0x10, s2  }
.Ltmp0:
0x6: {  	s12 =	simm.s32 $0x0;
	s3 =	sor.u32 s1, s2;
	(pc) =	sbr.rel .LBB1_1-.Ltmp0, $4  }
0x7: {  	s0 =	rddreg [dreg:$0x1];
	_ =	strace $0x80000047;
	s3 =	sshll.u32 s3, $0x7  }
0x8: {  	s13 =	simm.s32 $0x0;
	[sflag:s4] =	ssyncpa.u1 $0x0;
	s7 =	ssub.s32 $0x74200, s3  }
0x9: {  	s2 =	sadd.s32 $0xE00, s5;
	[sflag:s6] =	ssyncpa.u1 $0x0;
	s6 =	sshrl.u32 s7, $0xC  }
0xa: {  	s5 =	sadd.s32 $0x1D1800, s5;
	s11 =	smov.u32 s3;
	s7 =	sadd.s32 $0x2, s6  }
.LBB1_5:
0xb: {  	p1 =	slt.u32 s13, $0x2  }
0xc: {  	s17 =	smov.u32 s15;
	p2 =	sgt.s32 @!p1 s15, $0x741C0;
	s16 =	sshra.s32 @!p1 s15, $0x1F  }
0xd: {  	p3 =	sgt.s32 @!p1 s14, $0x60;
	s18 =	sshra.s32 @!p1 s14, $0x1F;
	p2 =	por !p2, p1  }
0xe: {  	s15 =	sand.u32 @!p1 s16, s15;
	p3 =	por !p3, p1;
	s16 =	smov.u32 s14  }
0xf: {  	s14 =	sand.u32 @!p1 s18, s14;
	s17 =	simm.s32 @p2 $0x741C0;
	s16 =	simm.s32 @p3 $0x60  }
0x10: {  	s15 =	ssub.s32 @!p1 s17, s15;
	s14 =	ssub.s32 @!p1 s16, s14  }
0x11: {  	s18 =	smov.u32 s12;
	s16 =	sadd.s32 @!p1 $0xFFF8BE40, s15;
	s17 =	sadd.s32 @!p1 $0xFFFFFFA0, s14  }
0x12: {  	s15 =	ssub.s32 @!p1 $0x74240, s15;
	p2 =	sgt.s32 @!p1 s16, $0x7F;
	p3 =	sgt.s32 @!p1 s17, $0x1F  }
0x13: {  	s14 =	ssub.s32 @!p1 $0x80, s14;
	p2 =	por !p2, p1;
	p3 =	por !p3, p1  }
0x14: {  	s16 =	sadd.s32 $0x1000, s11;
	s15 =	simm.s32 @!p2 $0x0;
	s14 =	simm.s32 @!p3 $0x0  }
0x15: {  	p2 =	sgt.s32 s16, $0x7423F;
	s14 =	smul.u32 @!p1 s14, s15;
	s15 =	sadd.s32 $0x20, s12  }
0x16: {  	s18 =	smov.u32 @p2 s15  }
0x17: {  	s16 =	smov.u32 @p2 s3;
	p2 =	sgt.s32 s18, $0x1F  }
0x18: {  	s18 =	simm.s32 @p2 $0x0;
	p2 =	sne.s32 s13, s7  }
.Ltmp1:
0x19: {  	p0 =	por !p0, !p0;
	s17 =	simm.s32 @!p1 $0x2;
	(pc) =	sbr.rel @!p2 .LBB1_6-.Ltmp1, $4  }
0x1a: {  	s15 =	smov.u32 s9;
	s9 =	smov.u32 s11;
	s14 =	sand.u32 @!p1 $0x3FFFFFFF, s14  }
0x1b: {  	s11 =	smov.u32 s16;
	_ =	swait.ge @!p1 [sflag:s17], s14;
	s19 =	ssub.s32 @!p1 $0x0, s14  }
0x1c: {  	s14 =	smov.u32 s10;
	s13 =	sadd.s32 $0x1, s13;
	[sflag:s17] =	ssyncset.done @!p1 $0x0  }
0x1d: {  	s10 =	smov.u32 s12;
	s12 =	smov.u32 s18;
	[sflag:s17] =	ssyncadd.s32 @!p1 s19  }
.LBB1_1:
0x1e: {  	p1 =	sgt.u32 s13, s6  }
0x1f: {  	s16 =	sshrl.u32 @!p1 s12, $0x3  }
0x20: {  	s17 =	sshll.u32 @!p1 s11, $0x3;
	s16 =	smul.u32 @!p1 $0x3A1400, s16  }
0x21: {  	s18 =	sshll.u32 @!p1 s12, $0x7;
	s17 =	sand.u32 @!p1 $0xFFFFFC00, s17  }
0x22: {  	s16 =	sadd.s32 @!p1 s16, s17;
	s17 =	sand.u32 @!p1 $0x380, s18  }
0x23: {  	s16 =	sor.u32 @!p1 s17, s16  }
0x24: {  	s17 =	sshrl.u32 @!p1 s16, $0x7  }
0x25: {  	s17 =	smulhi.u32 @!p1 $0x234349F, s17;
	_ =	sdelay $0x1  }
0x26: {  	s17 =	sshrl.u32 @!p1 s17, $0x5  }
0x27: {  	s18 =	sand.u32 @!p1 $0x7F, s11;
	s19 =	smul.u32 @!p1 $0x74280, s17  }
0x28: {  	s16 =	sor.u32 @!p1 s18, s16;
	s18 =	sxor.u32 @!p1 $0xFFFFFFFF, s13  }
0x29: {  	s18 =	sshll.u32 @!p1 s18, $0xC;
	s17 =	sand.u32 @!p1 $0x1F, s17;
	s16 =	ssub.s32 @!p1 s16, s19  }
0x2a: {  	s17 =	smul.u32 @!p1 $0xE850, s17;
	s19 =	sshrl.u32 @!p1 s16, $0x3;
	s16 =	sand.u32 @!p1 $0x7, s16  }
0x2b: {  	s18 =	sand.u32 @!p1 $0x1000, s18;
	s19 =	sadd.s32 @!p1 s2, s19;
	s16 =	sshll.u32 @!p1 s16, $0x12  }
0x2c: {  	s17 =	sadd.s32 @!p1 s17, s19;
	s16 =	sor.u32 @!p1 $0x400, s16;
	s19 =	simm.s32 @!p1 $0x3A1400  }
0x2d: {  	[tilespmem:s18], [sflag:$0x1] =	stream.strided.gather @!p1 [hbm4b:s17+s16], $0x1000, s19, s16, $0x38;
	[tilespmem:$0x4100] =	vst v63  }
0x2e: {  	p1 =	seq.s32 s13, $0x0  }
0x2f: {  	p2 =	sge.u32 @!p1 s13, s7  }
0x30: {  	p1 =	por p1, p2  }
.Ltmp2:
0x31: {  	_ = 	snop;
	(pc) =	sbr.rel @p1 .LBB1_5-.Ltmp2, $1  }
0x32: {  	_ =	sdelay $0x3  }
0x33: {  	s16 =	simm.s32 $0x1  }
0x34: {  	_ =	swait.ge [sflag:s4], $0x1000;
	s16 =	simm.s32 @!p0 $0x0  }
0x35: {  	[sflag:s4] =	ssyncset.done $0x0;
	s17 =	sshll.u32 s16, $0xC  }
0x36: {  	[sflag:s4] =	ssyncadd.s32 $0xFFFFF000;
	s17 =	sor.u32 $0x40, s17  }
0x37: {  	s16 =	smul.u32 $0x4200, s16;
	v0 =	vld [tilespmem:s17+$0x30]  }
0x38: {  	v1 =	vld [tilespmem:s17+$0xFFFFFFD0]  }
0x39: {  	s16 =	sshrl.u32 s16, $0x2;
	v5 =	vld [tilespmem:s17+$0xFFFFFFE0]  }
0x3a: {  	v6 =	vld [tilespmem:s17+$0xFFFFFFF0];
	s19 =	sor.u32 $0x2000, s16  }
0x3b: {  	s31 =	sand.u32 $0x1, s13;
	v4 =	vld [tilespmem:s17+$0x0];
	s18 =	sadd.s32 $0x0, s19  }
0x3c: {  	v3 =	vld [tilespmem:s17+$0x10];
	s16 =	smul.u32 $0x4200, s31;
	[tilespmem:s18+$0xE70 ss:$0x21] =	vst.msk $0xffff, v0  }
0x3d: {  	v2 =	vld [tilespmem:s17+$0x20];
	[tilespmem:s18+$0x210 ss:$0x21] =	vst.msk $0xffff, v1  }
0x3e: {  	s16 =	sshrl.u32 s16, $0x2;
	v1 =	vld [tilespmem:s17+$0xFFFFFFC0];
	[tilespmem:s18+$0x420 ss:$0x21] =	vst.msk $0xffff, v5;
	s17 =	sadd.s32 $0x80, s17  }
0x3f: {  	s20 =	simm.s32 $0x4;
	s21 =	simm.s32 $0x8;
	s16 =	sor.u32 $0x2000, s16;
	[tilespmem:s18+$0x630 ss:$0x21] =	vst.msk $0xffff, v6;
	v0 =	vld [tilespmem:s17+$0x30]  }
.LBB1_3:
0x40: {  	p1 =	sne.s32 s21, $0x7C;
	v5 =	vld [tilespmem:s17+$0xFFFFFFD0];
	[tilespmem:s18+$0x840 ss:$0x21] =	vst.msk $0xffff, v4  }
0x41: {  	v6 =	vld [tilespmem:s17+$0xFFFFFFE0];
	[tilespmem:s18+$0xA50 ss:$0x21] =	vst.msk $0xffff, v3  }
0x42: {  	s22 =	sshra.s32 s20, $0x2;
	s20 =	smov.u32 s21;
	v7 =	vld [tilespmem:s17+$0xFFFFFFF0];
	[tilespmem:s18+$0xC60 ss:$0x21] =	vst.msk $0xffff, v2  }
.Ltmp3:
0x43: {  	v4 =	vld [tilespmem:s17+$0x0];
	[tilespmem:s18+$0x0 ss:$0x21] =	vst.msk $0xffff, v1;
	s18 =	sadd.s32 s22, s19;
	(pc) =	sbr.rel @p1 .LBB1_3-.Ltmp3, $4  }
0x44: {  	v3 =	vld [tilespmem:s17+$0x10];
	[tilespmem:s18+$0xE70 ss:$0x21] =	vst.msk $0xffff, v0  }
0x45: {  	[tilespmem:s18+$0x210 ss:$0x21] =	vst.msk $0xffff, v5;
	v2 =	vld [tilespmem:s17+$0x20]  }
0x46: {  	v1 =	vld [tilespmem:s17+$0xFFFFFFC0];
	[tilespmem:s18+$0x420 ss:$0x21] =	vst.msk $0xffff, v6;
	s17 =	sadd.s32 $0x80, s17  }
0x47: {  	s21 =	sadd.s32 $0x4, s21;
	v0 =	vld [tilespmem:s17+$0x30];
	[tilespmem:s18+$0x630 ss:$0x21] =	vst.msk $0xffff, v7  }
0x48: {  	s21 =	sshll.u32 s9, $0x7;
	s22 =	sshll.u32 s10, $0x3;
	s20 =	sshra.s32 s20, $0x2  }
0x49: {  	p1 =	sgt.s32 s9, $0x741C0;
	s30 =	sshra.s32 s9, $0x1F;
	s25 =	sshra.s32 s10, $0x1F  }
0x4a: {  	v5 =	vld [tilespmem:s17+$0xFFFFFFD0];
	s28 =	sshrl.u32 s10, $0x3;
	s23 =	sand.u32 $0xFFFFFC00, s21;
	s22 =	sand.u32 $0xFFFFFC00, s22  }
0x4b: {  	[tilespmem:s18+$0x840 ss:$0x21] =	vst.msk $0xffff, v4;
	v58 =	vld [tilespmem:s17+$0xFFFFFFE0];
	s21 =	sand.u32 $0x380, s21;
	s19 =	sadd.s32 s20, s19;
	s22 =	sadd.s32 s22, s23  }
0x4c: {  	v59 =	vld [tilespmem:s17+$0xFFFFFFF0];
	[tilespmem:s18+$0xA50 ss:$0x21] =	vst.msk $0xffff, v3;
	s29 =	sor.u32 s21, s22;
	s21 =	smov.u32 s9;
	s22 =	sand.u32 s30, s9  }
0x4d: {  	v60 =	vld [tilespmem:s17+$0x0];
	[tilespmem:s18+$0xC60 ss:$0x21] =	vst.msk $0xffff, v2;
	s30 =	sand.u32 $0x7, s10;
	s20 =	sshrl.u32 s29, $0x7;
	s21 =	simm.s32 @!p1 $0x741C0  }
0x4e: {  	v61 =	vld [tilespmem:s17+$0x10];
	[tilespmem:s18+$0x0 ss:$0x21] =	vst.msk $0xffff, v1;
	p1 =	sgt.s32 s10, $0x60;
	s24 =	ssub.s32 s21, s22;
	s21 =	smov.u32 s10  }
0x4f: {  	v62 =	vld [tilespmem:s17+$0x20];
	[tilespmem:s19+$0xE70 ss:$0x21] =	vst.msk $0xffff, v0;
	s31 =	smulhi.u32 $0x11A2407, s20;
	s22 =	sand.u32 s25, s10;
	s21 =	simm.s32 @!p1 $0x60  }
0x50: {  	v63 =	vld [tilespmem:s17+$0xFFFFFFC0];
	[tilespmem:s19+$0x210 ss:$0x21] =	vst.msk $0xffff, v5;
	s26 =	sadd.s32 $0xFFF8BE40, s24;
	s17 =	ssub.s32 $0x74240, s24;
	s21 =	ssub.s32 s21, s22  }
0x51: {  	[tilespmem:s19+$0x420 ss:$0x21] =	vst.msk $0xffff, v58;
	s23 =	sshrl.u32 s31, $0xB;
	p1 =	sgt.s32 s26, $0x7F;
	s27 =	sadd.s32 $0xFFFFFFA0, s21  }
0x52: {  	[tilespmem:s19+$0x630 ss:$0x21] =	vst.msk $0xffff, v59;
	s23 =	smul.u32 $0x74240, s23;
	s18 =	ssub.s32 $0x80, s21;
	p2 =	sgt.s32 s27, $0x1F  }
.Ltmp4:
0x53: {  	[tilespmem:s19+$0x840 ss:$0x21] =	vst.msk $0xffff, v60;
	s17 =	simm.s32 @p1 $0x0;
	s18 =	simm.s32 @p2 $0x0;
	(pc) =	sbr.rel .LBB1_5-.Ltmp4, $4  }
0x54: {  	s29 =	sand.u32 $0xF, s28;
	[tilespmem:s19+$0xA50 ss:$0x21] =	vst.msk $0xffff, v61;
	s20 =	ssub.s32 s20, s23;
	s17 =	smul.u32 s18, s17  }
0x55: {  	[tilespmem:s19+$0xC60 ss:$0x21] =	vst.msk $0xffff, v62;
	s21 =	sshll.u32 s30, $0x12;
	s20 =	sshll.u32 s20, $0x4;
	s18 =	sadd.s32 s5, s29  }
0x56: {  	[tilespmem:s19+$0x0 ss:$0x21] =	vst.msk $0xffff, v63;
	s31 =	sor.u32 $0x20, s21;
	s18 =	sadd.s32 s20, s18;
	s17 =	sand.u32 $0x3FFFFFFF, s17  }
0x57: {  	[hbm4b:s18+s31] =	stream.strided.scatter [tilespmem:s16], [sflag:$0x2], s17, s8, s31, $0x10;
	[tilespmem:$0x4100] =	vst v63  }
.LBB1_6:
0x58: {  	_ =	sfence.sel $0x180000  }
0x59: {  	s2 =	simm.s32 $0x1;
	[bflag:$0x0] =	sbarrier.arrive $0xFFFF  }
0x5a: {  	s31 =	simm.s32 $0x2;
	[sflag:s2] =	ssyncpa.u1 $0x1  }
0x5b: {  	[sflag:s31] =	ssyncpa.u1 $0x1  }
0x5c: {  	p0 =	sne.s32 s1, $0x0;
	_ =	strace $0x90000047  }
0x5d: {  	s0 =	sadd.s32 @!p0 $0x100000, s0;
	[bflag:$0x2] =	sbarrier.arrive $0xFFFF  }
0x5e: {  	[sflag:s0] =	ssyncadd.tile.s32 @!p0 $0x1;
	_ =	shalt  }
.Lfunc_end1:
_tile_overlayer_lowered:
.L_overlay_start_2:
0x5f: {  	(tag) =	ssettag $0x2  }
0x60: {  	s0 =	rddreg [dreg:$0x0];
	s2 =	stileid.u32  }
0x61: {  	s1 =	rddreg [dreg:$0x1];
	p0 =	sne.s32 s2, $0x0  }
0x62: {  	s3 =	rddreg [dreg:$0x2];
	[bflag:$0x3] =	sbarrier.arrive $0xFFFF;
	s2 =	simm.s32 @!p0 $0x1C01  }
0x63: {  	[timem:s3], [sflag:s2] =	dma.local @!p0 [hbm:s0], s1  }
0x64: {  	s0 =	simm.s32 @!p0 $0x1  }
0x65: {  	_ =	swait.ge @!p0 [sflag:s0], s1  }
0x66: {  	s1 =	ssub.s32 @!p0 $0x0, s1;
	[sflag:s0] =	ssyncset.done @!p0 $0x0  }
0x67: {  	[sflag:s0] =	ssyncadd.s32 @!p0 s1  }
0x68: {  	[bflag:$0x3] =	sbarrier.arrive $0xFFFF  }
0x69: {  	_ =	shalt  }

</sc_bundles>
